<compile_context>
chip_gen: v7x
topology: tpu7x:2x2x1
jax: 0.10.2.dev20260603
libtpu: 0.0.44.dev20260713+nightly
codegen_flags: <defaults>
</compile_context>

<pallas_src>
import jax
import jax.numpy as jnp
from jax import lax
from jax.experimental import pallas as pl
from jax.experimental.pallas import tpu as pltpu
from jax.experimental.pallas import tpu_sc as plsc

_K = 512
_NCOLS = 2048
_ROWS_PER_BLOCK = 512
_N_WORKERS = 32
_SC_ROWS = 2048



def _swar_count(pg, cand_pair):
    rows = pg.shape[0]
    t = pg - cand_pair
    g = jax.lax.shift_right_logical(t, 15) & jnp.int32(0x00010001)
    gg = g[:, :128]
    for j in range(1, 8):
        gg = gg + g[:, j * 128:(j + 1) * 128]
    both = (gg >> 16) + (gg & jnp.int32(0xFFFF))
    return jnp.sum(both, axis=1, keepdims=True, dtype=jnp.float32)


def _tc_topk_kernel(x_ref, o_ref):
    x = x_ref[...]
    rows = x.shape[0]
    half = _NCOLS // 2
    keys = jax.lax.bitcast_convert_type(x, jnp.int32) & jnp.int32(0x7FFFFFFF)
    kf = jnp.float32(_K)

    hi = keys >> 16
    pg = (hi[:, :half] << 16) | hi[:, half:] | jnp.int32(-0x7FFF8000)
    pre_a = jnp.zeros((rows, 1), jnp.int32)
    for b in range(14, -1, -1):
        cand = pre_a | jnp.int32(1 << b)
        cnt = _swar_count(pg, cand | (cand << 16))
        pre_a = jnp.where(cnt >= kf, cand, pre_a)

    c_hi = jnp.sum(hi > pre_a, axis=1, keepdims=True, dtype=jnp.float32)
    lowm = jax.lax.shift_right_logical(keys, 1) & jnp.int32(0x7FFF)
    ml = jnp.where(hi == pre_a, lowm, 0)
    pg = (ml[:, :half] << 16) | ml[:, half:] | jnp.int32(-0x7FFF8000)
    pre_b = jnp.zeros((rows, 1), jnp.int32)
    for b in range(14, -1, -1):
        cand = pre_b | jnp.int32(1 << b)
        cnt = c_hi + _swar_count(pg, cand | (cand << 16))
        pre_b = jnp.where(cnt >= kf, cand, pre_b)

    t1 = (pre_a << 16) | (pre_b << 1) | jnp.int32(1)
    cnt = jnp.sum(keys >= t1, axis=1, keepdims=True, dtype=jnp.float32)
    thresh = jnp.where(cnt >= kf, t1, t1 - 1)

    cnt = jnp.sum((keys >= thresh).astype(jnp.int32), axis=1, keepdims=True)
    scale = jnp.float32(_NCOLS) / cnt.astype(jnp.float32)
    o_ref[...] = jnp.where(keys >= thresh, x * scale, 0.0)


def _tc_call(flat, row_start):
    n_rows = flat.shape[0]
    nblk = (n_rows - row_start) // _ROWS_PER_BLOCK
    blk0 = row_start // _ROWS_PER_BLOCK
    return pl.pallas_call(
        _tc_topk_kernel,
        grid=(nblk,),
        in_specs=[pl.BlockSpec((_ROWS_PER_BLOCK, _NCOLS),
                               lambda i: (i + blk0, 0))],
        out_specs=pl.BlockSpec((_ROWS_PER_BLOCK, _NCOLS),
                               lambda i: (i + blk0, 0)),
        out_shape=jax.ShapeDtypeStruct((n_rows, _NCOLS), flat.dtype),
    )(flat)



_ABS_MASK = 0x7FFFFFFF


def _sc_scan_level(hist_ref, nb, need):
    nchunks = nb // 16
    cum = jnp.int32(0)
    done = jnp.bool_(False)
    chosen_c = jnp.int32(0)
    base_above = jnp.int32(0)
    for c in range(nchunks - 1, -1, -1):
        sv = hist_ref[pl.ds(c * 16, 16)]
        s = jnp.sum(sv)
        hit = jnp.logical_and(jnp.logical_not(done), cum + s >= need)
        chosen_c = jnp.where(hit, jnp.int32(c), chosen_c)
        base_above = jnp.where(hit, cum, base_above)
        done = jnp.logical_or(done, hit)
        cum = cum + s
    need_local = need - base_above
    sv = hist_ref[pl.ds(chosen_c * 16, 16)]
    rchunk = lax.rev(sv, dimensions=(0,))
    cs = plsc.cumsum(rchunk)
    first = jnp.logical_and(cs >= need_local, cs - rchunk < need_local)
    zeros = jnp.zeros((16,), jnp.int32)
    in_bucket = jnp.sum(jnp.where(first, rchunk, zeros))
    above_in_chunk = jnp.sum(jnp.where(first, cs - rchunk, zeros))
    jrev = jnp.sum(jnp.where(first, lax.iota(jnp.int32, 16), zeros))
    bucket = chosen_c * 16 + (jnp.int32(15) - jrev)
    return bucket, base_above + above_in_chunk, in_bucket


_CHUNK = 8


def _sc_body(x_hbm, o_hbm, row_v, out_v, hist_ref):
    nc = 2
    wid = lax.axis_index("s") * nc + lax.axis_index("c")
    rows_per_w = _SC_ROWS // _N_WORKERS
    ones16 = jnp.ones((16,), jnp.int32)

    def do_row(rr, carry):
        levels = ((23, 256, None), (15, 256, 23), (7, 256, 15), (0, 128, 7))
        pfx = jnp.int32(0)
        need = jnp.int32(_K)
        above_total = jnp.int32(0)
        in_bucket = jnp.int32(0)
        for shift, nb, cmp_shift in levels:
            for j in range(nb // 16):
                hist_ref[pl.ds(j * 16, 16)] = jnp.zeros((16,), jnp.int32)

            def hist_step(i, c, shift=shift, nb=nb, cmp_shift=cmp_shift,
                          pfx=pfx):
                v = row_v[rr, pl.ds(i * 16, 16)]
                k = jax.lax.bitcast_convert_type(v, jnp.int32) & jnp.int32(
                    _ABS_MASK)
                d = (k >> shift) & jnp.int32(nb - 1)
                if cmp_shift is None:
                    m = k >= jnp.int32(0)
                else:
                    m = (k >> cmp_shift) == pfx
                plsc.addupdate_scatter(hist_ref, [d], ones16, mask=m)
                return c

            lax.fori_loop(0, _NCOLS // 16, hist_step, jnp.int32(0), unroll=8)
            bucket, above, inb = _sc_scan_level(hist_ref, nb, need)
            pfx = (pfx << (8 if nb == 256 else 7)) | bucket
            need = need - above
            above_total = above_total + above
            in_bucket = inb

        thresh = pfx
        total = above_total + in_bucket
        total_v = jnp.zeros((16,), jnp.int32) + total
        scale = jnp.full((16,), float(_NCOLS), jnp.float32) / total_v.astype(
            jnp.float32)

        def out_step(i, c):
            v = row_v[rr, pl.ds(i * 16, 16)]
            k = jax.lax.bitcast_convert_type(v, jnp.int32) & jnp.int32(
                _ABS_MASK)
            out_v[rr, pl.ds(i * 16, 16)] = jnp.where(
                k >= thresh, v * scale, 0.0)
            return c

        lax.fori_loop(0, _NCOLS // 16, out_step, jnp.int32(0), unroll=8)
        return carry

    def do_chunk(g, carry):
        base = wid * rows_per_w + g * _CHUNK
        pltpu.sync_copy(x_hbm.at[pl.ds(base, _CHUNK)], row_v)
        lax.fori_loop(0, _CHUNK, do_row, jnp.int32(0))
        pltpu.sync_copy(out_v, o_hbm.at[pl.ds(base, _CHUNK)])
        return carry

    lax.fori_loop(0, rows_per_w // _CHUNK, do_chunk, jnp.int32(0))


def _sc_call(flat):
    mesh = plsc.VectorSubcoreMesh(core_axis_name="c", subcore_axis_name="s")
    f = pl.kernel(
        _sc_body,
        out_type=jax.ShapeDtypeStruct((_SC_ROWS, _NCOLS), jnp.float32),
        mesh=mesh,
        scratch_types=[
            pltpu.VMEM((_CHUNK, _NCOLS), jnp.float32),
            pltpu.VMEM((_CHUNK, _NCOLS), jnp.float32),
            pltpu.VMEM((256,), jnp.int32),
        ],
        compiler_params=pltpu.CompilerParams(needs_layout_passes=False),
    )
    return f(flat)



def kernel(x):
    shape = x.shape
    flat = x.reshape(-1, shape[-1])
    n_rows = flat.shape[0]
    if _SC_ROWS >= n_rows:
        out = _sc_call(flat)
    elif _SC_ROWS == 0:
        out = _tc_call(flat, 0)
    else:
        sc_part = _sc_call(flat)
        out = _tc_call(flat, _SC_ROWS)
        out = lax.dynamic_update_slice(out, sc_part, (0, 0))
    return out.reshape(shape), 0, 0

# --- scband reference (transcript-rebuilt; emitter-appended) ---
"""Pipeline reference for scband-top-ksparse-70360154243700 (READ-ONLY COPY).

The authoritative reference and input builder live on the scoring server;
editing this copy changes nothing except your own understanding.
"""

import jax, jax.numpy as jnp
import numpy as np

TOKEN_DIM = 2048
CODE_DIM = 64
DISCRETE_SIZE = 16
RANDOMIZED = False
RANDOM_P = 0.0
SPARSITY_RATIO = float(np.log2(DISCRETE_SIZE) / 16.0)


def setup_inputs(seed: int = 0) -> dict:
    key = jax.random.key(seed)
    x = jax.random.normal(key, (4, 4096, 2048), dtype=jnp.float32)
    return {"x": x}


def reference(x):
    x_shape = x.shape
    flat = x.reshape(-1, x.shape[-1])
    n_rows, n_cols = flat.shape
    k = max(1, int(SPARSITY_RATIO * n_cols))
    x_abs = jnp.abs(flat)
    topk_val, topk_idx = jax.lax.top_k(x_abs, k)
    mask = jnp.zeros((n_rows, n_cols), dtype=bool)
    row_idx = jnp.arange(n_rows)[:, None]
    mask = mask.at[row_idx, topk_idx].set(True)
    # randomized=False, random_p=0.0 -> no random mask branch
    x_sparse = flat * mask.astype(jnp.float16)
    selected_count = jnp.clip(jnp.sum(mask, axis=1, keepdims=True), 1, None)
    scale = n_cols / selected_count
    x_sparse = x_sparse * scale
    L_comm = 0
    output = x_sparse
    L_code = 0
    return (output.reshape(x_shape).astype(jnp.float32), L_code, L_comm)

if __name__ == "__main__":
    import jax
    _d = setup_inputs()
    print(jax.jit(kernel)(*tuple(_d.values())))

</pallas_src>

<mosaic_0001>
#map = affine_map<(d0, d1) -> (0, 0)>
module attributes {stable_mosaic.version = 14 : i64} {
  func.func @_sc_body(%arg0: i32, %arg1: i32, %arg2: memref<16384x2048xf32, #tpu.memory_space<hbm>>, %arg3: memref<2048x2048xf32, #tpu.memory_space<hbm>>, %arg4: memref<8x2048xf32, #tpu.memory_space<vmem>>, %arg5: memref<8x2048xf32, #tpu.memory_space<vmem>>, %arg6: memref<256xi32, #tpu.memory_space<vmem>>) attributes {dimension_semantics = [#tpu.dimension_semantics<core_parallel>, #tpu.dimension_semantics<subcore_parallel>], iteration_bounds = array<i64: 2, 16>, scalar_prefetch = 0 : i64, scratch_operands = 3 : i64, tpu.core_type = #tpu.core_type<sc_vector_subcore>, window_params = [{transform_indices = #map}, {transform_indices = #map}]} {
    %mul3A = arith.constant 2 : i32
    %mul3A_0 = arith.muli %arg1, %mul3A : i32
    %add3A = arith.addi %mul3A_0, %arg0 : i32
    %broadcast_in_dim3A = arith.constant 1 : i32
    %broadcast_in_dim3A_1 = vector.broadcast %broadcast_in_dim3A : i32 to vector<16xi32>
    %scan3A = arith.constant 0 : i32
    %scan3A_2 = arith.constant 0 : i32
    %scan3A_3 = arith.constant 8 : i32
    %scan3A_4 = arith.addi %scan3A_2, %scan3A_3 : i32
    %scan3A_5 = arith.constant 1 : i32
    scf.for %scan3A_7 = %scan3A_2 to %scan3A_4 step %scan3A_5  : i32 {
      %mul3A_8 = arith.constant 64 : i32
      %mul3A_9 = arith.muli %add3A, %mul3A_8 : i32
      %mul3A_10 = arith.constant 8 : i32
      %mul3A_11 = arith.muli %scan3A_7, %mul3A_10 : i32
      %add3A_12 = arith.addi %mul3A_9, %mul3A_11 : i32
      "tpu.region"() ({
        %run_scoped3A = tpu.sem_alloc : memref<!tpu.dma_semaphore, #tpu.memory_space<semaphore_mem>>
        %dma_start3A = arith.constant 0 : i32
        %dma_start3A_19 = tpu.memref_slice %arg2[%add3A_12, %dma_start3A] : memref<16384x2048xf32, #tpu.memory_space<hbm>> -> memref<8x2048xf32, #tpu.memory_space<hbm>>
        %dma_start3A_20 = arith.constant 0 : i32
        %dma_start3A_21 = tpu.memref_slice %arg2[%add3A_12, %dma_start3A_20] : memref<16384x2048xf32, #tpu.memory_space<hbm>> -> memref<8x2048xf32, #tpu.memory_space<hbm>>
        tpu.enqueue_dma source(%dma_start3A_21 : memref<8x2048xf32, #tpu.memory_space<hbm>>) target(%arg4 : memref<8x2048xf32, #tpu.memory_space<vmem>>) target_semaphore(%run_scoped3A : memref<!tpu.dma_semaphore, #tpu.memory_space<semaphore_mem>>)
        %dma_wait3A = arith.constant 0 : i32
        %dma_wait3A_22 = tpu.memref_slice %arg2[%add3A_12, %dma_wait3A] : memref<16384x2048xf32, #tpu.memory_space<hbm>> -> memref<8x2048xf32, #tpu.memory_space<hbm>>
        %dma_wait3A_23 = arith.constant 0 : i32
        %dma_wait3A_24 = tpu.memref_slice %arg2[%add3A_12, %dma_wait3A_23] : memref<16384x2048xf32, #tpu.memory_space<hbm>> -> memref<8x2048xf32, #tpu.memory_space<hbm>>
        tpu.wait_dma2 semaphore(%run_scoped3A : memref<!tpu.dma_semaphore, #tpu.memory_space<semaphore_mem>>) src(%dma_wait3A_24 : memref<8x2048xf32, #tpu.memory_space<hbm>>) dst(%arg4 : memref<8x2048xf32, #tpu.memory_space<vmem>>)
        tpu.yield
      }) : () -> ()
      %scan3A_13 = arith.constant 0 : i32
      %scan3A_14 = arith.constant 0 : i32
      %scan3A_15 = arith.constant 8 : i32
      %scan3A_16 = arith.addi %scan3A_14, %scan3A_15 : i32
      %scan3A_17 = arith.constant 1 : i32
      scf.for %scan3A_19 = %scan3A_14 to %scan3A_16 step %scan3A_17  : i32 {
        %broadcast_in_dim3A_20 = arith.constant 0 : i32
        %broadcast_in_dim3A_21 = vector.broadcast %broadcast_in_dim3A_20 : i32 to vector<16xi32>
        %swap3A = arith.constant 0 : index
        %swap3A_22 = tpu.vector_load %arg6[%swap3A] {strides = array<i32>} : memref<256xi32, #tpu.memory_space<vmem>>, vector<16xi32>,
        tpu.vector_store %arg6[%swap3A], %broadcast_in_dim3A_21 {strides = array<i32>} : memref<256xi32, #tpu.memory_space<vmem>>, vector<16xi32>,
        %broadcast_in_dim3A_23 = arith.constant 0 : i32
        %broadcast_in_dim3A_24 = vector.broadcast %broadcast_in_dim3A_23 : i32 to vector<16xi32>
        %swap3A_25 = arith.constant 16 : index
        %swap3A_26 = tpu.vector_load %arg6[%swap3A_25] {strides = array<i32>} : memref<256xi32, #tpu.memory_space<vmem>>, vector<16xi32>,
        tpu.vector_store %arg6[%swap3A_25], %broadcast_in_dim3A_24 {strides = array<i32>} : memref<256xi32, #tpu.memory_space<vmem>>, vector<16xi32>,
        %broadcast_in_dim3A_27 = arith.constant 0 : i32
        %broadcast_in_dim3A_28 = vector.broadcast %broadcast_in_dim3A_27 : i32 to vector<16xi32>
        %swap3A_29 = arith.constant 32 : index
        %swap3A_30 = tpu.vector_load %arg6[%swap3A_29] {strides = array<i32>} : memref<256xi32, #tpu.memory_space<vmem>>, vector<16xi32>,
        tpu.vector_store %arg6[%swap3A_29], %broadcast_in_dim3A_28 {strides = array<i32>} : memref<256xi32, #tpu.memory_space<vmem>>, vector<16xi32>,
        %broadcast_in_dim3A_31 = arith.constant 0 : i32
        %broadcast_in_dim3A_32 = vector.broadcast %broadcast_in_dim3A_31 : i32 to vector<16xi32>
        %swap3A_33 = arith.constant 48 : index
        %swap3A_34 = tpu.vector_load %arg6[%swap3A_33] {strides = array<i32>} : memref<256xi32, #tpu.memory_space<vmem>>, vector<16xi32>,
        tpu.vector_store %arg6[%swap3A_33], %broadcast_in_dim3A_32 {strides = array<i32>} : memref<256xi32, #tpu.memory_space<vmem>>, vector<16xi32>,
        %broadcast_in_dim3A_35 = arith.constant 0 : i32
        %broadcast_in_dim3A_36 = vector.broadcast %broadcast_in_dim3A_35 : i32 to vector<16xi32>
        %swap3A_37 = arith.constant 64 : index
        %swap3A_38 = tpu.vector_load %arg6[%swap3A_37] {strides = array<i32>} : memref<256xi32, #tpu.memory_space<vmem>>, vector<16xi32>,
        tpu.vector_store %arg6[%swap3A_37], %broadcast_in_dim3A_36 {strides = array<i32>} : memref<256xi32, #tpu.memory_space<vmem>>, vector<16xi32>,
        %broadcast_in_dim3A_39 = arith.constant 0 : i32
        %broadcast_in_dim3A_40 = vector.broadcast %broadcast_in_dim3A_39 : i32 to vector<16xi32>
        %swap3A_41 = arith.constant 80 : index
        %swap3A_42 = tpu.vector_load %arg6[%swap3A_41] {strides = array<i32>} : memref<256xi32, #tpu.memory_space<vmem>>, vector<16xi32>,
        tpu.vector_store %arg6[%swap3A_41], %broadcast_in_dim3A_40 {strides = array<i32>} : memref<256xi32, #tpu.memory_space<vmem>>, vector<16xi32>,
        %broadcast_in_dim3A_43 = arith.constant 0 : i32
        %broadcast_in_dim3A_44 = vector.broadcast %broadcast_in_dim3A_43 : i32 to vector<16xi32>
        %swap3A_45 = arith.constant 96 : index
        %swap3A_46 = tpu.vector_load %arg6[%swap3A_45] {strides = array<i32>} : memref<256xi32, #tpu.memory_space<vmem>>, vector<16xi32>,
        tpu.vector_store %arg6[%swap3A_45], %broadcast_in_dim3A_44 {strides = array<i32>} : memref<256xi32, #tpu.memory_space<vmem>>, vector<16xi32>,
        %broadcast_in_dim3A_47 = arith.constant 0 : i32
        %broadcast_in_dim3A_48 = vector.broadcast %broadcast_in_dim3A_47 : i32 to vector<16xi32>
        %swap3A_49 = arith.constant 112 : index
        %swap3A_50 = tpu.vector_load %arg6[%swap3A_49] {strides = array<i32>} : memref<256xi32, #tpu.memory_space<vmem>>, vector<16xi32>,
        tpu.vector_store %arg6[%swap3A_49], %broadcast_in_dim3A_48 {strides = array<i32>} : memref<256xi32, #tpu.memory_space<vmem>>, vector<16xi32>,
        %broadcast_in_dim3A_51 = arith.constant 0 : i32
        %broadcast_in_dim3A_52 = vector.broadcast %broadcast_in_dim3A_51 : i32 to vector<16xi32>
        %swap3A_53 = arith.constant 128 : index
        %swap3A_54 = tpu.vector_load %arg6[%swap3A_53] {strides = array<i32>} : memref<256xi32, #tpu.memory_space<vmem>>, vector<16xi32>,
        tpu.vector_store %arg6[%swap3A_53], %broadcast_in_dim3A_52 {strides = array<i32>} : memref<256xi32, #tpu.memory_space<vmem>>, vector<16xi32>,
        %broadcast_in_dim3A_55 = arith.constant 0 : i32
        %broadcast_in_dim3A_56 = vector.broadcast %broadcast_in_dim3A_55 : i32 to vector<16xi32>
        %swap3A_57 = arith.constant 144 : index
        %swap3A_58 = tpu.vector_load %arg6[%swap3A_57] {strides = array<i32>} : memref<256xi32, #tpu.memory_space<vmem>>, vector<16xi32>,
        tpu.vector_store %arg6[%swap3A_57], %broadcast_in_dim3A_56 {strides = array<i32>} : memref<256xi32, #tpu.memory_space<vmem>>, vector<16xi32>,
        %broadcast_in_dim3A_59 = arith.constant 0 : i32
        %broadcast_in_dim3A_60 = vector.broadcast %broadcast_in_dim3A_59 : i32 to vector<16xi32>
        %swap3A_61 = arith.constant 160 : index
        %swap3A_62 = tpu.vector_load %arg6[%swap3A_61] {strides = array<i32>} : memref<256xi32, #tpu.memory_space<vmem>>, vector<16xi32>,
        tpu.vector_store %arg6[%swap3A_61], %broadcast_in_dim3A_60 {strides = array<i32>} : memref<256xi32, #tpu.memory_space<vmem>>, vector<16xi32>,
        %broadcast_in_dim3A_63 = arith.constant 0 : i32
        %broadcast_in_dim3A_64 = vector.broadcast %broadcast_in_dim3A_63 : i32 to vector<16xi32>
        %swap3A_65 = arith.constant 176 : index
        %swap3A_66 = tpu.vector_load %arg6[%swap3A_65] {strides = array<i32>} : memref<256xi32, #tpu.memory_space<vmem>>, vector<16xi32>,
        tpu.vector_store %arg6[%swap3A_65], %broadcast_in_dim3A_64 {strides = array<i32>} : memref<256xi32, #tpu.memory_space<vmem>>, vector<16xi32>,
        %broadcast_in_dim3A_67 = arith.constant 0 : i32
        %broadcast_in_dim3A_68 = vector.broadcast %broadcast_in_dim3A_67 : i32 to vector<16xi32>
        %swap3A_69 = arith.constant 192 : index
        %swap3A_70 = tpu.vector_load %arg6[%swap3A_69] {strides = array<i32>} : memref<256xi32, #tpu.memory_space<vmem>>, vector<16xi32>,
        tpu.vector_store %arg6[%swap3A_69], %broadcast_in_dim3A_68 {strides = array<i32>} : memref<256xi32, #tpu.memory_space<vmem>>, vector<16xi32>,
        %broadcast_in_dim3A_71 = arith.constant 0 : i32
        %broadcast_in_dim3A_72 = vector.broadcast %broadcast_in_dim3A_71 : i32 to vector<16xi32>
        %swap3A_73 = arith.constant 208 : index
        %swap3A_74 = tpu.vector_load %arg6[%swap3A_73] {strides = array<i32>} : memref<256xi32, #tpu.memory_space<vmem>>, vector<16xi32>,
        tpu.vector_store %arg6[%swap3A_73], %broadcast_in_dim3A_72 {strides = array<i32>} : memref<256xi32, #tpu.memory_space<vmem>>, vector<16xi32>,
        %broadcast_in_dim3A_75 = arith.constant 0 : i32
        %broadcast_in_dim3A_76 = vector.broadcast %broadcast_in_dim3A_75 : i32 to vector<16xi32>
        %swap3A_77 = arith.constant 224 : index
        %swap3A_78 = tpu.vector_load %arg6[%swap3A_77] {strides = array<i32>} : memref<256xi32, #tpu.memory_space<vmem>>, vector<16xi32>,
        tpu.vector_store %arg6[%swap3A_77], %broadcast_in_dim3A_76 {strides = array<i32>} : memref<256xi32, #tpu.memory_space<vmem>>, vector<16xi32>,
        %broadcast_in_dim3A_79 = arith.constant 0 : i32
        %broadcast_in_dim3A_80 = vector.broadcast %broadcast_in_dim3A_79 : i32 to vector<16xi32>
        %swap3A_81 = arith.constant 240 : index
        %swap3A_82 = tpu.vector_load %arg6[%swap3A_81] {strides = array<i32>} : memref<256xi32, #tpu.memory_space<vmem>>, vector<16xi32>,
        tpu.vector_store %arg6[%swap3A_81], %broadcast_in_dim3A_80 {strides = array<i32>} : memref<256xi32, #tpu.memory_space<vmem>>, vector<16xi32>,
        %scan3A_83 = arith.constant 0 : i32
        %scan3A_84 = arith.constant 0 : i32
        %scan3A_85 = arith.constant 128 : i32
        %scan3A_86 = arith.addi %scan3A_84, %scan3A_85 : i32
        %scan3A_87 = arith.constant 8 : i32
        scf.for %scan3A_1406 = %scan3A_84 to %scan3A_86 step %scan3A_87  : i32 {
          %mul3A_1407 = arith.constant 16 : i32
          %mul3A_1408 = arith.muli %scan3A_1406, %mul3A_1407 : i32
          %get3A_1409 = arith.index_cast %scan3A_19 : i32 to index
          %get3A_1410 = arith.index_cast %mul3A_1408 : i32 to index
          %get3A_1411 = tpu.vector_load %arg4[%get3A_1409, %get3A_1410] {strides = array<i32>} : memref<8x2048xf32, #tpu.memory_space<vmem>>, vector<16xf32>,
          %bitcast_convert_type3A = tpu.bitcast %get3A_1411 : vector<16xf32> -> vector<16xi32>
          %and3A_1412 = arith.constant 2147483647 : i32
          %and3A_1413 = vector.broadcast %and3A_1412 : i32 to vector<16xi32>
          %and3A_1414 = arith.andi %bitcast_convert_type3A, %and3A_1413 : vector<16xi32>
          %shift_right_arithmetic3A = arith.constant 23 : i32
          %shift_right_arithmetic3A_1415 = vector.broadcast %shift_right_arithmetic3A : i32 to vector<16xi32>
          %shift_right_arithmetic3A_1416 = arith.shrsi %and3A_1414, %shift_right_arithmetic3A_1415 : vector<16xi32>
          %and3A_1417 = arith.constant 255 : i32
          %and3A_1418 = vector.broadcast %and3A_1417 : i32 to vector<16xi32>
          %and3A_1419 = arith.andi %shift_right_arithmetic3A_1416, %and3A_1418 : vector<16xi32>
          %ge3A_1420 = arith.constant 0 : i32
          %ge3A_1421 = vector.broadcast %ge3A_1420 : i32 to vector<16xi32>
          %ge3A_1422 = arith.cmpi sge, %and3A_1414, %ge3A_1421 : vector<16xi32>
          tpu.vector_store_idx %arg6[%and3A_1419], %broadcast_in_dim3A_1 masked %ge3A_1422 {add = true} : memref<256xi32, #tpu.memory_space<vmem>>[vector<16xi32>], vector<16xi32>, vector<16xi1>
          %scan3A_1423 = arith.constant 1 : i32
          %scan3A_1424 = arith.addi %scan3A_1406, %scan3A_1423 : i32
          %mul3A_1425 = arith.constant 16 : i32
          %mul3A_1426 = arith.muli %scan3A_1424, %mul3A_1425 : i32
          %get3A_1427 = arith.index_cast %scan3A_19 : i32 to index
          %get3A_1428 = arith.index_cast %mul3A_1426 : i32 to index
          %get3A_1429 = tpu.vector_load %arg4[%get3A_1427, %get3A_1428] {strides = array<i32>} : memref<8x2048xf32, #tpu.memory_space<vmem>>, vector<16xf32>,
          %bitcast_convert_type3A_1430 = tpu.bitcast %get3A_1429 : vector<16xf32> -> vector<16xi32>
          %and3A_1431 = arith.constant 2147483647 : i32
          %and3A_1432 = vector.broadcast %and3A_1431 : i32 to vector<16xi32>
          %and3A_1433 = arith.andi %bitcast_convert_type3A_1430, %and3A_1432 : vector<16xi32>
          %shift_right_arithmetic3A_1434 = arith.constant 23 : i32
          %shift_right_arithmetic3A_1435 = vector.broadcast %shift_right_arithmetic3A_1434 : i32 to vector<16xi32>
          %shift_right_arithmetic3A_1436 = arith.shrsi %and3A_1433, %shift_right_arithmetic3A_1435 : vector<16xi32>
          %and3A_1437 = arith.constant 255 : i32
          %and3A_1438 = vector.broadcast %and3A_1437 : i32 to vector<16xi32>
          %and3A_1439 = arith.andi %shift_right_arithmetic3A_1436, %and3A_1438 : vector<16xi32>
          %ge3A_1440 = arith.constant 0 : i32
          %ge3A_1441 = vector.broadcast %ge3A_1440 : i32 to vector<16xi32>
          %ge3A_1442 = arith.cmpi sge, %and3A_1433, %ge3A_1441 : vector<16xi32>
          tpu.vector_store_idx %arg6[%and3A_1439], %broadcast_in_dim3A_1 masked %ge3A_1442 {add = true} : memref<256xi32, #tpu.memory_space<vmem>>[vector<16xi32>], vector<16xi32>, vector<16xi1>
          %scan3A_1443 = arith.constant 2 : i32
          %scan3A_1444 = arith.addi %scan3A_1406, %scan3A_1443 : i32
          %mul3A_1445 = arith.constant 16 : i32
          %mul3A_1446 = arith.muli %scan3A_1444, %mul3A_1445 : i32
          %get3A_1447 = arith.index_cast %scan3A_19 : i32 to index
          %get3A_1448 = arith.index_cast %mul3A_1446 : i32 to index
          %get3A_1449 = tpu.vector_load %arg4[%get3A_1447, %get3A_1448] {strides = array<i32>} : memref<8x2048xf32, #tpu.memory_space<vmem>>, vector<16xf32>,
          %bitcast_convert_type3A_1450 = tpu.bitcast %get3A_1449 : vector<16xf32> -> vector<16xi32>
          %and3A_1451 = arith.constant 2147483647 : i32
          %and3A_1452 = vector.broadcast %and3A_1451 : i32 to vector<16xi32>
          %and3A_1453 = arith.andi %bitcast_convert_type3A_1450, %and3A_1452 : vector<16xi32>
          %shift_right_arithmetic3A_1454 = arith.constant 23 : i32
          %shift_right_arithmetic3A_1455 = vector.broadcast %shift_right_arithmetic3A_1454 : i32 to vector<16xi32>
          %shift_right_arithmetic3A_1456 = arith.shrsi %and3A_1453, %shift_right_arithmetic3A_1455 : vector<16xi32>
          %and3A_1457 = arith.constant 255 : i32
          %and3A_1458 = vector.broadcast %and3A_1457 : i32 to vector<16xi32>
          %and3A_1459 = arith.andi %shift_right_arithmetic3A_1456, %and3A_1458 : vector<16xi32>
          %ge3A_1460 = arith.constant 0 : i32
          %ge3A_1461 = vector.broadcast %ge3A_1460 : i32 to vector<16xi32>
          %ge3A_1462 = arith.cmpi sge, %and3A_1453, %ge3A_1461 : vector<16xi32>
          tpu.vector_store_idx %arg6[%and3A_1459], %broadcast_in_dim3A_1 masked %ge3A_1462 {add = true} : memref<256xi32, #tpu.memory_space<vmem>>[vector<16xi32>], vector<16xi32>, vector<16xi1>
          %scan3A_1463 = arith.constant 3 : i32
          %scan3A_1464 = arith.addi %scan3A_1406, %scan3A_1463 : i32
          %mul3A_1465 = arith.constant 16 : i32
          %mul3A_1466 = arith.muli %scan3A_1464, %mul3A_1465 : i32
          %get3A_1467 = arith.index_cast %scan3A_19 : i32 to index
          %get3A_1468 = arith.index_cast %mul3A_1466 : i32 to index
          %get3A_1469 = tpu.vector_load %arg4[%get3A_1467, %get3A_1468] {strides = array<i32>} : memref<8x2048xf32, #tpu.memory_space<vmem>>, vector<16xf32>,
          %bitcast_convert_type3A_1470 = tpu.bitcast %get3A_1469 : vector<16xf32> -> vector<16xi32>
          %and3A_1471 = arith.constant 2147483647 : i32
          %and3A_1472 = vector.broadcast %and3A_1471 : i32 to vector<16xi32>
          %and3A_1473 = arith.andi %bitcast_convert_type3A_1470, %and3A_1472 : vector<16xi32>
          %shift_right_arithmetic3A_1474 = arith.constant 23 : i32
          %shift_right_arithmetic3A_1475 = vector.broadcast %shift_right_arithmetic3A_1474 : i32 to vector<16xi32>
          %shift_right_arithmetic3A_1476 = arith.shrsi %and3A_1473, %shift_right_arithmetic3A_1475 : vector<16xi32>
          %and3A_1477 = arith.constant 255 : i32
          %and3A_1478 = vector.broadcast %and3A_1477 : i32 to vector<16xi32>
          %and3A_1479 = arith.andi %shift_right_arithmetic3A_1476, %and3A_1478 : vector<16xi32>
          %ge3A_1480 = arith.constant 0 : i32
          %ge3A_1481 = vector.broadcast %ge3A_1480 : i32 to vector<16xi32>
          %ge3A_1482 = arith.cmpi sge, %and3A_1473, %ge3A_1481 : vector<16xi32>
          tpu.vector_store_idx %arg6[%and3A_1479], %broadcast_in_dim3A_1 masked %ge3A_1482 {add = true} : memref<256xi32, #tpu.memory_space<vmem>>[vector<16xi32>], vector<16xi32>, vector<16xi1>
          %scan3A_1483 = arith.constant 4 : i32
          %scan3A_1484 = arith.addi %scan3A_1406, %scan3A_1483 : i32
          %mul3A_1485 = arith.constant 16 : i32
          %mul3A_1486 = arith.muli %scan3A_1484, %mul3A_1485 : i32
          %get3A_1487 = arith.index_cast %scan3A_19 : i32 to index
          %get3A_1488 = arith.index_cast %mul3A_1486 : i32 to index
          %get3A_1489 = tpu.vector_load %arg4[%get3A_1487, %get3A_1488] {strides = array<i32>} : memref<8x2048xf32, #tpu.memory_space<vmem>>, vector<16xf32>,
          %bitcast_convert_type3A_1490 = tpu.bitcast %get3A_1489 : vector<16xf32> -> vector<16xi32>
          %and3A_1491 = arith.constant 2147483647 : i32
          %and3A_1492 = vector.broadcast %and3A_1491 : i32 to vector<16xi32>
          %and3A_1493 = arith.andi %bitcast_convert_type3A_1490, %and3A_1492 : vector<16xi32>
          %shift_right_arithmetic3A_1494 = arith.constant 23 : i32
          %shift_right_arithmetic3A_1495 = vector.broadcast %shift_right_arithmetic3A_1494 : i32 to vector<16xi32>
          %shift_right_arithmetic3A_1496 = arith.shrsi %and3A_1493, %shift_right_arithmetic3A_1495 : vector<16xi32>
          %and3A_1497 = arith.constant 255 : i32
          %and3A_1498 = vector.broadcast %and3A_1497 : i32 to vector<16xi32>
          %and3A_1499 = arith.andi %shift_right_arithmetic3A_1496, %and3A_1498 : vector<16xi32>
          %ge3A_1500 = arith.constant 0 : i32
          %ge3A_1501 = vector.broadcast %ge3A_1500 : i32 to vector<16xi32>
          %ge3A_1502 = arith.cmpi sge, %and3A_1493, %ge3A_1501 : vector<16xi32>
          tpu.vector_store_idx %arg6[%and3A_1499], %broadcast_in_dim3A_1 masked %ge3A_1502 {add = true} : memref<256xi32, #tpu.memory_space<vmem>>[vector<16xi32>], vector<16xi32>, vector<16xi1>
          %scan3A_1503 = arith.constant 5 : i32
          %scan3A_1504 = arith.addi %scan3A_1406, %scan3A_1503 : i32
          %mul3A_1505 = arith.constant 16 : i32
          %mul3A_1506 = arith.muli %scan3A_1504, %mul3A_1505 : i32
          %get3A_1507 = arith.index_cast %scan3A_19 : i32 to index
          %get3A_1508 = arith.index_cast %mul3A_1506 : i32 to index
          %get3A_1509 = tpu.vector_load %arg4[%get3A_1507, %get3A_1508] {strides = array<i32>} : memref<8x2048xf32, #tpu.memory_space<vmem>>, vector<16xf32>,
          %bitcast_convert_type3A_1510 = tpu.bitcast %get3A_1509 : vector<16xf32> -> vector<16xi32>
          %and3A_1511 = arith.constant 2147483647 : i32
          %and3A_1512 = vector.broadcast %and3A_1511 : i32 to vector<16xi32>
          %and3A_1513 = arith.andi %bitcast_convert_type3A_1510, %and3A_1512 : vector<16xi32>
          %shift_right_arithmetic3A_1514 = arith.constant 23 : i32
          %shift_right_arithmetic3A_1515 = vector.broadcast %shift_right_arithmetic3A_1514 : i32 to vector<16xi32>
          %shift_right_arithmetic3A_1516 = arith.shrsi %and3A_1513, %shift_right_arithmetic3A_1515 : vector<16xi32>
          %and3A_1517 = arith.constant 255 : i32
          %and3A_1518 = vector.broadcast %and3A_1517 : i32 to vector<16xi32>
          %and3A_1519 = arith.andi %shift_right_arithmetic3A_1516, %and3A_1518 : vector<16xi32>
          %ge3A_1520 = arith.constant 0 : i32
          %ge3A_1521 = vector.broadcast %ge3A_1520 : i32 to vector<16xi32>
          %ge3A_1522 = arith.cmpi sge, %and3A_1513, %ge3A_1521 : vector<16xi32>
          tpu.vector_store_idx %arg6[%and3A_1519], %broadcast_in_dim3A_1 masked %ge3A_1522 {add = true} : memref<256xi32, #tpu.memory_space<vmem>>[vector<16xi32>], vector<16xi32>, vector<16xi1>
          %scan3A_1523 = arith.constant 6 : i32
          %scan3A_1524 = arith.addi %scan3A_1406, %scan3A_1523 : i32
          %mul3A_1525 = arith.constant 16 : i32
          %mul3A_1526 = arith.muli %scan3A_1524, %mul3A_1525 : i32
          %get3A_1527 = arith.index_cast %scan3A_19 : i32 to index
          %get3A_1528 = arith.index_cast %mul3A_1526 : i32 to index
          %get3A_1529 = tpu.vector_load %arg4[%get3A_1527, %get3A_1528] {strides = array<i32>} : memref<8x2048xf32, #tpu.memory_space<vmem>>, vector<16xf32>,
          %bitcast_convert_type3A_1530 = tpu.bitcast %get3A_1529 : vector<16xf32> -> vector<16xi32>
          %and3A_1531 = arith.constant 2147483647 : i32
          %and3A_1532 = vector.broadcast %and3A_1531 : i32 to vector<16xi32>
          %and3A_1533 = arith.andi %bitcast_convert_type3A_1530, %and3A_1532 : vector<16xi32>
          %shift_right_arithmetic3A_1534 = arith.constant 23 : i32
          %shift_right_arithmetic3A_1535 = vector.broadcast %shift_right_arithmetic3A_1534 : i32 to vector<16xi32>
          %shift_right_arithmetic3A_1536 = arith.shrsi %and3A_1533, %shift_right_arithmetic3A_1535 : vector<16xi32>
          %and3A_1537 = arith.constant 255 : i32
          %and3A_1538 = vector.broadcast %and3A_1537 : i32 to vector<16xi32>
          %and3A_1539 = arith.andi %shift_right_arithmetic3A_1536, %and3A_1538 : vector<16xi32>
          %ge3A_1540 = arith.constant 0 : i32
          %ge3A_1541 = vector.broadcast %ge3A_1540 : i32 to vector<16xi32>
          %ge3A_1542 = arith.cmpi sge, %and3A_1533, %ge3A_1541 : vector<16xi32>
          tpu.vector_store_idx %arg6[%and3A_1539], %broadcast_in_dim3A_1 masked %ge3A_1542 {add = true} : memref<256xi32, #tpu.memory_space<vmem>>[vector<16xi32>], vector<16xi32>, vector<16xi1>
          %scan3A_1543 = arith.constant 7 : i32
          %scan3A_1544 = arith.addi %scan3A_1406, %scan3A_1543 : i32
          %mul3A_1545 = arith.constant 16 : i32
          %mul3A_1546 = arith.muli %scan3A_1544, %mul3A_1545 : i32
          %get3A_1547 = arith.index_cast %scan3A_19 : i32 to index
          %get3A_1548 = arith.index_cast %mul3A_1546 : i32 to index
          %get3A_1549 = tpu.vector_load %arg4[%get3A_1547, %get3A_1548] {strides = array<i32>} : memref<8x2048xf32, #tpu.memory_space<vmem>>, vector<16xf32>,
          %bitcast_convert_type3A_1550 = tpu.bitcast %get3A_1549 : vector<16xf32> -> vector<16xi32>
          %and3A_1551 = arith.constant 2147483647 : i32
          %and3A_1552 = vector.broadcast %and3A_1551 : i32 to vector<16xi32>
          %and3A_1553 = arith.andi %bitcast_convert_type3A_1550, %and3A_1552 : vector<16xi32>
          %shift_right_arithmetic3A_1554 = arith.constant 23 : i32
          %shift_right_arithmetic3A_1555 = vector.broadcast %shift_right_arithmetic3A_1554 : i32 to vector<16xi32>
          %shift_right_arithmetic3A_1556 = arith.shrsi %and3A_1553, %shift_right_arithmetic3A_1555 : vector<16xi32>
          %and3A_1557 = arith.constant 255 : i32
          %and3A_1558 = vector.broadcast %and3A_1557 : i32 to vector<16xi32>
          %and3A_1559 = arith.andi %shift_right_arithmetic3A_1556, %and3A_1558 : vector<16xi32>
          %ge3A_1560 = arith.constant 0 : i32
          %ge3A_1561 = vector.broadcast %ge3A_1560 : i32 to vector<16xi32>
          %ge3A_1562 = arith.cmpi sge, %and3A_1553, %ge3A_1561 : vector<16xi32>
          tpu.vector_store_idx %arg6[%and3A_1559], %broadcast_in_dim3A_1 masked %ge3A_1562 {add = true} : memref<256xi32, #tpu.memory_space<vmem>>[vector<16xi32>], vector<16xi32>, vector<16xi1>
        }
        %scan3A_88 = arith.constant 128 : i32
        %get3A = arith.constant 240 : index
        %get3A_89 = tpu.vector_load %arg6[%get3A] {strides = array<i32>} : memref<256xi32, #tpu.memory_space<vmem>>, vector<16xi32>,
        %reduce_sum3A = arith.constant true
        %reduce_sum3A_90 = vector.broadcast %reduce_sum3A : i1 to vector<16xi1>
        %reduce_sum3A_91 = tpu.scan <sum>, %get3A_89 masked %reduce_sum3A_90 : vector<16xi32>, vector<16xi1> -> vector<16xi32>
        %reduce_sum3A_92 = vector.extract %reduce_sum3A_91[15] : i32 from vector<16xi32>
        %not3A = arith.constant false
        %not3A_93 = arith.constant true
        %not3A_94 = arith.xori %not3A, %not3A_93 : i1
        %add3A_95 = arith.constant 0 : i32
        %add3A_96 = arith.addi %add3A_95, %reduce_sum3A_92 : i32
        %ge3A = arith.constant 512 : i32
        %ge3A_97 = arith.cmpi sge, %add3A_96, %ge3A : i32
        %and3A = arith.andi %not3A_94, %ge3A_97 : i1
        %jit3A = arith.constant 15 : i32
        %jit3A_98 = arith.constant 0 : i32
        %select_n3A = arith.select %and3A, %jit3A, %jit3A_98 : i32
        %jit3A_99 = arith.constant 0 : i32
        %jit3A_100 = arith.constant 0 : i32
        %select_n3A_101 = arith.select %and3A, %jit3A_99, %jit3A_100 : i32
        %or3A = arith.constant false
        %or3A_102 = arith.ori %or3A, %and3A : i1
        %add3A_103 = arith.constant 0 : i32
        %add3A_104 = arith.addi %add3A_103, %reduce_sum3A_92 : i32
        %get3A_105 = arith.constant 224 : index
        %get3A_106 = tpu.vector_load %arg6[%get3A_105] {strides = array<i32>} : memref<256xi32, #tpu.memory_space<vmem>>, vector<16xi32>,
        %reduce_sum3A_107 = arith.constant true
        %reduce_sum3A_108 = vector.broadcast %reduce_sum3A_107 : i1 to vector<16xi1>
        %reduce_sum3A_109 = tpu.scan <sum>, %get3A_106 masked %reduce_sum3A_108 : vector<16xi32>, vector<16xi1> -> vector<16xi32>
        %reduce_sum3A_110 = vector.extract %reduce_sum3A_109[15] : i32 from vector<16xi32>
        %not3A_111 = arith.constant true
        %not3A_112 = arith.xori %or3A_102, %not3A_111 : i1
        %add3A_113 = arith.addi %add3A_104, %reduce_sum3A_110 : i32
        %ge3A_114 = arith.constant 512 : i32
        %ge3A_115 = arith.cmpi sge, %add3A_113, %ge3A_114 : i32
        %and3A_116 = arith.andi %not3A_112, %ge3A_115 : i1
        %jit3A_117 = arith.constant 14 : i32
        %select_n3A_118 = arith.select %and3A_116, %jit3A_117, %select_n3A : i32
        %select_n3A_119 = arith.select %and3A_116, %add3A_104, %select_n3A_101 : i32
        %or3A_120 = arith.ori %or3A_102, %and3A_116 : i1
        %add3A_121 = arith.addi %add3A_104, %reduce_sum3A_110 : i32
        %get3A_122 = arith.constant 208 : index
        %get3A_123 = tpu.vector_load %arg6[%get3A_122] {strides = array<i32>} : memref<256xi32, #tpu.memory_space<vmem>>, vector<16xi32>,
        %reduce_sum3A_124 = arith.constant true
        %reduce_sum3A_125 = vector.broadcast %reduce_sum3A_124 : i1 to vector<16xi1>
        %reduce_sum3A_126 = tpu.scan <sum>, %get3A_123 masked %reduce_sum3A_125 : vector<16xi32>, vector<16xi1> -> vector<16xi32>
        %reduce_sum3A_127 = vector.extract %reduce_sum3A_126[15] : i32 from vector<16xi32>
        %not3A_128 = arith.constant true
        %not3A_129 = arith.xori %or3A_120, %not3A_128 : i1
        %add3A_130 = arith.addi %add3A_121, %reduce_sum3A_127 : i32
        %ge3A_131 = arith.constant 512 : i32
        %ge3A_132 = arith.cmpi sge, %add3A_130, %ge3A_131 : i32
        %and3A_133 = arith.andi %not3A_129, %ge3A_132 : i1
        %jit3A_134 = arith.constant 13 : i32
        %select_n3A_135 = arith.select %and3A_133, %jit3A_134, %select_n3A_118 : i32
        %select_n3A_136 = arith.select %and3A_133, %add3A_121, %select_n3A_119 : i32
        %or3A_137 = arith.ori %or3A_120, %and3A_133 : i1
        %add3A_138 = arith.addi %add3A_121, %reduce_sum3A_127 : i32
        %get3A_139 = arith.constant 192 : index
        %get3A_140 = tpu.vector_load %arg6[%get3A_139] {strides = array<i32>} : memref<256xi32, #tpu.memory_space<vmem>>, vector<16xi32>,
        %reduce_sum3A_141 = arith.constant true
        %reduce_sum3A_142 = vector.broadcast %reduce_sum3A_141 : i1 to vector<16xi1>
        %reduce_sum3A_143 = tpu.scan <sum>, %get3A_140 masked %reduce_sum3A_142 : vector<16xi32>, vector<16xi1> -> vector<16xi32>
        %reduce_sum3A_144 = vector.extract %reduce_sum3A_143[15] : i32 from vector<16xi32>
        %not3A_145 = arith.constant true
        %not3A_146 = arith.xori %or3A_137, %not3A_145 : i1
        %add3A_147 = arith.addi %add3A_138, %reduce_sum3A_144 : i32
        %ge3A_148 = arith.constant 512 : i32
        %ge3A_149 = arith.cmpi sge, %add3A_147, %ge3A_148 : i32
        %and3A_150 = arith.andi %not3A_146, %ge3A_149 : i1
        %jit3A_151 = arith.constant 12 : i32
        %select_n3A_152 = arith.select %and3A_150, %jit3A_151, %select_n3A_135 : i32
        %select_n3A_153 = arith.select %and3A_150, %add3A_138, %select_n3A_136 : i32
        %or3A_154 = arith.ori %or3A_137, %and3A_150 : i1
        %add3A_155 = arith.addi %add3A_138, %reduce_sum3A_144 : i32
        %get3A_156 = arith.constant 176 : index
        %get3A_157 = tpu.vector_load %arg6[%get3A_156] {strides = array<i32>} : memref<256xi32, #tpu.memory_space<vmem>>, vector<16xi32>,
        %reduce_sum3A_158 = arith.constant true
        %reduce_sum3A_159 = vector.broadcast %reduce_sum3A_158 : i1 to vector<16xi1>
        %reduce_sum3A_160 = tpu.scan <sum>, %get3A_157 masked %reduce_sum3A_159 : vector<16xi32>, vector<16xi1> -> vector<16xi32>
        %reduce_sum3A_161 = vector.extract %reduce_sum3A_160[15] : i32 from vector<16xi32>
        %not3A_162 = arith.constant true
        %not3A_163 = arith.xori %or3A_154, %not3A_162 : i1
        %add3A_164 = arith.addi %add3A_155, %reduce_sum3A_161 : i32
        %ge3A_165 = arith.constant 512 : i32
        %ge3A_166 = arith.cmpi sge, %add3A_164, %ge3A_165 : i32
        %and3A_167 = arith.andi %not3A_163, %ge3A_166 : i1
        %jit3A_168 = arith.constant 11 : i32
        %select_n3A_169 = arith.select %and3A_167, %jit3A_168, %select_n3A_152 : i32
        %select_n3A_170 = arith.select %and3A_167, %add3A_155, %select_n3A_153 : i32
        %or3A_171 = arith.ori %or3A_154, %and3A_167 : i1
        %add3A_172 = arith.addi %add3A_155, %reduce_sum3A_161 : i32
        %get3A_173 = arith.constant 160 : index
        %get3A_174 = tpu.vector_load %arg6[%get3A_173] {strides = array<i32>} : memref<256xi32, #tpu.memory_space<vmem>>, vector<16xi32>,
        %reduce_sum3A_175 = arith.constant true
        %reduce_sum3A_176 = vector.broadcast %reduce_sum3A_175 : i1 to vector<16xi1>
        %reduce_sum3A_177 = tpu.scan <sum>, %get3A_174 masked %reduce_sum3A_176 : vector<16xi32>, vector<16xi1> -> vector<16xi32>
        %reduce_sum3A_178 = vector.extract %reduce_sum3A_177[15] : i32 from vector<16xi32>
        %not3A_179 = arith.constant true
        %not3A_180 = arith.xori %or3A_171, %not3A_179 : i1
        %add3A_181 = arith.addi %add3A_172, %reduce_sum3A_178 : i32
        %ge3A_182 = arith.constant 512 : i32
        %ge3A_183 = arith.cmpi sge, %add3A_181, %ge3A_182 : i32
        %and3A_184 = arith.andi %not3A_180, %ge3A_183 : i1
        %jit3A_185 = arith.constant 10 : i32
        %select_n3A_186 = arith.select %and3A_184, %jit3A_185, %select_n3A_169 : i32
        %select_n3A_187 = arith.select %and3A_184, %add3A_172, %select_n3A_170 : i32
        %or3A_188 = arith.ori %or3A_171, %and3A_184 : i1
        %add3A_189 = arith.addi %add3A_172, %reduce_sum3A_178 : i32
        %get3A_190 = arith.constant 144 : index
        %get3A_191 = tpu.vector_load %arg6[%get3A_190] {strides = array<i32>} : memref<256xi32, #tpu.memory_space<vmem>>, vector<16xi32>,
        %reduce_sum3A_192 = arith.constant true
        %reduce_sum3A_193 = vector.broadcast %reduce_sum3A_192 : i1 to vector<16xi1>
        %reduce_sum3A_194 = tpu.scan <sum>, %get3A_191 masked %reduce_sum3A_193 : vector<16xi32>, vector<16xi1> -> vector<16xi32>
        %reduce_sum3A_195 = vector.extract %reduce_sum3A_194[15] : i32 from vector<16xi32>
        %not3A_196 = arith.constant true
        %not3A_197 = arith.xori %or3A_188, %not3A_196 : i1
        %add3A_198 = arith.addi %add3A_189, %reduce_sum3A_195 : i32
        %ge3A_199 = arith.constant 512 : i32
        %ge3A_200 = arith.cmpi sge, %add3A_198, %ge3A_199 : i32
        %and3A_201 = arith.andi %not3A_197, %ge3A_200 : i1
        %jit3A_202 = arith.constant 9 : i32
        %select_n3A_203 = arith.select %and3A_201, %jit3A_202, %select_n3A_186 : i32
        %select_n3A_204 = arith.select %and3A_201, %add3A_189, %select_n3A_187 : i32
        %or3A_205 = arith.ori %or3A_188, %and3A_201 : i1
        %add3A_206 = arith.addi %add3A_189, %reduce_sum3A_195 : i32
        %get3A_207 = arith.constant 128 : index
        %get3A_208 = tpu.vector_load %arg6[%get3A_207] {strides = array<i32>} : memref<256xi32, #tpu.memory_space<vmem>>, vector<16xi32>,
        %reduce_sum3A_209 = arith.constant true
        %reduce_sum3A_210 = vector.broadcast %reduce_sum3A_209 : i1 to vector<16xi1>
        %reduce_sum3A_211 = tpu.scan <sum>, %get3A_208 masked %reduce_sum3A_210 : vector<16xi32>, vector<16xi1> -> vector<16xi32>
        %reduce_sum3A_212 = vector.extract %reduce_sum3A_211[15] : i32 from vector<16xi32>
        %not3A_213 = arith.constant true
        %not3A_214 = arith.xori %or3A_205, %not3A_213 : i1
        %add3A_215 = arith.addi %add3A_206, %reduce_sum3A_212 : i32
        %ge3A_216 = arith.constant 512 : i32
        %ge3A_217 = arith.cmpi sge, %add3A_215, %ge3A_216 : i32
        %and3A_218 = arith.andi %not3A_214, %ge3A_217 : i1
        %jit3A_219 = arith.constant 8 : i32
        %select_n3A_220 = arith.select %and3A_218, %jit3A_219, %select_n3A_203 : i32
        %select_n3A_221 = arith.select %and3A_218, %add3A_206, %select_n3A_204 : i32
        %or3A_222 = arith.ori %or3A_205, %and3A_218 : i1
        %add3A_223 = arith.addi %add3A_206, %reduce_sum3A_212 : i32
        %get3A_224 = arith.constant 112 : index
        %get3A_225 = tpu.vector_load %arg6[%get3A_224] {strides = array<i32>} : memref<256xi32, #tpu.memory_space<vmem>>, vector<16xi32>,
        %reduce_sum3A_226 = arith.constant true
        %reduce_sum3A_227 = vector.broadcast %reduce_sum3A_226 : i1 to vector<16xi1>
        %reduce_sum3A_228 = tpu.scan <sum>, %get3A_225 masked %reduce_sum3A_227 : vector<16xi32>, vector<16xi1> -> vector<16xi32>
        %reduce_sum3A_229 = vector.extract %reduce_sum3A_228[15] : i32 from vector<16xi32>
        %not3A_230 = arith.constant true
        %not3A_231 = arith.xori %or3A_222, %not3A_230 : i1
        %add3A_232 = arith.addi %add3A_223, %reduce_sum3A_229 : i32
        %ge3A_233 = arith.constant 512 : i32
        %ge3A_234 = arith.cmpi sge, %add3A_232, %ge3A_233 : i32
        %and3A_235 = arith.andi %not3A_231, %ge3A_234 : i1
        %jit3A_236 = arith.constant 7 : i32
        %select_n3A_237 = arith.select %and3A_235, %jit3A_236, %select_n3A_220 : i32
        %select_n3A_238 = arith.select %and3A_235, %add3A_223, %select_n3A_221 : i32
        %or3A_239 = arith.ori %or3A_222, %and3A_235 : i1
        %add3A_240 = arith.addi %add3A_223, %reduce_sum3A_229 : i32
        %get3A_241 = arith.constant 96 : index
        %get3A_242 = tpu.vector_load %arg6[%get3A_241] {strides = array<i32>} : memref<256xi32, #tpu.memory_space<vmem>>, vector<16xi32>,
        %reduce_sum3A_243 = arith.constant true
        %reduce_sum3A_244 = vector.broadcast %reduce_sum3A_243 : i1 to vector<16xi1>
        %reduce_sum3A_245 = tpu.scan <sum>, %get3A_242 masked %reduce_sum3A_244 : vector<16xi32>, vector<16xi1> -> vector<16xi32>
        %reduce_sum3A_246 = vector.extract %reduce_sum3A_245[15] : i32 from vector<16xi32>
        %not3A_247 = arith.constant true
        %not3A_248 = arith.xori %or3A_239, %not3A_247 : i1
        %add3A_249 = arith.addi %add3A_240, %reduce_sum3A_246 : i32
        %ge3A_250 = arith.constant 512 : i32
        %ge3A_251 = arith.cmpi sge, %add3A_249, %ge3A_250 : i32
        %and3A_252 = arith.andi %not3A_248, %ge3A_251 : i1
        %jit3A_253 = arith.constant 6 : i32
        %select_n3A_254 = arith.select %and3A_252, %jit3A_253, %select_n3A_237 : i32
        %select_n3A_255 = arith.select %and3A_252, %add3A_240, %select_n3A_238 : i32
        %or3A_256 = arith.ori %or3A_239, %and3A_252 : i1
        %add3A_257 = arith.addi %add3A_240, %reduce_sum3A_246 : i32
        %get3A_258 = arith.constant 80 : index
        %get3A_259 = tpu.vector_load %arg6[%get3A_258] {strides = array<i32>} : memref<256xi32, #tpu.memory_space<vmem>>, vector<16xi32>,
        %reduce_sum3A_260 = arith.constant true
        %reduce_sum3A_261 = vector.broadcast %reduce_sum3A_260 : i1 to vector<16xi1>
        %reduce_sum3A_262 = tpu.scan <sum>, %get3A_259 masked %reduce_sum3A_261 : vector<16xi32>, vector<16xi1> -> vector<16xi32>
        %reduce_sum3A_263 = vector.extract %reduce_sum3A_262[15] : i32 from vector<16xi32>
        %not3A_264 = arith.constant true
        %not3A_265 = arith.xori %or3A_256, %not3A_264 : i1
        %add3A_266 = arith.addi %add3A_257, %reduce_sum3A_263 : i32
        %ge3A_267 = arith.constant 512 : i32
        %ge3A_268 = arith.cmpi sge, %add3A_266, %ge3A_267 : i32
        %and3A_269 = arith.andi %not3A_265, %ge3A_268 : i1
        %jit3A_270 = arith.constant 5 : i32
        %select_n3A_271 = arith.select %and3A_269, %jit3A_270, %select_n3A_254 : i32
        %select_n3A_272 = arith.select %and3A_269, %add3A_257, %select_n3A_255 : i32
        %or3A_273 = arith.ori %or3A_256, %and3A_269 : i1
        %add3A_274 = arith.addi %add3A_257, %reduce_sum3A_263 : i32
        %get3A_275 = arith.constant 64 : index
        %get3A_276 = tpu.vector_load %arg6[%get3A_275] {strides = array<i32>} : memref<256xi32, #tpu.memory_space<vmem>>, vector<16xi32>,
        %reduce_sum3A_277 = arith.constant true
        %reduce_sum3A_278 = vector.broadcast %reduce_sum3A_277 : i1 to vector<16xi1>
        %reduce_sum3A_279 = tpu.scan <sum>, %get3A_276 masked %reduce_sum3A_278 : vector<16xi32>, vector<16xi1> -> vector<16xi32>
        %reduce_sum3A_280 = vector.extract %reduce_sum3A_279[15] : i32 from vector<16xi32>
        %not3A_281 = arith.constant true
        %not3A_282 = arith.xori %or3A_273, %not3A_281 : i1
        %add3A_283 = arith.addi %add3A_274, %reduce_sum3A_280 : i32
        %ge3A_284 = arith.constant 512 : i32
        %ge3A_285 = arith.cmpi sge, %add3A_283, %ge3A_284 : i32
        %and3A_286 = arith.andi %not3A_282, %ge3A_285 : i1
        %jit3A_287 = arith.constant 4 : i32
        %select_n3A_288 = arith.select %and3A_286, %jit3A_287, %select_n3A_271 : i32
        %select_n3A_289 = arith.select %and3A_286, %add3A_274, %select_n3A_272 : i32
        %or3A_290 = arith.ori %or3A_273, %and3A_286 : i1
        %add3A_291 = arith.addi %add3A_274, %reduce_sum3A_280 : i32
        %get3A_292 = arith.constant 48 : index
        %get3A_293 = tpu.vector_load %arg6[%get3A_292] {strides = array<i32>} : memref<256xi32, #tpu.memory_space<vmem>>, vector<16xi32>,
        %reduce_sum3A_294 = arith.constant true
        %reduce_sum3A_295 = vector.broadcast %reduce_sum3A_294 : i1 to vector<16xi1>
        %reduce_sum3A_296 = tpu.scan <sum>, %get3A_293 masked %reduce_sum3A_295 : vector<16xi32>, vector<16xi1> -> vector<16xi32>
        %reduce_sum3A_297 = vector.extract %reduce_sum3A_296[15] : i32 from vector<16xi32>
        %not3A_298 = arith.constant true
        %not3A_299 = arith.xori %or3A_290, %not3A_298 : i1
        %add3A_300 = arith.addi %add3A_291, %reduce_sum3A_297 : i32
        %ge3A_301 = arith.constant 512 : i32
        %ge3A_302 = arith.cmpi sge, %add3A_300, %ge3A_301 : i32
        %and3A_303 = arith.andi %not3A_299, %ge3A_302 : i1
        %jit3A_304 = arith.constant 3 : i32
        %select_n3A_305 = arith.select %and3A_303, %jit3A_304, %select_n3A_288 : i32
        %select_n3A_306 = arith.select %and3A_303, %add3A_291, %select_n3A_289 : i32
        %or3A_307 = arith.ori %or3A_290, %and3A_303 : i1
        %add3A_308 = arith.addi %add3A_291, %reduce_sum3A_297 : i32
        %get3A_309 = arith.constant 32 : index
        %get3A_310 = tpu.vector_load %arg6[%get3A_309] {strides = array<i32>} : memref<256xi32, #tpu.memory_space<vmem>>, vector<16xi32>,
        %reduce_sum3A_311 = arith.constant true
        %reduce_sum3A_312 = vector.broadcast %reduce_sum3A_311 : i1 to vector<16xi1>
        %reduce_sum3A_313 = tpu.scan <sum>, %get3A_310 masked %reduce_sum3A_312 : vector<16xi32>, vector<16xi1> -> vector<16xi32>
        %reduce_sum3A_314 = vector.extract %reduce_sum3A_313[15] : i32 from vector<16xi32>
        %not3A_315 = arith.constant true
        %not3A_316 = arith.xori %or3A_307, %not3A_315 : i1
        %add3A_317 = arith.addi %add3A_308, %reduce_sum3A_314 : i32
        %ge3A_318 = arith.constant 512 : i32
        %ge3A_319 = arith.cmpi sge, %add3A_317, %ge3A_318 : i32
        %and3A_320 = arith.andi %not3A_316, %ge3A_319 : i1
        %jit3A_321 = arith.constant 2 : i32
        %select_n3A_322 = arith.select %and3A_320, %jit3A_321, %select_n3A_305 : i32
        %select_n3A_323 = arith.select %and3A_320, %add3A_308, %select_n3A_306 : i32
        %or3A_324 = arith.ori %or3A_307, %and3A_320 : i1
        %add3A_325 = arith.addi %add3A_308, %reduce_sum3A_314 : i32
        %get3A_326 = arith.constant 16 : index
        %get3A_327 = tpu.vector_load %arg6[%get3A_326] {strides = array<i32>} : memref<256xi32, #tpu.memory_space<vmem>>, vector<16xi32>,
        %reduce_sum3A_328 = arith.constant true
        %reduce_sum3A_329 = vector.broadcast %reduce_sum3A_328 : i1 to vector<16xi1>
        %reduce_sum3A_330 = tpu.scan <sum>, %get3A_327 masked %reduce_sum3A_329 : vector<16xi32>, vector<16xi1> -> vector<16xi32>
        %reduce_sum3A_331 = vector.extract %reduce_sum3A_330[15] : i32 from vector<16xi32>
        %not3A_332 = arith.constant true
        %not3A_333 = arith.xori %or3A_324, %not3A_332 : i1
        %add3A_334 = arith.addi %add3A_325, %reduce_sum3A_331 : i32
        %ge3A_335 = arith.constant 512 : i32
        %ge3A_336 = arith.cmpi sge, %add3A_334, %ge3A_335 : i32
        %and3A_337 = arith.andi %not3A_333, %ge3A_336 : i1
        %jit3A_338 = arith.constant 1 : i32
        %select_n3A_339 = arith.select %and3A_337, %jit3A_338, %select_n3A_322 : i32
        %select_n3A_340 = arith.select %and3A_337, %add3A_325, %select_n3A_323 : i32
        %or3A_341 = arith.ori %or3A_324, %and3A_337 : i1
        %add3A_342 = arith.addi %add3A_325, %reduce_sum3A_331 : i32
        %get3A_343 = arith.constant 0 : index
        %get3A_344 = tpu.vector_load %arg6[%get3A_343] {strides = array<i32>} : memref<256xi32, #tpu.memory_space<vmem>>, vector<16xi32>,
        %reduce_sum3A_345 = arith.constant true
        %reduce_sum3A_346 = vector.broadcast %reduce_sum3A_345 : i1 to vector<16xi1>
        %reduce_sum3A_347 = tpu.scan <sum>, %get3A_344 masked %reduce_sum3A_346 : vector<16xi32>, vector<16xi1> -> vector<16xi32>
        %reduce_sum3A_348 = vector.extract %reduce_sum3A_347[15] : i32 from vector<16xi32>
        %not3A_349 = arith.constant true
        %not3A_350 = arith.xori %or3A_341, %not3A_349 : i1
        %add3A_351 = arith.addi %add3A_342, %reduce_sum3A_348 : i32
        %ge3A_352 = arith.constant 512 : i32
        %ge3A_353 = arith.cmpi sge, %add3A_351, %ge3A_352 : i32
        %and3A_354 = arith.andi %not3A_350, %ge3A_353 : i1
        %jit3A_355 = arith.constant 0 : i32
        %select_n3A_356 = arith.select %and3A_354, %jit3A_355, %select_n3A_339 : i32
        %select_n3A_357 = arith.select %and3A_354, %add3A_342, %select_n3A_340 : i32
        %or3A_358 = arith.ori %or3A_341, %and3A_354 : i1
        %add3A_359 = arith.addi %add3A_342, %reduce_sum3A_348 : i32
        %sub3A = arith.constant 512 : i32
        %sub3A_360 = arith.subi %sub3A, %select_n3A_357 : i32
        %mul3A_361 = arith.constant 16 : i32
        %mul3A_362 = arith.muli %select_n3A_356, %mul3A_361 : i32
        %get3A_363 = arith.index_cast %mul3A_362 : i32 to index
        %get3A_364 = tpu.vector_load %arg6[%get3A_363] {strides = array<i32>} : memref<256xi32, #tpu.memory_space<vmem>>, vector<16xi32>,
        %rev3A = arith.constant 15 : i32
        %rev3A_365 = vector.broadcast %rev3A : i32 to vector<16xi32>
        %rev3A_366 = tpu.iota {dimensions = array<i32: 0>} : vector<16xi32>
        %rev3A_367 = arith.subi %rev3A_365, %rev3A_366 : vector<16xi32>
        %rev3A_368 = tpu.dynamic_gather %get3A_364[%rev3A_367] in [0] : vector<16xi32>, vector<16xi32> -> vector<16xi32>
        %broadcast_in_dim3A_369 = arith.constant true
        %broadcast_in_dim3A_370 = vector.broadcast %broadcast_in_dim3A_369 : i1 to vector<16xi1>
        %masked_cumsum3A = tpu.scan <sum>, %rev3A_368 masked %broadcast_in_dim3A_370 : vector<16xi32>, vector<16xi1> -> vector<16xi32>
        %ge3A_371 = vector.broadcast %sub3A_360 : i32 to vector<16xi32>
        %ge3A_372 = arith.cmpi sge, %masked_cumsum3A, %ge3A_371 : vector<16xi32>
        %sub3A_373 = arith.subi %masked_cumsum3A, %rev3A_368 : vector<16xi32>
        %lt3A = vector.broadcast %sub3A_360 : i32 to vector<16xi32>
        %lt3A_374 = arith.cmpi slt, %sub3A_373, %lt3A : vector<16xi32>
        %and3A_375 = arith.andi %ge3A_372, %lt3A_374 : vector<16xi1>
        %broadcast_in_dim3A_376 = arith.constant 0 : i32
        %broadcast_in_dim3A_377 = vector.broadcast %broadcast_in_dim3A_376 : i32 to vector<16xi32>
        %select_n3A_378 = arith.select %and3A_375, %rev3A_368, %broadcast_in_dim3A_377 : vector<16xi1>, vector<16xi32>
        %reduce_sum3A_379 = arith.constant true
        %reduce_sum3A_380 = vector.broadcast %reduce_sum3A_379 : i1 to vector<16xi1>
        %reduce_sum3A_381 = tpu.scan <sum>, %select_n3A_378 masked %reduce_sum3A_380 : vector<16xi32>, vector<16xi1> -> vector<16xi32>
        %reduce_sum3A_382 = vector.extract %reduce_sum3A_381[15] : i32 from vector<16xi32>
        %sub3A_383 = arith.subi %masked_cumsum3A, %rev3A_368 : vector<16xi32>
        %select_n3A_384 = arith.select %and3A_375, %sub3A_383, %broadcast_in_dim3A_377 : vector<16xi1>, vector<16xi32>
        %reduce_sum3A_385 = arith.constant true
        %reduce_sum3A_386 = vector.broadcast %reduce_sum3A_385 : i1 to vector<16xi1>
        %reduce_sum3A_387 = tpu.scan <sum>, %select_n3A_384 masked %reduce_sum3A_386 : vector<16xi32>, vector<16xi1> -> vector<16xi32>
        %reduce_sum3A_388 = vector.extract %reduce_sum3A_387[15] : i32 from vector<16xi32>
        %iota3A = tpu.iota {dimensions = array<i32: 0>} : vector<16xi32>
        %select_n3A_389 = arith.select %and3A_375, %iota3A, %broadcast_in_dim3A_377 : vector<16xi1>, vector<16xi32>
        %reduce_sum3A_390 = arith.constant true
        %reduce_sum3A_391 = vector.broadcast %reduce_sum3A_390 : i1 to vector<16xi1>
        %reduce_sum3A_392 = tpu.scan <sum>, %select_n3A_389 masked %reduce_sum3A_391 : vector<16xi32>, vector<16xi1> -> vector<16xi32>
        %reduce_sum3A_393 = vector.extract %reduce_sum3A_392[15] : i32 from vector<16xi32>
        %mul3A_394 = arith.constant 16 : i32
        %mul3A_395 = arith.muli %select_n3A_356, %mul3A_394 : i32
        %sub3A_396 = arith.constant 15 : i32
        %sub3A_397 = arith.subi %sub3A_396, %reduce_sum3A_393 : i32
        %add3A_398 = arith.addi %mul3A_395, %sub3A_397 : i32
        %add3A_399 = arith.addi %select_n3A_357, %reduce_sum3A_388 : i32
        %shift_left3A = arith.constant 0 : i32
        %shift_left3A_400 = arith.constant 8 : i32
        %shift_left3A_401 = arith.shli %shift_left3A, %shift_left3A_400 : i32
        %or3A_402 = arith.ori %shift_left3A_401, %add3A_398 : i32
        %sub3A_403 = arith.constant 512 : i32
        %sub3A_404 = arith.subi %sub3A_403, %add3A_399 : i32
        %add3A_405 = arith.constant 0 : i32
        %add3A_406 = arith.addi %add3A_405, %add3A_399 : i32
        %broadcast_in_dim3A_407 = arith.constant 0 : i32
        %broadcast_in_dim3A_408 = vector.broadcast %broadcast_in_dim3A_407 : i32 to vector<16xi32>
        %swap3A_409 = arith.constant 0 : index
        %swap3A_410 = tpu.vector_load %arg6[%swap3A_409] {strides = array<i32>} : memref<256xi32, #tpu.memory_space<vmem>>, vector<16xi32>,
        tpu.vector_store %arg6[%swap3A_409], %broadcast_in_dim3A_408 {strides = array<i32>} : memref<256xi32, #tpu.memory_space<vmem>>, vector<16xi32>,
        %broadcast_in_dim3A_411 = arith.constant 0 : i32
        %broadcast_in_dim3A_412 = vector.broadcast %broadcast_in_dim3A_411 : i32 to vector<16xi32>
        %swap3A_413 = arith.constant 16 : index
        %swap3A_414 = tpu.vector_load %arg6[%swap3A_413] {strides = array<i32>} : memref<256xi32, #tpu.memory_space<vmem>>, vector<16xi32>,
        tpu.vector_store %arg6[%swap3A_413], %broadcast_in_dim3A_412 {strides = array<i32>} : memref<256xi32, #tpu.memory_space<vmem>>, vector<16xi32>,
        %broadcast_in_dim3A_415 = arith.constant 0 : i32
        %broadcast_in_dim3A_416 = vector.broadcast %broadcast_in_dim3A_415 : i32 to vector<16xi32>
        %swap3A_417 = arith.constant 32 : index
        %swap3A_418 = tpu.vector_load %arg6[%swap3A_417] {strides = array<i32>} : memref<256xi32, #tpu.memory_space<vmem>>, vector<16xi32>,
        tpu.vector_store %arg6[%swap3A_417], %broadcast_in_dim3A_416 {strides = array<i32>} : memref<256xi32, #tpu.memory_space<vmem>>, vector<16xi32>,
        %broadcast_in_dim3A_419 = arith.constant 0 : i32
        %broadcast_in_dim3A_420 = vector.broadcast %broadcast_in_dim3A_419 : i32 to vector<16xi32>
        %swap3A_421 = arith.constant 48 : index
        %swap3A_422 = tpu.vector_load %arg6[%swap3A_421] {strides = array<i32>} : memref<256xi32, #tpu.memory_space<vmem>>, vector<16xi32>,
        tpu.vector_store %arg6[%swap3A_421], %broadcast_in_dim3A_420 {strides = array<i32>} : memref<256xi32, #tpu.memory_space<vmem>>, vector<16xi32>,
        %broadcast_in_dim3A_423 = arith.constant 0 : i32
        %broadcast_in_dim3A_424 = vector.broadcast %broadcast_in_dim3A_423 : i32 to vector<16xi32>
        %swap3A_425 = arith.constant 64 : index
        %swap3A_426 = tpu.vector_load %arg6[%swap3A_425] {strides = array<i32>} : memref<256xi32, #tpu.memory_space<vmem>>, vector<16xi32>,
        tpu.vector_store %arg6[%swap3A_425], %broadcast_in_dim3A_424 {strides = array<i32>} : memref<256xi32, #tpu.memory_space<vmem>>, vector<16xi32>,
        %broadcast_in_dim3A_427 = arith.constant 0 : i32
        %broadcast_in_dim3A_428 = vector.broadcast %broadcast_in_dim3A_427 : i32 to vector<16xi32>
        %swap3A_429 = arith.constant 80 : index
        %swap3A_430 = tpu.vector_load %arg6[%swap3A_429] {strides = array<i32>} : memref<256xi32, #tpu.memory_space<vmem>>, vector<16xi32>,
        tpu.vector_store %arg6[%swap3A_429], %broadcast_in_dim3A_428 {strides = array<i32>} : memref<256xi32, #tpu.memory_space<vmem>>, vector<16xi32>,
        %broadcast_in_dim3A_431 = arith.constant 0 : i32
        %broadcast_in_dim3A_432 = vector.broadcast %broadcast_in_dim3A_431 : i32 to vector<16xi32>
        %swap3A_433 = arith.constant 96 : index
        %swap3A_434 = tpu.vector_load %arg6[%swap3A_433] {strides = array<i32>} : memref<256xi32, #tpu.memory_space<vmem>>, vector<16xi32>,
        tpu.vector_store %arg6[%swap3A_433], %broadcast_in_dim3A_432 {strides = array<i32>} : memref<256xi32, #tpu.memory_space<vmem>>, vector<16xi32>,
        %broadcast_in_dim3A_435 = arith.constant 0 : i32
        %broadcast_in_dim3A_436 = vector.broadcast %broadcast_in_dim3A_435 : i32 to vector<16xi32>
        %swap3A_437 = arith.constant 112 : index
        %swap3A_438 = tpu.vector_load %arg6[%swap3A_437] {strides = array<i32>} : memref<256xi32, #tpu.memory_space<vmem>>, vector<16xi32>,
        tpu.vector_store %arg6[%swap3A_437], %broadcast_in_dim3A_436 {strides = array<i32>} : memref<256xi32, #tpu.memory_space<vmem>>, vector<16xi32>,
        %broadcast_in_dim3A_439 = arith.constant 0 : i32
        %broadcast_in_dim3A_440 = vector.broadcast %broadcast_in_dim3A_439 : i32 to vector<16xi32>
        %swap3A_441 = arith.constant 128 : index
        %swap3A_442 = tpu.vector_load %arg6[%swap3A_441] {strides = array<i32>} : memref<256xi32, #tpu.memory_space<vmem>>, vector<16xi32>,
        tpu.vector_store %arg6[%swap3A_441], %broadcast_in_dim3A_440 {strides = array<i32>} : memref<256xi32, #tpu.memory_space<vmem>>, vector<16xi32>,
        %broadcast_in_dim3A_443 = arith.constant 0 : i32
        %broadcast_in_dim3A_444 = vector.broadcast %broadcast_in_dim3A_443 : i32 to vector<16xi32>
        %swap3A_445 = arith.constant 144 : index
        %swap3A_446 = tpu.vector_load %arg6[%swap3A_445] {strides = array<i32>} : memref<256xi32, #tpu.memory_space<vmem>>, vector<16xi32>,
        tpu.vector_store %arg6[%swap3A_445], %broadcast_in_dim3A_444 {strides = array<i32>} : memref<256xi32, #tpu.memory_space<vmem>>, vector<16xi32>,
        %broadcast_in_dim3A_447 = arith.constant 0 : i32
        %broadcast_in_dim3A_448 = vector.broadcast %broadcast_in_dim3A_447 : i32 to vector<16xi32>
        %swap3A_449 = arith.constant 160 : index
        %swap3A_450 = tpu.vector_load %arg6[%swap3A_449] {strides = array<i32>} : memref<256xi32, #tpu.memory_space<vmem>>, vector<16xi32>,
        tpu.vector_store %arg6[%swap3A_449], %broadcast_in_dim3A_448 {strides = array<i32>} : memref<256xi32, #tpu.memory_space<vmem>>, vector<16xi32>,
        %broadcast_in_dim3A_451 = arith.constant 0 : i32
        %broadcast_in_dim3A_452 = vector.broadcast %broadcast_in_dim3A_451 : i32 to vector<16xi32>
        %swap3A_453 = arith.constant 176 : index
        %swap3A_454 = tpu.vector_load %arg6[%swap3A_453] {strides = array<i32>} : memref<256xi32, #tpu.memory_space<vmem>>, vector<16xi32>,
        tpu.vector_store %arg6[%swap3A_453], %broadcast_in_dim3A_452 {strides = array<i32>} : memref<256xi32, #tpu.memory_space<vmem>>, vector<16xi32>,
        %broadcast_in_dim3A_455 = arith.constant 0 : i32
        %broadcast_in_dim3A_456 = vector.broadcast %broadcast_in_dim3A_455 : i32 to vector<16xi32>
        %swap3A_457 = arith.constant 192 : index
        %swap3A_458 = tpu.vector_load %arg6[%swap3A_457] {strides = array<i32>} : memref<256xi32, #tpu.memory_space<vmem>>, vector<16xi32>,
        tpu.vector_store %arg6[%swap3A_457], %broadcast_in_dim3A_456 {strides = array<i32>} : memref<256xi32, #tpu.memory_space<vmem>>, vector<16xi32>,
        %broadcast_in_dim3A_459 = arith.constant 0 : i32
        %broadcast_in_dim3A_460 = vector.broadcast %broadcast_in_dim3A_459 : i32 to vector<16xi32>
        %swap3A_461 = arith.constant 208 : index
        %swap3A_462 = tpu.vector_load %arg6[%swap3A_461] {strides = array<i32>} : memref<256xi32, #tpu.memory_space<vmem>>, vector<16xi32>,
        tpu.vector_store %arg6[%swap3A_461], %broadcast_in_dim3A_460 {strides = array<i32>} : memref<256xi32, #tpu.memory_space<vmem>>, vector<16xi32>,
        %broadcast_in_dim3A_463 = arith.constant 0 : i32
        %broadcast_in_dim3A_464 = vector.broadcast %broadcast_in_dim3A_463 : i32 to vector<16xi32>
        %swap3A_465 = arith.constant 224 : index
        %swap3A_466 = tpu.vector_load %arg6[%swap3A_465] {strides = array<i32>} : memref<256xi32, #tpu.memory_space<vmem>>, vector<16xi32>,
        tpu.vector_store %arg6[%swap3A_465], %broadcast_in_dim3A_464 {strides = array<i32>} : memref<256xi32, #tpu.memory_space<vmem>>, vector<16xi32>,
        %broadcast_in_dim3A_467 = arith.constant 0 : i32
        %broadcast_in_dim3A_468 = vector.broadcast %broadcast_in_dim3A_467 : i32 to vector<16xi32>
        %swap3A_469 = arith.constant 240 : index
        %swap3A_470 = tpu.vector_load %arg6[%swap3A_469] {strides = array<i32>} : memref<256xi32, #tpu.memory_space<vmem>>, vector<16xi32>,
        tpu.vector_store %arg6[%swap3A_469], %broadcast_in_dim3A_468 {strides = array<i32>} : memref<256xi32, #tpu.memory_space<vmem>>, vector<16xi32>,
        %scan3A_471 = arith.constant 0 : i32
        %scan3A_472 = arith.constant 0 : i32
        %scan3A_473 = arith.constant 128 : i32
        %scan3A_474 = arith.addi %scan3A_472, %scan3A_473 : i32
        %scan3A_475 = arith.constant 8 : i32
        scf.for %scan3A_1406 = %scan3A_472 to %scan3A_474 step %scan3A_475  : i32 {
          %mul3A_1407 = arith.constant 16 : i32
          %mul3A_1408 = arith.muli %scan3A_1406, %mul3A_1407 : i32
          %get3A_1409 = arith.index_cast %scan3A_19 : i32 to index
          %get3A_1410 = arith.index_cast %mul3A_1408 : i32 to index
          %get3A_1411 = tpu.vector_load %arg4[%get3A_1409, %get3A_1410] {strides = array<i32>} : memref<8x2048xf32, #tpu.memory_space<vmem>>, vector<16xf32>,
          %bitcast_convert_type3A = tpu.bitcast %get3A_1411 : vector<16xf32> -> vector<16xi32>
          %and3A_1412 = arith.constant 2147483647 : i32
          %and3A_1413 = vector.broadcast %and3A_1412 : i32 to vector<16xi32>
          %and3A_1414 = arith.andi %bitcast_convert_type3A, %and3A_1413 : vector<16xi32>
          %shift_right_arithmetic3A = arith.constant 15 : i32
          %shift_right_arithmetic3A_1415 = vector.broadcast %shift_right_arithmetic3A : i32 to vector<16xi32>
          %shift_right_arithmetic3A_1416 = arith.shrsi %and3A_1414, %shift_right_arithmetic3A_1415 : vector<16xi32>
          %and3A_1417 = arith.constant 255 : i32
          %and3A_1418 = vector.broadcast %and3A_1417 : i32 to vector<16xi32>
          %and3A_1419 = arith.andi %shift_right_arithmetic3A_1416, %and3A_1418 : vector<16xi32>
          %shift_right_arithmetic3A_1420 = arith.constant 23 : i32
          %shift_right_arithmetic3A_1421 = vector.broadcast %shift_right_arithmetic3A_1420 : i32 to vector<16xi32>
          %shift_right_arithmetic3A_1422 = arith.shrsi %and3A_1414, %shift_right_arithmetic3A_1421 : vector<16xi32>
          %eq3A = vector.broadcast %or3A_402 : i32 to vector<16xi32>
          %eq3A_1423 = arith.cmpi eq, %shift_right_arithmetic3A_1422, %eq3A : vector<16xi32>
          tpu.vector_store_idx %arg6[%and3A_1419], %broadcast_in_dim3A_1 masked %eq3A_1423 {add = true} : memref<256xi32, #tpu.memory_space<vmem>>[vector<16xi32>], vector<16xi32>, vector<16xi1>
          %scan3A_1424 = arith.constant 1 : i32
          %scan3A_1425 = arith.addi %scan3A_1406, %scan3A_1424 : i32
          %mul3A_1426 = arith.constant 16 : i32
          %mul3A_1427 = arith.muli %scan3A_1425, %mul3A_1426 : i32
          %get3A_1428 = arith.index_cast %scan3A_19 : i32 to index
          %get3A_1429 = arith.index_cast %mul3A_1427 : i32 to index
          %get3A_1430 = tpu.vector_load %arg4[%get3A_1428, %get3A_1429] {strides = array<i32>} : memref<8x2048xf32, #tpu.memory_space<vmem>>, vector<16xf32>,
          %bitcast_convert_type3A_1431 = tpu.bitcast %get3A_1430 : vector<16xf32> -> vector<16xi32>
          %and3A_1432 = arith.constant 2147483647 : i32
          %and3A_1433 = vector.broadcast %and3A_1432 : i32 to vector<16xi32>
          %and3A_1434 = arith.andi %bitcast_convert_type3A_1431, %and3A_1433 : vector<16xi32>
          %shift_right_arithmetic3A_1435 = arith.constant 15 : i32
          %shift_right_arithmetic3A_1436 = vector.broadcast %shift_right_arithmetic3A_1435 : i32 to vector<16xi32>
          %shift_right_arithmetic3A_1437 = arith.shrsi %and3A_1434, %shift_right_arithmetic3A_1436 : vector<16xi32>
          %and3A_1438 = arith.constant 255 : i32
          %and3A_1439 = vector.broadcast %and3A_1438 : i32 to vector<16xi32>
          %and3A_1440 = arith.andi %shift_right_arithmetic3A_1437, %and3A_1439 : vector<16xi32>
          %shift_right_arithmetic3A_1441 = arith.constant 23 : i32
          %shift_right_arithmetic3A_1442 = vector.broadcast %shift_right_arithmetic3A_1441 : i32 to vector<16xi32>
          %shift_right_arithmetic3A_1443 = arith.shrsi %and3A_1434, %shift_right_arithmetic3A_1442 : vector<16xi32>
          %eq3A_1444 = vector.broadcast %or3A_402 : i32 to vector<16xi32>
          %eq3A_1445 = arith.cmpi eq, %shift_right_arithmetic3A_1443, %eq3A_1444 : vector<16xi32>
          tpu.vector_store_idx %arg6[%and3A_1440], %broadcast_in_dim3A_1 masked %eq3A_1445 {add = true} : memref<256xi32, #tpu.memory_space<vmem>>[vector<16xi32>], vector<16xi32>, vector<16xi1>
          %scan3A_1446 = arith.constant 2 : i32
          %scan3A_1447 = arith.addi %scan3A_1406, %scan3A_1446 : i32
          %mul3A_1448 = arith.constant 16 : i32
          %mul3A_1449 = arith.muli %scan3A_1447, %mul3A_1448 : i32
          %get3A_1450 = arith.index_cast %scan3A_19 : i32 to index
          %get3A_1451 = arith.index_cast %mul3A_1449 : i32 to index
          %get3A_1452 = tpu.vector_load %arg4[%get3A_1450, %get3A_1451] {strides = array<i32>} : memref<8x2048xf32, #tpu.memory_space<vmem>>, vector<16xf32>,
          %bitcast_convert_type3A_1453 = tpu.bitcast %get3A_1452 : vector<16xf32> -> vector<16xi32>
          %and3A_1454 = arith.constant 2147483647 : i32
          %and3A_1455 = vector.broadcast %and3A_1454 : i32 to vector<16xi32>
          %and3A_1456 = arith.andi %bitcast_convert_type3A_1453, %and3A_1455 : vector<16xi32>
          %shift_right_arithmetic3A_1457 = arith.constant 15 : i32
          %shift_right_arithmetic3A_1458 = vector.broadcast %shift_right_arithmetic3A_1457 : i32 to vector<16xi32>
          %shift_right_arithmetic3A_1459 = arith.shrsi %and3A_1456, %shift_right_arithmetic3A_1458 : vector<16xi32>
          %and3A_1460 = arith.constant 255 : i32
          %and3A_1461 = vector.broadcast %and3A_1460 : i32 to vector<16xi32>
          %and3A_1462 = arith.andi %shift_right_arithmetic3A_1459, %and3A_1461 : vector<16xi32>
          %shift_right_arithmetic3A_1463 = arith.constant 23 : i32
          %shift_right_arithmetic3A_1464 = vector.broadcast %shift_right_arithmetic3A_1463 : i32 to vector<16xi32>
          %shift_right_arithmetic3A_1465 = arith.shrsi %and3A_1456, %shift_right_arithmetic3A_1464 : vector<16xi32>
          %eq3A_1466 = vector.broadcast %or3A_402 : i32 to vector<16xi32>
          %eq3A_1467 = arith.cmpi eq, %shift_right_arithmetic3A_1465, %eq3A_1466 : vector<16xi32>
          tpu.vector_store_idx %arg6[%and3A_1462], %broadcast_in_dim3A_1 masked %eq3A_1467 {add = true} : memref<256xi32, #tpu.memory_space<vmem>>[vector<16xi32>], vector<16xi32>, vector<16xi1>
          %scan3A_1468 = arith.constant 3 : i32
          %scan3A_1469 = arith.addi %scan3A_1406, %scan3A_1468 : i32
          %mul3A_1470 = arith.constant 16 : i32
          %mul3A_1471 = arith.muli %scan3A_1469, %mul3A_1470 : i32
          %get3A_1472 = arith.index_cast %scan3A_19 : i32 to index
          %get3A_1473 = arith.index_cast %mul3A_1471 : i32 to index
          %get3A_1474 = tpu.vector_load %arg4[%get3A_1472, %get3A_1473] {strides = array<i32>} : memref<8x2048xf32, #tpu.memory_space<vmem>>, vector<16xf32>,
          %bitcast_convert_type3A_1475 = tpu.bitcast %get3A_1474 : vector<16xf32> -> vector<16xi32>
          %and3A_1476 = arith.constant 2147483647 : i32
          %and3A_1477 = vector.broadcast %and3A_1476 : i32 to vector<16xi32>
          %and3A_1478 = arith.andi %bitcast_convert_type3A_1475, %and3A_1477 : vector<16xi32>
          %shift_right_arithmetic3A_1479 = arith.constant 15 : i32
          %shift_right_arithmetic3A_1480 = vector.broadcast %shift_right_arithmetic3A_1479 : i32 to vector<16xi32>
          %shift_right_arithmetic3A_1481 = arith.shrsi %and3A_1478, %shift_right_arithmetic3A_1480 : vector<16xi32>
          %and3A_1482 = arith.constant 255 : i32
          %and3A_1483 = vector.broadcast %and3A_1482 : i32 to vector<16xi32>
          %and3A_1484 = arith.andi %shift_right_arithmetic3A_1481, %and3A_1483 : vector<16xi32>
          %shift_right_arithmetic3A_1485 = arith.constant 23 : i32
          %shift_right_arithmetic3A_1486 = vector.broadcast %shift_right_arithmetic3A_1485 : i32 to vector<16xi32>
          %shift_right_arithmetic3A_1487 = arith.shrsi %and3A_1478, %shift_right_arithmetic3A_1486 : vector<16xi32>
          %eq3A_1488 = vector.broadcast %or3A_402 : i32 to vector<16xi32>
          %eq3A_1489 = arith.cmpi eq, %shift_right_arithmetic3A_1487, %eq3A_1488 : vector<16xi32>
          tpu.vector_store_idx %arg6[%and3A_1484], %broadcast_in_dim3A_1 masked %eq3A_1489 {add = true} : memref<256xi32, #tpu.memory_space<vmem>>[vector<16xi32>], vector<16xi32>, vector<16xi1>
          %scan3A_1490 = arith.constant 4 : i32
          %scan3A_1491 = arith.addi %scan3A_1406, %scan3A_1490 : i32
          %mul3A_1492 = arith.constant 16 : i32
          %mul3A_1493 = arith.muli %scan3A_1491, %mul3A_1492 : i32
          %get3A_1494 = arith.index_cast %scan3A_19 : i32 to index
          %get3A_1495 = arith.index_cast %mul3A_1493 : i32 to index
          %get3A_1496 = tpu.vector_load %arg4[%get3A_1494, %get3A_1495] {strides = array<i32>} : memref<8x2048xf32, #tpu.memory_space<vmem>>, vector<16xf32>,
          %bitcast_convert_type3A_1497 = tpu.bitcast %get3A_1496 : vector<16xf32> -> vector<16xi32>
          %and3A_1498 = arith.constant 2147483647 : i32
          %and3A_1499 = vector.broadcast %and3A_1498 : i32 to vector<16xi32>
          %and3A_1500 = arith.andi %bitcast_convert_type3A_1497, %and3A_1499 : vector<16xi32>
          %shift_right_arithmetic3A_1501 = arith.constant 15 : i32
          %shift_right_arithmetic3A_1502 = vector.broadcast %shift_right_arithmetic3A_1501 : i32 to vector<16xi32>
          %shift_right_arithmetic3A_1503 = arith.shrsi %and3A_1500, %shift_right_arithmetic3A_1502 : vector<16xi32>
          %and3A_1504 = arith.constant 255 : i32
          %and3A_1505 = vector.broadcast %and3A_1504 : i32 to vector<16xi32>
          %and3A_1506 = arith.andi %shift_right_arithmetic3A_1503, %and3A_1505 : vector<16xi32>
          %shift_right_arithmetic3A_1507 = arith.constant 23 : i32
          %shift_right_arithmetic3A_1508 = vector.broadcast %shift_right_arithmetic3A_1507 : i32 to vector<16xi32>
          %shift_right_arithmetic3A_1509 = arith.shrsi %and3A_1500, %shift_right_arithmetic3A_1508 : vector<16xi32>
          %eq3A_1510 = vector.broadcast %or3A_402 : i32 to vector<16xi32>
          %eq3A_1511 = arith.cmpi eq, %shift_right_arithmetic3A_1509, %eq3A_1510 : vector<16xi32>
          tpu.vector_store_idx %arg6[%and3A_1506], %broadcast_in_dim3A_1 masked %eq3A_1511 {add = true} : memref<256xi32, #tpu.memory_space<vmem>>[vector<16xi32>], vector<16xi32>, vector<16xi1>
          %scan3A_1512 = arith.constant 5 : i32
          %scan3A_1513 = arith.addi %scan3A_1406, %scan3A_1512 : i32
          %mul3A_1514 = arith.constant 16 : i32
          %mul3A_1515 = arith.muli %scan3A_1513, %mul3A_1514 : i32
          %get3A_1516 = arith.index_cast %scan3A_19 : i32 to index
          %get3A_1517 = arith.index_cast %mul3A_1515 : i32 to index
          %get3A_1518 = tpu.vector_load %arg4[%get3A_1516, %get3A_1517] {strides = array<i32>} : memref<8x2048xf32, #tpu.memory_space<vmem>>, vector<16xf32>,
          %bitcast_convert_type3A_1519 = tpu.bitcast %get3A_1518 : vector<16xf32> -> vector<16xi32>
          %and3A_1520 = arith.constant 2147483647 : i32
          %and3A_1521 = vector.broadcast %and3A_1520 : i32 to vector<16xi32>
          %and3A_1522 = arith.andi %bitcast_convert_type3A_1519, %and3A_1521 : vector<16xi32>
          %shift_right_arithmetic3A_1523 = arith.constant 15 : i32
          %shift_right_arithmetic3A_1524 = vector.broadcast %shift_right_arithmetic3A_1523 : i32 to vector<16xi32>
          %shift_right_arithmetic3A_1525 = arith.shrsi %and3A_1522, %shift_right_arithmetic3A_1524 : vector<16xi32>
          %and3A_1526 = arith.constant 255 : i32
          %and3A_1527 = vector.broadcast %and3A_1526 : i32 to vector<16xi32>
          %and3A_1528 = arith.andi %shift_right_arithmetic3A_1525, %and3A_1527 : vector<16xi32>
          %shift_right_arithmetic3A_1529 = arith.constant 23 : i32
          %shift_right_arithmetic3A_1530 = vector.broadcast %shift_right_arithmetic3A_1529 : i32 to vector<16xi32>
          %shift_right_arithmetic3A_1531 = arith.shrsi %and3A_1522, %shift_right_arithmetic3A_1530 : vector<16xi32>
          %eq3A_1532 = vector.broadcast %or3A_402 : i32 to vector<16xi32>
          %eq3A_1533 = arith.cmpi eq, %shift_right_arithmetic3A_1531, %eq3A_1532 : vector<16xi32>
          tpu.vector_store_idx %arg6[%and3A_1528], %broadcast_in_dim3A_1 masked %eq3A_1533 {add = true} : memref<256xi32, #tpu.memory_space<vmem>>[vector<16xi32>], vector<16xi32>, vector<16xi1>
          %scan3A_1534 = arith.constant 6 : i32
          %scan3A_1535 = arith.addi %scan3A_1406, %scan3A_1534 : i32
          %mul3A_1536 = arith.constant 16 : i32
          %mul3A_1537 = arith.muli %scan3A_1535, %mul3A_1536 : i32
          %get3A_1538 = arith.index_cast %scan3A_19 : i32 to index
          %get3A_1539 = arith.index_cast %mul3A_1537 : i32 to index
          %get3A_1540 = tpu.vector_load %arg4[%get3A_1538, %get3A_1539] {strides = array<i32>} : memref<8x2048xf32, #tpu.memory_space<vmem>>, vector<16xf32>,
          %bitcast_convert_type3A_1541 = tpu.bitcast %get3A_1540 : vector<16xf32> -> vector<16xi32>
          %and3A_1542 = arith.constant 2147483647 : i32
          %and3A_1543 = vector.broadcast %and3A_1542 : i32 to vector<16xi32>
          %and3A_1544 = arith.andi %bitcast_convert_type3A_1541, %and3A_1543 : vector<16xi32>
          %shift_right_arithmetic3A_1545 = arith.constant 15 : i32
          %shift_right_arithmetic3A_1546 = vector.broadcast %shift_right_arithmetic3A_1545 : i32 to vector<16xi32>
          %shift_right_arithmetic3A_1547 = arith.shrsi %and3A_1544, %shift_right_arithmetic3A_1546 : vector<16xi32>
          %and3A_1548 = arith.constant 255 : i32
          %and3A_1549 = vector.broadcast %and3A_1548 : i32 to vector<16xi32>
          %and3A_1550 = arith.andi %shift_right_arithmetic3A_1547, %and3A_1549 : vector<16xi32>
          %shift_right_arithmetic3A_1551 = arith.constant 23 : i32
          %shift_right_arithmetic3A_1552 = vector.broadcast %shift_right_arithmetic3A_1551 : i32 to vector<16xi32>
          %shift_right_arithmetic3A_1553 = arith.shrsi %and3A_1544, %shift_right_arithmetic3A_1552 : vector<16xi32>
          %eq3A_1554 = vector.broadcast %or3A_402 : i32 to vector<16xi32>
          %eq3A_1555 = arith.cmpi eq, %shift_right_arithmetic3A_1553, %eq3A_1554 : vector<16xi32>
          tpu.vector_store_idx %arg6[%and3A_1550], %broadcast_in_dim3A_1 masked %eq3A_1555 {add = true} : memref<256xi32, #tpu.memory_space<vmem>>[vector<16xi32>], vector<16xi32>, vector<16xi1>
          %scan3A_1556 = arith.constant 7 : i32
          %scan3A_1557 = arith.addi %scan3A_1406, %scan3A_1556 : i32
          %mul3A_1558 = arith.constant 16 : i32
          %mul3A_1559 = arith.muli %scan3A_1557, %mul3A_1558 : i32
          %get3A_1560 = arith.index_cast %scan3A_19 : i32 to index
          %get3A_1561 = arith.index_cast %mul3A_1559 : i32 to index
          %get3A_1562 = tpu.vector_load %arg4[%get3A_1560, %get3A_1561] {strides = array<i32>} : memref<8x2048xf32, #tpu.memory_space<vmem>>, vector<16xf32>,
          %bitcast_convert_type3A_1563 = tpu.bitcast %get3A_1562 : vector<16xf32> -> vector<16xi32>
          %and3A_1564 = arith.constant 2147483647 : i32
          %and3A_1565 = vector.broadcast %and3A_1564 : i32 to vector<16xi32>
          %and3A_1566 = arith.andi %bitcast_convert_type3A_1563, %and3A_1565 : vector<16xi32>
          %shift_right_arithmetic3A_1567 = arith.constant 15 : i32
          %shift_right_arithmetic3A_1568 = vector.broadcast %shift_right_arithmetic3A_1567 : i32 to vector<16xi32>
          %shift_right_arithmetic3A_1569 = arith.shrsi %and3A_1566, %shift_right_arithmetic3A_1568 : vector<16xi32>
          %and3A_1570 = arith.constant 255 : i32
          %and3A_1571 = vector.broadcast %and3A_1570 : i32 to vector<16xi32>
          %and3A_1572 = arith.andi %shift_right_arithmetic3A_1569, %and3A_1571 : vector<16xi32>
          %shift_right_arithmetic3A_1573 = arith.constant 23 : i32
          %shift_right_arithmetic3A_1574 = vector.broadcast %shift_right_arithmetic3A_1573 : i32 to vector<16xi32>
          %shift_right_arithmetic3A_1575 = arith.shrsi %and3A_1566, %shift_right_arithmetic3A_1574 : vector<16xi32>
          %eq3A_1576 = vector.broadcast %or3A_402 : i32 to vector<16xi32>
          %eq3A_1577 = arith.cmpi eq, %shift_right_arithmetic3A_1575, %eq3A_1576 : vector<16xi32>
          tpu.vector_store_idx %arg6[%and3A_1572], %broadcast_in_dim3A_1 masked %eq3A_1577 {add = true} : memref<256xi32, #tpu.memory_space<vmem>>[vector<16xi32>], vector<16xi32>, vector<16xi1>
        }
        %scan3A_476 = arith.constant 128 : i32
        %get3A_477 = arith.constant 240 : index
        %get3A_478 = tpu.vector_load %arg6[%get3A_477] {strides = array<i32>} : memref<256xi32, #tpu.memory_space<vmem>>, vector<16xi32>,
        %reduce_sum3A_479 = arith.constant true
        %reduce_sum3A_480 = vector.broadcast %reduce_sum3A_479 : i1 to vector<16xi1>
        %reduce_sum3A_481 = tpu.scan <sum>, %get3A_478 masked %reduce_sum3A_480 : vector<16xi32>, vector<16xi1> -> vector<16xi32>
        %reduce_sum3A_482 = vector.extract %reduce_sum3A_481[15] : i32 from vector<16xi32>
        %not3A_483 = arith.constant false
        %not3A_484 = arith.constant true
        %not3A_485 = arith.xori %not3A_483, %not3A_484 : i1
        %add3A_486 = arith.constant 0 : i32
        %add3A_487 = arith.addi %add3A_486, %reduce_sum3A_482 : i32
        %ge3A_488 = arith.cmpi sge, %add3A_487, %sub3A_404 : i32
        %and3A_489 = arith.andi %not3A_485, %ge3A_488 : i1
        %jit3A_490 = arith.constant 15 : i32
        %jit3A_491 = arith.constant 0 : i32
        %select_n3A_492 = arith.select %and3A_489, %jit3A_490, %jit3A_491 : i32
        %jit3A_493 = arith.constant 0 : i32
        %jit3A_494 = arith.constant 0 : i32
        %select_n3A_495 = arith.select %and3A_489, %jit3A_493, %jit3A_494 : i32
        %or3A_496 = arith.constant false
        %or3A_497 = arith.ori %or3A_496, %and3A_489 : i1
        %add3A_498 = arith.constant 0 : i32
        %add3A_499 = arith.addi %add3A_498, %reduce_sum3A_482 : i32
        %get3A_500 = arith.constant 224 : index
        %get3A_501 = tpu.vector_load %arg6[%get3A_500] {strides = array<i32>} : memref<256xi32, #tpu.memory_space<vmem>>, vector<16xi32>,
        %reduce_sum3A_502 = arith.constant true
        %reduce_sum3A_503 = vector.broadcast %reduce_sum3A_502 : i1 to vector<16xi1>
        %reduce_sum3A_504 = tpu.scan <sum>, %get3A_501 masked %reduce_sum3A_503 : vector<16xi32>, vector<16xi1> -> vector<16xi32>
        %reduce_sum3A_505 = vector.extract %reduce_sum3A_504[15] : i32 from vector<16xi32>
        %not3A_506 = arith.constant true
        %not3A_507 = arith.xori %or3A_497, %not3A_506 : i1
        %add3A_508 = arith.addi %add3A_499, %reduce_sum3A_505 : i32
        %ge3A_509 = arith.cmpi sge, %add3A_508, %sub3A_404 : i32
        %and3A_510 = arith.andi %not3A_507, %ge3A_509 : i1
        %jit3A_511 = arith.constant 14 : i32
        %select_n3A_512 = arith.select %and3A_510, %jit3A_511, %select_n3A_492 : i32
        %select_n3A_513 = arith.select %and3A_510, %add3A_499, %select_n3A_495 : i32
        %or3A_514 = arith.ori %or3A_497, %and3A_510 : i1
        %add3A_515 = arith.addi %add3A_499, %reduce_sum3A_505 : i32
        %get3A_516 = arith.constant 208 : index
        %get3A_517 = tpu.vector_load %arg6[%get3A_516] {strides = array<i32>} : memref<256xi32, #tpu.memory_space<vmem>>, vector<16xi32>,
        %reduce_sum3A_518 = arith.constant true
        %reduce_sum3A_519 = vector.broadcast %reduce_sum3A_518 : i1 to vector<16xi1>
        %reduce_sum3A_520 = tpu.scan <sum>, %get3A_517 masked %reduce_sum3A_519 : vector<16xi32>, vector<16xi1> -> vector<16xi32>
        %reduce_sum3A_521 = vector.extract %reduce_sum3A_520[15] : i32 from vector<16xi32>
        %not3A_522 = arith.constant true
        %not3A_523 = arith.xori %or3A_514, %not3A_522 : i1
        %add3A_524 = arith.addi %add3A_515, %reduce_sum3A_521 : i32
        %ge3A_525 = arith.cmpi sge, %add3A_524, %sub3A_404 : i32
        %and3A_526 = arith.andi %not3A_523, %ge3A_525 : i1
        %jit3A_527 = arith.constant 13 : i32
        %select_n3A_528 = arith.select %and3A_526, %jit3A_527, %select_n3A_512 : i32
        %select_n3A_529 = arith.select %and3A_526, %add3A_515, %select_n3A_513 : i32
        %or3A_530 = arith.ori %or3A_514, %and3A_526 : i1
        %add3A_531 = arith.addi %add3A_515, %reduce_sum3A_521 : i32
        %get3A_532 = arith.constant 192 : index
        %get3A_533 = tpu.vector_load %arg6[%get3A_532] {strides = array<i32>} : memref<256xi32, #tpu.memory_space<vmem>>, vector<16xi32>,
        %reduce_sum3A_534 = arith.constant true
        %reduce_sum3A_535 = vector.broadcast %reduce_sum3A_534 : i1 to vector<16xi1>
        %reduce_sum3A_536 = tpu.scan <sum>, %get3A_533 masked %reduce_sum3A_535 : vector<16xi32>, vector<16xi1> -> vector<16xi32>
        %reduce_sum3A_537 = vector.extract %reduce_sum3A_536[15] : i32 from vector<16xi32>
        %not3A_538 = arith.constant true
        %not3A_539 = arith.xori %or3A_530, %not3A_538 : i1
        %add3A_540 = arith.addi %add3A_531, %reduce_sum3A_537 : i32
        %ge3A_541 = arith.cmpi sge, %add3A_540, %sub3A_404 : i32
        %and3A_542 = arith.andi %not3A_539, %ge3A_541 : i1
        %jit3A_543 = arith.constant 12 : i32
        %select_n3A_544 = arith.select %and3A_542, %jit3A_543, %select_n3A_528 : i32
        %select_n3A_545 = arith.select %and3A_542, %add3A_531, %select_n3A_529 : i32
        %or3A_546 = arith.ori %or3A_530, %and3A_542 : i1
        %add3A_547 = arith.addi %add3A_531, %reduce_sum3A_537 : i32
        %get3A_548 = arith.constant 176 : index
        %get3A_549 = tpu.vector_load %arg6[%get3A_548] {strides = array<i32>} : memref<256xi32, #tpu.memory_space<vmem>>, vector<16xi32>,
        %reduce_sum3A_550 = arith.constant true
        %reduce_sum3A_551 = vector.broadcast %reduce_sum3A_550 : i1 to vector<16xi1>
        %reduce_sum3A_552 = tpu.scan <sum>, %get3A_549 masked %reduce_sum3A_551 : vector<16xi32>, vector<16xi1> -> vector<16xi32>
        %reduce_sum3A_553 = vector.extract %reduce_sum3A_552[15] : i32 from vector<16xi32>
        %not3A_554 = arith.constant true
        %not3A_555 = arith.xori %or3A_546, %not3A_554 : i1
        %add3A_556 = arith.addi %add3A_547, %reduce_sum3A_553 : i32
        %ge3A_557 = arith.cmpi sge, %add3A_556, %sub3A_404 : i32
        %and3A_558 = arith.andi %not3A_555, %ge3A_557 : i1
        %jit3A_559 = arith.constant 11 : i32
        %select_n3A_560 = arith.select %and3A_558, %jit3A_559, %select_n3A_544 : i32
        %select_n3A_561 = arith.select %and3A_558, %add3A_547, %select_n3A_545 : i32
        %or3A_562 = arith.ori %or3A_546, %and3A_558 : i1
        %add3A_563 = arith.addi %add3A_547, %reduce_sum3A_553 : i32
        %get3A_564 = arith.constant 160 : index
        %get3A_565 = tpu.vector_load %arg6[%get3A_564] {strides = array<i32>} : memref<256xi32, #tpu.memory_space<vmem>>, vector<16xi32>,
        %reduce_sum3A_566 = arith.constant true
        %reduce_sum3A_567 = vector.broadcast %reduce_sum3A_566 : i1 to vector<16xi1>
        %reduce_sum3A_568 = tpu.scan <sum>, %get3A_565 masked %reduce_sum3A_567 : vector<16xi32>, vector<16xi1> -> vector<16xi32>
        %reduce_sum3A_569 = vector.extract %reduce_sum3A_568[15] : i32 from vector<16xi32>
        %not3A_570 = arith.constant true
        %not3A_571 = arith.xori %or3A_562, %not3A_570 : i1
        %add3A_572 = arith.addi %add3A_563, %reduce_sum3A_569 : i32
        %ge3A_573 = arith.cmpi sge, %add3A_572, %sub3A_404 : i32
        %and3A_574 = arith.andi %not3A_571, %ge3A_573 : i1
        %jit3A_575 = arith.constant 10 : i32
        %select_n3A_576 = arith.select %and3A_574, %jit3A_575, %select_n3A_560 : i32
        %select_n3A_577 = arith.select %and3A_574, %add3A_563, %select_n3A_561 : i32
        %or3A_578 = arith.ori %or3A_562, %and3A_574 : i1
        %add3A_579 = arith.addi %add3A_563, %reduce_sum3A_569 : i32
        %get3A_580 = arith.constant 144 : index
        %get3A_581 = tpu.vector_load %arg6[%get3A_580] {strides = array<i32>} : memref<256xi32, #tpu.memory_space<vmem>>, vector<16xi32>,
        %reduce_sum3A_582 = arith.constant true
        %reduce_sum3A_583 = vector.broadcast %reduce_sum3A_582 : i1 to vector<16xi1>
        %reduce_sum3A_584 = tpu.scan <sum>, %get3A_581 masked %reduce_sum3A_583 : vector<16xi32>, vector<16xi1> -> vector<16xi32>
        %reduce_sum3A_585 = vector.extract %reduce_sum3A_584[15] : i32 from vector<16xi32>
        %not3A_586 = arith.constant true
        %not3A_587 = arith.xori %or3A_578, %not3A_586 : i1
        %add3A_588 = arith.addi %add3A_579, %reduce_sum3A_585 : i32
        %ge3A_589 = arith.cmpi sge, %add3A_588, %sub3A_404 : i32
        %and3A_590 = arith.andi %not3A_587, %ge3A_589 : i1
        %jit3A_591 = arith.constant 9 : i32
        %select_n3A_592 = arith.select %and3A_590, %jit3A_591, %select_n3A_576 : i32
        %select_n3A_593 = arith.select %and3A_590, %add3A_579, %select_n3A_577 : i32
        %or3A_594 = arith.ori %or3A_578, %and3A_590 : i1
        %add3A_595 = arith.addi %add3A_579, %reduce_sum3A_585 : i32
        %get3A_596 = arith.constant 128 : index
        %get3A_597 = tpu.vector_load %arg6[%get3A_596] {strides = array<i32>} : memref<256xi32, #tpu.memory_space<vmem>>, vector<16xi32>,
        %reduce_sum3A_598 = arith.constant true
        %reduce_sum3A_599 = vector.broadcast %reduce_sum3A_598 : i1 to vector<16xi1>
        %reduce_sum3A_600 = tpu.scan <sum>, %get3A_597 masked %reduce_sum3A_599 : vector<16xi32>, vector<16xi1> -> vector<16xi32>
        %reduce_sum3A_601 = vector.extract %reduce_sum3A_600[15] : i32 from vector<16xi32>
        %not3A_602 = arith.constant true
        %not3A_603 = arith.xori %or3A_594, %not3A_602 : i1
        %add3A_604 = arith.addi %add3A_595, %reduce_sum3A_601 : i32
        %ge3A_605 = arith.cmpi sge, %add3A_604, %sub3A_404 : i32
        %and3A_606 = arith.andi %not3A_603, %ge3A_605 : i1
        %jit3A_607 = arith.constant 8 : i32
        %select_n3A_608 = arith.select %and3A_606, %jit3A_607, %select_n3A_592 : i32
        %select_n3A_609 = arith.select %and3A_606, %add3A_595, %select_n3A_593 : i32
        %or3A_610 = arith.ori %or3A_594, %and3A_606 : i1
        %add3A_611 = arith.addi %add3A_595, %reduce_sum3A_601 : i32
        %get3A_612 = arith.constant 112 : index
        %get3A_613 = tpu.vector_load %arg6[%get3A_612] {strides = array<i32>} : memref<256xi32, #tpu.memory_space<vmem>>, vector<16xi32>,
        %reduce_sum3A_614 = arith.constant true
        %reduce_sum3A_615 = vector.broadcast %reduce_sum3A_614 : i1 to vector<16xi1>
        %reduce_sum3A_616 = tpu.scan <sum>, %get3A_613 masked %reduce_sum3A_615 : vector<16xi32>, vector<16xi1> -> vector<16xi32>
        %reduce_sum3A_617 = vector.extract %reduce_sum3A_616[15] : i32 from vector<16xi32>
        %not3A_618 = arith.constant true
        %not3A_619 = arith.xori %or3A_610, %not3A_618 : i1
        %add3A_620 = arith.addi %add3A_611, %reduce_sum3A_617 : i32
        %ge3A_621 = arith.cmpi sge, %add3A_620, %sub3A_404 : i32
        %and3A_622 = arith.andi %not3A_619, %ge3A_621 : i1
        %jit3A_623 = arith.constant 7 : i32
        %select_n3A_624 = arith.select %and3A_622, %jit3A_623, %select_n3A_608 : i32
        %select_n3A_625 = arith.select %and3A_622, %add3A_611, %select_n3A_609 : i32
        %or3A_626 = arith.ori %or3A_610, %and3A_622 : i1
        %add3A_627 = arith.addi %add3A_611, %reduce_sum3A_617 : i32
        %get3A_628 = arith.constant 96 : index
        %get3A_629 = tpu.vector_load %arg6[%get3A_628] {strides = array<i32>} : memref<256xi32, #tpu.memory_space<vmem>>, vector<16xi32>,
        %reduce_sum3A_630 = arith.constant true
        %reduce_sum3A_631 = vector.broadcast %reduce_sum3A_630 : i1 to vector<16xi1>
        %reduce_sum3A_632 = tpu.scan <sum>, %get3A_629 masked %reduce_sum3A_631 : vector<16xi32>, vector<16xi1> -> vector<16xi32>
        %reduce_sum3A_633 = vector.extract %reduce_sum3A_632[15] : i32 from vector<16xi32>
        %not3A_634 = arith.constant true
        %not3A_635 = arith.xori %or3A_626, %not3A_634 : i1
        %add3A_636 = arith.addi %add3A_627, %reduce_sum3A_633 : i32
        %ge3A_637 = arith.cmpi sge, %add3A_636, %sub3A_404 : i32
        %and3A_638 = arith.andi %not3A_635, %ge3A_637 : i1
        %jit3A_639 = arith.constant 6 : i32
        %select_n3A_640 = arith.select %and3A_638, %jit3A_639, %select_n3A_624 : i32
        %select_n3A_641 = arith.select %and3A_638, %add3A_627, %select_n3A_625 : i32
        %or3A_642 = arith.ori %or3A_626, %and3A_638 : i1
        %add3A_643 = arith.addi %add3A_627, %reduce_sum3A_633 : i32
        %get3A_644 = arith.constant 80 : index
        %get3A_645 = tpu.vector_load %arg6[%get3A_644] {strides = array<i32>} : memref<256xi32, #tpu.memory_space<vmem>>, vector<16xi32>,
        %reduce_sum3A_646 = arith.constant true
        %reduce_sum3A_647 = vector.broadcast %reduce_sum3A_646 : i1 to vector<16xi1>
        %reduce_sum3A_648 = tpu.scan <sum>, %get3A_645 masked %reduce_sum3A_647 : vector<16xi32>, vector<16xi1> -> vector<16xi32>
        %reduce_sum3A_649 = vector.extract %reduce_sum3A_648[15] : i32 from vector<16xi32>
        %not3A_650 = arith.constant true
        %not3A_651 = arith.xori %or3A_642, %not3A_650 : i1
        %add3A_652 = arith.addi %add3A_643, %reduce_sum3A_649 : i32
        %ge3A_653 = arith.cmpi sge, %add3A_652, %sub3A_404 : i32
        %and3A_654 = arith.andi %not3A_651, %ge3A_653 : i1
        %jit3A_655 = arith.constant 5 : i32
        %select_n3A_656 = arith.select %and3A_654, %jit3A_655, %select_n3A_640 : i32
        %select_n3A_657 = arith.select %and3A_654, %add3A_643, %select_n3A_641 : i32
        %or3A_658 = arith.ori %or3A_642, %and3A_654 : i1
        %add3A_659 = arith.addi %add3A_643, %reduce_sum3A_649 : i32
        %get3A_660 = arith.constant 64 : index
        %get3A_661 = tpu.vector_load %arg6[%get3A_660] {strides = array<i32>} : memref<256xi32, #tpu.memory_space<vmem>>, vector<16xi32>,
        %reduce_sum3A_662 = arith.constant true
        %reduce_sum3A_663 = vector.broadcast %reduce_sum3A_662 : i1 to vector<16xi1>
        %reduce_sum3A_664 = tpu.scan <sum>, %get3A_661 masked %reduce_sum3A_663 : vector<16xi32>, vector<16xi1> -> vector<16xi32>
        %reduce_sum3A_665 = vector.extract %reduce_sum3A_664[15] : i32 from vector<16xi32>
        %not3A_666 = arith.constant true
        %not3A_667 = arith.xori %or3A_658, %not3A_666 : i1
        %add3A_668 = arith.addi %add3A_659, %reduce_sum3A_665 : i32
        %ge3A_669 = arith.cmpi sge, %add3A_668, %sub3A_404 : i32
        %and3A_670 = arith.andi %not3A_667, %ge3A_669 : i1
        %jit3A_671 = arith.constant 4 : i32
        %select_n3A_672 = arith.select %and3A_670, %jit3A_671, %select_n3A_656 : i32
        %select_n3A_673 = arith.select %and3A_670, %add3A_659, %select_n3A_657 : i32
        %or3A_674 = arith.ori %or3A_658, %and3A_670 : i1
        %add3A_675 = arith.addi %add3A_659, %reduce_sum3A_665 : i32
        %get3A_676 = arith.constant 48 : index
        %get3A_677 = tpu.vector_load %arg6[%get3A_676] {strides = array<i32>} : memref<256xi32, #tpu.memory_space<vmem>>, vector<16xi32>,
        %reduce_sum3A_678 = arith.constant true
        %reduce_sum3A_679 = vector.broadcast %reduce_sum3A_678 : i1 to vector<16xi1>
        %reduce_sum3A_680 = tpu.scan <sum>, %get3A_677 masked %reduce_sum3A_679 : vector<16xi32>, vector<16xi1> -> vector<16xi32>
        %reduce_sum3A_681 = vector.extract %reduce_sum3A_680[15] : i32 from vector<16xi32>
        %not3A_682 = arith.constant true
        %not3A_683 = arith.xori %or3A_674, %not3A_682 : i1
        %add3A_684 = arith.addi %add3A_675, %reduce_sum3A_681 : i32
        %ge3A_685 = arith.cmpi sge, %add3A_684, %sub3A_404 : i32
        %and3A_686 = arith.andi %not3A_683, %ge3A_685 : i1
        %jit3A_687 = arith.constant 3 : i32
        %select_n3A_688 = arith.select %and3A_686, %jit3A_687, %select_n3A_672 : i32
        %select_n3A_689 = arith.select %and3A_686, %add3A_675, %select_n3A_673 : i32
        %or3A_690 = arith.ori %or3A_674, %and3A_686 : i1
        %add3A_691 = arith.addi %add3A_675, %reduce_sum3A_681 : i32
        %get3A_692 = arith.constant 32 : index
        %get3A_693 = tpu.vector_load %arg6[%get3A_692] {strides = array<i32>} : memref<256xi32, #tpu.memory_space<vmem>>, vector<16xi32>,
        %reduce_sum3A_694 = arith.constant true
        %reduce_sum3A_695 = vector.broadcast %reduce_sum3A_694 : i1 to vector<16xi1>
        %reduce_sum3A_696 = tpu.scan <sum>, %get3A_693 masked %reduce_sum3A_695 : vector<16xi32>, vector<16xi1> -> vector<16xi32>
        %reduce_sum3A_697 = vector.extract %reduce_sum3A_696[15] : i32 from vector<16xi32>
        %not3A_698 = arith.constant true
        %not3A_699 = arith.xori %or3A_690, %not3A_698 : i1
        %add3A_700 = arith.addi %add3A_691, %reduce_sum3A_697 : i32
        %ge3A_701 = arith.cmpi sge, %add3A_700, %sub3A_404 : i32
        %and3A_702 = arith.andi %not3A_699, %ge3A_701 : i1
        %jit3A_703 = arith.constant 2 : i32
        %select_n3A_704 = arith.select %and3A_702, %jit3A_703, %select_n3A_688 : i32
        %select_n3A_705 = arith.select %and3A_702, %add3A_691, %select_n3A_689 : i32
        %or3A_706 = arith.ori %or3A_690, %and3A_702 : i1
        %add3A_707 = arith.addi %add3A_691, %reduce_sum3A_697 : i32
        %get3A_708 = arith.constant 16 : index
        %get3A_709 = tpu.vector_load %arg6[%get3A_708] {strides = array<i32>} : memref<256xi32, #tpu.memory_space<vmem>>, vector<16xi32>,
        %reduce_sum3A_710 = arith.constant true
        %reduce_sum3A_711 = vector.broadcast %reduce_sum3A_710 : i1 to vector<16xi1>
        %reduce_sum3A_712 = tpu.scan <sum>, %get3A_709 masked %reduce_sum3A_711 : vector<16xi32>, vector<16xi1> -> vector<16xi32>
        %reduce_sum3A_713 = vector.extract %reduce_sum3A_712[15] : i32 from vector<16xi32>
        %not3A_714 = arith.constant true
        %not3A_715 = arith.xori %or3A_706, %not3A_714 : i1
        %add3A_716 = arith.addi %add3A_707, %reduce_sum3A_713 : i32
        %ge3A_717 = arith.cmpi sge, %add3A_716, %sub3A_404 : i32
        %and3A_718 = arith.andi %not3A_715, %ge3A_717 : i1
        %jit3A_719 = arith.constant 1 : i32
        %select_n3A_720 = arith.select %and3A_718, %jit3A_719, %select_n3A_704 : i32
        %select_n3A_721 = arith.select %and3A_718, %add3A_707, %select_n3A_705 : i32
        %or3A_722 = arith.ori %or3A_706, %and3A_718 : i1
        %add3A_723 = arith.addi %add3A_707, %reduce_sum3A_713 : i32
        %get3A_724 = arith.constant 0 : index
        %get3A_725 = tpu.vector_load %arg6[%get3A_724] {strides = array<i32>} : memref<256xi32, #tpu.memory_space<vmem>>, vector<16xi32>,
        %reduce_sum3A_726 = arith.constant true
        %reduce_sum3A_727 = vector.broadcast %reduce_sum3A_726 : i1 to vector<16xi1>
        %reduce_sum3A_728 = tpu.scan <sum>, %get3A_725 masked %reduce_sum3A_727 : vector<16xi32>, vector<16xi1> -> vector<16xi32>
        %reduce_sum3A_729 = vector.extract %reduce_sum3A_728[15] : i32 from vector<16xi32>
        %not3A_730 = arith.constant true
        %not3A_731 = arith.xori %or3A_722, %not3A_730 : i1
        %add3A_732 = arith.addi %add3A_723, %reduce_sum3A_729 : i32
        %ge3A_733 = arith.cmpi sge, %add3A_732, %sub3A_404 : i32
        %and3A_734 = arith.andi %not3A_731, %ge3A_733 : i1
        %jit3A_735 = arith.constant 0 : i32
        %select_n3A_736 = arith.select %and3A_734, %jit3A_735, %select_n3A_720 : i32
        %select_n3A_737 = arith.select %and3A_734, %add3A_723, %select_n3A_721 : i32
        %or3A_738 = arith.ori %or3A_722, %and3A_734 : i1
        %add3A_739 = arith.addi %add3A_723, %reduce_sum3A_729 : i32
        %sub3A_740 = arith.subi %sub3A_404, %select_n3A_737 : i32
        %mul3A_741 = arith.constant 16 : i32
        %mul3A_742 = arith.muli %select_n3A_736, %mul3A_741 : i32
        %get3A_743 = arith.index_cast %mul3A_742 : i32 to index
        %get3A_744 = tpu.vector_load %arg6[%get3A_743] {strides = array<i32>} : memref<256xi32, #tpu.memory_space<vmem>>, vector<16xi32>,
        %rev3A_745 = arith.constant 15 : i32
        %rev3A_746 = vector.broadcast %rev3A_745 : i32 to vector<16xi32>
        %rev3A_747 = tpu.iota {dimensions = array<i32: 0>} : vector<16xi32>
        %rev3A_748 = arith.subi %rev3A_746, %rev3A_747 : vector<16xi32>
        %rev3A_749 = tpu.dynamic_gather %get3A_744[%rev3A_748] in [0] : vector<16xi32>, vector<16xi32> -> vector<16xi32>
        %broadcast_in_dim3A_750 = arith.constant true
        %broadcast_in_dim3A_751 = vector.broadcast %broadcast_in_dim3A_750 : i1 to vector<16xi1>
        %masked_cumsum3A_752 = tpu.scan <sum>, %rev3A_749 masked %broadcast_in_dim3A_751 : vector<16xi32>, vector<16xi1> -> vector<16xi32>
        %ge3A_753 = vector.broadcast %sub3A_740 : i32 to vector<16xi32>
        %ge3A_754 = arith.cmpi sge, %masked_cumsum3A_752, %ge3A_753 : vector<16xi32>
        %sub3A_755 = arith.subi %masked_cumsum3A_752, %rev3A_749 : vector<16xi32>
        %lt3A_756 = vector.broadcast %sub3A_740 : i32 to vector<16xi32>
        %lt3A_757 = arith.cmpi slt, %sub3A_755, %lt3A_756 : vector<16xi32>
        %and3A_758 = arith.andi %ge3A_754, %lt3A_757 : vector<16xi1>
        %broadcast_in_dim3A_759 = arith.constant 0 : i32
        %broadcast_in_dim3A_760 = vector.broadcast %broadcast_in_dim3A_759 : i32 to vector<16xi32>
        %select_n3A_761 = arith.select %and3A_758, %rev3A_749, %broadcast_in_dim3A_760 : vector<16xi1>, vector<16xi32>
        %reduce_sum3A_762 = arith.constant true
        %reduce_sum3A_763 = vector.broadcast %reduce_sum3A_762 : i1 to vector<16xi1>
        %reduce_sum3A_764 = tpu.scan <sum>, %select_n3A_761 masked %reduce_sum3A_763 : vector<16xi32>, vector<16xi1> -> vector<16xi32>
        %reduce_sum3A_765 = vector.extract %reduce_sum3A_764[15] : i32 from vector<16xi32>
        %sub3A_766 = arith.subi %masked_cumsum3A_752, %rev3A_749 : vector<16xi32>
        %select_n3A_767 = arith.select %and3A_758, %sub3A_766, %broadcast_in_dim3A_760 : vector<16xi1>, vector<16xi32>
        %reduce_sum3A_768 = arith.constant true
        %reduce_sum3A_769 = vector.broadcast %reduce_sum3A_768 : i1 to vector<16xi1>
        %reduce_sum3A_770 = tpu.scan <sum>, %select_n3A_767 masked %reduce_sum3A_769 : vector<16xi32>, vector<16xi1> -> vector<16xi32>
        %reduce_sum3A_771 = vector.extract %reduce_sum3A_770[15] : i32 from vector<16xi32>
        %iota3A_772 = tpu.iota {dimensions = array<i32: 0>} : vector<16xi32>
        %select_n3A_773 = arith.select %and3A_758, %iota3A_772, %broadcast_in_dim3A_760 : vector<16xi1>, vector<16xi32>
        %reduce_sum3A_774 = arith.constant true
        %reduce_sum3A_775 = vector.broadcast %reduce_sum3A_774 : i1 to vector<16xi1>
        %reduce_sum3A_776 = tpu.scan <sum>, %select_n3A_773 masked %reduce_sum3A_775 : vector<16xi32>, vector<16xi1> -> vector<16xi32>
        %reduce_sum3A_777 = vector.extract %reduce_sum3A_776[15] : i32 from vector<16xi32>
        %mul3A_778 = arith.constant 16 : i32
        %mul3A_779 = arith.muli %select_n3A_736, %mul3A_778 : i32
        %sub3A_780 = arith.constant 15 : i32
        %sub3A_781 = arith.subi %sub3A_780, %reduce_sum3A_777 : i32
        %add3A_782 = arith.addi %mul3A_779, %sub3A_781 : i32
        %add3A_783 = arith.addi %select_n3A_737, %reduce_sum3A_771 : i32
        %shift_left3A_784 = arith.constant 8 : i32
        %shift_left3A_785 = arith.shli %or3A_402, %shift_left3A_784 : i32
        %or3A_786 = arith.ori %shift_left3A_785, %add3A_782 : i32
        %sub3A_787 = arith.subi %sub3A_404, %add3A_783 : i32
        %add3A_788 = arith.addi %add3A_406, %add3A_783 : i32
        %broadcast_in_dim3A_789 = arith.constant 0 : i32
        %broadcast_in_dim3A_790 = vector.broadcast %broadcast_in_dim3A_789 : i32 to vector<16xi32>
        %swap3A_791 = arith.constant 0 : index
        %swap3A_792 = tpu.vector_load %arg6[%swap3A_791] {strides = array<i32>} : memref<256xi32, #tpu.memory_space<vmem>>, vector<16xi32>,
        tpu.vector_store %arg6[%swap3A_791], %broadcast_in_dim3A_790 {strides = array<i32>} : memref<256xi32, #tpu.memory_space<vmem>>, vector<16xi32>,
        %broadcast_in_dim3A_793 = arith.constant 0 : i32
        %broadcast_in_dim3A_794 = vector.broadcast %broadcast_in_dim3A_793 : i32 to vector<16xi32>
        %swap3A_795 = arith.constant 16 : index
        %swap3A_796 = tpu.vector_load %arg6[%swap3A_795] {strides = array<i32>} : memref<256xi32, #tpu.memory_space<vmem>>, vector<16xi32>,
        tpu.vector_store %arg6[%swap3A_795], %broadcast_in_dim3A_794 {strides = array<i32>} : memref<256xi32, #tpu.memory_space<vmem>>, vector<16xi32>,
        %broadcast_in_dim3A_797 = arith.constant 0 : i32
        %broadcast_in_dim3A_798 = vector.broadcast %broadcast_in_dim3A_797 : i32 to vector<16xi32>
        %swap3A_799 = arith.constant 32 : index
        %swap3A_800 = tpu.vector_load %arg6[%swap3A_799] {strides = array<i32>} : memref<256xi32, #tpu.memory_space<vmem>>, vector<16xi32>,
        tpu.vector_store %arg6[%swap3A_799], %broadcast_in_dim3A_798 {strides = array<i32>} : memref<256xi32, #tpu.memory_space<vmem>>, vector<16xi32>,
        %broadcast_in_dim3A_801 = arith.constant 0 : i32
        %broadcast_in_dim3A_802 = vector.broadcast %broadcast_in_dim3A_801 : i32 to vector<16xi32>
        %swap3A_803 = arith.constant 48 : index
        %swap3A_804 = tpu.vector_load %arg6[%swap3A_803] {strides = array<i32>} : memref<256xi32, #tpu.memory_space<vmem>>, vector<16xi32>,
        tpu.vector_store %arg6[%swap3A_803], %broadcast_in_dim3A_802 {strides = array<i32>} : memref<256xi32, #tpu.memory_space<vmem>>, vector<16xi32>,
        %broadcast_in_dim3A_805 = arith.constant 0 : i32
        %broadcast_in_dim3A_806 = vector.broadcast %broadcast_in_dim3A_805 : i32 to vector<16xi32>
        %swap3A_807 = arith.constant 64 : index
        %swap3A_808 = tpu.vector_load %arg6[%swap3A_807] {strides = array<i32>} : memref<256xi32, #tpu.memory_space<vmem>>, vector<16xi32>,
        tpu.vector_store %arg6[%swap3A_807], %broadcast_in_dim3A_806 {strides = array<i32>} : memref<256xi32, #tpu.memory_space<vmem>>, vector<16xi32>,
        %broadcast_in_dim3A_809 = arith.constant 0 : i32
        %broadcast_in_dim3A_810 = vector.broadcast %broadcast_in_dim3A_809 : i32 to vector<16xi32>
        %swap3A_811 = arith.constant 80 : index
        %swap3A_812 = tpu.vector_load %arg6[%swap3A_811] {strides = array<i32>} : memref<256xi32, #tpu.memory_space<vmem>>, vector<16xi32>,
        tpu.vector_store %arg6[%swap3A_811], %broadcast_in_dim3A_810 {strides = array<i32>} : memref<256xi32, #tpu.memory_space<vmem>>, vector<16xi32>,
        %broadcast_in_dim3A_813 = arith.constant 0 : i32
        %broadcast_in_dim3A_814 = vector.broadcast %broadcast_in_dim3A_813 : i32 to vector<16xi32>
        %swap3A_815 = arith.constant 96 : index
        %swap3A_816 = tpu.vector_load %arg6[%swap3A_815] {strides = array<i32>} : memref<256xi32, #tpu.memory_space<vmem>>, vector<16xi32>,
        tpu.vector_store %arg6[%swap3A_815], %broadcast_in_dim3A_814 {strides = array<i32>} : memref<256xi32, #tpu.memory_space<vmem>>, vector<16xi32>,
        %broadcast_in_dim3A_817 = arith.constant 0 : i32
        %broadcast_in_dim3A_818 = vector.broadcast %broadcast_in_dim3A_817 : i32 to vector<16xi32>
        %swap3A_819 = arith.constant 112 : index
        %swap3A_820 = tpu.vector_load %arg6[%swap3A_819] {strides = array<i32>} : memref<256xi32, #tpu.memory_space<vmem>>, vector<16xi32>,
        tpu.vector_store %arg6[%swap3A_819], %broadcast_in_dim3A_818 {strides = array<i32>} : memref<256xi32, #tpu.memory_space<vmem>>, vector<16xi32>,
        %broadcast_in_dim3A_821 = arith.constant 0 : i32
        %broadcast_in_dim3A_822 = vector.broadcast %broadcast_in_dim3A_821 : i32 to vector<16xi32>
        %swap3A_823 = arith.constant 128 : index
        %swap3A_824 = tpu.vector_load %arg6[%swap3A_823] {strides = array<i32>} : memref<256xi32, #tpu.memory_space<vmem>>, vector<16xi32>,
        tpu.vector_store %arg6[%swap3A_823], %broadcast_in_dim3A_822 {strides = array<i32>} : memref<256xi32, #tpu.memory_space<vmem>>, vector<16xi32>,
        %broadcast_in_dim3A_825 = arith.constant 0 : i32
        %broadcast_in_dim3A_826 = vector.broadcast %broadcast_in_dim3A_825 : i32 to vector<16xi32>
        %swap3A_827 = arith.constant 144 : index
        %swap3A_828 = tpu.vector_load %arg6[%swap3A_827] {strides = array<i32>} : memref<256xi32, #tpu.memory_space<vmem>>, vector<16xi32>,
        tpu.vector_store %arg6[%swap3A_827], %broadcast_in_dim3A_826 {strides = array<i32>} : memref<256xi32, #tpu.memory_space<vmem>>, vector<16xi32>,
        %broadcast_in_dim3A_829 = arith.constant 0 : i32
        %broadcast_in_dim3A_830 = vector.broadcast %broadcast_in_dim3A_829 : i32 to vector<16xi32>
        %swap3A_831 = arith.constant 160 : index
        %swap3A_832 = tpu.vector_load %arg6[%swap3A_831] {strides = array<i32>} : memref<256xi32, #tpu.memory_space<vmem>>, vector<16xi32>,
        tpu.vector_store %arg6[%swap3A_831], %broadcast_in_dim3A_830 {strides = array<i32>} : memref<256xi32, #tpu.memory_space<vmem>>, vector<16xi32>,
        %broadcast_in_dim3A_833 = arith.constant 0 : i32
        %broadcast_in_dim3A_834 = vector.broadcast %broadcast_in_dim3A_833 : i32 to vector<16xi32>
        %swap3A_835 = arith.constant 176 : index
        %swap3A_836 = tpu.vector_load %arg6[%swap3A_835] {strides = array<i32>} : memref<256xi32, #tpu.memory_space<vmem>>, vector<16xi32>,
        tpu.vector_store %arg6[%swap3A_835], %broadcast_in_dim3A_834 {strides = array<i32>} : memref<256xi32, #tpu.memory_space<vmem>>, vector<16xi32>,
        %broadcast_in_dim3A_837 = arith.constant 0 : i32
        %broadcast_in_dim3A_838 = vector.broadcast %broadcast_in_dim3A_837 : i32 to vector<16xi32>
        %swap3A_839 = arith.constant 192 : index
        %swap3A_840 = tpu.vector_load %arg6[%swap3A_839] {strides = array<i32>} : memref<256xi32, #tpu.memory_space<vmem>>, vector<16xi32>,
        tpu.vector_store %arg6[%swap3A_839], %broadcast_in_dim3A_838 {strides = array<i32>} : memref<256xi32, #tpu.memory_space<vmem>>, vector<16xi32>,
        %broadcast_in_dim3A_841 = arith.constant 0 : i32
        %broadcast_in_dim3A_842 = vector.broadcast %broadcast_in_dim3A_841 : i32 to vector<16xi32>
        %swap3A_843 = arith.constant 208 : index
        %swap3A_844 = tpu.vector_load %arg6[%swap3A_843] {strides = array<i32>} : memref<256xi32, #tpu.memory_space<vmem>>, vector<16xi32>,
        tpu.vector_store %arg6[%swap3A_843], %broadcast_in_dim3A_842 {strides = array<i32>} : memref<256xi32, #tpu.memory_space<vmem>>, vector<16xi32>,
        %broadcast_in_dim3A_845 = arith.constant 0 : i32
        %broadcast_in_dim3A_846 = vector.broadcast %broadcast_in_dim3A_845 : i32 to vector<16xi32>
        %swap3A_847 = arith.constant 224 : index
        %swap3A_848 = tpu.vector_load %arg6[%swap3A_847] {strides = array<i32>} : memref<256xi32, #tpu.memory_space<vmem>>, vector<16xi32>,
        tpu.vector_store %arg6[%swap3A_847], %broadcast_in_dim3A_846 {strides = array<i32>} : memref<256xi32, #tpu.memory_space<vmem>>, vector<16xi32>,
        %broadcast_in_dim3A_849 = arith.constant 0 : i32
        %broadcast_in_dim3A_850 = vector.broadcast %broadcast_in_dim3A_849 : i32 to vector<16xi32>
        %swap3A_851 = arith.constant 240 : index
        %swap3A_852 = tpu.vector_load %arg6[%swap3A_851] {strides = array<i32>} : memref<256xi32, #tpu.memory_space<vmem>>, vector<16xi32>,
        tpu.vector_store %arg6[%swap3A_851], %broadcast_in_dim3A_850 {strides = array<i32>} : memref<256xi32, #tpu.memory_space<vmem>>, vector<16xi32>,
        %scan3A_853 = arith.constant 0 : i32
        %scan3A_854 = arith.constant 0 : i32
        %scan3A_855 = arith.constant 128 : i32
        %scan3A_856 = arith.addi %scan3A_854, %scan3A_855 : i32
        %scan3A_857 = arith.constant 8 : i32
        scf.for %scan3A_1406 = %scan3A_854 to %scan3A_856 step %scan3A_857  : i32 {
          %mul3A_1407 = arith.constant 16 : i32
          %mul3A_1408 = arith.muli %scan3A_1406, %mul3A_1407 : i32
          %get3A_1409 = arith.index_cast %scan3A_19 : i32 to index
          %get3A_1410 = arith.index_cast %mul3A_1408 : i32 to index
          %get3A_1411 = tpu.vector_load %arg4[%get3A_1409, %get3A_1410] {strides = array<i32>} : memref<8x2048xf32, #tpu.memory_space<vmem>>, vector<16xf32>,
          %bitcast_convert_type3A = tpu.bitcast %get3A_1411 : vector<16xf32> -> vector<16xi32>
          %and3A_1412 = arith.constant 2147483647 : i32
          %and3A_1413 = vector.broadcast %and3A_1412 : i32 to vector<16xi32>
          %and3A_1414 = arith.andi %bitcast_convert_type3A, %and3A_1413 : vector<16xi32>
          %shift_right_arithmetic3A = arith.constant 7 : i32
          %shift_right_arithmetic3A_1415 = vector.broadcast %shift_right_arithmetic3A : i32 to vector<16xi32>
          %shift_right_arithmetic3A_1416 = arith.shrsi %and3A_1414, %shift_right_arithmetic3A_1415 : vector<16xi32>
          %and3A_1417 = arith.constant 255 : i32
          %and3A_1418 = vector.broadcast %and3A_1417 : i32 to vector<16xi32>
          %and3A_1419 = arith.andi %shift_right_arithmetic3A_1416, %and3A_1418 : vector<16xi32>
          %shift_right_arithmetic3A_1420 = arith.constant 15 : i32
          %shift_right_arithmetic3A_1421 = vector.broadcast %shift_right_arithmetic3A_1420 : i32 to vector<16xi32>
          %shift_right_arithmetic3A_1422 = arith.shrsi %and3A_1414, %shift_right_arithmetic3A_1421 : vector<16xi32>
          %eq3A = vector.broadcast %or3A_786 : i32 to vector<16xi32>
          %eq3A_1423 = arith.cmpi eq, %shift_right_arithmetic3A_1422, %eq3A : vector<16xi32>
          tpu.vector_store_idx %arg6[%and3A_1419], %broadcast_in_dim3A_1 masked %eq3A_1423 {add = true} : memref<256xi32, #tpu.memory_space<vmem>>[vector<16xi32>], vector<16xi32>, vector<16xi1>
          %scan3A_1424 = arith.constant 1 : i32
          %scan3A_1425 = arith.addi %scan3A_1406, %scan3A_1424 : i32
          %mul3A_1426 = arith.constant 16 : i32
          %mul3A_1427 = arith.muli %scan3A_1425, %mul3A_1426 : i32
          %get3A_1428 = arith.index_cast %scan3A_19 : i32 to index
          %get3A_1429 = arith.index_cast %mul3A_1427 : i32 to index
          %get3A_1430 = tpu.vector_load %arg4[%get3A_1428, %get3A_1429] {strides = array<i32>} : memref<8x2048xf32, #tpu.memory_space<vmem>>, vector<16xf32>,
          %bitcast_convert_type3A_1431 = tpu.bitcast %get3A_1430 : vector<16xf32> -> vector<16xi32>
          %and3A_1432 = arith.constant 2147483647 : i32
          %and3A_1433 = vector.broadcast %and3A_1432 : i32 to vector<16xi32>
          %and3A_1434 = arith.andi %bitcast_convert_type3A_1431, %and3A_1433 : vector<16xi32>
          %shift_right_arithmetic3A_1435 = arith.constant 7 : i32
          %shift_right_arithmetic3A_1436 = vector.broadcast %shift_right_arithmetic3A_1435 : i32 to vector<16xi32>
          %shift_right_arithmetic3A_1437 = arith.shrsi %and3A_1434, %shift_right_arithmetic3A_1436 : vector<16xi32>
          %and3A_1438 = arith.constant 255 : i32
          %and3A_1439 = vector.broadcast %and3A_1438 : i32 to vector<16xi32>
          %and3A_1440 = arith.andi %shift_right_arithmetic3A_1437, %and3A_1439 : vector<16xi32>
          %shift_right_arithmetic3A_1441 = arith.constant 15 : i32
          %shift_right_arithmetic3A_1442 = vector.broadcast %shift_right_arithmetic3A_1441 : i32 to vector<16xi32>
          %shift_right_arithmetic3A_1443 = arith.shrsi %and3A_1434, %shift_right_arithmetic3A_1442 : vector<16xi32>
          %eq3A_1444 = vector.broadcast %or3A_786 : i32 to vector<16xi32>
          %eq3A_1445 = arith.cmpi eq, %shift_right_arithmetic3A_1443, %eq3A_1444 : vector<16xi32>
          tpu.vector_store_idx %arg6[%and3A_1440], %broadcast_in_dim3A_1 masked %eq3A_1445 {add = true} : memref<256xi32, #tpu.memory_space<vmem>>[vector<16xi32>], vector<16xi32>, vector<16xi1>
          %scan3A_1446 = arith.constant 2 : i32
          %scan3A_1447 = arith.addi %scan3A_1406, %scan3A_1446 : i32
          %mul3A_1448 = arith.constant 16 : i32
          %mul3A_1449 = arith.muli %scan3A_1447, %mul3A_1448 : i32
          %get3A_1450 = arith.index_cast %scan3A_19 : i32 to index
          %get3A_1451 = arith.index_cast %mul3A_1449 : i32 to index
          %get3A_1452 = tpu.vector_load %arg4[%get3A_1450, %get3A_1451] {strides = array<i32>} : memref<8x2048xf32, #tpu.memory_space<vmem>>, vector<16xf32>,
          %bitcast_convert_type3A_1453 = tpu.bitcast %get3A_1452 : vector<16xf32> -> vector<16xi32>
          %and3A_1454 = arith.constant 2147483647 : i32
          %and3A_1455 = vector.broadcast %and3A_1454 : i32 to vector<16xi32>
          %and3A_1456 = arith.andi %bitcast_convert_type3A_1453, %and3A_1455 : vector<16xi32>
          %shift_right_arithmetic3A_1457 = arith.constant 7 : i32
          %shift_right_arithmetic3A_1458 = vector.broadcast %shift_right_arithmetic3A_1457 : i32 to vector<16xi32>
          %shift_right_arithmetic3A_1459 = arith.shrsi %and3A_1456, %shift_right_arithmetic3A_1458 : vector<16xi32>
          %and3A_1460 = arith.constant 255 : i32
          %and3A_1461 = vector.broadcast %and3A_1460 : i32 to vector<16xi32>
          %and3A_1462 = arith.andi %shift_right_arithmetic3A_1459, %and3A_1461 : vector<16xi32>
          %shift_right_arithmetic3A_1463 = arith.constant 15 : i32
          %shift_right_arithmetic3A_1464 = vector.broadcast %shift_right_arithmetic3A_1463 : i32 to vector<16xi32>
          %shift_right_arithmetic3A_1465 = arith.shrsi %and3A_1456, %shift_right_arithmetic3A_1464 : vector<16xi32>
          %eq3A_1466 = vector.broadcast %or3A_786 : i32 to vector<16xi32>
          %eq3A_1467 = arith.cmpi eq, %shift_right_arithmetic3A_1465, %eq3A_1466 : vector<16xi32>
          tpu.vector_store_idx %arg6[%and3A_1462], %broadcast_in_dim3A_1 masked %eq3A_1467 {add = true} : memref<256xi32, #tpu.memory_space<vmem>>[vector<16xi32>], vector<16xi32>, vector<16xi1>
          %scan3A_1468 = arith.constant 3 : i32
          %scan3A_1469 = arith.addi %scan3A_1406, %scan3A_1468 : i32
          %mul3A_1470 = arith.constant 16 : i32
          %mul3A_1471 = arith.muli %scan3A_1469, %mul3A_1470 : i32
          %get3A_1472 = arith.index_cast %scan3A_19 : i32 to index
          %get3A_1473 = arith.index_cast %mul3A_1471 : i32 to index
          %get3A_1474 = tpu.vector_load %arg4[%get3A_1472, %get3A_1473] {strides = array<i32>} : memref<8x2048xf32, #tpu.memory_space<vmem>>, vector<16xf32>,
          %bitcast_convert_type3A_1475 = tpu.bitcast %get3A_1474 : vector<16xf32> -> vector<16xi32>
          %and3A_1476 = arith.constant 2147483647 : i32
          %and3A_1477 = vector.broadcast %and3A_1476 : i32 to vector<16xi32>
          %and3A_1478 = arith.andi %bitcast_convert_type3A_1475, %and3A_1477 : vector<16xi32>
          %shift_right_arithmetic3A_1479 = arith.constant 7 : i32
          %shift_right_arithmetic3A_1480 = vector.broadcast %shift_right_arithmetic3A_1479 : i32 to vector<16xi32>
          %shift_right_arithmetic3A_1481 = arith.shrsi %and3A_1478, %shift_right_arithmetic3A_1480 : vector<16xi32>
          %and3A_1482 = arith.constant 255 : i32
          %and3A_1483 = vector.broadcast %and3A_1482 : i32 to vector<16xi32>
          %and3A_1484 = arith.andi %shift_right_arithmetic3A_1481, %and3A_1483 : vector<16xi32>
          %shift_right_arithmetic3A_1485 = arith.constant 15 : i32
          %shift_right_arithmetic3A_1486 = vector.broadcast %shift_right_arithmetic3A_1485 : i32 to vector<16xi32>
          %shift_right_arithmetic3A_1487 = arith.shrsi %and3A_1478, %shift_right_arithmetic3A_1486 : vector<16xi32>
          %eq3A_1488 = vector.broadcast %or3A_786 : i32 to vector<16xi32>
          %eq3A_1489 = arith.cmpi eq, %shift_right_arithmetic3A_1487, %eq3A_1488 : vector<16xi32>
          tpu.vector_store_idx %arg6[%and3A_1484], %broadcast_in_dim3A_1 masked %eq3A_1489 {add = true} : memref<256xi32, #tpu.memory_space<vmem>>[vector<16xi32>], vector<16xi32>, vector<16xi1>
          %scan3A_1490 = arith.constant 4 : i32
          %scan3A_1491 = arith.addi %scan3A_1406, %scan3A_1490 : i32
          %mul3A_1492 = arith.constant 16 : i32
          %mul3A_1493 = arith.muli %scan3A_1491, %mul3A_1492 : i32
          %get3A_1494 = arith.index_cast %scan3A_19 : i32 to index
          %get3A_1495 = arith.index_cast %mul3A_1493 : i32 to index
          %get3A_1496 = tpu.vector_load %arg4[%get3A_1494, %get3A_1495] {strides = array<i32>} : memref<8x2048xf32, #tpu.memory_space<vmem>>, vector<16xf32>,
          %bitcast_convert_type3A_1497 = tpu.bitcast %get3A_1496 : vector<16xf32> -> vector<16xi32>
          %and3A_1498 = arith.constant 2147483647 : i32
          %and3A_1499 = vector.broadcast %and3A_1498 : i32 to vector<16xi32>
          %and3A_1500 = arith.andi %bitcast_convert_type3A_1497, %and3A_1499 : vector<16xi32>
          %shift_right_arithmetic3A_1501 = arith.constant 7 : i32
          %shift_right_arithmetic3A_1502 = vector.broadcast %shift_right_arithmetic3A_1501 : i32 to vector<16xi32>
          %shift_right_arithmetic3A_1503 = arith.shrsi %and3A_1500, %shift_right_arithmetic3A_1502 : vector<16xi32>
          %and3A_1504 = arith.constant 255 : i32
          %and3A_1505 = vector.broadcast %and3A_1504 : i32 to vector<16xi32>
          %and3A_1506 = arith.andi %shift_right_arithmetic3A_1503, %and3A_1505 : vector<16xi32>
          %shift_right_arithmetic3A_1507 = arith.constant 15 : i32
          %shift_right_arithmetic3A_1508 = vector.broadcast %shift_right_arithmetic3A_1507 : i32 to vector<16xi32>
          %shift_right_arithmetic3A_1509 = arith.shrsi %and3A_1500, %shift_right_arithmetic3A_1508 : vector<16xi32>
          %eq3A_1510 = vector.broadcast %or3A_786 : i32 to vector<16xi32>
          %eq3A_1511 = arith.cmpi eq, %shift_right_arithmetic3A_1509, %eq3A_1510 : vector<16xi32>
          tpu.vector_store_idx %arg6[%and3A_1506], %broadcast_in_dim3A_1 masked %eq3A_1511 {add = true} : memref<256xi32, #tpu.memory_space<vmem>>[vector<16xi32>], vector<16xi32>, vector<16xi1>
          %scan3A_1512 = arith.constant 5 : i32
          %scan3A_1513 = arith.addi %scan3A_1406, %scan3A_1512 : i32
          %mul3A_1514 = arith.constant 16 : i32
          %mul3A_1515 = arith.muli %scan3A_1513, %mul3A_1514 : i32
          %get3A_1516 = arith.index_cast %scan3A_19 : i32 to index
          %get3A_1517 = arith.index_cast %mul3A_1515 : i32 to index
          %get3A_1518 = tpu.vector_load %arg4[%get3A_1516, %get3A_1517] {strides = array<i32>} : memref<8x2048xf32, #tpu.memory_space<vmem>>, vector<16xf32>,
          %bitcast_convert_type3A_1519 = tpu.bitcast %get3A_1518 : vector<16xf32> -> vector<16xi32>
          %and3A_1520 = arith.constant 2147483647 : i32
          %and3A_1521 = vector.broadcast %and3A_1520 : i32 to vector<16xi32>
          %and3A_1522 = arith.andi %bitcast_convert_type3A_1519, %and3A_1521 : vector<16xi32>
          %shift_right_arithmetic3A_1523 = arith.constant 7 : i32
          %shift_right_arithmetic3A_1524 = vector.broadcast %shift_right_arithmetic3A_1523 : i32 to vector<16xi32>
          %shift_right_arithmetic3A_1525 = arith.shrsi %and3A_1522, %shift_right_arithmetic3A_1524 : vector<16xi32>
          %and3A_1526 = arith.constant 255 : i32
          %and3A_1527 = vector.broadcast %and3A_1526 : i32 to vector<16xi32>
          %and3A_1528 = arith.andi %shift_right_arithmetic3A_1525, %and3A_1527 : vector<16xi32>
          %shift_right_arithmetic3A_1529 = arith.constant 15 : i32
          %shift_right_arithmetic3A_1530 = vector.broadcast %shift_right_arithmetic3A_1529 : i32 to vector<16xi32>
          %shift_right_arithmetic3A_1531 = arith.shrsi %and3A_1522, %shift_right_arithmetic3A_1530 : vector<16xi32>
          %eq3A_1532 = vector.broadcast %or3A_786 : i32 to vector<16xi32>
          %eq3A_1533 = arith.cmpi eq, %shift_right_arithmetic3A_1531, %eq3A_1532 : vector<16xi32>
          tpu.vector_store_idx %arg6[%and3A_1528], %broadcast_in_dim3A_1 masked %eq3A_1533 {add = true} : memref<256xi32, #tpu.memory_space<vmem>>[vector<16xi32>], vector<16xi32>, vector<16xi1>
          %scan3A_1534 = arith.constant 6 : i32
          %scan3A_1535 = arith.addi %scan3A_1406, %scan3A_1534 : i32
          %mul3A_1536 = arith.constant 16 : i32
          %mul3A_1537 = arith.muli %scan3A_1535, %mul3A_1536 : i32
          %get3A_1538 = arith.index_cast %scan3A_19 : i32 to index
          %get3A_1539 = arith.index_cast %mul3A_1537 : i32 to index
          %get3A_1540 = tpu.vector_load %arg4[%get3A_1538, %get3A_1539] {strides = array<i32>} : memref<8x2048xf32, #tpu.memory_space<vmem>>, vector<16xf32>,
          %bitcast_convert_type3A_1541 = tpu.bitcast %get3A_1540 : vector<16xf32> -> vector<16xi32>
          %and3A_1542 = arith.constant 2147483647 : i32
          %and3A_1543 = vector.broadcast %and3A_1542 : i32 to vector<16xi32>
          %and3A_1544 = arith.andi %bitcast_convert_type3A_1541, %and3A_1543 : vector<16xi32>
          %shift_right_arithmetic3A_1545 = arith.constant 7 : i32
          %shift_right_arithmetic3A_1546 = vector.broadcast %shift_right_arithmetic3A_1545 : i32 to vector<16xi32>
          %shift_right_arithmetic3A_1547 = arith.shrsi %and3A_1544, %shift_right_arithmetic3A_1546 : vector<16xi32>
          %and3A_1548 = arith.constant 255 : i32
          %and3A_1549 = vector.broadcast %and3A_1548 : i32 to vector<16xi32>
          %and3A_1550 = arith.andi %shift_right_arithmetic3A_1547, %and3A_1549 : vector<16xi32>
          %shift_right_arithmetic3A_1551 = arith.constant 15 : i32
          %shift_right_arithmetic3A_1552 = vector.broadcast %shift_right_arithmetic3A_1551 : i32 to vector<16xi32>
          %shift_right_arithmetic3A_1553 = arith.shrsi %and3A_1544, %shift_right_arithmetic3A_1552 : vector<16xi32>
          %eq3A_1554 = vector.broadcast %or3A_786 : i32 to vector<16xi32>
          %eq3A_1555 = arith.cmpi eq, %shift_right_arithmetic3A_1553, %eq3A_1554 : vector<16xi32>
          tpu.vector_store_idx %arg6[%and3A_1550], %broadcast_in_dim3A_1 masked %eq3A_1555 {add = true} : memref<256xi32, #tpu.memory_space<vmem>>[vector<16xi32>], vector<16xi32>, vector<16xi1>
          %scan3A_1556 = arith.constant 7 : i32
          %scan3A_1557 = arith.addi %scan3A_1406, %scan3A_1556 : i32
          %mul3A_1558 = arith.constant 16 : i32
          %mul3A_1559 = arith.muli %scan3A_1557, %mul3A_1558 : i32
          %get3A_1560 = arith.index_cast %scan3A_19 : i32 to index
          %get3A_1561 = arith.index_cast %mul3A_1559 : i32 to index
          %get3A_1562 = tpu.vector_load %arg4[%get3A_1560, %get3A_1561] {strides = array<i32>} : memref<8x2048xf32, #tpu.memory_space<vmem>>, vector<16xf32>,
          %bitcast_convert_type3A_1563 = tpu.bitcast %get3A_1562 : vector<16xf32> -> vector<16xi32>
          %and3A_1564 = arith.constant 2147483647 : i32
          %and3A_1565 = vector.broadcast %and3A_1564 : i32 to vector<16xi32>
          %and3A_1566 = arith.andi %bitcast_convert_type3A_1563, %and3A_1565 : vector<16xi32>
          %shift_right_arithmetic3A_1567 = arith.constant 7 : i32
          %shift_right_arithmetic3A_1568 = vector.broadcast %shift_right_arithmetic3A_1567 : i32 to vector<16xi32>
          %shift_right_arithmetic3A_1569 = arith.shrsi %and3A_1566, %shift_right_arithmetic3A_1568 : vector<16xi32>
          %and3A_1570 = arith.constant 255 : i32
          %and3A_1571 = vector.broadcast %and3A_1570 : i32 to vector<16xi32>
          %and3A_1572 = arith.andi %shift_right_arithmetic3A_1569, %and3A_1571 : vector<16xi32>
          %shift_right_arithmetic3A_1573 = arith.constant 15 : i32
          %shift_right_arithmetic3A_1574 = vector.broadcast %shift_right_arithmetic3A_1573 : i32 to vector<16xi32>
          %shift_right_arithmetic3A_1575 = arith.shrsi %and3A_1566, %shift_right_arithmetic3A_1574 : vector<16xi32>
          %eq3A_1576 = vector.broadcast %or3A_786 : i32 to vector<16xi32>
          %eq3A_1577 = arith.cmpi eq, %shift_right_arithmetic3A_1575, %eq3A_1576 : vector<16xi32>
          tpu.vector_store_idx %arg6[%and3A_1572], %broadcast_in_dim3A_1 masked %eq3A_1577 {add = true} : memref<256xi32, #tpu.memory_space<vmem>>[vector<16xi32>], vector<16xi32>, vector<16xi1>
        }
        %scan3A_858 = arith.constant 128 : i32
        %get3A_859 = arith.constant 240 : index
        %get3A_860 = tpu.vector_load %arg6[%get3A_859] {strides = array<i32>} : memref<256xi32, #tpu.memory_space<vmem>>, vector<16xi32>,
        %reduce_sum3A_861 = arith.constant true
        %reduce_sum3A_862 = vector.broadcast %reduce_sum3A_861 : i1 to vector<16xi1>
        %reduce_sum3A_863 = tpu.scan <sum>, %get3A_860 masked %reduce_sum3A_862 : vector<16xi32>, vector<16xi1> -> vector<16xi32>
        %reduce_sum3A_864 = vector.extract %reduce_sum3A_863[15] : i32 from vector<16xi32>
        %not3A_865 = arith.constant false
        %not3A_866 = arith.constant true
        %not3A_867 = arith.xori %not3A_865, %not3A_866 : i1
        %add3A_868 = arith.constant 0 : i32
        %add3A_869 = arith.addi %add3A_868, %reduce_sum3A_864 : i32
        %ge3A_870 = arith.cmpi sge, %add3A_869, %sub3A_787 : i32
        %and3A_871 = arith.andi %not3A_867, %ge3A_870 : i1
        %jit3A_872 = arith.constant 15 : i32
        %jit3A_873 = arith.constant 0 : i32
        %select_n3A_874 = arith.select %and3A_871, %jit3A_872, %jit3A_873 : i32
        %jit3A_875 = arith.constant 0 : i32
        %jit3A_876 = arith.constant 0 : i32
        %select_n3A_877 = arith.select %and3A_871, %jit3A_875, %jit3A_876 : i32
        %or3A_878 = arith.constant false
        %or3A_879 = arith.ori %or3A_878, %and3A_871 : i1
        %add3A_880 = arith.constant 0 : i32
        %add3A_881 = arith.addi %add3A_880, %reduce_sum3A_864 : i32
        %get3A_882 = arith.constant 224 : index
        %get3A_883 = tpu.vector_load %arg6[%get3A_882] {strides = array<i32>} : memref<256xi32, #tpu.memory_space<vmem>>, vector<16xi32>,
        %reduce_sum3A_884 = arith.constant true
        %reduce_sum3A_885 = vector.broadcast %reduce_sum3A_884 : i1 to vector<16xi1>
        %reduce_sum3A_886 = tpu.scan <sum>, %get3A_883 masked %reduce_sum3A_885 : vector<16xi32>, vector<16xi1> -> vector<16xi32>
        %reduce_sum3A_887 = vector.extract %reduce_sum3A_886[15] : i32 from vector<16xi32>
        %not3A_888 = arith.constant true
        %not3A_889 = arith.xori %or3A_879, %not3A_888 : i1
        %add3A_890 = arith.addi %add3A_881, %reduce_sum3A_887 : i32
        %ge3A_891 = arith.cmpi sge, %add3A_890, %sub3A_787 : i32
        %and3A_892 = arith.andi %not3A_889, %ge3A_891 : i1
        %jit3A_893 = arith.constant 14 : i32
        %select_n3A_894 = arith.select %and3A_892, %jit3A_893, %select_n3A_874 : i32
        %select_n3A_895 = arith.select %and3A_892, %add3A_881, %select_n3A_877 : i32
        %or3A_896 = arith.ori %or3A_879, %and3A_892 : i1
        %add3A_897 = arith.addi %add3A_881, %reduce_sum3A_887 : i32
        %get3A_898 = arith.constant 208 : index
        %get3A_899 = tpu.vector_load %arg6[%get3A_898] {strides = array<i32>} : memref<256xi32, #tpu.memory_space<vmem>>, vector<16xi32>,
        %reduce_sum3A_900 = arith.constant true
        %reduce_sum3A_901 = vector.broadcast %reduce_sum3A_900 : i1 to vector<16xi1>
        %reduce_sum3A_902 = tpu.scan <sum>, %get3A_899 masked %reduce_sum3A_901 : vector<16xi32>, vector<16xi1> -> vector<16xi32>
        %reduce_sum3A_903 = vector.extract %reduce_sum3A_902[15] : i32 from vector<16xi32>
        %not3A_904 = arith.constant true
        %not3A_905 = arith.xori %or3A_896, %not3A_904 : i1
        %add3A_906 = arith.addi %add3A_897, %reduce_sum3A_903 : i32
        %ge3A_907 = arith.cmpi sge, %add3A_906, %sub3A_787 : i32
        %and3A_908 = arith.andi %not3A_905, %ge3A_907 : i1
        %jit3A_909 = arith.constant 13 : i32
        %select_n3A_910 = arith.select %and3A_908, %jit3A_909, %select_n3A_894 : i32
        %select_n3A_911 = arith.select %and3A_908, %add3A_897, %select_n3A_895 : i32
        %or3A_912 = arith.ori %or3A_896, %and3A_908 : i1
        %add3A_913 = arith.addi %add3A_897, %reduce_sum3A_903 : i32
        %get3A_914 = arith.constant 192 : index
        %get3A_915 = tpu.vector_load %arg6[%get3A_914] {strides = array<i32>} : memref<256xi32, #tpu.memory_space<vmem>>, vector<16xi32>,
        %reduce_sum3A_916 = arith.constant true
        %reduce_sum3A_917 = vector.broadcast %reduce_sum3A_916 : i1 to vector<16xi1>
        %reduce_sum3A_918 = tpu.scan <sum>, %get3A_915 masked %reduce_sum3A_917 : vector<16xi32>, vector<16xi1> -> vector<16xi32>
        %reduce_sum3A_919 = vector.extract %reduce_sum3A_918[15] : i32 from vector<16xi32>
        %not3A_920 = arith.constant true
        %not3A_921 = arith.xori %or3A_912, %not3A_920 : i1
        %add3A_922 = arith.addi %add3A_913, %reduce_sum3A_919 : i32
        %ge3A_923 = arith.cmpi sge, %add3A_922, %sub3A_787 : i32
        %and3A_924 = arith.andi %not3A_921, %ge3A_923 : i1
        %jit3A_925 = arith.constant 12 : i32
        %select_n3A_926 = arith.select %and3A_924, %jit3A_925, %select_n3A_910 : i32
        %select_n3A_927 = arith.select %and3A_924, %add3A_913, %select_n3A_911 : i32
        %or3A_928 = arith.ori %or3A_912, %and3A_924 : i1
        %add3A_929 = arith.addi %add3A_913, %reduce_sum3A_919 : i32
        %get3A_930 = arith.constant 176 : index
        %get3A_931 = tpu.vector_load %arg6[%get3A_930] {strides = array<i32>} : memref<256xi32, #tpu.memory_space<vmem>>, vector<16xi32>,
        %reduce_sum3A_932 = arith.constant true
        %reduce_sum3A_933 = vector.broadcast %reduce_sum3A_932 : i1 to vector<16xi1>
        %reduce_sum3A_934 = tpu.scan <sum>, %get3A_931 masked %reduce_sum3A_933 : vector<16xi32>, vector<16xi1> -> vector<16xi32>
        %reduce_sum3A_935 = vector.extract %reduce_sum3A_934[15] : i32 from vector<16xi32>
        %not3A_936 = arith.constant true
        %not3A_937 = arith.xori %or3A_928, %not3A_936 : i1
        %add3A_938 = arith.addi %add3A_929, %reduce_sum3A_935 : i32
        %ge3A_939 = arith.cmpi sge, %add3A_938, %sub3A_787 : i32
        %and3A_940 = arith.andi %not3A_937, %ge3A_939 : i1
        %jit3A_941 = arith.constant 11 : i32
        %select_n3A_942 = arith.select %and3A_940, %jit3A_941, %select_n3A_926 : i32
        %select_n3A_943 = arith.select %and3A_940, %add3A_929, %select_n3A_927 : i32
        %or3A_944 = arith.ori %or3A_928, %and3A_940 : i1
        %add3A_945 = arith.addi %add3A_929, %reduce_sum3A_935 : i32
        %get3A_946 = arith.constant 160 : index
        %get3A_947 = tpu.vector_load %arg6[%get3A_946] {strides = array<i32>} : memref<256xi32, #tpu.memory_space<vmem>>, vector<16xi32>,
        %reduce_sum3A_948 = arith.constant true
        %reduce_sum3A_949 = vector.broadcast %reduce_sum3A_948 : i1 to vector<16xi1>
        %reduce_sum3A_950 = tpu.scan <sum>, %get3A_947 masked %reduce_sum3A_949 : vector<16xi32>, vector<16xi1> -> vector<16xi32>
        %reduce_sum3A_951 = vector.extract %reduce_sum3A_950[15] : i32 from vector<16xi32>
        %not3A_952 = arith.constant true
        %not3A_953 = arith.xori %or3A_944, %not3A_952 : i1
        %add3A_954 = arith.addi %add3A_945, %reduce_sum3A_951 : i32
        %ge3A_955 = arith.cmpi sge, %add3A_954, %sub3A_787 : i32
        %and3A_956 = arith.andi %not3A_953, %ge3A_955 : i1
        %jit3A_957 = arith.constant 10 : i32
        %select_n3A_958 = arith.select %and3A_956, %jit3A_957, %select_n3A_942 : i32
        %select_n3A_959 = arith.select %and3A_956, %add3A_945, %select_n3A_943 : i32
        %or3A_960 = arith.ori %or3A_944, %and3A_956 : i1
        %add3A_961 = arith.addi %add3A_945, %reduce_sum3A_951 : i32
        %get3A_962 = arith.constant 144 : index
        %get3A_963 = tpu.vector_load %arg6[%get3A_962] {strides = array<i32>} : memref<256xi32, #tpu.memory_space<vmem>>, vector<16xi32>,
        %reduce_sum3A_964 = arith.constant true
        %reduce_sum3A_965 = vector.broadcast %reduce_sum3A_964 : i1 to vector<16xi1>
        %reduce_sum3A_966 = tpu.scan <sum>, %get3A_963 masked %reduce_sum3A_965 : vector<16xi32>, vector<16xi1> -> vector<16xi32>
        %reduce_sum3A_967 = vector.extract %reduce_sum3A_966[15] : i32 from vector<16xi32>
        %not3A_968 = arith.constant true
        %not3A_969 = arith.xori %or3A_960, %not3A_968 : i1
        %add3A_970 = arith.addi %add3A_961, %reduce_sum3A_967 : i32
        %ge3A_971 = arith.cmpi sge, %add3A_970, %sub3A_787 : i32
        %and3A_972 = arith.andi %not3A_969, %ge3A_971 : i1
        %jit3A_973 = arith.constant 9 : i32
        %select_n3A_974 = arith.select %and3A_972, %jit3A_973, %select_n3A_958 : i32
        %select_n3A_975 = arith.select %and3A_972, %add3A_961, %select_n3A_959 : i32
        %or3A_976 = arith.ori %or3A_960, %and3A_972 : i1
        %add3A_977 = arith.addi %add3A_961, %reduce_sum3A_967 : i32
        %get3A_978 = arith.constant 128 : index
        %get3A_979 = tpu.vector_load %arg6[%get3A_978] {strides = array<i32>} : memref<256xi32, #tpu.memory_space<vmem>>, vector<16xi32>,
        %reduce_sum3A_980 = arith.constant true
        %reduce_sum3A_981 = vector.broadcast %reduce_sum3A_980 : i1 to vector<16xi1>
        %reduce_sum3A_982 = tpu.scan <sum>, %get3A_979 masked %reduce_sum3A_981 : vector<16xi32>, vector<16xi1> -> vector<16xi32>
        %reduce_sum3A_983 = vector.extract %reduce_sum3A_982[15] : i32 from vector<16xi32>
        %not3A_984 = arith.constant true
        %not3A_985 = arith.xori %or3A_976, %not3A_984 : i1
        %add3A_986 = arith.addi %add3A_977, %reduce_sum3A_983 : i32
        %ge3A_987 = arith.cmpi sge, %add3A_986, %sub3A_787 : i32
        %and3A_988 = arith.andi %not3A_985, %ge3A_987 : i1
        %jit3A_989 = arith.constant 8 : i32
        %select_n3A_990 = arith.select %and3A_988, %jit3A_989, %select_n3A_974 : i32
        %select_n3A_991 = arith.select %and3A_988, %add3A_977, %select_n3A_975 : i32
        %or3A_992 = arith.ori %or3A_976, %and3A_988 : i1
        %add3A_993 = arith.addi %add3A_977, %reduce_sum3A_983 : i32
        %get3A_994 = arith.constant 112 : index
        %get3A_995 = tpu.vector_load %arg6[%get3A_994] {strides = array<i32>} : memref<256xi32, #tpu.memory_space<vmem>>, vector<16xi32>,
        %reduce_sum3A_996 = arith.constant true
        %reduce_sum3A_997 = vector.broadcast %reduce_sum3A_996 : i1 to vector<16xi1>
        %reduce_sum3A_998 = tpu.scan <sum>, %get3A_995 masked %reduce_sum3A_997 : vector<16xi32>, vector<16xi1> -> vector<16xi32>
        %reduce_sum3A_999 = vector.extract %reduce_sum3A_998[15] : i32 from vector<16xi32>
        %not3A_1000 = arith.constant true
        %not3A_1001 = arith.xori %or3A_992, %not3A_1000 : i1
        %add3A_1002 = arith.addi %add3A_993, %reduce_sum3A_999 : i32
        %ge3A_1003 = arith.cmpi sge, %add3A_1002, %sub3A_787 : i32
        %and3A_1004 = arith.andi %not3A_1001, %ge3A_1003 : i1
        %jit3A_1005 = arith.constant 7 : i32
        %select_n3A_1006 = arith.select %and3A_1004, %jit3A_1005, %select_n3A_990 : i32
        %select_n3A_1007 = arith.select %and3A_1004, %add3A_993, %select_n3A_991 : i32
        %or3A_1008 = arith.ori %or3A_992, %and3A_1004 : i1
        %add3A_1009 = arith.addi %add3A_993, %reduce_sum3A_999 : i32
        %get3A_1010 = arith.constant 96 : index
        %get3A_1011 = tpu.vector_load %arg6[%get3A_1010] {strides = array<i32>} : memref<256xi32, #tpu.memory_space<vmem>>, vector<16xi32>,
        %reduce_sum3A_1012 = arith.constant true
        %reduce_sum3A_1013 = vector.broadcast %reduce_sum3A_1012 : i1 to vector<16xi1>
        %reduce_sum3A_1014 = tpu.scan <sum>, %get3A_1011 masked %reduce_sum3A_1013 : vector<16xi32>, vector<16xi1> -> vector<16xi32>
        %reduce_sum3A_1015 = vector.extract %reduce_sum3A_1014[15] : i32 from vector<16xi32>
        %not3A_1016 = arith.constant true
        %not3A_1017 = arith.xori %or3A_1008, %not3A_1016 : i1
        %add3A_1018 = arith.addi %add3A_1009, %reduce_sum3A_1015 : i32
        %ge3A_1019 = arith.cmpi sge, %add3A_1018, %sub3A_787 : i32
        %and3A_1020 = arith.andi %not3A_1017, %ge3A_1019 : i1
        %jit3A_1021 = arith.constant 6 : i32
        %select_n3A_1022 = arith.select %and3A_1020, %jit3A_1021, %select_n3A_1006 : i32
        %select_n3A_1023 = arith.select %and3A_1020, %add3A_1009, %select_n3A_1007 : i32
        %or3A_1024 = arith.ori %or3A_1008, %and3A_1020 : i1
        %add3A_1025 = arith.addi %add3A_1009, %reduce_sum3A_1015 : i32
        %get3A_1026 = arith.constant 80 : index
        %get3A_1027 = tpu.vector_load %arg6[%get3A_1026] {strides = array<i32>} : memref<256xi32, #tpu.memory_space<vmem>>, vector<16xi32>,
        %reduce_sum3A_1028 = arith.constant true
        %reduce_sum3A_1029 = vector.broadcast %reduce_sum3A_1028 : i1 to vector<16xi1>
        %reduce_sum3A_1030 = tpu.scan <sum>, %get3A_1027 masked %reduce_sum3A_1029 : vector<16xi32>, vector<16xi1> -> vector<16xi32>
        %reduce_sum3A_1031 = vector.extract %reduce_sum3A_1030[15] : i32 from vector<16xi32>
        %not3A_1032 = arith.constant true
        %not3A_1033 = arith.xori %or3A_1024, %not3A_1032 : i1
        %add3A_1034 = arith.addi %add3A_1025, %reduce_sum3A_1031 : i32
        %ge3A_1035 = arith.cmpi sge, %add3A_1034, %sub3A_787 : i32
        %and3A_1036 = arith.andi %not3A_1033, %ge3A_1035 : i1
        %jit3A_1037 = arith.constant 5 : i32
        %select_n3A_1038 = arith.select %and3A_1036, %jit3A_1037, %select_n3A_1022 : i32
        %select_n3A_1039 = arith.select %and3A_1036, %add3A_1025, %select_n3A_1023 : i32
        %or3A_1040 = arith.ori %or3A_1024, %and3A_1036 : i1
        %add3A_1041 = arith.addi %add3A_1025, %reduce_sum3A_1031 : i32
        %get3A_1042 = arith.constant 64 : index
        %get3A_1043 = tpu.vector_load %arg6[%get3A_1042] {strides = array<i32>} : memref<256xi32, #tpu.memory_space<vmem>>, vector<16xi32>,
        %reduce_sum3A_1044 = arith.constant true
        %reduce_sum3A_1045 = vector.broadcast %reduce_sum3A_1044 : i1 to vector<16xi1>
        %reduce_sum3A_1046 = tpu.scan <sum>, %get3A_1043 masked %reduce_sum3A_1045 : vector<16xi32>, vector<16xi1> -> vector<16xi32>
        %reduce_sum3A_1047 = vector.extract %reduce_sum3A_1046[15] : i32 from vector<16xi32>
        %not3A_1048 = arith.constant true
        %not3A_1049 = arith.xori %or3A_1040, %not3A_1048 : i1
        %add3A_1050 = arith.addi %add3A_1041, %reduce_sum3A_1047 : i32
        %ge3A_1051 = arith.cmpi sge, %add3A_1050, %sub3A_787 : i32
        %and3A_1052 = arith.andi %not3A_1049, %ge3A_1051 : i1
        %jit3A_1053 = arith.constant 4 : i32
        %select_n3A_1054 = arith.select %and3A_1052, %jit3A_1053, %select_n3A_1038 : i32
        %select_n3A_1055 = arith.select %and3A_1052, %add3A_1041, %select_n3A_1039 : i32
        %or3A_1056 = arith.ori %or3A_1040, %and3A_1052 : i1
        %add3A_1057 = arith.addi %add3A_1041, %reduce_sum3A_1047 : i32
        %get3A_1058 = arith.constant 48 : index
        %get3A_1059 = tpu.vector_load %arg6[%get3A_1058] {strides = array<i32>} : memref<256xi32, #tpu.memory_space<vmem>>, vector<16xi32>,
        %reduce_sum3A_1060 = arith.constant true
        %reduce_sum3A_1061 = vector.broadcast %reduce_sum3A_1060 : i1 to vector<16xi1>
        %reduce_sum3A_1062 = tpu.scan <sum>, %get3A_1059 masked %reduce_sum3A_1061 : vector<16xi32>, vector<16xi1> -> vector<16xi32>
        %reduce_sum3A_1063 = vector.extract %reduce_sum3A_1062[15] : i32 from vector<16xi32>
        %not3A_1064 = arith.constant true
        %not3A_1065 = arith.xori %or3A_1056, %not3A_1064 : i1
        %add3A_1066 = arith.addi %add3A_1057, %reduce_sum3A_1063 : i32
        %ge3A_1067 = arith.cmpi sge, %add3A_1066, %sub3A_787 : i32
        %and3A_1068 = arith.andi %not3A_1065, %ge3A_1067 : i1
        %jit3A_1069 = arith.constant 3 : i32
        %select_n3A_1070 = arith.select %and3A_1068, %jit3A_1069, %select_n3A_1054 : i32
        %select_n3A_1071 = arith.select %and3A_1068, %add3A_1057, %select_n3A_1055 : i32
        %or3A_1072 = arith.ori %or3A_1056, %and3A_1068 : i1
        %add3A_1073 = arith.addi %add3A_1057, %reduce_sum3A_1063 : i32
        %get3A_1074 = arith.constant 32 : index
        %get3A_1075 = tpu.vector_load %arg6[%get3A_1074] {strides = array<i32>} : memref<256xi32, #tpu.memory_space<vmem>>, vector<16xi32>,
        %reduce_sum3A_1076 = arith.constant true
        %reduce_sum3A_1077 = vector.broadcast %reduce_sum3A_1076 : i1 to vector<16xi1>
        %reduce_sum3A_1078 = tpu.scan <sum>, %get3A_1075 masked %reduce_sum3A_1077 : vector<16xi32>, vector<16xi1> -> vector<16xi32>
        %reduce_sum3A_1079 = vector.extract %reduce_sum3A_1078[15] : i32 from vector<16xi32>
        %not3A_1080 = arith.constant true
        %not3A_1081 = arith.xori %or3A_1072, %not3A_1080 : i1
        %add3A_1082 = arith.addi %add3A_1073, %reduce_sum3A_1079 : i32
        %ge3A_1083 = arith.cmpi sge, %add3A_1082, %sub3A_787 : i32
        %and3A_1084 = arith.andi %not3A_1081, %ge3A_1083 : i1
        %jit3A_1085 = arith.constant 2 : i32
        %select_n3A_1086 = arith.select %and3A_1084, %jit3A_1085, %select_n3A_1070 : i32
        %select_n3A_1087 = arith.select %and3A_1084, %add3A_1073, %select_n3A_1071 : i32
        %or3A_1088 = arith.ori %or3A_1072, %and3A_1084 : i1
        %add3A_1089 = arith.addi %add3A_1073, %reduce_sum3A_1079 : i32
        %get3A_1090 = arith.constant 16 : index
        %get3A_1091 = tpu.vector_load %arg6[%get3A_1090] {strides = array<i32>} : memref<256xi32, #tpu.memory_space<vmem>>, vector<16xi32>,
        %reduce_sum3A_1092 = arith.constant true
        %reduce_sum3A_1093 = vector.broadcast %reduce_sum3A_1092 : i1 to vector<16xi1>
        %reduce_sum3A_1094 = tpu.scan <sum>, %get3A_1091 masked %reduce_sum3A_1093 : vector<16xi32>, vector<16xi1> -> vector<16xi32>
        %reduce_sum3A_1095 = vector.extract %reduce_sum3A_1094[15] : i32 from vector<16xi32>
        %not3A_1096 = arith.constant true
        %not3A_1097 = arith.xori %or3A_1088, %not3A_1096 : i1
        %add3A_1098 = arith.addi %add3A_1089, %reduce_sum3A_1095 : i32
        %ge3A_1099 = arith.cmpi sge, %add3A_1098, %sub3A_787 : i32
        %and3A_1100 = arith.andi %not3A_1097, %ge3A_1099 : i1
        %jit3A_1101 = arith.constant 1 : i32
        %select_n3A_1102 = arith.select %and3A_1100, %jit3A_1101, %select_n3A_1086 : i32
        %select_n3A_1103 = arith.select %and3A_1100, %add3A_1089, %select_n3A_1087 : i32
        %or3A_1104 = arith.ori %or3A_1088, %and3A_1100 : i1
        %add3A_1105 = arith.addi %add3A_1089, %reduce_sum3A_1095 : i32
        %get3A_1106 = arith.constant 0 : index
        %get3A_1107 = tpu.vector_load %arg6[%get3A_1106] {strides = array<i32>} : memref<256xi32, #tpu.memory_space<vmem>>, vector<16xi32>,
        %reduce_sum3A_1108 = arith.constant true
        %reduce_sum3A_1109 = vector.broadcast %reduce_sum3A_1108 : i1 to vector<16xi1>
        %reduce_sum3A_1110 = tpu.scan <sum>, %get3A_1107 masked %reduce_sum3A_1109 : vector<16xi32>, vector<16xi1> -> vector<16xi32>
        %reduce_sum3A_1111 = vector.extract %reduce_sum3A_1110[15] : i32 from vector<16xi32>
        %not3A_1112 = arith.constant true
        %not3A_1113 = arith.xori %or3A_1104, %not3A_1112 : i1
        %add3A_1114 = arith.addi %add3A_1105, %reduce_sum3A_1111 : i32
        %ge3A_1115 = arith.cmpi sge, %add3A_1114, %sub3A_787 : i32
        %and3A_1116 = arith.andi %not3A_1113, %ge3A_1115 : i1
        %jit3A_1117 = arith.constant 0 : i32
        %select_n3A_1118 = arith.select %and3A_1116, %jit3A_1117, %select_n3A_1102 : i32
        %select_n3A_1119 = arith.select %and3A_1116, %add3A_1105, %select_n3A_1103 : i32
        %or3A_1120 = arith.ori %or3A_1104, %and3A_1116 : i1
        %add3A_1121 = arith.addi %add3A_1105, %reduce_sum3A_1111 : i32
        %sub3A_1122 = arith.subi %sub3A_787, %select_n3A_1119 : i32
        %mul3A_1123 = arith.constant 16 : i32
        %mul3A_1124 = arith.muli %select_n3A_1118, %mul3A_1123 : i32
        %get3A_1125 = arith.index_cast %mul3A_1124 : i32 to index
        %get3A_1126 = tpu.vector_load %arg6[%get3A_1125] {strides = array<i32>} : memref<256xi32, #tpu.memory_space<vmem>>, vector<16xi32>,
        %rev3A_1127 = arith.constant 15 : i32
        %rev3A_1128 = vector.broadcast %rev3A_1127 : i32 to vector<16xi32>
        %rev3A_1129 = tpu.iota {dimensions = array<i32: 0>} : vector<16xi32>
        %rev3A_1130 = arith.subi %rev3A_1128, %rev3A_1129 : vector<16xi32>
        %rev3A_1131 = tpu.dynamic_gather %get3A_1126[%rev3A_1130] in [0] : vector<16xi32>, vector<16xi32> -> vector<16xi32>
        %broadcast_in_dim3A_1132 = arith.constant true
        %broadcast_in_dim3A_1133 = vector.broadcast %broadcast_in_dim3A_1132 : i1 to vector<16xi1>
        %masked_cumsum3A_1134 = tpu.scan <sum>, %rev3A_1131 masked %broadcast_in_dim3A_1133 : vector<16xi32>, vector<16xi1> -> vector<16xi32>
        %ge3A_1135 = vector.broadcast %sub3A_1122 : i32 to vector<16xi32>
        %ge3A_1136 = arith.cmpi sge, %masked_cumsum3A_1134, %ge3A_1135 : vector<16xi32>
        %sub3A_1137 = arith.subi %masked_cumsum3A_1134, %rev3A_1131 : vector<16xi32>
        %lt3A_1138 = vector.broadcast %sub3A_1122 : i32 to vector<16xi32>
        %lt3A_1139 = arith.cmpi slt, %sub3A_1137, %lt3A_1138 : vector<16xi32>
        %and3A_1140 = arith.andi %ge3A_1136, %lt3A_1139 : vector<16xi1>
        %broadcast_in_dim3A_1141 = arith.constant 0 : i32
        %broadcast_in_dim3A_1142 = vector.broadcast %broadcast_in_dim3A_1141 : i32 to vector<16xi32>
        %select_n3A_1143 = arith.select %and3A_1140, %rev3A_1131, %broadcast_in_dim3A_1142 : vector<16xi1>, vector<16xi32>
        %reduce_sum3A_1144 = arith.constant true
        %reduce_sum3A_1145 = vector.broadcast %reduce_sum3A_1144 : i1 to vector<16xi1>
        %reduce_sum3A_1146 = tpu.scan <sum>, %select_n3A_1143 masked %reduce_sum3A_1145 : vector<16xi32>, vector<16xi1> -> vector<16xi32>
        %reduce_sum3A_1147 = vector.extract %reduce_sum3A_1146[15] : i32 from vector<16xi32>
        %sub3A_1148 = arith.subi %masked_cumsum3A_1134, %rev3A_1131 : vector<16xi32>
        %select_n3A_1149 = arith.select %and3A_1140, %sub3A_1148, %broadcast_in_dim3A_1142 : vector<16xi1>, vector<16xi32>
        %reduce_sum3A_1150 = arith.constant true
        %reduce_sum3A_1151 = vector.broadcast %reduce_sum3A_1150 : i1 to vector<16xi1>
        %reduce_sum3A_1152 = tpu.scan <sum>, %select_n3A_1149 masked %reduce_sum3A_1151 : vector<16xi32>, vector<16xi1> -> vector<16xi32>
        %reduce_sum3A_1153 = vector.extract %reduce_sum3A_1152[15] : i32 from vector<16xi32>
        %iota3A_1154 = tpu.iota {dimensions = array<i32: 0>} : vector<16xi32>
        %select_n3A_1155 = arith.select %and3A_1140, %iota3A_1154, %broadcast_in_dim3A_1142 : vector<16xi1>, vector<16xi32>
        %reduce_sum3A_1156 = arith.constant true
        %reduce_sum3A_1157 = vector.broadcast %reduce_sum3A_1156 : i1 to vector<16xi1>
        %reduce_sum3A_1158 = tpu.scan <sum>, %select_n3A_1155 masked %reduce_sum3A_1157 : vector<16xi32>, vector<16xi1> -> vector<16xi32>
        %reduce_sum3A_1159 = vector.extract %reduce_sum3A_1158[15] : i32 from vector<16xi32>
        %mul3A_1160 = arith.constant 16 : i32
        %mul3A_1161 = arith.muli %select_n3A_1118, %mul3A_1160 : i32
        %sub3A_1162 = arith.constant 15 : i32
        %sub3A_1163 = arith.subi %sub3A_1162, %reduce_sum3A_1159 : i32
        %add3A_1164 = arith.addi %mul3A_1161, %sub3A_1163 : i32
        %add3A_1165 = arith.addi %select_n3A_1119, %reduce_sum3A_1153 : i32
        %shift_left3A_1166 = arith.constant 8 : i32
        %shift_left3A_1167 = arith.shli %or3A_786, %shift_left3A_1166 : i32
        %or3A_1168 = arith.ori %shift_left3A_1167, %add3A_1164 : i32
        %sub3A_1169 = arith.subi %sub3A_787, %add3A_1165 : i32
        %add3A_1170 = arith.addi %add3A_788, %add3A_1165 : i32
        %broadcast_in_dim3A_1171 = arith.constant 0 : i32
        %broadcast_in_dim3A_1172 = vector.broadcast %broadcast_in_dim3A_1171 : i32 to vector<16xi32>
        %swap3A_1173 = arith.constant 0 : index
        %swap3A_1174 = tpu.vector_load %arg6[%swap3A_1173] {strides = array<i32>} : memref<256xi32, #tpu.memory_space<vmem>>, vector<16xi32>,
        tpu.vector_store %arg6[%swap3A_1173], %broadcast_in_dim3A_1172 {strides = array<i32>} : memref<256xi32, #tpu.memory_space<vmem>>, vector<16xi32>,
        %broadcast_in_dim3A_1175 = arith.constant 0 : i32
        %broadcast_in_dim3A_1176 = vector.broadcast %broadcast_in_dim3A_1175 : i32 to vector<16xi32>
        %swap3A_1177 = arith.constant 16 : index
        %swap3A_1178 = tpu.vector_load %arg6[%swap3A_1177] {strides = array<i32>} : memref<256xi32, #tpu.memory_space<vmem>>, vector<16xi32>,
        tpu.vector_store %arg6[%swap3A_1177], %broadcast_in_dim3A_1176 {strides = array<i32>} : memref<256xi32, #tpu.memory_space<vmem>>, vector<16xi32>,
        %broadcast_in_dim3A_1179 = arith.constant 0 : i32
        %broadcast_in_dim3A_1180 = vector.broadcast %broadcast_in_dim3A_1179 : i32 to vector<16xi32>
        %swap3A_1181 = arith.constant 32 : index
        %swap3A_1182 = tpu.vector_load %arg6[%swap3A_1181] {strides = array<i32>} : memref<256xi32, #tpu.memory_space<vmem>>, vector<16xi32>,
        tpu.vector_store %arg6[%swap3A_1181], %broadcast_in_dim3A_1180 {strides = array<i32>} : memref<256xi32, #tpu.memory_space<vmem>>, vector<16xi32>,
        %broadcast_in_dim3A_1183 = arith.constant 0 : i32
        %broadcast_in_dim3A_1184 = vector.broadcast %broadcast_in_dim3A_1183 : i32 to vector<16xi32>
        %swap3A_1185 = arith.constant 48 : index
        %swap3A_1186 = tpu.vector_load %arg6[%swap3A_1185] {strides = array<i32>} : memref<256xi32, #tpu.memory_space<vmem>>, vector<16xi32>,
        tpu.vector_store %arg6[%swap3A_1185], %broadcast_in_dim3A_1184 {strides = array<i32>} : memref<256xi32, #tpu.memory_space<vmem>>, vector<16xi32>,
        %broadcast_in_dim3A_1187 = arith.constant 0 : i32
        %broadcast_in_dim3A_1188 = vector.broadcast %broadcast_in_dim3A_1187 : i32 to vector<16xi32>
        %swap3A_1189 = arith.constant 64 : index
        %swap3A_1190 = tpu.vector_load %arg6[%swap3A_1189] {strides = array<i32>} : memref<256xi32, #tpu.memory_space<vmem>>, vector<16xi32>,
        tpu.vector_store %arg6[%swap3A_1189], %broadcast_in_dim3A_1188 {strides = array<i32>} : memref<256xi32, #tpu.memory_space<vmem>>, vector<16xi32>,
        %broadcast_in_dim3A_1191 = arith.constant 0 : i32
        %broadcast_in_dim3A_1192 = vector.broadcast %broadcast_in_dim3A_1191 : i32 to vector<16xi32>
        %swap3A_1193 = arith.constant 80 : index
        %swap3A_1194 = tpu.vector_load %arg6[%swap3A_1193] {strides = array<i32>} : memref<256xi32, #tpu.memory_space<vmem>>, vector<16xi32>,
        tpu.vector_store %arg6[%swap3A_1193], %broadcast_in_dim3A_1192 {strides = array<i32>} : memref<256xi32, #tpu.memory_space<vmem>>, vector<16xi32>,
        %broadcast_in_dim3A_1195 = arith.constant 0 : i32
        %broadcast_in_dim3A_1196 = vector.broadcast %broadcast_in_dim3A_1195 : i32 to vector<16xi32>
        %swap3A_1197 = arith.constant 96 : index
        %swap3A_1198 = tpu.vector_load %arg6[%swap3A_1197] {strides = array<i32>} : memref<256xi32, #tpu.memory_space<vmem>>, vector<16xi32>,
        tpu.vector_store %arg6[%swap3A_1197], %broadcast_in_dim3A_1196 {strides = array<i32>} : memref<256xi32, #tpu.memory_space<vmem>>, vector<16xi32>,
        %broadcast_in_dim3A_1199 = arith.constant 0 : i32
        %broadcast_in_dim3A_1200 = vector.broadcast %broadcast_in_dim3A_1199 : i32 to vector<16xi32>
        %swap3A_1201 = arith.constant 112 : index
        %swap3A_1202 = tpu.vector_load %arg6[%swap3A_1201] {strides = array<i32>} : memref<256xi32, #tpu.memory_space<vmem>>, vector<16xi32>,
        tpu.vector_store %arg6[%swap3A_1201], %broadcast_in_dim3A_1200 {strides = array<i32>} : memref<256xi32, #tpu.memory_space<vmem>>, vector<16xi32>,
        %scan3A_1203 = arith.constant 0 : i32
        %scan3A_1204 = arith.constant 0 : i32
        %scan3A_1205 = arith.constant 128 : i32
        %scan3A_1206 = arith.addi %scan3A_1204, %scan3A_1205 : i32
        %scan3A_1207 = arith.constant 8 : i32
        scf.for %scan3A_1406 = %scan3A_1204 to %scan3A_1206 step %scan3A_1207  : i32 {
          %mul3A_1407 = arith.constant 16 : i32
          %mul3A_1408 = arith.muli %scan3A_1406, %mul3A_1407 : i32
          %get3A_1409 = arith.index_cast %scan3A_19 : i32 to index
          %get3A_1410 = arith.index_cast %mul3A_1408 : i32 to index
          %get3A_1411 = tpu.vector_load %arg4[%get3A_1409, %get3A_1410] {strides = array<i32>} : memref<8x2048xf32, #tpu.memory_space<vmem>>, vector<16xf32>,
          %bitcast_convert_type3A = tpu.bitcast %get3A_1411 : vector<16xf32> -> vector<16xi32>
          %and3A_1412 = arith.constant 2147483647 : i32
          %and3A_1413 = vector.broadcast %and3A_1412 : i32 to vector<16xi32>
          %and3A_1414 = arith.andi %bitcast_convert_type3A, %and3A_1413 : vector<16xi32>
          %shift_right_arithmetic3A = arith.constant 0 : i32
          %shift_right_arithmetic3A_1415 = vector.broadcast %shift_right_arithmetic3A : i32 to vector<16xi32>
          %shift_right_arithmetic3A_1416 = arith.shrsi %and3A_1414, %shift_right_arithmetic3A_1415 : vector<16xi32>
          %and3A_1417 = arith.constant 127 : i32
          %and3A_1418 = vector.broadcast %and3A_1417 : i32 to vector<16xi32>
          %and3A_1419 = arith.andi %shift_right_arithmetic3A_1416, %and3A_1418 : vector<16xi32>
          %shift_right_arithmetic3A_1420 = arith.constant 7 : i32
          %shift_right_arithmetic3A_1421 = vector.broadcast %shift_right_arithmetic3A_1420 : i32 to vector<16xi32>
          %shift_right_arithmetic3A_1422 = arith.shrsi %and3A_1414, %shift_right_arithmetic3A_1421 : vector<16xi32>
          %eq3A = vector.broadcast %or3A_1168 : i32 to vector<16xi32>
          %eq3A_1423 = arith.cmpi eq, %shift_right_arithmetic3A_1422, %eq3A : vector<16xi32>
          tpu.vector_store_idx %arg6[%and3A_1419], %broadcast_in_dim3A_1 masked %eq3A_1423 {add = true} : memref<256xi32, #tpu.memory_space<vmem>>[vector<16xi32>], vector<16xi32>, vector<16xi1>
          %scan3A_1424 = arith.constant 1 : i32
          %scan3A_1425 = arith.addi %scan3A_1406, %scan3A_1424 : i32
          %mul3A_1426 = arith.constant 16 : i32
          %mul3A_1427 = arith.muli %scan3A_1425, %mul3A_1426 : i32
          %get3A_1428 = arith.index_cast %scan3A_19 : i32 to index
          %get3A_1429 = arith.index_cast %mul3A_1427 : i32 to index
          %get3A_1430 = tpu.vector_load %arg4[%get3A_1428, %get3A_1429] {strides = array<i32>} : memref<8x2048xf32, #tpu.memory_space<vmem>>, vector<16xf32>,
          %bitcast_convert_type3A_1431 = tpu.bitcast %get3A_1430 : vector<16xf32> -> vector<16xi32>
          %and3A_1432 = arith.constant 2147483647 : i32
          %and3A_1433 = vector.broadcast %and3A_1432 : i32 to vector<16xi32>
          %and3A_1434 = arith.andi %bitcast_convert_type3A_1431, %and3A_1433 : vector<16xi32>
          %shift_right_arithmetic3A_1435 = arith.constant 0 : i32
          %shift_right_arithmetic3A_1436 = vector.broadcast %shift_right_arithmetic3A_1435 : i32 to vector<16xi32>
          %shift_right_arithmetic3A_1437 = arith.shrsi %and3A_1434, %shift_right_arithmetic3A_1436 : vector<16xi32>
          %and3A_1438 = arith.constant 127 : i32
          %and3A_1439 = vector.broadcast %and3A_1438 : i32 to vector<16xi32>
          %and3A_1440 = arith.andi %shift_right_arithmetic3A_1437, %and3A_1439 : vector<16xi32>
          %shift_right_arithmetic3A_1441 = arith.constant 7 : i32
          %shift_right_arithmetic3A_1442 = vector.broadcast %shift_right_arithmetic3A_1441 : i32 to vector<16xi32>
          %shift_right_arithmetic3A_1443 = arith.shrsi %and3A_1434, %shift_right_arithmetic3A_1442 : vector<16xi32>
          %eq3A_1444 = vector.broadcast %or3A_1168 : i32 to vector<16xi32>
          %eq3A_1445 = arith.cmpi eq, %shift_right_arithmetic3A_1443, %eq3A_1444 : vector<16xi32>
          tpu.vector_store_idx %arg6[%and3A_1440], %broadcast_in_dim3A_1 masked %eq3A_1445 {add = true} : memref<256xi32, #tpu.memory_space<vmem>>[vector<16xi32>], vector<16xi32>, vector<16xi1>
          %scan3A_1446 = arith.constant 2 : i32
          %scan3A_1447 = arith.addi %scan3A_1406, %scan3A_1446 : i32
          %mul3A_1448 = arith.constant 16 : i32
          %mul3A_1449 = arith.muli %scan3A_1447, %mul3A_1448 : i32
          %get3A_1450 = arith.index_cast %scan3A_19 : i32 to index
          %get3A_1451 = arith.index_cast %mul3A_1449 : i32 to index
          %get3A_1452 = tpu.vector_load %arg4[%get3A_1450, %get3A_1451] {strides = array<i32>} : memref<8x2048xf32, #tpu.memory_space<vmem>>, vector<16xf32>,
          %bitcast_convert_type3A_1453 = tpu.bitcast %get3A_1452 : vector<16xf32> -> vector<16xi32>
          %and3A_1454 = arith.constant 2147483647 : i32
          %and3A_1455 = vector.broadcast %and3A_1454 : i32 to vector<16xi32>
          %and3A_1456 = arith.andi %bitcast_convert_type3A_1453, %and3A_1455 : vector<16xi32>
          %shift_right_arithmetic3A_1457 = arith.constant 0 : i32
          %shift_right_arithmetic3A_1458 = vector.broadcast %shift_right_arithmetic3A_1457 : i32 to vector<16xi32>
          %shift_right_arithmetic3A_1459 = arith.shrsi %and3A_1456, %shift_right_arithmetic3A_1458 : vector<16xi32>
          %and3A_1460 = arith.constant 127 : i32
          %and3A_1461 = vector.broadcast %and3A_1460 : i32 to vector<16xi32>
          %and3A_1462 = arith.andi %shift_right_arithmetic3A_1459, %and3A_1461 : vector<16xi32>
          %shift_right_arithmetic3A_1463 = arith.constant 7 : i32
          %shift_right_arithmetic3A_1464 = vector.broadcast %shift_right_arithmetic3A_1463 : i32 to vector<16xi32>
          %shift_right_arithmetic3A_1465 = arith.shrsi %and3A_1456, %shift_right_arithmetic3A_1464 : vector<16xi32>
          %eq3A_1466 = vector.broadcast %or3A_1168 : i32 to vector<16xi32>
          %eq3A_1467 = arith.cmpi eq, %shift_right_arithmetic3A_1465, %eq3A_1466 : vector<16xi32>
          tpu.vector_store_idx %arg6[%and3A_1462], %broadcast_in_dim3A_1 masked %eq3A_1467 {add = true} : memref<256xi32, #tpu.memory_space<vmem>>[vector<16xi32>], vector<16xi32>, vector<16xi1>
          %scan3A_1468 = arith.constant 3 : i32
          %scan3A_1469 = arith.addi %scan3A_1406, %scan3A_1468 : i32
          %mul3A_1470 = arith.constant 16 : i32
          %mul3A_1471 = arith.muli %scan3A_1469, %mul3A_1470 : i32
          %get3A_1472 = arith.index_cast %scan3A_19 : i32 to index
          %get3A_1473 = arith.index_cast %mul3A_1471 : i32 to index
          %get3A_1474 = tpu.vector_load %arg4[%get3A_1472, %get3A_1473] {strides = array<i32>} : memref<8x2048xf32, #tpu.memory_space<vmem>>, vector<16xf32>,
          %bitcast_convert_type3A_1475 = tpu.bitcast %get3A_1474 : vector<16xf32> -> vector<16xi32>
          %and3A_1476 = arith.constant 2147483647 : i32
          %and3A_1477 = vector.broadcast %and3A_1476 : i32 to vector<16xi32>
          %and3A_1478 = arith.andi %bitcast_convert_type3A_1475, %and3A_1477 : vector<16xi32>
          %shift_right_arithmetic3A_1479 = arith.constant 0 : i32
          %shift_right_arithmetic3A_1480 = vector.broadcast %shift_right_arithmetic3A_1479 : i32 to vector<16xi32>
          %shift_right_arithmetic3A_1481 = arith.shrsi %and3A_1478, %shift_right_arithmetic3A_1480 : vector<16xi32>
          %and3A_1482 = arith.constant 127 : i32
          %and3A_1483 = vector.broadcast %and3A_1482 : i32 to vector<16xi32>
          %and3A_1484 = arith.andi %shift_right_arithmetic3A_1481, %and3A_1483 : vector<16xi32>
          %shift_right_arithmetic3A_1485 = arith.constant 7 : i32
          %shift_right_arithmetic3A_1486 = vector.broadcast %shift_right_arithmetic3A_1485 : i32 to vector<16xi32>
          %shift_right_arithmetic3A_1487 = arith.shrsi %and3A_1478, %shift_right_arithmetic3A_1486 : vector<16xi32>
          %eq3A_1488 = vector.broadcast %or3A_1168 : i32 to vector<16xi32>
          %eq3A_1489 = arith.cmpi eq, %shift_right_arithmetic3A_1487, %eq3A_1488 : vector<16xi32>
          tpu.vector_store_idx %arg6[%and3A_1484], %broadcast_in_dim3A_1 masked %eq3A_1489 {add = true} : memref<256xi32, #tpu.memory_space<vmem>>[vector<16xi32>], vector<16xi32>, vector<16xi1>
          %scan3A_1490 = arith.constant 4 : i32
          %scan3A_1491 = arith.addi %scan3A_1406, %scan3A_1490 : i32
          %mul3A_1492 = arith.constant 16 : i32
          %mul3A_1493 = arith.muli %scan3A_1491, %mul3A_1492 : i32
          %get3A_1494 = arith.index_cast %scan3A_19 : i32 to index
          %get3A_1495 = arith.index_cast %mul3A_1493 : i32 to index
          %get3A_1496 = tpu.vector_load %arg4[%get3A_1494, %get3A_1495] {strides = array<i32>} : memref<8x2048xf32, #tpu.memory_space<vmem>>, vector<16xf32>,
          %bitcast_convert_type3A_1497 = tpu.bitcast %get3A_1496 : vector<16xf32> -> vector<16xi32>
          %and3A_1498 = arith.constant 2147483647 : i32
          %and3A_1499 = vector.broadcast %and3A_1498 : i32 to vector<16xi32>
          %and3A_1500 = arith.andi %bitcast_convert_type3A_1497, %and3A_1499 : vector<16xi32>
          %shift_right_arithmetic3A_1501 = arith.constant 0 : i32
          %shift_right_arithmetic3A_1502 = vector.broadcast %shift_right_arithmetic3A_1501 : i32 to vector<16xi32>
          %shift_right_arithmetic3A_1503 = arith.shrsi %and3A_1500, %shift_right_arithmetic3A_1502 : vector<16xi32>
          %and3A_1504 = arith.constant 127 : i32
          %and3A_1505 = vector.broadcast %and3A_1504 : i32 to vector<16xi32>
          %and3A_1506 = arith.andi %shift_right_arithmetic3A_1503, %and3A_1505 : vector<16xi32>
          %shift_right_arithmetic3A_1507 = arith.constant 7 : i32
          %shift_right_arithmetic3A_1508 = vector.broadcast %shift_right_arithmetic3A_1507 : i32 to vector<16xi32>
          %shift_right_arithmetic3A_1509 = arith.shrsi %and3A_1500, %shift_right_arithmetic3A_1508 : vector<16xi32>
          %eq3A_1510 = vector.broadcast %or3A_1168 : i32 to vector<16xi32>
          %eq3A_1511 = arith.cmpi eq, %shift_right_arithmetic3A_1509, %eq3A_1510 : vector<16xi32>
          tpu.vector_store_idx %arg6[%and3A_1506], %broadcast_in_dim3A_1 masked %eq3A_1511 {add = true} : memref<256xi32, #tpu.memory_space<vmem>>[vector<16xi32>], vector<16xi32>, vector<16xi1>
          %scan3A_1512 = arith.constant 5 : i32
          %scan3A_1513 = arith.addi %scan3A_1406, %scan3A_1512 : i32
          %mul3A_1514 = arith.constant 16 : i32
          %mul3A_1515 = arith.muli %scan3A_1513, %mul3A_1514 : i32
          %get3A_1516 = arith.index_cast %scan3A_19 : i32 to index
          %get3A_1517 = arith.index_cast %mul3A_1515 : i32 to index
          %get3A_1518 = tpu.vector_load %arg4[%get3A_1516, %get3A_1517] {strides = array<i32>} : memref<8x2048xf32, #tpu.memory_space<vmem>>, vector<16xf32>,
          %bitcast_convert_type3A_1519 = tpu.bitcast %get3A_1518 : vector<16xf32> -> vector<16xi32>
          %and3A_1520 = arith.constant 2147483647 : i32
          %and3A_1521 = vector.broadcast %and3A_1520 : i32 to vector<16xi32>
          %and3A_1522 = arith.andi %bitcast_convert_type3A_1519, %and3A_1521 : vector<16xi32>
          %shift_right_arithmetic3A_1523 = arith.constant 0 : i32
          %shift_right_arithmetic3A_1524 = vector.broadcast %shift_right_arithmetic3A_1523 : i32 to vector<16xi32>
          %shift_right_arithmetic3A_1525 = arith.shrsi %and3A_1522, %shift_right_arithmetic3A_1524 : vector<16xi32>
          %and3A_1526 = arith.constant 127 : i32
          %and3A_1527 = vector.broadcast %and3A_1526 : i32 to vector<16xi32>
          %and3A_1528 = arith.andi %shift_right_arithmetic3A_1525, %and3A_1527 : vector<16xi32>
          %shift_right_arithmetic3A_1529 = arith.constant 7 : i32
          %shift_right_arithmetic3A_1530 = vector.broadcast %shift_right_arithmetic3A_1529 : i32 to vector<16xi32>
          %shift_right_arithmetic3A_1531 = arith.shrsi %and3A_1522, %shift_right_arithmetic3A_1530 : vector<16xi32>
          %eq3A_1532 = vector.broadcast %or3A_1168 : i32 to vector<16xi32>
          %eq3A_1533 = arith.cmpi eq, %shift_right_arithmetic3A_1531, %eq3A_1532 : vector<16xi32>
          tpu.vector_store_idx %arg6[%and3A_1528], %broadcast_in_dim3A_1 masked %eq3A_1533 {add = true} : memref<256xi32, #tpu.memory_space<vmem>>[vector<16xi32>], vector<16xi32>, vector<16xi1>
          %scan3A_1534 = arith.constant 6 : i32
          %scan3A_1535 = arith.addi %scan3A_1406, %scan3A_1534 : i32
          %mul3A_1536 = arith.constant 16 : i32
          %mul3A_1537 = arith.muli %scan3A_1535, %mul3A_1536 : i32
          %get3A_1538 = arith.index_cast %scan3A_19 : i32 to index
          %get3A_1539 = arith.index_cast %mul3A_1537 : i32 to index
          %get3A_1540 = tpu.vector_load %arg4[%get3A_1538, %get3A_1539] {strides = array<i32>} : memref<8x2048xf32, #tpu.memory_space<vmem>>, vector<16xf32>,
          %bitcast_convert_type3A_1541 = tpu.bitcast %get3A_1540 : vector<16xf32> -> vector<16xi32>
          %and3A_1542 = arith.constant 2147483647 : i32
          %and3A_1543 = vector.broadcast %and3A_1542 : i32 to vector<16xi32>
          %and3A_1544 = arith.andi %bitcast_convert_type3A_1541, %and3A_1543 : vector<16xi32>
          %shift_right_arithmetic3A_1545 = arith.constant 0 : i32
          %shift_right_arithmetic3A_1546 = vector.broadcast %shift_right_arithmetic3A_1545 : i32 to vector<16xi32>
          %shift_right_arithmetic3A_1547 = arith.shrsi %and3A_1544, %shift_right_arithmetic3A_1546 : vector<16xi32>
          %and3A_1548 = arith.constant 127 : i32
          %and3A_1549 = vector.broadcast %and3A_1548 : i32 to vector<16xi32>
          %and3A_1550 = arith.andi %shift_right_arithmetic3A_1547, %and3A_1549 : vector<16xi32>
          %shift_right_arithmetic3A_1551 = arith.constant 7 : i32
          %shift_right_arithmetic3A_1552 = vector.broadcast %shift_right_arithmetic3A_1551 : i32 to vector<16xi32>
          %shift_right_arithmetic3A_1553 = arith.shrsi %and3A_1544, %shift_right_arithmetic3A_1552 : vector<16xi32>
          %eq3A_1554 = vector.broadcast %or3A_1168 : i32 to vector<16xi32>
          %eq3A_1555 = arith.cmpi eq, %shift_right_arithmetic3A_1553, %eq3A_1554 : vector<16xi32>
          tpu.vector_store_idx %arg6[%and3A_1550], %broadcast_in_dim3A_1 masked %eq3A_1555 {add = true} : memref<256xi32, #tpu.memory_space<vmem>>[vector<16xi32>], vector<16xi32>, vector<16xi1>
          %scan3A_1556 = arith.constant 7 : i32
          %scan3A_1557 = arith.addi %scan3A_1406, %scan3A_1556 : i32
          %mul3A_1558 = arith.constant 16 : i32
          %mul3A_1559 = arith.muli %scan3A_1557, %mul3A_1558 : i32
          %get3A_1560 = arith.index_cast %scan3A_19 : i32 to index
          %get3A_1561 = arith.index_cast %mul3A_1559 : i32 to index
          %get3A_1562 = tpu.vector_load %arg4[%get3A_1560, %get3A_1561] {strides = array<i32>} : memref<8x2048xf32, #tpu.memory_space<vmem>>, vector<16xf32>,
          %bitcast_convert_type3A_1563 = tpu.bitcast %get3A_1562 : vector<16xf32> -> vector<16xi32>
          %and3A_1564 = arith.constant 2147483647 : i32
          %and3A_1565 = vector.broadcast %and3A_1564 : i32 to vector<16xi32>
          %and3A_1566 = arith.andi %bitcast_convert_type3A_1563, %and3A_1565 : vector<16xi32>
          %shift_right_arithmetic3A_1567 = arith.constant 0 : i32
          %shift_right_arithmetic3A_1568 = vector.broadcast %shift_right_arithmetic3A_1567 : i32 to vector<16xi32>
          %shift_right_arithmetic3A_1569 = arith.shrsi %and3A_1566, %shift_right_arithmetic3A_1568 : vector<16xi32>
          %and3A_1570 = arith.constant 127 : i32
          %and3A_1571 = vector.broadcast %and3A_1570 : i32 to vector<16xi32>
          %and3A_1572 = arith.andi %shift_right_arithmetic3A_1569, %and3A_1571 : vector<16xi32>
          %shift_right_arithmetic3A_1573 = arith.constant 7 : i32
          %shift_right_arithmetic3A_1574 = vector.broadcast %shift_right_arithmetic3A_1573 : i32 to vector<16xi32>
          %shift_right_arithmetic3A_1575 = arith.shrsi %and3A_1566, %shift_right_arithmetic3A_1574 : vector<16xi32>
          %eq3A_1576 = vector.broadcast %or3A_1168 : i32 to vector<16xi32>
          %eq3A_1577 = arith.cmpi eq, %shift_right_arithmetic3A_1575, %eq3A_1576 : vector<16xi32>
          tpu.vector_store_idx %arg6[%and3A_1572], %broadcast_in_dim3A_1 masked %eq3A_1577 {add = true} : memref<256xi32, #tpu.memory_space<vmem>>[vector<16xi32>], vector<16xi32>, vector<16xi1>
        }
        %scan3A_1208 = arith.constant 128 : i32
        %get3A_1209 = arith.constant 112 : index
        %get3A_1210 = tpu.vector_load %arg6[%get3A_1209] {strides = array<i32>} : memref<256xi32, #tpu.memory_space<vmem>>, vector<16xi32>,
        %reduce_sum3A_1211 = arith.constant true
        %reduce_sum3A_1212 = vector.broadcast %reduce_sum3A_1211 : i1 to vector<16xi1>
        %reduce_sum3A_1213 = tpu.scan <sum>, %get3A_1210 masked %reduce_sum3A_1212 : vector<16xi32>, vector<16xi1> -> vector<16xi32>
        %reduce_sum3A_1214 = vector.extract %reduce_sum3A_1213[15] : i32 from vector<16xi32>
        %not3A_1215 = arith.constant false
        %not3A_1216 = arith.constant true
        %not3A_1217 = arith.xori %not3A_1215, %not3A_1216 : i1
        %add3A_1218 = arith.constant 0 : i32
        %add3A_1219 = arith.addi %add3A_1218, %reduce_sum3A_1214 : i32
        %ge3A_1220 = arith.cmpi sge, %add3A_1219, %sub3A_1169 : i32
        %and3A_1221 = arith.andi %not3A_1217, %ge3A_1220 : i1
        %jit3A_1222 = arith.constant 7 : i32
        %jit3A_1223 = arith.constant 0 : i32
        %select_n3A_1224 = arith.select %and3A_1221, %jit3A_1222, %jit3A_1223 : i32
        %jit3A_1225 = arith.constant 0 : i32
        %jit3A_1226 = arith.constant 0 : i32
        %select_n3A_1227 = arith.select %and3A_1221, %jit3A_1225, %jit3A_1226 : i32
        %or3A_1228 = arith.constant false
        %or3A_1229 = arith.ori %or3A_1228, %and3A_1221 : i1
        %add3A_1230 = arith.constant 0 : i32
        %add3A_1231 = arith.addi %add3A_1230, %reduce_sum3A_1214 : i32
        %get3A_1232 = arith.constant 96 : index
        %get3A_1233 = tpu.vector_load %arg6[%get3A_1232] {strides = array<i32>} : memref<256xi32, #tpu.memory_space<vmem>>, vector<16xi32>,
        %reduce_sum3A_1234 = arith.constant true
        %reduce_sum3A_1235 = vector.broadcast %reduce_sum3A_1234 : i1 to vector<16xi1>
        %reduce_sum3A_1236 = tpu.scan <sum>, %get3A_1233 masked %reduce_sum3A_1235 : vector<16xi32>, vector<16xi1> -> vector<16xi32>
        %reduce_sum3A_1237 = vector.extract %reduce_sum3A_1236[15] : i32 from vector<16xi32>
        %not3A_1238 = arith.constant true
        %not3A_1239 = arith.xori %or3A_1229, %not3A_1238 : i1
        %add3A_1240 = arith.addi %add3A_1231, %reduce_sum3A_1237 : i32
        %ge3A_1241 = arith.cmpi sge, %add3A_1240, %sub3A_1169 : i32
        %and3A_1242 = arith.andi %not3A_1239, %ge3A_1241 : i1
        %jit3A_1243 = arith.constant 6 : i32
        %select_n3A_1244 = arith.select %and3A_1242, %jit3A_1243, %select_n3A_1224 : i32
        %select_n3A_1245 = arith.select %and3A_1242, %add3A_1231, %select_n3A_1227 : i32
        %or3A_1246 = arith.ori %or3A_1229, %and3A_1242 : i1
        %add3A_1247 = arith.addi %add3A_1231, %reduce_sum3A_1237 : i32
        %get3A_1248 = arith.constant 80 : index
        %get3A_1249 = tpu.vector_load %arg6[%get3A_1248] {strides = array<i32>} : memref<256xi32, #tpu.memory_space<vmem>>, vector<16xi32>,
        %reduce_sum3A_1250 = arith.constant true
        %reduce_sum3A_1251 = vector.broadcast %reduce_sum3A_1250 : i1 to vector<16xi1>
        %reduce_sum3A_1252 = tpu.scan <sum>, %get3A_1249 masked %reduce_sum3A_1251 : vector<16xi32>, vector<16xi1> -> vector<16xi32>
        %reduce_sum3A_1253 = vector.extract %reduce_sum3A_1252[15] : i32 from vector<16xi32>
        %not3A_1254 = arith.constant true
        %not3A_1255 = arith.xori %or3A_1246, %not3A_1254 : i1
        %add3A_1256 = arith.addi %add3A_1247, %reduce_sum3A_1253 : i32
        %ge3A_1257 = arith.cmpi sge, %add3A_1256, %sub3A_1169 : i32
        %and3A_1258 = arith.andi %not3A_1255, %ge3A_1257 : i1
        %jit3A_1259 = arith.constant 5 : i32
        %select_n3A_1260 = arith.select %and3A_1258, %jit3A_1259, %select_n3A_1244 : i32
        %select_n3A_1261 = arith.select %and3A_1258, %add3A_1247, %select_n3A_1245 : i32
        %or3A_1262 = arith.ori %or3A_1246, %and3A_1258 : i1
        %add3A_1263 = arith.addi %add3A_1247, %reduce_sum3A_1253 : i32
        %get3A_1264 = arith.constant 64 : index
        %get3A_1265 = tpu.vector_load %arg6[%get3A_1264] {strides = array<i32>} : memref<256xi32, #tpu.memory_space<vmem>>, vector<16xi32>,
        %reduce_sum3A_1266 = arith.constant true
        %reduce_sum3A_1267 = vector.broadcast %reduce_sum3A_1266 : i1 to vector<16xi1>
        %reduce_sum3A_1268 = tpu.scan <sum>, %get3A_1265 masked %reduce_sum3A_1267 : vector<16xi32>, vector<16xi1> -> vector<16xi32>
        %reduce_sum3A_1269 = vector.extract %reduce_sum3A_1268[15] : i32 from vector<16xi32>
        %not3A_1270 = arith.constant true
        %not3A_1271 = arith.xori %or3A_1262, %not3A_1270 : i1
        %add3A_1272 = arith.addi %add3A_1263, %reduce_sum3A_1269 : i32
        %ge3A_1273 = arith.cmpi sge, %add3A_1272, %sub3A_1169 : i32
        %and3A_1274 = arith.andi %not3A_1271, %ge3A_1273 : i1
        %jit3A_1275 = arith.constant 4 : i32
        %select_n3A_1276 = arith.select %and3A_1274, %jit3A_1275, %select_n3A_1260 : i32
        %select_n3A_1277 = arith.select %and3A_1274, %add3A_1263, %select_n3A_1261 : i32
        %or3A_1278 = arith.ori %or3A_1262, %and3A_1274 : i1
        %add3A_1279 = arith.addi %add3A_1263, %reduce_sum3A_1269 : i32
        %get3A_1280 = arith.constant 48 : index
        %get3A_1281 = tpu.vector_load %arg6[%get3A_1280] {strides = array<i32>} : memref<256xi32, #tpu.memory_space<vmem>>, vector<16xi32>,
        %reduce_sum3A_1282 = arith.constant true
        %reduce_sum3A_1283 = vector.broadcast %reduce_sum3A_1282 : i1 to vector<16xi1>
        %reduce_sum3A_1284 = tpu.scan <sum>, %get3A_1281 masked %reduce_sum3A_1283 : vector<16xi32>, vector<16xi1> -> vector<16xi32>
        %reduce_sum3A_1285 = vector.extract %reduce_sum3A_1284[15] : i32 from vector<16xi32>
        %not3A_1286 = arith.constant true
        %not3A_1287 = arith.xori %or3A_1278, %not3A_1286 : i1
        %add3A_1288 = arith.addi %add3A_1279, %reduce_sum3A_1285 : i32
        %ge3A_1289 = arith.cmpi sge, %add3A_1288, %sub3A_1169 : i32
        %and3A_1290 = arith.andi %not3A_1287, %ge3A_1289 : i1
        %jit3A_1291 = arith.constant 3 : i32
        %select_n3A_1292 = arith.select %and3A_1290, %jit3A_1291, %select_n3A_1276 : i32
        %select_n3A_1293 = arith.select %and3A_1290, %add3A_1279, %select_n3A_1277 : i32
        %or3A_1294 = arith.ori %or3A_1278, %and3A_1290 : i1
        %add3A_1295 = arith.addi %add3A_1279, %reduce_sum3A_1285 : i32
        %get3A_1296 = arith.constant 32 : index
        %get3A_1297 = tpu.vector_load %arg6[%get3A_1296] {strides = array<i32>} : memref<256xi32, #tpu.memory_space<vmem>>, vector<16xi32>,
        %reduce_sum3A_1298 = arith.constant true
        %reduce_sum3A_1299 = vector.broadcast %reduce_sum3A_1298 : i1 to vector<16xi1>
        %reduce_sum3A_1300 = tpu.scan <sum>, %get3A_1297 masked %reduce_sum3A_1299 : vector<16xi32>, vector<16xi1> -> vector<16xi32>
        %reduce_sum3A_1301 = vector.extract %reduce_sum3A_1300[15] : i32 from vector<16xi32>
        %not3A_1302 = arith.constant true
        %not3A_1303 = arith.xori %or3A_1294, %not3A_1302 : i1
        %add3A_1304 = arith.addi %add3A_1295, %reduce_sum3A_1301 : i32
        %ge3A_1305 = arith.cmpi sge, %add3A_1304, %sub3A_1169 : i32
        %and3A_1306 = arith.andi %not3A_1303, %ge3A_1305 : i1
        %jit3A_1307 = arith.constant 2 : i32
        %select_n3A_1308 = arith.select %and3A_1306, %jit3A_1307, %select_n3A_1292 : i32
        %select_n3A_1309 = arith.select %and3A_1306, %add3A_1295, %select_n3A_1293 : i32
        %or3A_1310 = arith.ori %or3A_1294, %and3A_1306 : i1
        %add3A_1311 = arith.addi %add3A_1295, %reduce_sum3A_1301 : i32
        %get3A_1312 = arith.constant 16 : index
        %get3A_1313 = tpu.vector_load %arg6[%get3A_1312] {strides = array<i32>} : memref<256xi32, #tpu.memory_space<vmem>>, vector<16xi32>,
        %reduce_sum3A_1314 = arith.constant true
        %reduce_sum3A_1315 = vector.broadcast %reduce_sum3A_1314 : i1 to vector<16xi1>
        %reduce_sum3A_1316 = tpu.scan <sum>, %get3A_1313 masked %reduce_sum3A_1315 : vector<16xi32>, vector<16xi1> -> vector<16xi32>
        %reduce_sum3A_1317 = vector.extract %reduce_sum3A_1316[15] : i32 from vector<16xi32>
        %not3A_1318 = arith.constant true
        %not3A_1319 = arith.xori %or3A_1310, %not3A_1318 : i1
        %add3A_1320 = arith.addi %add3A_1311, %reduce_sum3A_1317 : i32
        %ge3A_1321 = arith.cmpi sge, %add3A_1320, %sub3A_1169 : i32
        %and3A_1322 = arith.andi %not3A_1319, %ge3A_1321 : i1
        %jit3A_1323 = arith.constant 1 : i32
        %select_n3A_1324 = arith.select %and3A_1322, %jit3A_1323, %select_n3A_1308 : i32
        %select_n3A_1325 = arith.select %and3A_1322, %add3A_1311, %select_n3A_1309 : i32
        %or3A_1326 = arith.ori %or3A_1310, %and3A_1322 : i1
        %add3A_1327 = arith.addi %add3A_1311, %reduce_sum3A_1317 : i32
        %get3A_1328 = arith.constant 0 : index
        %get3A_1329 = tpu.vector_load %arg6[%get3A_1328] {strides = array<i32>} : memref<256xi32, #tpu.memory_space<vmem>>, vector<16xi32>,
        %reduce_sum3A_1330 = arith.constant true
        %reduce_sum3A_1331 = vector.broadcast %reduce_sum3A_1330 : i1 to vector<16xi1>
        %reduce_sum3A_1332 = tpu.scan <sum>, %get3A_1329 masked %reduce_sum3A_1331 : vector<16xi32>, vector<16xi1> -> vector<16xi32>
        %reduce_sum3A_1333 = vector.extract %reduce_sum3A_1332[15] : i32 from vector<16xi32>
        %not3A_1334 = arith.constant true
        %not3A_1335 = arith.xori %or3A_1326, %not3A_1334 : i1
        %add3A_1336 = arith.addi %add3A_1327, %reduce_sum3A_1333 : i32
        %ge3A_1337 = arith.cmpi sge, %add3A_1336, %sub3A_1169 : i32
        %and3A_1338 = arith.andi %not3A_1335, %ge3A_1337 : i1
        %jit3A_1339 = arith.constant 0 : i32
        %select_n3A_1340 = arith.select %and3A_1338, %jit3A_1339, %select_n3A_1324 : i32
        %select_n3A_1341 = arith.select %and3A_1338, %add3A_1327, %select_n3A_1325 : i32
        %or3A_1342 = arith.ori %or3A_1326, %and3A_1338 : i1
        %add3A_1343 = arith.addi %add3A_1327, %reduce_sum3A_1333 : i32
        %sub3A_1344 = arith.subi %sub3A_1169, %select_n3A_1341 : i32
        %mul3A_1345 = arith.constant 16 : i32
        %mul3A_1346 = arith.muli %select_n3A_1340, %mul3A_1345 : i32
        %get3A_1347 = arith.index_cast %mul3A_1346 : i32 to index
        %get3A_1348 = tpu.vector_load %arg6[%get3A_1347] {strides = array<i32>} : memref<256xi32, #tpu.memory_space<vmem>>, vector<16xi32>,
        %rev3A_1349 = arith.constant 15 : i32
        %rev3A_1350 = vector.broadcast %rev3A_1349 : i32 to vector<16xi32>
        %rev3A_1351 = tpu.iota {dimensions = array<i32: 0>} : vector<16xi32>
        %rev3A_1352 = arith.subi %rev3A_1350, %rev3A_1351 : vector<16xi32>
        %rev3A_1353 = tpu.dynamic_gather %get3A_1348[%rev3A_1352] in [0] : vector<16xi32>, vector<16xi32> -> vector<16xi32>
        %broadcast_in_dim3A_1354 = arith.constant true
        %broadcast_in_dim3A_1355 = vector.broadcast %broadcast_in_dim3A_1354 : i1 to vector<16xi1>
        %masked_cumsum3A_1356 = tpu.scan <sum>, %rev3A_1353 masked %broadcast_in_dim3A_1355 : vector<16xi32>, vector<16xi1> -> vector<16xi32>
        %ge3A_1357 = vector.broadcast %sub3A_1344 : i32 to vector<16xi32>
        %ge3A_1358 = arith.cmpi sge, %masked_cumsum3A_1356, %ge3A_1357 : vector<16xi32>
        %sub3A_1359 = arith.subi %masked_cumsum3A_1356, %rev3A_1353 : vector<16xi32>
        %lt3A_1360 = vector.broadcast %sub3A_1344 : i32 to vector<16xi32>
        %lt3A_1361 = arith.cmpi slt, %sub3A_1359, %lt3A_1360 : vector<16xi32>
        %and3A_1362 = arith.andi %ge3A_1358, %lt3A_1361 : vector<16xi1>
        %broadcast_in_dim3A_1363 = arith.constant 0 : i32
        %broadcast_in_dim3A_1364 = vector.broadcast %broadcast_in_dim3A_1363 : i32 to vector<16xi32>
        %select_n3A_1365 = arith.select %and3A_1362, %rev3A_1353, %broadcast_in_dim3A_1364 : vector<16xi1>, vector<16xi32>
        %reduce_sum3A_1366 = arith.constant true
        %reduce_sum3A_1367 = vector.broadcast %reduce_sum3A_1366 : i1 to vector<16xi1>
        %reduce_sum3A_1368 = tpu.scan <sum>, %select_n3A_1365 masked %reduce_sum3A_1367 : vector<16xi32>, vector<16xi1> -> vector<16xi32>
        %reduce_sum3A_1369 = vector.extract %reduce_sum3A_1368[15] : i32 from vector<16xi32>
        %sub3A_1370 = arith.subi %masked_cumsum3A_1356, %rev3A_1353 : vector<16xi32>
        %select_n3A_1371 = arith.select %and3A_1362, %sub3A_1370, %broadcast_in_dim3A_1364 : vector<16xi1>, vector<16xi32>
        %reduce_sum3A_1372 = arith.constant true
        %reduce_sum3A_1373 = vector.broadcast %reduce_sum3A_1372 : i1 to vector<16xi1>
        %reduce_sum3A_1374 = tpu.scan <sum>, %select_n3A_1371 masked %reduce_sum3A_1373 : vector<16xi32>, vector<16xi1> -> vector<16xi32>
        %reduce_sum3A_1375 = vector.extract %reduce_sum3A_1374[15] : i32 from vector<16xi32>
        %iota3A_1376 = tpu.iota {dimensions = array<i32: 0>} : vector<16xi32>
        %select_n3A_1377 = arith.select %and3A_1362, %iota3A_1376, %broadcast_in_dim3A_1364 : vector<16xi1>, vector<16xi32>
        %reduce_sum3A_1378 = arith.constant true
        %reduce_sum3A_1379 = vector.broadcast %reduce_sum3A_1378 : i1 to vector<16xi1>
        %reduce_sum3A_1380 = tpu.scan <sum>, %select_n3A_1377 masked %reduce_sum3A_1379 : vector<16xi32>, vector<16xi1> -> vector<16xi32>
        %reduce_sum3A_1381 = vector.extract %reduce_sum3A_1380[15] : i32 from vector<16xi32>
        %mul3A_1382 = arith.constant 16 : i32
        %mul3A_1383 = arith.muli %select_n3A_1340, %mul3A_1382 : i32
        %sub3A_1384 = arith.constant 15 : i32
        %sub3A_1385 = arith.subi %sub3A_1384, %reduce_sum3A_1381 : i32
        %add3A_1386 = arith.addi %mul3A_1383, %sub3A_1385 : i32
        %add3A_1387 = arith.addi %select_n3A_1341, %reduce_sum3A_1375 : i32
        %shift_left3A_1388 = arith.constant 7 : i32
        %shift_left3A_1389 = arith.shli %or3A_1168, %shift_left3A_1388 : i32
        %or3A_1390 = arith.ori %shift_left3A_1389, %add3A_1386 : i32
        %sub3A_1391 = arith.subi %sub3A_1169, %add3A_1387 : i32
        %add3A_1392 = arith.addi %add3A_1170, %add3A_1387 : i32
        %add3A_1393 = arith.addi %add3A_1392, %reduce_sum3A_1369 : i32
        %broadcast_in_dim3A_1394 = arith.constant 0 : i32
        %broadcast_in_dim3A_1395 = vector.broadcast %broadcast_in_dim3A_1394 : i32 to vector<16xi32>
        %add3A_1396 = vector.broadcast %add3A_1393 : i32 to vector<16xi32>
        %add3A_1397 = arith.addi %broadcast_in_dim3A_1395, %add3A_1396 : vector<16xi32>
        %broadcast_in_dim3A_1398 = arith.constant 2.048000e+03 : f32
        %broadcast_in_dim3A_1399 = vector.broadcast %broadcast_in_dim3A_1398 : f32 to vector<16xf32>
        %convert_element_type3A = arith.sitofp %add3A_1397 : vector<16xi32> to vector<16xf32>
        %div3A = arith.divf %broadcast_in_dim3A_1399, %convert_element_type3A : vector<16xf32>
        %scan3A_1400 = arith.constant 0 : i32
        %scan3A_1401 = arith.constant 0 : i32
        %scan3A_1402 = arith.constant 128 : i32
        %scan3A_1403 = arith.addi %scan3A_1401, %scan3A_1402 : i32
        %scan3A_1404 = arith.constant 8 : i32
        scf.for %scan3A_1406 = %scan3A_1401 to %scan3A_1403 step %scan3A_1404  : i32 {
          %mul3A_1407 = arith.constant 16 : i32
          %mul3A_1408 = arith.muli %scan3A_1406, %mul3A_1407 : i32
          %get3A_1409 = arith.index_cast %scan3A_19 : i32 to index
          %get3A_1410 = arith.index_cast %mul3A_1408 : i32 to index
          %get3A_1411 = tpu.vector_load %arg4[%get3A_1409, %get3A_1410] {strides = array<i32>} : memref<8x2048xf32, #tpu.memory_space<vmem>>, vector<16xf32>,
          %bitcast_convert_type3A = tpu.bitcast %get3A_1411 : vector<16xf32> -> vector<16xi32>
          %and3A_1412 = arith.constant 2147483647 : i32
          %and3A_1413 = vector.broadcast %and3A_1412 : i32 to vector<16xi32>
          %and3A_1414 = arith.andi %bitcast_convert_type3A, %and3A_1413 : vector<16xi32>
          %ge3A_1415 = vector.broadcast %or3A_1390 : i32 to vector<16xi32>
          %ge3A_1416 = arith.cmpi sge, %and3A_1414, %ge3A_1415 : vector<16xi32>
          %mul3A_1417 = arith.mulf %get3A_1411, %div3A : vector<16xf32>
          %jit3A_1418 = arith.constant 0.000000e+00 : f32
          %broadcast_in_dim3A_1419 = vector.broadcast %jit3A_1418 : f32 to vector<16xf32>
          %select_n3A_1420 = arith.select %ge3A_1416, %mul3A_1417, %broadcast_in_dim3A_1419 : vector<16xi1>, vector<16xf32>
          %mul3A_1421 = arith.constant 16 : i32
          %mul3A_1422 = arith.muli %scan3A_1406, %mul3A_1421 : i32
          %swap3A_1423 = arith.index_cast %scan3A_19 : i32 to index
          %swap3A_1424 = arith.index_cast %mul3A_1422 : i32 to index
          %swap3A_1425 = tpu.vector_load %arg5[%swap3A_1423, %swap3A_1424] {strides = array<i32>} : memref<8x2048xf32, #tpu.memory_space<vmem>>, vector<16xf32>,
          tpu.vector_store %arg5[%swap3A_1423, %swap3A_1424], %select_n3A_1420 {strides = array<i32>} : memref<8x2048xf32, #tpu.memory_space<vmem>>, vector<16xf32>,
          %scan3A_1426 = arith.constant 1 : i32
          %scan3A_1427 = arith.addi %scan3A_1406, %scan3A_1426 : i32
          %mul3A_1428 = arith.constant 16 : i32
          %mul3A_1429 = arith.muli %scan3A_1427, %mul3A_1428 : i32
          %get3A_1430 = arith.index_cast %scan3A_19 : i32 to index
          %get3A_1431 = arith.index_cast %mul3A_1429 : i32 to index
          %get3A_1432 = tpu.vector_load %arg4[%get3A_1430, %get3A_1431] {strides = array<i32>} : memref<8x2048xf32, #tpu.memory_space<vmem>>, vector<16xf32>,
          %bitcast_convert_type3A_1433 = tpu.bitcast %get3A_1432 : vector<16xf32> -> vector<16xi32>
          %and3A_1434 = arith.constant 2147483647 : i32
          %and3A_1435 = vector.broadcast %and3A_1434 : i32 to vector<16xi32>
          %and3A_1436 = arith.andi %bitcast_convert_type3A_1433, %and3A_1435 : vector<16xi32>
          %ge3A_1437 = vector.broadcast %or3A_1390 : i32 to vector<16xi32>
          %ge3A_1438 = arith.cmpi sge, %and3A_1436, %ge3A_1437 : vector<16xi32>
          %mul3A_1439 = arith.mulf %get3A_1432, %div3A : vector<16xf32>
          %jit3A_1440 = arith.constant 0.000000e+00 : f32
          %broadcast_in_dim3A_1441 = vector.broadcast %jit3A_1440 : f32 to vector<16xf32>
          %select_n3A_1442 = arith.select %ge3A_1438, %mul3A_1439, %broadcast_in_dim3A_1441 : vector<16xi1>, vector<16xf32>
          %mul3A_1443 = arith.constant 16 : i32
          %mul3A_1444 = arith.muli %scan3A_1427, %mul3A_1443 : i32
          %swap3A_1445 = arith.index_cast %scan3A_19 : i32 to index
          %swap3A_1446 = arith.index_cast %mul3A_1444 : i32 to index
          %swap3A_1447 = tpu.vector_load %arg5[%swap3A_1445, %swap3A_1446] {strides = array<i32>} : memref<8x2048xf32, #tpu.memory_space<vmem>>, vector<16xf32>,
          tpu.vector_store %arg5[%swap3A_1445, %swap3A_1446], %select_n3A_1442 {strides = array<i32>} : memref<8x2048xf32, #tpu.memory_space<vmem>>, vector<16xf32>,
          %scan3A_1448 = arith.constant 2 : i32
          %scan3A_1449 = arith.addi %scan3A_1406, %scan3A_1448 : i32
          %mul3A_1450 = arith.constant 16 : i32
          %mul3A_1451 = arith.muli %scan3A_1449, %mul3A_1450 : i32
          %get3A_1452 = arith.index_cast %scan3A_19 : i32 to index
          %get3A_1453 = arith.index_cast %mul3A_1451 : i32 to index
          %get3A_1454 = tpu.vector_load %arg4[%get3A_1452, %get3A_1453] {strides = array<i32>} : memref<8x2048xf32, #tpu.memory_space<vmem>>, vector<16xf32>,
          %bitcast_convert_type3A_1455 = tpu.bitcast %get3A_1454 : vector<16xf32> -> vector<16xi32>
          %and3A_1456 = arith.constant 2147483647 : i32
          %and3A_1457 = vector.broadcast %and3A_1456 : i32 to vector<16xi32>
          %and3A_1458 = arith.andi %bitcast_convert_type3A_1455, %and3A_1457 : vector<16xi32>
          %ge3A_1459 = vector.broadcast %or3A_1390 : i32 to vector<16xi32>
          %ge3A_1460 = arith.cmpi sge, %and3A_1458, %ge3A_1459 : vector<16xi32>
          %mul3A_1461 = arith.mulf %get3A_1454, %div3A : vector<16xf32>
          %jit3A_1462 = arith.constant 0.000000e+00 : f32
          %broadcast_in_dim3A_1463 = vector.broadcast %jit3A_1462 : f32 to vector<16xf32>
          %select_n3A_1464 = arith.select %ge3A_1460, %mul3A_1461, %broadcast_in_dim3A_1463 : vector<16xi1>, vector<16xf32>
          %mul3A_1465 = arith.constant 16 : i32
          %mul3A_1466 = arith.muli %scan3A_1449, %mul3A_1465 : i32
          %swap3A_1467 = arith.index_cast %scan3A_19 : i32 to index
          %swap3A_1468 = arith.index_cast %mul3A_1466 : i32 to index
          %swap3A_1469 = tpu.vector_load %arg5[%swap3A_1467, %swap3A_1468] {strides = array<i32>} : memref<8x2048xf32, #tpu.memory_space<vmem>>, vector<16xf32>,
          tpu.vector_store %arg5[%swap3A_1467, %swap3A_1468], %select_n3A_1464 {strides = array<i32>} : memref<8x2048xf32, #tpu.memory_space<vmem>>, vector<16xf32>,
          %scan3A_1470 = arith.constant 3 : i32
          %scan3A_1471 = arith.addi %scan3A_1406, %scan3A_1470 : i32
          %mul3A_1472 = arith.constant 16 : i32
          %mul3A_1473 = arith.muli %scan3A_1471, %mul3A_1472 : i32
          %get3A_1474 = arith.index_cast %scan3A_19 : i32 to index
          %get3A_1475 = arith.index_cast %mul3A_1473 : i32 to index
          %get3A_1476 = tpu.vector_load %arg4[%get3A_1474, %get3A_1475] {strides = array<i32>} : memref<8x2048xf32, #tpu.memory_space<vmem>>, vector<16xf32>,
          %bitcast_convert_type3A_1477 = tpu.bitcast %get3A_1476 : vector<16xf32> -> vector<16xi32>
          %and3A_1478 = arith.constant 2147483647 : i32
          %and3A_1479 = vector.broadcast %and3A_1478 : i32 to vector<16xi32>
          %and3A_1480 = arith.andi %bitcast_convert_type3A_1477, %and3A_1479 : vector<16xi32>
          %ge3A_1481 = vector.broadcast %or3A_1390 : i32 to vector<16xi32>
          %ge3A_1482 = arith.cmpi sge, %and3A_1480, %ge3A_1481 : vector<16xi32>
          %mul3A_1483 = arith.mulf %get3A_1476, %div3A : vector<16xf32>
          %jit3A_1484 = arith.constant 0.000000e+00 : f32
          %broadcast_in_dim3A_1485 = vector.broadcast %jit3A_1484 : f32 to vector<16xf32>
          %select_n3A_1486 = arith.select %ge3A_1482, %mul3A_1483, %broadcast_in_dim3A_1485 : vector<16xi1>, vector<16xf32>
          %mul3A_1487 = arith.constant 16 : i32
          %mul3A_1488 = arith.muli %scan3A_1471, %mul3A_1487 : i32
          %swap3A_1489 = arith.index_cast %scan3A_19 : i32 to index
          %swap3A_1490 = arith.index_cast %mul3A_1488 : i32 to index
          %swap3A_1491 = tpu.vector_load %arg5[%swap3A_1489, %swap3A_1490] {strides = array<i32>} : memref<8x2048xf32, #tpu.memory_space<vmem>>, vector<16xf32>,
          tpu.vector_store %arg5[%swap3A_1489, %swap3A_1490], %select_n3A_1486 {strides = array<i32>} : memref<8x2048xf32, #tpu.memory_space<vmem>>, vector<16xf32>,
          %scan3A_1492 = arith.constant 4 : i32
          %scan3A_1493 = arith.addi %scan3A_1406, %scan3A_1492 : i32
          %mul3A_1494 = arith.constant 16 : i32
          %mul3A_1495 = arith.muli %scan3A_1493, %mul3A_1494 : i32
          %get3A_1496 = arith.index_cast %scan3A_19 : i32 to index
          %get3A_1497 = arith.index_cast %mul3A_1495 : i32 to index
          %get3A_1498 = tpu.vector_load %arg4[%get3A_1496, %get3A_1497] {strides = array<i32>} : memref<8x2048xf32, #tpu.memory_space<vmem>>, vector<16xf32>,
          %bitcast_convert_type3A_1499 = tpu.bitcast %get3A_1498 : vector<16xf32> -> vector<16xi32>
          %and3A_1500 = arith.constant 2147483647 : i32
          %and3A_1501 = vector.broadcast %and3A_1500 : i32 to vector<16xi32>
          %and3A_1502 = arith.andi %bitcast_convert_type3A_1499, %and3A_1501 : vector<16xi32>
          %ge3A_1503 = vector.broadcast %or3A_1390 : i32 to vector<16xi32>
          %ge3A_1504 = arith.cmpi sge, %and3A_1502, %ge3A_1503 : vector<16xi32>
          %mul3A_1505 = arith.mulf %get3A_1498, %div3A : vector<16xf32>
          %jit3A_1506 = arith.constant 0.000000e+00 : f32
          %broadcast_in_dim3A_1507 = vector.broadcast %jit3A_1506 : f32 to vector<16xf32>
          %select_n3A_1508 = arith.select %ge3A_1504, %mul3A_1505, %broadcast_in_dim3A_1507 : vector<16xi1>, vector<16xf32>
          %mul3A_1509 = arith.constant 16 : i32
          %mul3A_1510 = arith.muli %scan3A_1493, %mul3A_1509 : i32
          %swap3A_1511 = arith.index_cast %scan3A_19 : i32 to index
          %swap3A_1512 = arith.index_cast %mul3A_1510 : i32 to index
          %swap3A_1513 = tpu.vector_load %arg5[%swap3A_1511, %swap3A_1512] {strides = array<i32>} : memref<8x2048xf32, #tpu.memory_space<vmem>>, vector<16xf32>,
          tpu.vector_store %arg5[%swap3A_1511, %swap3A_1512], %select_n3A_1508 {strides = array<i32>} : memref<8x2048xf32, #tpu.memory_space<vmem>>, vector<16xf32>,
          %scan3A_1514 = arith.constant 5 : i32
          %scan3A_1515 = arith.addi %scan3A_1406, %scan3A_1514 : i32
          %mul3A_1516 = arith.constant 16 : i32
          %mul3A_1517 = arith.muli %scan3A_1515, %mul3A_1516 : i32
          %get3A_1518 = arith.index_cast %scan3A_19 : i32 to index
          %get3A_1519 = arith.index_cast %mul3A_1517 : i32 to index
          %get3A_1520 = tpu.vector_load %arg4[%get3A_1518, %get3A_1519] {strides = array<i32>} : memref<8x2048xf32, #tpu.memory_space<vmem>>, vector<16xf32>,
          %bitcast_convert_type3A_1521 = tpu.bitcast %get3A_1520 : vector<16xf32> -> vector<16xi32>
          %and3A_1522 = arith.constant 2147483647 : i32
          %and3A_1523 = vector.broadcast %and3A_1522 : i32 to vector<16xi32>
          %and3A_1524 = arith.andi %bitcast_convert_type3A_1521, %and3A_1523 : vector<16xi32>
          %ge3A_1525 = vector.broadcast %or3A_1390 : i32 to vector<16xi32>
          %ge3A_1526 = arith.cmpi sge, %and3A_1524, %ge3A_1525 : vector<16xi32>
          %mul3A_1527 = arith.mulf %get3A_1520, %div3A : vector<16xf32>
          %jit3A_1528 = arith.constant 0.000000e+00 : f32
          %broadcast_in_dim3A_1529 = vector.broadcast %jit3A_1528 : f32 to vector<16xf32>
          %select_n3A_1530 = arith.select %ge3A_1526, %mul3A_1527, %broadcast_in_dim3A_1529 : vector<16xi1>, vector<16xf32>
          %mul3A_1531 = arith.constant 16 : i32
          %mul3A_1532 = arith.muli %scan3A_1515, %mul3A_1531 : i32
          %swap3A_1533 = arith.index_cast %scan3A_19 : i32 to index
          %swap3A_1534 = arith.index_cast %mul3A_1532 : i32 to index
          %swap3A_1535 = tpu.vector_load %arg5[%swap3A_1533, %swap3A_1534] {strides = array<i32>} : memref<8x2048xf32, #tpu.memory_space<vmem>>, vector<16xf32>,
          tpu.vector_store %arg5[%swap3A_1533, %swap3A_1534], %select_n3A_1530 {strides = array<i32>} : memref<8x2048xf32, #tpu.memory_space<vmem>>, vector<16xf32>,
          %scan3A_1536 = arith.constant 6 : i32
          %scan3A_1537 = arith.addi %scan3A_1406, %scan3A_1536 : i32
          %mul3A_1538 = arith.constant 16 : i32
          %mul3A_1539 = arith.muli %scan3A_1537, %mul3A_1538 : i32
          %get3A_1540 = arith.index_cast %scan3A_19 : i32 to index
          %get3A_1541 = arith.index_cast %mul3A_1539 : i32 to index
          %get3A_1542 = tpu.vector_load %arg4[%get3A_1540, %get3A_1541] {strides = array<i32>} : memref<8x2048xf32, #tpu.memory_space<vmem>>, vector<16xf32>,
          %bitcast_convert_type3A_1543 = tpu.bitcast %get3A_1542 : vector<16xf32> -> vector<16xi32>
          %and3A_1544 = arith.constant 2147483647 : i32
          %and3A_1545 = vector.broadcast %and3A_1544 : i32 to vector<16xi32>
          %and3A_1546 = arith.andi %bitcast_convert_type3A_1543, %and3A_1545 : vector<16xi32>
          %ge3A_1547 = vector.broadcast %or3A_1390 : i32 to vector<16xi32>
          %ge3A_1548 = arith.cmpi sge, %and3A_1546, %ge3A_1547 : vector<16xi32>
          %mul3A_1549 = arith.mulf %get3A_1542, %div3A : vector<16xf32>
          %jit3A_1550 = arith.constant 0.000000e+00 : f32
          %broadcast_in_dim3A_1551 = vector.broadcast %jit3A_1550 : f32 to vector<16xf32>
          %select_n3A_1552 = arith.select %ge3A_1548, %mul3A_1549, %broadcast_in_dim3A_1551 : vector<16xi1>, vector<16xf32>
          %mul3A_1553 = arith.constant 16 : i32
          %mul3A_1554 = arith.muli %scan3A_1537, %mul3A_1553 : i32
          %swap3A_1555 = arith.index_cast %scan3A_19 : i32 to index
          %swap3A_1556 = arith.index_cast %mul3A_1554 : i32 to index
          %swap3A_1557 = tpu.vector_load %arg5[%swap3A_1555, %swap3A_1556] {strides = array<i32>} : memref<8x2048xf32, #tpu.memory_space<vmem>>, vector<16xf32>,
          tpu.vector_store %arg5[%swap3A_1555, %swap3A_1556], %select_n3A_1552 {strides = array<i32>} : memref<8x2048xf32, #tpu.memory_space<vmem>>, vector<16xf32>,
          %scan3A_1558 = arith.constant 7 : i32
          %scan3A_1559 = arith.addi %scan3A_1406, %scan3A_1558 : i32
          %mul3A_1560 = arith.constant 16 : i32
          %mul3A_1561 = arith.muli %scan3A_1559, %mul3A_1560 : i32
          %get3A_1562 = arith.index_cast %scan3A_19 : i32 to index
          %get3A_1563 = arith.index_cast %mul3A_1561 : i32 to index
          %get3A_1564 = tpu.vector_load %arg4[%get3A_1562, %get3A_1563] {strides = array<i32>} : memref<8x2048xf32, #tpu.memory_space<vmem>>, vector<16xf32>,
          %bitcast_convert_type3A_1565 = tpu.bitcast %get3A_1564 : vector<16xf32> -> vector<16xi32>
          %and3A_1566 = arith.constant 2147483647 : i32
          %and3A_1567 = vector.broadcast %and3A_1566 : i32 to vector<16xi32>
          %and3A_1568 = arith.andi %bitcast_convert_type3A_1565, %and3A_1567 : vector<16xi32>
          %ge3A_1569 = vector.broadcast %or3A_1390 : i32 to vector<16xi32>
          %ge3A_1570 = arith.cmpi sge, %and3A_1568, %ge3A_1569 : vector<16xi32>
          %mul3A_1571 = arith.mulf %get3A_1564, %div3A : vector<16xf32>
          %jit3A_1572 = arith.constant 0.000000e+00 : f32
          %broadcast_in_dim3A_1573 = vector.broadcast %jit3A_1572 : f32 to vector<16xf32>
          %select_n3A_1574 = arith.select %ge3A_1570, %mul3A_1571, %broadcast_in_dim3A_1573 : vector<16xi1>, vector<16xf32>
          %mul3A_1575 = arith.constant 16 : i32
          %mul3A_1576 = arith.muli %scan3A_1559, %mul3A_1575 : i32
          %swap3A_1577 = arith.index_cast %scan3A_19 : i32 to index
          %swap3A_1578 = arith.index_cast %mul3A_1576 : i32 to index
          %swap3A_1579 = tpu.vector_load %arg5[%swap3A_1577, %swap3A_1578] {strides = array<i32>} : memref<8x2048xf32, #tpu.memory_space<vmem>>, vector<16xf32>,
          tpu.vector_store %arg5[%swap3A_1577, %swap3A_1578], %select_n3A_1574 {strides = array<i32>} : memref<8x2048xf32, #tpu.memory_space<vmem>>, vector<16xf32>,
        }
        %scan3A_1405 = arith.constant 128 : i32
      }
      %scan3A_18 = arith.constant 8 : i32
      "tpu.region"() ({
        %run_scoped3A = tpu.sem_alloc : memref<!tpu.dma_semaphore, #tpu.memory_space<semaphore_mem>>
        %dma_start3A = arith.constant 0 : i32
        %dma_start3A_19 = tpu.memref_slice %arg3[%add3A_12, %dma_start3A] : memref<2048x2048xf32, #tpu.memory_space<hbm>> -> memref<8x2048xf32, #tpu.memory_space<hbm>>
        %dma_start3A_20 = arith.constant 0 : i32
        %dma_start3A_21 = tpu.memref_slice %arg3[%add3A_12, %dma_start3A_20] : memref<2048x2048xf32, #tpu.memory_space<hbm>> -> memref<8x2048xf32, #tpu.memory_space<hbm>>
        tpu.enqueue_dma source(%arg5 : memref<8x2048xf32, #tpu.memory_space<vmem>>) target(%dma_start3A_21 : memref<8x2048xf32, #tpu.memory_space<hbm>>) target_semaphore(%run_scoped3A : memref<!tpu.dma_semaphore, #tpu.memory_space<semaphore_mem>>)
        %dma_wait3A = arith.constant 0 : i32
        %dma_wait3A_22 = tpu.memref_slice %arg3[%add3A_12, %dma_wait3A] : memref<2048x2048xf32, #tpu.memory_space<hbm>> -> memref<8x2048xf32, #tpu.memory_space<hbm>>
        %dma_wait3A_23 = arith.constant 0 : i32
        %dma_wait3A_24 = tpu.memref_slice %arg3[%add3A_12, %dma_wait3A_23] : memref<2048x2048xf32, #tpu.memory_space<hbm>> -> memref<8x2048xf32, #tpu.memory_space<hbm>>
        tpu.wait_dma2 semaphore(%run_scoped3A : memref<!tpu.dma_semaphore, #tpu.memory_space<semaphore_mem>>) src(%arg5 : memref<8x2048xf32, #tpu.memory_space<vmem>>) dst(%dma_wait3A_24 : memref<8x2048xf32, #tpu.memory_space<hbm>>)
        tpu.yield
      }) : () -> ()
    }
    %scan3A_6 = arith.constant 8 : i32
    return
  }
}

module attributes {stable_mosaic.version = 14 : i64} {
  func.func @_tc_topk_kernel(%arg0: i32, %arg1: memref<512x2048xf32, #tpu.memory_space<vmem>>, %arg2: memref<512x2048xf32, #tpu.memory_space<vmem>>) attributes {dimension_semantics = [#tpu.dimension_semantics<arbitrary>], iteration_bounds = array<i64: 28>, scalar_prefetch = 0 : i64, scratch_operands = 0 : i64, tpu.core_type = #tpu.core_type<tc>, window_params = [{transform_indices = @transform_0, window_bounds = array<i64: 512, 2048>}, {transform_indices = @transform_1, window_bounds = array<i64: 512, 2048>}]} {
    %get3A = arith.constant 0 : index
    %get3A_0 = arith.constant 0 : index
    %get3A_1 = vector.load %arg1[%get3A, %get3A_0] : memref<512x2048xf32, #tpu.memory_space<vmem>>, vector<512x2048xf32>
    %bitcast_convert_type3A = tpu.bitcast %get3A_1 : vector<512x2048xf32> -> vector<512x2048xi32>
    %and3A = arith.constant 2147483647 : i32
    %and3A_2 = vector.broadcast %and3A : i32 to vector<512x2048xi32>
    %and3A_3 = arith.andi %bitcast_convert_type3A, %and3A_2 : vector<512x2048xi32>
    %shift_right_arithmetic3A = arith.constant 16 : i32
    %shift_right_arithmetic3A_4 = vector.broadcast %shift_right_arithmetic3A : i32 to vector<512x2048xi32>
    %shift_right_arithmetic3A_5 = arith.shrsi %and3A_3, %shift_right_arithmetic3A_4 : vector<512x2048xi32>
    %slice3A = vector.extract_strided_slice %shift_right_arithmetic3A_5 {offsets = [0, 0], sizes = [512, 1024], strides = [1, 1]} : vector<512x2048xi32> to vector<512x1024xi32>
    %shift_left3A = arith.constant 16 : i32
    %shift_left3A_6 = vector.broadcast %shift_left3A : i32 to vector<512x1024xi32>
    %shift_left3A_7 = arith.shli %slice3A, %shift_left3A_6 : vector<512x1024xi32>
    %slice3A_8 = vector.extract_strided_slice %shift_right_arithmetic3A_5 {offsets = [0, 1024], sizes = [512, 1024], strides = [1, 1]} : vector<512x2048xi32> to vector<512x1024xi32>
    %or3A = arith.ori %shift_left3A_7, %slice3A_8 : vector<512x1024xi32>
    %or3A_9 = arith.constant -2147450880 : i32
    %or3A_10 = vector.broadcast %or3A_9 : i32 to vector<512x1024xi32>
    %or3A_11 = arith.ori %or3A, %or3A_10 : vector<512x1024xi32>
    %broadcast_in_dim3A = arith.constant 0 : i32
    %broadcast_in_dim3A_12 = vector.broadcast %broadcast_in_dim3A : i32 to vector<512x1xi32>
    %or3A_13 = arith.constant 16384 : i32
    %or3A_14 = vector.broadcast %or3A_13 : i32 to vector<512x1xi32>
    %or3A_15 = arith.ori %broadcast_in_dim3A_12, %or3A_14 : vector<512x1xi32>
    %shift_left3A_16 = arith.constant 16 : i32
    %shift_left3A_17 = vector.broadcast %shift_left3A_16 : i32 to vector<512x1xi32>
    %shift_left3A_18 = arith.shli %or3A_15, %shift_left3A_17 : vector<512x1xi32>
    %or3A_19 = arith.ori %or3A_15, %shift_left3A_18 : vector<512x1xi32>
    %sub3A = vector.broadcast %or3A_19 : vector<512x1xi32> to vector<512x1024xi32>
    %sub3A_20 = arith.subi %or3A_11, %sub3A : vector<512x1024xi32>
    %shift_right_logical3A = arith.constant 15 : i32
    %shift_right_logical3A_21 = vector.broadcast %shift_right_logical3A : i32 to vector<512x1024xi32>
    %shift_right_logical3A_22 = arith.shrui %sub3A_20, %shift_right_logical3A_21 : vector<512x1024xi32>
    %and3A_23 = arith.constant 65537 : i32
    %and3A_24 = vector.broadcast %and3A_23 : i32 to vector<512x1024xi32>
    %and3A_25 = arith.andi %shift_right_logical3A_22, %and3A_24 : vector<512x1024xi32>
    %slice3A_26 = vector.extract_strided_slice %and3A_25 {offsets = [0, 0], sizes = [512, 128], strides = [1, 1]} : vector<512x1024xi32> to vector<512x128xi32>
    %slice3A_27 = vector.extract_strided_slice %and3A_25 {offsets = [0, 128], sizes = [512, 128], strides = [1, 1]} : vector<512x1024xi32> to vector<512x128xi32>
    %add3A = arith.addi %slice3A_26, %slice3A_27 : vector<512x128xi32>
    %slice3A_28 = vector.extract_strided_slice %and3A_25 {offsets = [0, 256], sizes = [512, 128], strides = [1, 1]} : vector<512x1024xi32> to vector<512x128xi32>
    %add3A_29 = arith.addi %add3A, %slice3A_28 : vector<512x128xi32>
    %slice3A_30 = vector.extract_strided_slice %and3A_25 {offsets = [0, 384], sizes = [512, 128], strides = [1, 1]} : vector<512x1024xi32> to vector<512x128xi32>
    %add3A_31 = arith.addi %add3A_29, %slice3A_30 : vector<512x128xi32>
    %slice3A_32 = vector.extract_strided_slice %and3A_25 {offsets = [0, 512], sizes = [512, 128], strides = [1, 1]} : vector<512x1024xi32> to vector<512x128xi32>
    %add3A_33 = arith.addi %add3A_31, %slice3A_32 : vector<512x128xi32>
    %slice3A_34 = vector.extract_strided_slice %and3A_25 {offsets = [0, 640], sizes = [512, 128], strides = [1, 1]} : vector<512x1024xi32> to vector<512x128xi32>
    %add3A_35 = arith.addi %add3A_33, %slice3A_34 : vector<512x128xi32>
    %slice3A_36 = vector.extract_strided_slice %and3A_25 {offsets = [0, 768], sizes = [512, 128], strides = [1, 1]} : vector<512x1024xi32> to vector<512x128xi32>
    %add3A_37 = arith.addi %add3A_35, %slice3A_36 : vector<512x128xi32>
    %slice3A_38 = vector.extract_strided_slice %and3A_25 {offsets = [0, 896], sizes = [512, 128], strides = [1, 1]} : vector<512x1024xi32> to vector<512x128xi32>
    %add3A_39 = arith.addi %add3A_37, %slice3A_38 : vector<512x128xi32>
    %shift_right_arithmetic3A_40 = arith.constant 16 : i32
    %shift_right_arithmetic3A_41 = vector.broadcast %shift_right_arithmetic3A_40 : i32 to vector<512x128xi32>
    %shift_right_arithmetic3A_42 = arith.shrsi %add3A_39, %shift_right_arithmetic3A_41 : vector<512x128xi32>
    %and3A_43 = arith.constant 65535 : i32
    %and3A_44 = vector.broadcast %and3A_43 : i32 to vector<512x128xi32>
    %and3A_45 = arith.andi %add3A_39, %and3A_44 : vector<512x128xi32>
    %add3A_46 = arith.addi %shift_right_arithmetic3A_42, %and3A_45 : vector<512x128xi32>
    %convert_element_type3A = arith.sitofp %add3A_46 : vector<512x128xi32> to vector<512x128xf32>
    %reduce_sum3A = arith.constant dense<0.000000e+00> : vector<512xf32>
    %reduce_sum3A_47 = vector.multi_reduction <add>, %convert_element_type3A, %reduce_sum3A [1] : vector<512x128xf32> to vector<512xf32>
    %broadcast_in_dim3A_48 = vector.shape_cast %reduce_sum3A_47 : vector<512xf32> to vector<512x1xf32>
    %ge3A = arith.constant 5.120000e+02 : f32
    %ge3A_49 = vector.broadcast %ge3A : f32 to vector<512x1xf32>
    %ge3A_50 = arith.cmpf oge, %broadcast_in_dim3A_48, %ge3A_49 : vector<512x1xf32>
    %select_n3A = arith.select %ge3A_50, %or3A_15, %broadcast_in_dim3A_12 : vector<512x1xi1>, vector<512x1xi32>
    %or3A_51 = arith.constant 8192 : i32
    %or3A_52 = vector.broadcast %or3A_51 : i32 to vector<512x1xi32>
    %or3A_53 = arith.ori %select_n3A, %or3A_52 : vector<512x1xi32>
    %shift_left3A_54 = arith.constant 16 : i32
    %shift_left3A_55 = vector.broadcast %shift_left3A_54 : i32 to vector<512x1xi32>
    %shift_left3A_56 = arith.shli %or3A_53, %shift_left3A_55 : vector<512x1xi32>
    %or3A_57 = arith.ori %or3A_53, %shift_left3A_56 : vector<512x1xi32>
    %sub3A_58 = vector.broadcast %or3A_57 : vector<512x1xi32> to vector<512x1024xi32>
    %sub3A_59 = arith.subi %or3A_11, %sub3A_58 : vector<512x1024xi32>
    %shift_right_logical3A_60 = arith.constant 15 : i32
    %shift_right_logical3A_61 = vector.broadcast %shift_right_logical3A_60 : i32 to vector<512x1024xi32>
    %shift_right_logical3A_62 = arith.shrui %sub3A_59, %shift_right_logical3A_61 : vector<512x1024xi32>
    %and3A_63 = arith.constant 65537 : i32
    %and3A_64 = vector.broadcast %and3A_63 : i32 to vector<512x1024xi32>
    %and3A_65 = arith.andi %shift_right_logical3A_62, %and3A_64 : vector<512x1024xi32>
    %slice3A_66 = vector.extract_strided_slice %and3A_65 {offsets = [0, 0], sizes = [512, 128], strides = [1, 1]} : vector<512x1024xi32> to vector<512x128xi32>
    %slice3A_67 = vector.extract_strided_slice %and3A_65 {offsets = [0, 128], sizes = [512, 128], strides = [1, 1]} : vector<512x1024xi32> to vector<512x128xi32>
    %add3A_68 = arith.addi %slice3A_66, %slice3A_67 : vector<512x128xi32>
    %slice3A_69 = vector.extract_strided_slice %and3A_65 {offsets = [0, 256], sizes = [512, 128], strides = [1, 1]} : vector<512x1024xi32> to vector<512x128xi32>
    %add3A_70 = arith.addi %add3A_68, %slice3A_69 : vector<512x128xi32>
    %slice3A_71 = vector.extract_strided_slice %and3A_65 {offsets = [0, 384], sizes = [512, 128], strides = [1, 1]} : vector<512x1024xi32> to vector<512x128xi32>
    %add3A_72 = arith.addi %add3A_70, %slice3A_71 : vector<512x128xi32>
    %slice3A_73 = vector.extract_strided_slice %and3A_65 {offsets = [0, 512], sizes = [512, 128], strides = [1, 1]} : vector<512x1024xi32> to vector<512x128xi32>
    %add3A_74 = arith.addi %add3A_72, %slice3A_73 : vector<512x128xi32>
    %slice3A_75 = vector.extract_strided_slice %and3A_65 {offsets = [0, 640], sizes = [512, 128], strides = [1, 1]} : vector<512x1024xi32> to vector<512x128xi32>
    %add3A_76 = arith.addi %add3A_74, %slice3A_75 : vector<512x128xi32>
    %slice3A_77 = vector.extract_strided_slice %and3A_65 {offsets = [0, 768], sizes = [512, 128], strides = [1, 1]} : vector<512x1024xi32> to vector<512x128xi32>
    %add3A_78 = arith.addi %add3A_76, %slice3A_77 : vector<512x128xi32>
    %slice3A_79 = vector.extract_strided_slice %and3A_65 {offsets = [0, 896], sizes = [512, 128], strides = [1, 1]} : vector<512x1024xi32> to vector<512x128xi32>
    %add3A_80 = arith.addi %add3A_78, %slice3A_79 : vector<512x128xi32>
    %shift_right_arithmetic3A_81 = arith.constant 16 : i32
    %shift_right_arithmetic3A_82 = vector.broadcast %shift_right_arithmetic3A_81 : i32 to vector<512x128xi32>
    %shift_right_arithmetic3A_83 = arith.shrsi %add3A_80, %shift_right_arithmetic3A_82 : vector<512x128xi32>
    %and3A_84 = arith.constant 65535 : i32
    %and3A_85 = vector.broadcast %and3A_84 : i32 to vector<512x128xi32>
    %and3A_86 = arith.andi %add3A_80, %and3A_85 : vector<512x128xi32>
    %add3A_87 = arith.addi %shift_right_arithmetic3A_83, %and3A_86 : vector<512x128xi32>
    %convert_element_type3A_88 = arith.sitofp %add3A_87 : vector<512x128xi32> to vector<512x128xf32>
    %reduce_sum3A_89 = arith.constant dense<0.000000e+00> : vector<512xf32>
    %reduce_sum3A_90 = vector.multi_reduction <add>, %convert_element_type3A_88, %reduce_sum3A_89 [1] : vector<512x128xf32> to vector<512xf32>
    %broadcast_in_dim3A_91 = vector.shape_cast %reduce_sum3A_90 : vector<512xf32> to vector<512x1xf32>
    %ge3A_92 = arith.constant 5.120000e+02 : f32
    %ge3A_93 = vector.broadcast %ge3A_92 : f32 to vector<512x1xf32>
    %ge3A_94 = arith.cmpf oge, %broadcast_in_dim3A_91, %ge3A_93 : vector<512x1xf32>
    %select_n3A_95 = arith.select %ge3A_94, %or3A_53, %select_n3A : vector<512x1xi1>, vector<512x1xi32>
    %or3A_96 = arith.constant 4096 : i32
    %or3A_97 = vector.broadcast %or3A_96 : i32 to vector<512x1xi32>
    %or3A_98 = arith.ori %select_n3A_95, %or3A_97 : vector<512x1xi32>
    %shift_left3A_99 = arith.constant 16 : i32
    %shift_left3A_100 = vector.broadcast %shift_left3A_99 : i32 to vector<512x1xi32>
    %shift_left3A_101 = arith.shli %or3A_98, %shift_left3A_100 : vector<512x1xi32>
    %or3A_102 = arith.ori %or3A_98, %shift_left3A_101 : vector<512x1xi32>
    %sub3A_103 = vector.broadcast %or3A_102 : vector<512x1xi32> to vector<512x1024xi32>
    %sub3A_104 = arith.subi %or3A_11, %sub3A_103 : vector<512x1024xi32>
    %shift_right_logical3A_105 = arith.constant 15 : i32
    %shift_right_logical3A_106 = vector.broadcast %shift_right_logical3A_105 : i32 to vector<512x1024xi32>
    %shift_right_logical3A_107 = arith.shrui %sub3A_104, %shift_right_logical3A_106 : vector<512x1024xi32>
    %and3A_108 = arith.constant 65537 : i32
    %and3A_109 = vector.broadcast %and3A_108 : i32 to vector<512x1024xi32>
    %and3A_110 = arith.andi %shift_right_logical3A_107, %and3A_109 : vector<512x1024xi32>
    %slice3A_111 = vector.extract_strided_slice %and3A_110 {offsets = [0, 0], sizes = [512, 128], strides = [1, 1]} : vector<512x1024xi32> to vector<512x128xi32>
    %slice3A_112 = vector.extract_strided_slice %and3A_110 {offsets = [0, 128], sizes = [512, 128], strides = [1, 1]} : vector<512x1024xi32> to vector<512x128xi32>
    %add3A_113 = arith.addi %slice3A_111, %slice3A_112 : vector<512x128xi32>
    %slice3A_114 = vector.extract_strided_slice %and3A_110 {offsets = [0, 256], sizes = [512, 128], strides = [1, 1]} : vector<512x1024xi32> to vector<512x128xi32>
    %add3A_115 = arith.addi %add3A_113, %slice3A_114 : vector<512x128xi32>
    %slice3A_116 = vector.extract_strided_slice %and3A_110 {offsets = [0, 384], sizes = [512, 128], strides = [1, 1]} : vector<512x1024xi32> to vector<512x128xi32>
    %add3A_117 = arith.addi %add3A_115, %slice3A_116 : vector<512x128xi32>
    %slice3A_118 = vector.extract_strided_slice %and3A_110 {offsets = [0, 512], sizes = [512, 128], strides = [1, 1]} : vector<512x1024xi32> to vector<512x128xi32>
    %add3A_119 = arith.addi %add3A_117, %slice3A_118 : vector<512x128xi32>
    %slice3A_120 = vector.extract_strided_slice %and3A_110 {offsets = [0, 640], sizes = [512, 128], strides = [1, 1]} : vector<512x1024xi32> to vector<512x128xi32>
    %add3A_121 = arith.addi %add3A_119, %slice3A_120 : vector<512x128xi32>
    %slice3A_122 = vector.extract_strided_slice %and3A_110 {offsets = [0, 768], sizes = [512, 128], strides = [1, 1]} : vector<512x1024xi32> to vector<512x128xi32>
    %add3A_123 = arith.addi %add3A_121, %slice3A_122 : vector<512x128xi32>
    %slice3A_124 = vector.extract_strided_slice %and3A_110 {offsets = [0, 896], sizes = [512, 128], strides = [1, 1]} : vector<512x1024xi32> to vector<512x128xi32>
    %add3A_125 = arith.addi %add3A_123, %slice3A_124 : vector<512x128xi32>
    %shift_right_arithmetic3A_126 = arith.constant 16 : i32
    %shift_right_arithmetic3A_127 = vector.broadcast %shift_right_arithmetic3A_126 : i32 to vector<512x128xi32>
    %shift_right_arithmetic3A_128 = arith.shrsi %add3A_125, %shift_right_arithmetic3A_127 : vector<512x128xi32>
    %and3A_129 = arith.constant 65535 : i32
    %and3A_130 = vector.broadcast %and3A_129 : i32 to vector<512x128xi32>
    %and3A_131 = arith.andi %add3A_125, %and3A_130 : vector<512x128xi32>
    %add3A_132 = arith.addi %shift_right_arithmetic3A_128, %and3A_131 : vector<512x128xi32>
    %convert_element_type3A_133 = arith.sitofp %add3A_132 : vector<512x128xi32> to vector<512x128xf32>
    %reduce_sum3A_134 = arith.constant dense<0.000000e+00> : vector<512xf32>
    %reduce_sum3A_135 = vector.multi_reduction <add>, %convert_element_type3A_133, %reduce_sum3A_134 [1] : vector<512x128xf32> to vector<512xf32>
    %broadcast_in_dim3A_136 = vector.shape_cast %reduce_sum3A_135 : vector<512xf32> to vector<512x1xf32>
    %ge3A_137 = arith.constant 5.120000e+02 : f32
    %ge3A_138 = vector.broadcast %ge3A_137 : f32 to vector<512x1xf32>
    %ge3A_139 = arith.cmpf oge, %broadcast_in_dim3A_136, %ge3A_138 : vector<512x1xf32>
    %select_n3A_140 = arith.select %ge3A_139, %or3A_98, %select_n3A_95 : vector<512x1xi1>, vector<512x1xi32>
    %or3A_141 = arith.constant 2048 : i32
    %or3A_142 = vector.broadcast %or3A_141 : i32 to vector<512x1xi32>
    %or3A_143 = arith.ori %select_n3A_140, %or3A_142 : vector<512x1xi32>
    %shift_left3A_144 = arith.constant 16 : i32
    %shift_left3A_145 = vector.broadcast %shift_left3A_144 : i32 to vector<512x1xi32>
    %shift_left3A_146 = arith.shli %or3A_143, %shift_left3A_145 : vector<512x1xi32>
    %or3A_147 = arith.ori %or3A_143, %shift_left3A_146 : vector<512x1xi32>
    %sub3A_148 = vector.broadcast %or3A_147 : vector<512x1xi32> to vector<512x1024xi32>
    %sub3A_149 = arith.subi %or3A_11, %sub3A_148 : vector<512x1024xi32>
    %shift_right_logical3A_150 = arith.constant 15 : i32
    %shift_right_logical3A_151 = vector.broadcast %shift_right_logical3A_150 : i32 to vector<512x1024xi32>
    %shift_right_logical3A_152 = arith.shrui %sub3A_149, %shift_right_logical3A_151 : vector<512x1024xi32>
    %and3A_153 = arith.constant 65537 : i32
    %and3A_154 = vector.broadcast %and3A_153 : i32 to vector<512x1024xi32>
    %and3A_155 = arith.andi %shift_right_logical3A_152, %and3A_154 : vector<512x1024xi32>
    %slice3A_156 = vector.extract_strided_slice %and3A_155 {offsets = [0, 0], sizes = [512, 128], strides = [1, 1]} : vector<512x1024xi32> to vector<512x128xi32>
    %slice3A_157 = vector.extract_strided_slice %and3A_155 {offsets = [0, 128], sizes = [512, 128], strides = [1, 1]} : vector<512x1024xi32> to vector<512x128xi32>
    %add3A_158 = arith.addi %slice3A_156, %slice3A_157 : vector<512x128xi32>
    %slice3A_159 = vector.extract_strided_slice %and3A_155 {offsets = [0, 256], sizes = [512, 128], strides = [1, 1]} : vector<512x1024xi32> to vector<512x128xi32>
    %add3A_160 = arith.addi %add3A_158, %slice3A_159 : vector<512x128xi32>
    %slice3A_161 = vector.extract_strided_slice %and3A_155 {offsets = [0, 384], sizes = [512, 128], strides = [1, 1]} : vector<512x1024xi32> to vector<512x128xi32>
    %add3A_162 = arith.addi %add3A_160, %slice3A_161 : vector<512x128xi32>
    %slice3A_163 = vector.extract_strided_slice %and3A_155 {offsets = [0, 512], sizes = [512, 128], strides = [1, 1]} : vector<512x1024xi32> to vector<512x128xi32>
    %add3A_164 = arith.addi %add3A_162, %slice3A_163 : vector<512x128xi32>
    %slice3A_165 = vector.extract_strided_slice %and3A_155 {offsets = [0, 640], sizes = [512, 128], strides = [1, 1]} : vector<512x1024xi32> to vector<512x128xi32>
    %add3A_166 = arith.addi %add3A_164, %slice3A_165 : vector<512x128xi32>
    %slice3A_167 = vector.extract_strided_slice %and3A_155 {offsets = [0, 768], sizes = [512, 128], strides = [1, 1]} : vector<512x1024xi32> to vector<512x128xi32>
    %add3A_168 = arith.addi %add3A_166, %slice3A_167 : vector<512x128xi32>
    %slice3A_169 = vector.extract_strided_slice %and3A_155 {offsets = [0, 896], sizes = [512, 128], strides = [1, 1]} : vector<512x1024xi32> to vector<512x128xi32>
    %add3A_170 = arith.addi %add3A_168, %slice3A_169 : vector<512x128xi32>
    %shift_right_arithmetic3A_171 = arith.constant 16 : i32
    %shift_right_arithmetic3A_172 = vector.broadcast %shift_right_arithmetic3A_171 : i32 to vector<512x128xi32>
    %shift_right_arithmetic3A_173 = arith.shrsi %add3A_170, %shift_right_arithmetic3A_172 : vector<512x128xi32>
    %and3A_174 = arith.constant 65535 : i32
    %and3A_175 = vector.broadcast %and3A_174 : i32 to vector<512x128xi32>
    %and3A_176 = arith.andi %add3A_170, %and3A_175 : vector<512x128xi32>
    %add3A_177 = arith.addi %shift_right_arithmetic3A_173, %and3A_176 : vector<512x128xi32>
    %convert_element_type3A_178 = arith.sitofp %add3A_177 : vector<512x128xi32> to vector<512x128xf32>
    %reduce_sum3A_179 = arith.constant dense<0.000000e+00> : vector<512xf32>
    %reduce_sum3A_180 = vector.multi_reduction <add>, %convert_element_type3A_178, %reduce_sum3A_179 [1] : vector<512x128xf32> to vector<512xf32>
    %broadcast_in_dim3A_181 = vector.shape_cast %reduce_sum3A_180 : vector<512xf32> to vector<512x1xf32>
    %ge3A_182 = arith.constant 5.120000e+02 : f32
    %ge3A_183 = vector.broadcast %ge3A_182 : f32 to vector<512x1xf32>
    %ge3A_184 = arith.cmpf oge, %broadcast_in_dim3A_181, %ge3A_183 : vector<512x1xf32>
    %select_n3A_185 = arith.select %ge3A_184, %or3A_143, %select_n3A_140 : vector<512x1xi1>, vector<512x1xi32>
    %or3A_186 = arith.constant 1024 : i32
    %or3A_187 = vector.broadcast %or3A_186 : i32 to vector<512x1xi32>
    %or3A_188 = arith.ori %select_n3A_185, %or3A_187 : vector<512x1xi32>
    %shift_left3A_189 = arith.constant 16 : i32
    %shift_left3A_190 = vector.broadcast %shift_left3A_189 : i32 to vector<512x1xi32>
    %shift_left3A_191 = arith.shli %or3A_188, %shift_left3A_190 : vector<512x1xi32>
    %or3A_192 = arith.ori %or3A_188, %shift_left3A_191 : vector<512x1xi32>
    %sub3A_193 = vector.broadcast %or3A_192 : vector<512x1xi32> to vector<512x1024xi32>
    %sub3A_194 = arith.subi %or3A_11, %sub3A_193 : vector<512x1024xi32>
    %shift_right_logical3A_195 = arith.constant 15 : i32
    %shift_right_logical3A_196 = vector.broadcast %shift_right_logical3A_195 : i32 to vector<512x1024xi32>
    %shift_right_logical3A_197 = arith.shrui %sub3A_194, %shift_right_logical3A_196 : vector<512x1024xi32>
    %and3A_198 = arith.constant 65537 : i32
    %and3A_199 = vector.broadcast %and3A_198 : i32 to vector<512x1024xi32>
    %and3A_200 = arith.andi %shift_right_logical3A_197, %and3A_199 : vector<512x1024xi32>
    %slice3A_201 = vector.extract_strided_slice %and3A_200 {offsets = [0, 0], sizes = [512, 128], strides = [1, 1]} : vector<512x1024xi32> to vector<512x128xi32>
    %slice3A_202 = vector.extract_strided_slice %and3A_200 {offsets = [0, 128], sizes = [512, 128], strides = [1, 1]} : vector<512x1024xi32> to vector<512x128xi32>
    %add3A_203 = arith.addi %slice3A_201, %slice3A_202 : vector<512x128xi32>
    %slice3A_204 = vector.extract_strided_slice %and3A_200 {offsets = [0, 256], sizes = [512, 128], strides = [1, 1]} : vector<512x1024xi32> to vector<512x128xi32>
    %add3A_205 = arith.addi %add3A_203, %slice3A_204 : vector<512x128xi32>
    %slice3A_206 = vector.extract_strided_slice %and3A_200 {offsets = [0, 384], sizes = [512, 128], strides = [1, 1]} : vector<512x1024xi32> to vector<512x128xi32>
    %add3A_207 = arith.addi %add3A_205, %slice3A_206 : vector<512x128xi32>
    %slice3A_208 = vector.extract_strided_slice %and3A_200 {offsets = [0, 512], sizes = [512, 128], strides = [1, 1]} : vector<512x1024xi32> to vector<512x128xi32>
    %add3A_209 = arith.addi %add3A_207, %slice3A_208 : vector<512x128xi32>
    %slice3A_210 = vector.extract_strided_slice %and3A_200 {offsets = [0, 640], sizes = [512, 128], strides = [1, 1]} : vector<512x1024xi32> to vector<512x128xi32>
    %add3A_211 = arith.addi %add3A_209, %slice3A_210 : vector<512x128xi32>
    %slice3A_212 = vector.extract_strided_slice %and3A_200 {offsets = [0, 768], sizes = [512, 128], strides = [1, 1]} : vector<512x1024xi32> to vector<512x128xi32>
    %add3A_213 = arith.addi %add3A_211, %slice3A_212 : vector<512x128xi32>
    %slice3A_214 = vector.extract_strided_slice %and3A_200 {offsets = [0, 896], sizes = [512, 128], strides = [1, 1]} : vector<512x1024xi32> to vector<512x128xi32>
    %add3A_215 = arith.addi %add3A_213, %slice3A_214 : vector<512x128xi32>
    %shift_right_arithmetic3A_216 = arith.constant 16 : i32
    %shift_right_arithmetic3A_217 = vector.broadcast %shift_right_arithmetic3A_216 : i32 to vector<512x128xi32>
    %shift_right_arithmetic3A_218 = arith.shrsi %add3A_215, %shift_right_arithmetic3A_217 : vector<512x128xi32>
    %and3A_219 = arith.constant 65535 : i32
    %and3A_220 = vector.broadcast %and3A_219 : i32 to vector<512x128xi32>
    %and3A_221 = arith.andi %add3A_215, %and3A_220 : vector<512x128xi32>
    %add3A_222 = arith.addi %shift_right_arithmetic3A_218, %and3A_221 : vector<512x128xi32>
    %convert_element_type3A_223 = arith.sitofp %add3A_222 : vector<512x128xi32> to vector<512x128xf32>
    %reduce_sum3A_224 = arith.constant dense<0.000000e+00> : vector<512xf32>
    %reduce_sum3A_225 = vector.multi_reduction <add>, %convert_element_type3A_223, %reduce_sum3A_224 [1] : vector<512x128xf32> to vector<512xf32>
    %broadcast_in_dim3A_226 = vector.shape_cast %reduce_sum3A_225 : vector<512xf32> to vector<512x1xf32>
    %ge3A_227 = arith.constant 5.120000e+02 : f32
    %ge3A_228 = vector.broadcast %ge3A_227 : f32 to vector<512x1xf32>
    %ge3A_229 = arith.cmpf oge, %broadcast_in_dim3A_226, %ge3A_228 : vector<512x1xf32>
    %select_n3A_230 = arith.select %ge3A_229, %or3A_188, %select_n3A_185 : vector<512x1xi1>, vector<512x1xi32>
    %or3A_231 = arith.constant 512 : i32
    %or3A_232 = vector.broadcast %or3A_231 : i32 to vector<512x1xi32>
    %or3A_233 = arith.ori %select_n3A_230, %or3A_232 : vector<512x1xi32>
    %shift_left3A_234 = arith.constant 16 : i32
    %shift_left3A_235 = vector.broadcast %shift_left3A_234 : i32 to vector<512x1xi32>
    %shift_left3A_236 = arith.shli %or3A_233, %shift_left3A_235 : vector<512x1xi32>
    %or3A_237 = arith.ori %or3A_233, %shift_left3A_236 : vector<512x1xi32>
    %sub3A_238 = vector.broadcast %or3A_237 : vector<512x1xi32> to vector<512x1024xi32>
    %sub3A_239 = arith.subi %or3A_11, %sub3A_238 : vector<512x1024xi32>
    %shift_right_logical3A_240 = arith.constant 15 : i32
    %shift_right_logical3A_241 = vector.broadcast %shift_right_logical3A_240 : i32 to vector<512x1024xi32>
    %shift_right_logical3A_242 = arith.shrui %sub3A_239, %shift_right_logical3A_241 : vector<512x1024xi32>
    %and3A_243 = arith.constant 65537 : i32
    %and3A_244 = vector.broadcast %and3A_243 : i32 to vector<512x1024xi32>
    %and3A_245 = arith.andi %shift_right_logical3A_242, %and3A_244 : vector<512x1024xi32>
    %slice3A_246 = vector.extract_strided_slice %and3A_245 {offsets = [0, 0], sizes = [512, 128], strides = [1, 1]} : vector<512x1024xi32> to vector<512x128xi32>
    %slice3A_247 = vector.extract_strided_slice %and3A_245 {offsets = [0, 128], sizes = [512, 128], strides = [1, 1]} : vector<512x1024xi32> to vector<512x128xi32>
    %add3A_248 = arith.addi %slice3A_246, %slice3A_247 : vector<512x128xi32>
    %slice3A_249 = vector.extract_strided_slice %and3A_245 {offsets = [0, 256], sizes = [512, 128], strides = [1, 1]} : vector<512x1024xi32> to vector<512x128xi32>
    %add3A_250 = arith.addi %add3A_248, %slice3A_249 : vector<512x128xi32>
    %slice3A_251 = vector.extract_strided_slice %and3A_245 {offsets = [0, 384], sizes = [512, 128], strides = [1, 1]} : vector<512x1024xi32> to vector<512x128xi32>
    %add3A_252 = arith.addi %add3A_250, %slice3A_251 : vector<512x128xi32>
    %slice3A_253 = vector.extract_strided_slice %and3A_245 {offsets = [0, 512], sizes = [512, 128], strides = [1, 1]} : vector<512x1024xi32> to vector<512x128xi32>
    %add3A_254 = arith.addi %add3A_252, %slice3A_253 : vector<512x128xi32>
    %slice3A_255 = vector.extract_strided_slice %and3A_245 {offsets = [0, 640], sizes = [512, 128], strides = [1, 1]} : vector<512x1024xi32> to vector<512x128xi32>
    %add3A_256 = arith.addi %add3A_254, %slice3A_255 : vector<512x128xi32>
    %slice3A_257 = vector.extract_strided_slice %and3A_245 {offsets = [0, 768], sizes = [512, 128], strides = [1, 1]} : vector<512x1024xi32> to vector<512x128xi32>
    %add3A_258 = arith.addi %add3A_256, %slice3A_257 : vector<512x128xi32>
    %slice3A_259 = vector.extract_strided_slice %and3A_245 {offsets = [0, 896], sizes = [512, 128], strides = [1, 1]} : vector<512x1024xi32> to vector<512x128xi32>
    %add3A_260 = arith.addi %add3A_258, %slice3A_259 : vector<512x128xi32>
    %shift_right_arithmetic3A_261 = arith.constant 16 : i32
    %shift_right_arithmetic3A_262 = vector.broadcast %shift_right_arithmetic3A_261 : i32 to vector<512x128xi32>
    %shift_right_arithmetic3A_263 = arith.shrsi %add3A_260, %shift_right_arithmetic3A_262 : vector<512x128xi32>
    %and3A_264 = arith.constant 65535 : i32
    %and3A_265 = vector.broadcast %and3A_264 : i32 to vector<512x128xi32>
    %and3A_266 = arith.andi %add3A_260, %and3A_265 : vector<512x128xi32>
    %add3A_267 = arith.addi %shift_right_arithmetic3A_263, %and3A_266 : vector<512x128xi32>
    %convert_element_type3A_268 = arith.sitofp %add3A_267 : vector<512x128xi32> to vector<512x128xf32>
    %reduce_sum3A_269 = arith.constant dense<0.000000e+00> : vector<512xf32>
    %reduce_sum3A_270 = vector.multi_reduction <add>, %convert_element_type3A_268, %reduce_sum3A_269 [1] : vector<512x128xf32> to vector<512xf32>
    %broadcast_in_dim3A_271 = vector.shape_cast %reduce_sum3A_270 : vector<512xf32> to vector<512x1xf32>
    %ge3A_272 = arith.constant 5.120000e+02 : f32
    %ge3A_273 = vector.broadcast %ge3A_272 : f32 to vector<512x1xf32>
    %ge3A_274 = arith.cmpf oge, %broadcast_in_dim3A_271, %ge3A_273 : vector<512x1xf32>
    %select_n3A_275 = arith.select %ge3A_274, %or3A_233, %select_n3A_230 : vector<512x1xi1>, vector<512x1xi32>
    %or3A_276 = arith.constant 256 : i32
    %or3A_277 = vector.broadcast %or3A_276 : i32 to vector<512x1xi32>
    %or3A_278 = arith.ori %select_n3A_275, %or3A_277 : vector<512x1xi32>
    %shift_left3A_279 = arith.constant 16 : i32
    %shift_left3A_280 = vector.broadcast %shift_left3A_279 : i32 to vector<512x1xi32>
    %shift_left3A_281 = arith.shli %or3A_278, %shift_left3A_280 : vector<512x1xi32>
    %or3A_282 = arith.ori %or3A_278, %shift_left3A_281 : vector<512x1xi32>
    %sub3A_283 = vector.broadcast %or3A_282 : vector<512x1xi32> to vector<512x1024xi32>
    %sub3A_284 = arith.subi %or3A_11, %sub3A_283 : vector<512x1024xi32>
    %shift_right_logical3A_285 = arith.constant 15 : i32
    %shift_right_logical3A_286 = vector.broadcast %shift_right_logical3A_285 : i32 to vector<512x1024xi32>
    %shift_right_logical3A_287 = arith.shrui %sub3A_284, %shift_right_logical3A_286 : vector<512x1024xi32>
    %and3A_288 = arith.constant 65537 : i32
    %and3A_289 = vector.broadcast %and3A_288 : i32 to vector<512x1024xi32>
    %and3A_290 = arith.andi %shift_right_logical3A_287, %and3A_289 : vector<512x1024xi32>
    %slice3A_291 = vector.extract_strided_slice %and3A_290 {offsets = [0, 0], sizes = [512, 128], strides = [1, 1]} : vector<512x1024xi32> to vector<512x128xi32>
    %slice3A_292 = vector.extract_strided_slice %and3A_290 {offsets = [0, 128], sizes = [512, 128], strides = [1, 1]} : vector<512x1024xi32> to vector<512x128xi32>
    %add3A_293 = arith.addi %slice3A_291, %slice3A_292 : vector<512x128xi32>
    %slice3A_294 = vector.extract_strided_slice %and3A_290 {offsets = [0, 256], sizes = [512, 128], strides = [1, 1]} : vector<512x1024xi32> to vector<512x128xi32>
    %add3A_295 = arith.addi %add3A_293, %slice3A_294 : vector<512x128xi32>
    %slice3A_296 = vector.extract_strided_slice %and3A_290 {offsets = [0, 384], sizes = [512, 128], strides = [1, 1]} : vector<512x1024xi32> to vector<512x128xi32>
    %add3A_297 = arith.addi %add3A_295, %slice3A_296 : vector<512x128xi32>
    %slice3A_298 = vector.extract_strided_slice %and3A_290 {offsets = [0, 512], sizes = [512, 128], strides = [1, 1]} : vector<512x1024xi32> to vector<512x128xi32>
    %add3A_299 = arith.addi %add3A_297, %slice3A_298 : vector<512x128xi32>
    %slice3A_300 = vector.extract_strided_slice %and3A_290 {offsets = [0, 640], sizes = [512, 128], strides = [1, 1]} : vector<512x1024xi32> to vector<512x128xi32>
    %add3A_301 = arith.addi %add3A_299, %slice3A_300 : vector<512x128xi32>
    %slice3A_302 = vector.extract_strided_slice %and3A_290 {offsets = [0, 768], sizes = [512, 128], strides = [1, 1]} : vector<512x1024xi32> to vector<512x128xi32>
    %add3A_303 = arith.addi %add3A_301, %slice3A_302 : vector<512x128xi32>
    %slice3A_304 = vector.extract_strided_slice %and3A_290 {offsets = [0, 896], sizes = [512, 128], strides = [1, 1]} : vector<512x1024xi32> to vector<512x128xi32>
    %add3A_305 = arith.addi %add3A_303, %slice3A_304 : vector<512x128xi32>
    %shift_right_arithmetic3A_306 = arith.constant 16 : i32
    %shift_right_arithmetic3A_307 = vector.broadcast %shift_right_arithmetic3A_306 : i32 to vector<512x128xi32>
    %shift_right_arithmetic3A_308 = arith.shrsi %add3A_305, %shift_right_arithmetic3A_307 : vector<512x128xi32>
    %and3A_309 = arith.constant 65535 : i32
    %and3A_310 = vector.broadcast %and3A_309 : i32 to vector<512x128xi32>
    %and3A_311 = arith.andi %add3A_305, %and3A_310 : vector<512x128xi32>
    %add3A_312 = arith.addi %shift_right_arithmetic3A_308, %and3A_311 : vector<512x128xi32>
    %convert_element_type3A_313 = arith.sitofp %add3A_312 : vector<512x128xi32> to vector<512x128xf32>
    %reduce_sum3A_314 = arith.constant dense<0.000000e+00> : vector<512xf32>
    %reduce_sum3A_315 = vector.multi_reduction <add>, %convert_element_type3A_313, %reduce_sum3A_314 [1] : vector<512x128xf32> to vector<512xf32>
    %broadcast_in_dim3A_316 = vector.shape_cast %reduce_sum3A_315 : vector<512xf32> to vector<512x1xf32>
    %ge3A_317 = arith.constant 5.120000e+02 : f32
    %ge3A_318 = vector.broadcast %ge3A_317 : f32 to vector<512x1xf32>
    %ge3A_319 = arith.cmpf oge, %broadcast_in_dim3A_316, %ge3A_318 : vector<512x1xf32>
    %select_n3A_320 = arith.select %ge3A_319, %or3A_278, %select_n3A_275 : vector<512x1xi1>, vector<512x1xi32>
    %or3A_321 = arith.constant 128 : i32
    %or3A_322 = vector.broadcast %or3A_321 : i32 to vector<512x1xi32>
    %or3A_323 = arith.ori %select_n3A_320, %or3A_322 : vector<512x1xi32>
    %shift_left3A_324 = arith.constant 16 : i32
    %shift_left3A_325 = vector.broadcast %shift_left3A_324 : i32 to vector<512x1xi32>
    %shift_left3A_326 = arith.shli %or3A_323, %shift_left3A_325 : vector<512x1xi32>
    %or3A_327 = arith.ori %or3A_323, %shift_left3A_326 : vector<512x1xi32>
    %sub3A_328 = vector.broadcast %or3A_327 : vector<512x1xi32> to vector<512x1024xi32>
    %sub3A_329 = arith.subi %or3A_11, %sub3A_328 : vector<512x1024xi32>
    %shift_right_logical3A_330 = arith.constant 15 : i32
    %shift_right_logical3A_331 = vector.broadcast %shift_right_logical3A_330 : i32 to vector<512x1024xi32>
    %shift_right_logical3A_332 = arith.shrui %sub3A_329, %shift_right_logical3A_331 : vector<512x1024xi32>
    %and3A_333 = arith.constant 65537 : i32
    %and3A_334 = vector.broadcast %and3A_333 : i32 to vector<512x1024xi32>
    %and3A_335 = arith.andi %shift_right_logical3A_332, %and3A_334 : vector<512x1024xi32>
    %slice3A_336 = vector.extract_strided_slice %and3A_335 {offsets = [0, 0], sizes = [512, 128], strides = [1, 1]} : vector<512x1024xi32> to vector<512x128xi32>
    %slice3A_337 = vector.extract_strided_slice %and3A_335 {offsets = [0, 128], sizes = [512, 128], strides = [1, 1]} : vector<512x1024xi32> to vector<512x128xi32>
    %add3A_338 = arith.addi %slice3A_336, %slice3A_337 : vector<512x128xi32>
    %slice3A_339 = vector.extract_strided_slice %and3A_335 {offsets = [0, 256], sizes = [512, 128], strides = [1, 1]} : vector<512x1024xi32> to vector<512x128xi32>
    %add3A_340 = arith.addi %add3A_338, %slice3A_339 : vector<512x128xi32>
    %slice3A_341 = vector.extract_strided_slice %and3A_335 {offsets = [0, 384], sizes = [512, 128], strides = [1, 1]} : vector<512x1024xi32> to vector<512x128xi32>
    %add3A_342 = arith.addi %add3A_340, %slice3A_341 : vector<512x128xi32>
    %slice3A_343 = vector.extract_strided_slice %and3A_335 {offsets = [0, 512], sizes = [512, 128], strides = [1, 1]} : vector<512x1024xi32> to vector<512x128xi32>
    %add3A_344 = arith.addi %add3A_342, %slice3A_343 : vector<512x128xi32>
    %slice3A_345 = vector.extract_strided_slice %and3A_335 {offsets = [0, 640], sizes = [512, 128], strides = [1, 1]} : vector<512x1024xi32> to vector<512x128xi32>
    %add3A_346 = arith.addi %add3A_344, %slice3A_345 : vector<512x128xi32>
    %slice3A_347 = vector.extract_strided_slice %and3A_335 {offsets = [0, 768], sizes = [512, 128], strides = [1, 1]} : vector<512x1024xi32> to vector<512x128xi32>
    %add3A_348 = arith.addi %add3A_346, %slice3A_347 : vector<512x128xi32>
    %slice3A_349 = vector.extract_strided_slice %and3A_335 {offsets = [0, 896], sizes = [512, 128], strides = [1, 1]} : vector<512x1024xi32> to vector<512x128xi32>
    %add3A_350 = arith.addi %add3A_348, %slice3A_349 : vector<512x128xi32>
    %shift_right_arithmetic3A_351 = arith.constant 16 : i32
    %shift_right_arithmetic3A_352 = vector.broadcast %shift_right_arithmetic3A_351 : i32 to vector<512x128xi32>
    %shift_right_arithmetic3A_353 = arith.shrsi %add3A_350, %shift_right_arithmetic3A_352 : vector<512x128xi32>
    %and3A_354 = arith.constant 65535 : i32
    %and3A_355 = vector.broadcast %and3A_354 : i32 to vector<512x128xi32>
    %and3A_356 = arith.andi %add3A_350, %and3A_355 : vector<512x128xi32>
    %add3A_357 = arith.addi %shift_right_arithmetic3A_353, %and3A_356 : vector<512x128xi32>
    %convert_element_type3A_358 = arith.sitofp %add3A_357 : vector<512x128xi32> to vector<512x128xf32>
    %reduce_sum3A_359 = arith.constant dense<0.000000e+00> : vector<512xf32>
    %reduce_sum3A_360 = vector.multi_reduction <add>, %convert_element_type3A_358, %reduce_sum3A_359 [1] : vector<512x128xf32> to vector<512xf32>
    %broadcast_in_dim3A_361 = vector.shape_cast %reduce_sum3A_360 : vector<512xf32> to vector<512x1xf32>
    %ge3A_362 = arith.constant 5.120000e+02 : f32
    %ge3A_363 = vector.broadcast %ge3A_362 : f32 to vector<512x1xf32>
    %ge3A_364 = arith.cmpf oge, %broadcast_in_dim3A_361, %ge3A_363 : vector<512x1xf32>
    %select_n3A_365 = arith.select %ge3A_364, %or3A_323, %select_n3A_320 : vector<512x1xi1>, vector<512x1xi32>
    %or3A_366 = arith.constant 64 : i32
    %or3A_367 = vector.broadcast %or3A_366 : i32 to vector<512x1xi32>
    %or3A_368 = arith.ori %select_n3A_365, %or3A_367 : vector<512x1xi32>
    %shift_left3A_369 = arith.constant 16 : i32
    %shift_left3A_370 = vector.broadcast %shift_left3A_369 : i32 to vector<512x1xi32>
    %shift_left3A_371 = arith.shli %or3A_368, %shift_left3A_370 : vector<512x1xi32>
    %or3A_372 = arith.ori %or3A_368, %shift_left3A_371 : vector<512x1xi32>
    %sub3A_373 = vector.broadcast %or3A_372 : vector<512x1xi32> to vector<512x1024xi32>
    %sub3A_374 = arith.subi %or3A_11, %sub3A_373 : vector<512x1024xi32>
    %shift_right_logical3A_375 = arith.constant 15 : i32
    %shift_right_logical3A_376 = vector.broadcast %shift_right_logical3A_375 : i32 to vector<512x1024xi32>
    %shift_right_logical3A_377 = arith.shrui %sub3A_374, %shift_right_logical3A_376 : vector<512x1024xi32>
    %and3A_378 = arith.constant 65537 : i32
    %and3A_379 = vector.broadcast %and3A_378 : i32 to vector<512x1024xi32>
    %and3A_380 = arith.andi %shift_right_logical3A_377, %and3A_379 : vector<512x1024xi32>
    %slice3A_381 = vector.extract_strided_slice %and3A_380 {offsets = [0, 0], sizes = [512, 128], strides = [1, 1]} : vector<512x1024xi32> to vector<512x128xi32>
    %slice3A_382 = vector.extract_strided_slice %and3A_380 {offsets = [0, 128], sizes = [512, 128], strides = [1, 1]} : vector<512x1024xi32> to vector<512x128xi32>
    %add3A_383 = arith.addi %slice3A_381, %slice3A_382 : vector<512x128xi32>
    %slice3A_384 = vector.extract_strided_slice %and3A_380 {offsets = [0, 256], sizes = [512, 128], strides = [1, 1]} : vector<512x1024xi32> to vector<512x128xi32>
    %add3A_385 = arith.addi %add3A_383, %slice3A_384 : vector<512x128xi32>
    %slice3A_386 = vector.extract_strided_slice %and3A_380 {offsets = [0, 384], sizes = [512, 128], strides = [1, 1]} : vector<512x1024xi32> to vector<512x128xi32>
    %add3A_387 = arith.addi %add3A_385, %slice3A_386 : vector<512x128xi32>
    %slice3A_388 = vector.extract_strided_slice %and3A_380 {offsets = [0, 512], sizes = [512, 128], strides = [1, 1]} : vector<512x1024xi32> to vector<512x128xi32>
    %add3A_389 = arith.addi %add3A_387, %slice3A_388 : vector<512x128xi32>
    %slice3A_390 = vector.extract_strided_slice %and3A_380 {offsets = [0, 640], sizes = [512, 128], strides = [1, 1]} : vector<512x1024xi32> to vector<512x128xi32>
    %add3A_391 = arith.addi %add3A_389, %slice3A_390 : vector<512x128xi32>
    %slice3A_392 = vector.extract_strided_slice %and3A_380 {offsets = [0, 768], sizes = [512, 128], strides = [1, 1]} : vector<512x1024xi32> to vector<512x128xi32>
    %add3A_393 = arith.addi %add3A_391, %slice3A_392 : vector<512x128xi32>
    %slice3A_394 = vector.extract_strided_slice %and3A_380 {offsets = [0, 896], sizes = [512, 128], strides = [1, 1]} : vector<512x1024xi32> to vector<512x128xi32>
    %add3A_395 = arith.addi %add3A_393, %slice3A_394 : vector<512x128xi32>
    %shift_right_arithmetic3A_396 = arith.constant 16 : i32
    %shift_right_arithmetic3A_397 = vector.broadcast %shift_right_arithmetic3A_396 : i32 to vector<512x128xi32>
    %shift_right_arithmetic3A_398 = arith.shrsi %add3A_395, %shift_right_arithmetic3A_397 : vector<512x128xi32>
    %and3A_399 = arith.constant 65535 : i32
    %and3A_400 = vector.broadcast %and3A_399 : i32 to vector<512x128xi32>
    %and3A_401 = arith.andi %add3A_395, %and3A_400 : vector<512x128xi32>
    %add3A_402 = arith.addi %shift_right_arithmetic3A_398, %and3A_401 : vector<512x128xi32>
    %convert_element_type3A_403 = arith.sitofp %add3A_402 : vector<512x128xi32> to vector<512x128xf32>
    %reduce_sum3A_404 = arith.constant dense<0.000000e+00> : vector<512xf32>
    %reduce_sum3A_405 = vector.multi_reduction <add>, %convert_element_type3A_403, %reduce_sum3A_404 [1] : vector<512x128xf32> to vector<512xf32>
    %broadcast_in_dim3A_406 = vector.shape_cast %reduce_sum3A_405 : vector<512xf32> to vector<512x1xf32>
    %ge3A_407 = arith.constant 5.120000e+02 : f32
    %ge3A_408 = vector.broadcast %ge3A_407 : f32 to vector<512x1xf32>
    %ge3A_409 = arith.cmpf oge, %broadcast_in_dim3A_406, %ge3A_408 : vector<512x1xf32>
    %select_n3A_410 = arith.select %ge3A_409, %or3A_368, %select_n3A_365 : vector<512x1xi1>, vector<512x1xi32>
    %or3A_411 = arith.constant 32 : i32
    %or3A_412 = vector.broadcast %or3A_411 : i32 to vector<512x1xi32>
    %or3A_413 = arith.ori %select_n3A_410, %or3A_412 : vector<512x1xi32>
    %shift_left3A_414 = arith.constant 16 : i32
    %shift_left3A_415 = vector.broadcast %shift_left3A_414 : i32 to vector<512x1xi32>
    %shift_left3A_416 = arith.shli %or3A_413, %shift_left3A_415 : vector<512x1xi32>
    %or3A_417 = arith.ori %or3A_413, %shift_left3A_416 : vector<512x1xi32>
    %sub3A_418 = vector.broadcast %or3A_417 : vector<512x1xi32> to vector<512x1024xi32>
    %sub3A_419 = arith.subi %or3A_11, %sub3A_418 : vector<512x1024xi32>
    %shift_right_logical3A_420 = arith.constant 15 : i32
    %shift_right_logical3A_421 = vector.broadcast %shift_right_logical3A_420 : i32 to vector<512x1024xi32>
    %shift_right_logical3A_422 = arith.shrui %sub3A_419, %shift_right_logical3A_421 : vector<512x1024xi32>
    %and3A_423 = arith.constant 65537 : i32
    %and3A_424 = vector.broadcast %and3A_423 : i32 to vector<512x1024xi32>
    %and3A_425 = arith.andi %shift_right_logical3A_422, %and3A_424 : vector<512x1024xi32>
    %slice3A_426 = vector.extract_strided_slice %and3A_425 {offsets = [0, 0], sizes = [512, 128], strides = [1, 1]} : vector<512x1024xi32> to vector<512x128xi32>
    %slice3A_427 = vector.extract_strided_slice %and3A_425 {offsets = [0, 128], sizes = [512, 128], strides = [1, 1]} : vector<512x1024xi32> to vector<512x128xi32>
    %add3A_428 = arith.addi %slice3A_426, %slice3A_427 : vector<512x128xi32>
    %slice3A_429 = vector.extract_strided_slice %and3A_425 {offsets = [0, 256], sizes = [512, 128], strides = [1, 1]} : vector<512x1024xi32> to vector<512x128xi32>
    %add3A_430 = arith.addi %add3A_428, %slice3A_429 : vector<512x128xi32>
    %slice3A_431 = vector.extract_strided_slice %and3A_425 {offsets = [0, 384], sizes = [512, 128], strides = [1, 1]} : vector<512x1024xi32> to vector<512x128xi32>
    %add3A_432 = arith.addi %add3A_430, %slice3A_431 : vector<512x128xi32>
    %slice3A_433 = vector.extract_strided_slice %and3A_425 {offsets = [0, 512], sizes = [512, 128], strides = [1, 1]} : vector<512x1024xi32> to vector<512x128xi32>
    %add3A_434 = arith.addi %add3A_432, %slice3A_433 : vector<512x128xi32>
    %slice3A_435 = vector.extract_strided_slice %and3A_425 {offsets = [0, 640], sizes = [512, 128], strides = [1, 1]} : vector<512x1024xi32> to vector<512x128xi32>
    %add3A_436 = arith.addi %add3A_434, %slice3A_435 : vector<512x128xi32>
    %slice3A_437 = vector.extract_strided_slice %and3A_425 {offsets = [0, 768], sizes = [512, 128], strides = [1, 1]} : vector<512x1024xi32> to vector<512x128xi32>
    %add3A_438 = arith.addi %add3A_436, %slice3A_437 : vector<512x128xi32>
    %slice3A_439 = vector.extract_strided_slice %and3A_425 {offsets = [0, 896], sizes = [512, 128], strides = [1, 1]} : vector<512x1024xi32> to vector<512x128xi32>
    %add3A_440 = arith.addi %add3A_438, %slice3A_439 : vector<512x128xi32>
    %shift_right_arithmetic3A_441 = arith.constant 16 : i32
    %shift_right_arithmetic3A_442 = vector.broadcast %shift_right_arithmetic3A_441 : i32 to vector<512x128xi32>
    %shift_right_arithmetic3A_443 = arith.shrsi %add3A_440, %shift_right_arithmetic3A_442 : vector<512x128xi32>
    %and3A_444 = arith.constant 65535 : i32
    %and3A_445 = vector.broadcast %and3A_444 : i32 to vector<512x128xi32>
    %and3A_446 = arith.andi %add3A_440, %and3A_445 : vector<512x128xi32>
    %add3A_447 = arith.addi %shift_right_arithmetic3A_443, %and3A_446 : vector<512x128xi32>
    %convert_element_type3A_448 = arith.sitofp %add3A_447 : vector<512x128xi32> to vector<512x128xf32>
    %reduce_sum3A_449 = arith.constant dense<0.000000e+00> : vector<512xf32>
    %reduce_sum3A_450 = vector.multi_reduction <add>, %convert_element_type3A_448, %reduce_sum3A_449 [1] : vector<512x128xf32> to vector<512xf32>
    %broadcast_in_dim3A_451 = vector.shape_cast %reduce_sum3A_450 : vector<512xf32> to vector<512x1xf32>
    %ge3A_452 = arith.constant 5.120000e+02 : f32
    %ge3A_453 = vector.broadcast %ge3A_452 : f32 to vector<512x1xf32>
    %ge3A_454 = arith.cmpf oge, %broadcast_in_dim3A_451, %ge3A_453 : vector<512x1xf32>
    %select_n3A_455 = arith.select %ge3A_454, %or3A_413, %select_n3A_410 : vector<512x1xi1>, vector<512x1xi32>
    %or3A_456 = arith.constant 16 : i32
    %or3A_457 = vector.broadcast %or3A_456 : i32 to vector<512x1xi32>
    %or3A_458 = arith.ori %select_n3A_455, %or3A_457 : vector<512x1xi32>
    %shift_left3A_459 = arith.constant 16 : i32
    %shift_left3A_460 = vector.broadcast %shift_left3A_459 : i32 to vector<512x1xi32>
    %shift_left3A_461 = arith.shli %or3A_458, %shift_left3A_460 : vector<512x1xi32>
    %or3A_462 = arith.ori %or3A_458, %shift_left3A_461 : vector<512x1xi32>
    %sub3A_463 = vector.broadcast %or3A_462 : vector<512x1xi32> to vector<512x1024xi32>
    %sub3A_464 = arith.subi %or3A_11, %sub3A_463 : vector<512x1024xi32>
    %shift_right_logical3A_465 = arith.constant 15 : i32
    %shift_right_logical3A_466 = vector.broadcast %shift_right_logical3A_465 : i32 to vector<512x1024xi32>
    %shift_right_logical3A_467 = arith.shrui %sub3A_464, %shift_right_logical3A_466 : vector<512x1024xi32>
    %and3A_468 = arith.constant 65537 : i32
    %and3A_469 = vector.broadcast %and3A_468 : i32 to vector<512x1024xi32>
    %and3A_470 = arith.andi %shift_right_logical3A_467, %and3A_469 : vector<512x1024xi32>
    %slice3A_471 = vector.extract_strided_slice %and3A_470 {offsets = [0, 0], sizes = [512, 128], strides = [1, 1]} : vector<512x1024xi32> to vector<512x128xi32>
    %slice3A_472 = vector.extract_strided_slice %and3A_470 {offsets = [0, 128], sizes = [512, 128], strides = [1, 1]} : vector<512x1024xi32> to vector<512x128xi32>
    %add3A_473 = arith.addi %slice3A_471, %slice3A_472 : vector<512x128xi32>
    %slice3A_474 = vector.extract_strided_slice %and3A_470 {offsets = [0, 256], sizes = [512, 128], strides = [1, 1]} : vector<512x1024xi32> to vector<512x128xi32>
    %add3A_475 = arith.addi %add3A_473, %slice3A_474 : vector<512x128xi32>
    %slice3A_476 = vector.extract_strided_slice %and3A_470 {offsets = [0, 384], sizes = [512, 128], strides = [1, 1]} : vector<512x1024xi32> to vector<512x128xi32>
    %add3A_477 = arith.addi %add3A_475, %slice3A_476 : vector<512x128xi32>
    %slice3A_478 = vector.extract_strided_slice %and3A_470 {offsets = [0, 512], sizes = [512, 128], strides = [1, 1]} : vector<512x1024xi32> to vector<512x128xi32>
    %add3A_479 = arith.addi %add3A_477, %slice3A_478 : vector<512x128xi32>
    %slice3A_480 = vector.extract_strided_slice %and3A_470 {offsets = [0, 640], sizes = [512, 128], strides = [1, 1]} : vector<512x1024xi32> to vector<512x128xi32>
    %add3A_481 = arith.addi %add3A_479, %slice3A_480 : vector<512x128xi32>
    %slice3A_482 = vector.extract_strided_slice %and3A_470 {offsets = [0, 768], sizes = [512, 128], strides = [1, 1]} : vector<512x1024xi32> to vector<512x128xi32>
    %add3A_483 = arith.addi %add3A_481, %slice3A_482 : vector<512x128xi32>
    %slice3A_484 = vector.extract_strided_slice %and3A_470 {offsets = [0, 896], sizes = [512, 128], strides = [1, 1]} : vector<512x1024xi32> to vector<512x128xi32>
    %add3A_485 = arith.addi %add3A_483, %slice3A_484 : vector<512x128xi32>
    %shift_right_arithmetic3A_486 = arith.constant 16 : i32
    %shift_right_arithmetic3A_487 = vector.broadcast %shift_right_arithmetic3A_486 : i32 to vector<512x128xi32>
    %shift_right_arithmetic3A_488 = arith.shrsi %add3A_485, %shift_right_arithmetic3A_487 : vector<512x128xi32>
    %and3A_489 = arith.constant 65535 : i32
    %and3A_490 = vector.broadcast %and3A_489 : i32 to vector<512x128xi32>
    %and3A_491 = arith.andi %add3A_485, %and3A_490 : vector<512x128xi32>
    %add3A_492 = arith.addi %shift_right_arithmetic3A_488, %and3A_491 : vector<512x128xi32>
    %convert_element_type3A_493 = arith.sitofp %add3A_492 : vector<512x128xi32> to vector<512x128xf32>
    %reduce_sum3A_494 = arith.constant dense<0.000000e+00> : vector<512xf32>
    %reduce_sum3A_495 = vector.multi_reduction <add>, %convert_element_type3A_493, %reduce_sum3A_494 [1] : vector<512x128xf32> to vector<512xf32>
    %broadcast_in_dim3A_496 = vector.shape_cast %reduce_sum3A_495 : vector<512xf32> to vector<512x1xf32>
    %ge3A_497 = arith.constant 5.120000e+02 : f32
    %ge3A_498 = vector.broadcast %ge3A_497 : f32 to vector<512x1xf32>
    %ge3A_499 = arith.cmpf oge, %broadcast_in_dim3A_496, %ge3A_498 : vector<512x1xf32>
    %select_n3A_500 = arith.select %ge3A_499, %or3A_458, %select_n3A_455 : vector<512x1xi1>, vector<512x1xi32>
    %or3A_501 = arith.constant 8 : i32
    %or3A_502 = vector.broadcast %or3A_501 : i32 to vector<512x1xi32>
    %or3A_503 = arith.ori %select_n3A_500, %or3A_502 : vector<512x1xi32>
    %shift_left3A_504 = arith.constant 16 : i32
    %shift_left3A_505 = vector.broadcast %shift_left3A_504 : i32 to vector<512x1xi32>
    %shift_left3A_506 = arith.shli %or3A_503, %shift_left3A_505 : vector<512x1xi32>
    %or3A_507 = arith.ori %or3A_503, %shift_left3A_506 : vector<512x1xi32>
    %sub3A_508 = vector.broadcast %or3A_507 : vector<512x1xi32> to vector<512x1024xi32>
    %sub3A_509 = arith.subi %or3A_11, %sub3A_508 : vector<512x1024xi32>
    %shift_right_logical3A_510 = arith.constant 15 : i32
    %shift_right_logical3A_511 = vector.broadcast %shift_right_logical3A_510 : i32 to vector<512x1024xi32>
    %shift_right_logical3A_512 = arith.shrui %sub3A_509, %shift_right_logical3A_511 : vector<512x1024xi32>
    %and3A_513 = arith.constant 65537 : i32
    %and3A_514 = vector.broadcast %and3A_513 : i32 to vector<512x1024xi32>
    %and3A_515 = arith.andi %shift_right_logical3A_512, %and3A_514 : vector<512x1024xi32>
    %slice3A_516 = vector.extract_strided_slice %and3A_515 {offsets = [0, 0], sizes = [512, 128], strides = [1, 1]} : vector<512x1024xi32> to vector<512x128xi32>
    %slice3A_517 = vector.extract_strided_slice %and3A_515 {offsets = [0, 128], sizes = [512, 128], strides = [1, 1]} : vector<512x1024xi32> to vector<512x128xi32>
    %add3A_518 = arith.addi %slice3A_516, %slice3A_517 : vector<512x128xi32>
    %slice3A_519 = vector.extract_strided_slice %and3A_515 {offsets = [0, 256], sizes = [512, 128], strides = [1, 1]} : vector<512x1024xi32> to vector<512x128xi32>
    %add3A_520 = arith.addi %add3A_518, %slice3A_519 : vector<512x128xi32>
    %slice3A_521 = vector.extract_strided_slice %and3A_515 {offsets = [0, 384], sizes = [512, 128], strides = [1, 1]} : vector<512x1024xi32> to vector<512x128xi32>
    %add3A_522 = arith.addi %add3A_520, %slice3A_521 : vector<512x128xi32>
    %slice3A_523 = vector.extract_strided_slice %and3A_515 {offsets = [0, 512], sizes = [512, 128], strides = [1, 1]} : vector<512x1024xi32> to vector<512x128xi32>
    %add3A_524 = arith.addi %add3A_522, %slice3A_523 : vector<512x128xi32>
    %slice3A_525 = vector.extract_strided_slice %and3A_515 {offsets = [0, 640], sizes = [512, 128], strides = [1, 1]} : vector<512x1024xi32> to vector<512x128xi32>
    %add3A_526 = arith.addi %add3A_524, %slice3A_525 : vector<512x128xi32>
    %slice3A_527 = vector.extract_strided_slice %and3A_515 {offsets = [0, 768], sizes = [512, 128], strides = [1, 1]} : vector<512x1024xi32> to vector<512x128xi32>
    %add3A_528 = arith.addi %add3A_526, %slice3A_527 : vector<512x128xi32>
    %slice3A_529 = vector.extract_strided_slice %and3A_515 {offsets = [0, 896], sizes = [512, 128], strides = [1, 1]} : vector<512x1024xi32> to vector<512x128xi32>
    %add3A_530 = arith.addi %add3A_528, %slice3A_529 : vector<512x128xi32>
    %shift_right_arithmetic3A_531 = arith.constant 16 : i32
    %shift_right_arithmetic3A_532 = vector.broadcast %shift_right_arithmetic3A_531 : i32 to vector<512x128xi32>
    %shift_right_arithmetic3A_533 = arith.shrsi %add3A_530, %shift_right_arithmetic3A_532 : vector<512x128xi32>
    %and3A_534 = arith.constant 65535 : i32
    %and3A_535 = vector.broadcast %and3A_534 : i32 to vector<512x128xi32>
    %and3A_536 = arith.andi %add3A_530, %and3A_535 : vector<512x128xi32>
    %add3A_537 = arith.addi %shift_right_arithmetic3A_533, %and3A_536 : vector<512x128xi32>
    %convert_element_type3A_538 = arith.sitofp %add3A_537 : vector<512x128xi32> to vector<512x128xf32>
    %reduce_sum3A_539 = arith.constant dense<0.000000e+00> : vector<512xf32>
    %reduce_sum3A_540 = vector.multi_reduction <add>, %convert_element_type3A_538, %reduce_sum3A_539 [1] : vector<512x128xf32> to vector<512xf32>
    %broadcast_in_dim3A_541 = vector.shape_cast %reduce_sum3A_540 : vector<512xf32> to vector<512x1xf32>
    %ge3A_542 = arith.constant 5.120000e+02 : f32
    %ge3A_543 = vector.broadcast %ge3A_542 : f32 to vector<512x1xf32>
    %ge3A_544 = arith.cmpf oge, %broadcast_in_dim3A_541, %ge3A_543 : vector<512x1xf32>
    %select_n3A_545 = arith.select %ge3A_544, %or3A_503, %select_n3A_500 : vector<512x1xi1>, vector<512x1xi32>
    %or3A_546 = arith.constant 4 : i32
    %or3A_547 = vector.broadcast %or3A_546 : i32 to vector<512x1xi32>
    %or3A_548 = arith.ori %select_n3A_545, %or3A_547 : vector<512x1xi32>
    %shift_left3A_549 = arith.constant 16 : i32
    %shift_left3A_550 = vector.broadcast %shift_left3A_549 : i32 to vector<512x1xi32>
    %shift_left3A_551 = arith.shli %or3A_548, %shift_left3A_550 : vector<512x1xi32>
    %or3A_552 = arith.ori %or3A_548, %shift_left3A_551 : vector<512x1xi32>
    %sub3A_553 = vector.broadcast %or3A_552 : vector<512x1xi32> to vector<512x1024xi32>
    %sub3A_554 = arith.subi %or3A_11, %sub3A_553 : vector<512x1024xi32>
    %shift_right_logical3A_555 = arith.constant 15 : i32
    %shift_right_logical3A_556 = vector.broadcast %shift_right_logical3A_555 : i32 to vector<512x1024xi32>
    %shift_right_logical3A_557 = arith.shrui %sub3A_554, %shift_right_logical3A_556 : vector<512x1024xi32>
    %and3A_558 = arith.constant 65537 : i32
    %and3A_559 = vector.broadcast %and3A_558 : i32 to vector<512x1024xi32>
    %and3A_560 = arith.andi %shift_right_logical3A_557, %and3A_559 : vector<512x1024xi32>
    %slice3A_561 = vector.extract_strided_slice %and3A_560 {offsets = [0, 0], sizes = [512, 128], strides = [1, 1]} : vector<512x1024xi32> to vector<512x128xi32>
    %slice3A_562 = vector.extract_strided_slice %and3A_560 {offsets = [0, 128], sizes = [512, 128], strides = [1, 1]} : vector<512x1024xi32> to vector<512x128xi32>
    %add3A_563 = arith.addi %slice3A_561, %slice3A_562 : vector<512x128xi32>
    %slice3A_564 = vector.extract_strided_slice %and3A_560 {offsets = [0, 256], sizes = [512, 128], strides = [1, 1]} : vector<512x1024xi32> to vector<512x128xi32>
    %add3A_565 = arith.addi %add3A_563, %slice3A_564 : vector<512x128xi32>
    %slice3A_566 = vector.extract_strided_slice %and3A_560 {offsets = [0, 384], sizes = [512, 128], strides = [1, 1]} : vector<512x1024xi32> to vector<512x128xi32>
    %add3A_567 = arith.addi %add3A_565, %slice3A_566 : vector<512x128xi32>
    %slice3A_568 = vector.extract_strided_slice %and3A_560 {offsets = [0, 512], sizes = [512, 128], strides = [1, 1]} : vector<512x1024xi32> to vector<512x128xi32>
    %add3A_569 = arith.addi %add3A_567, %slice3A_568 : vector<512x128xi32>
    %slice3A_570 = vector.extract_strided_slice %and3A_560 {offsets = [0, 640], sizes = [512, 128], strides = [1, 1]} : vector<512x1024xi32> to vector<512x128xi32>
    %add3A_571 = arith.addi %add3A_569, %slice3A_570 : vector<512x128xi32>
    %slice3A_572 = vector.extract_strided_slice %and3A_560 {offsets = [0, 768], sizes = [512, 128], strides = [1, 1]} : vector<512x1024xi32> to vector<512x128xi32>
    %add3A_573 = arith.addi %add3A_571, %slice3A_572 : vector<512x128xi32>
    %slice3A_574 = vector.extract_strided_slice %and3A_560 {offsets = [0, 896], sizes = [512, 128], strides = [1, 1]} : vector<512x1024xi32> to vector<512x128xi32>
    %add3A_575 = arith.addi %add3A_573, %slice3A_574 : vector<512x128xi32>
    %shift_right_arithmetic3A_576 = arith.constant 16 : i32
    %shift_right_arithmetic3A_577 = vector.broadcast %shift_right_arithmetic3A_576 : i32 to vector<512x128xi32>
    %shift_right_arithmetic3A_578 = arith.shrsi %add3A_575, %shift_right_arithmetic3A_577 : vector<512x128xi32>
    %and3A_579 = arith.constant 65535 : i32
    %and3A_580 = vector.broadcast %and3A_579 : i32 to vector<512x128xi32>
    %and3A_581 = arith.andi %add3A_575, %and3A_580 : vector<512x128xi32>
    %add3A_582 = arith.addi %shift_right_arithmetic3A_578, %and3A_581 : vector<512x128xi32>
    %convert_element_type3A_583 = arith.sitofp %add3A_582 : vector<512x128xi32> to vector<512x128xf32>
    %reduce_sum3A_584 = arith.constant dense<0.000000e+00> : vector<512xf32>
    %reduce_sum3A_585 = vector.multi_reduction <add>, %convert_element_type3A_583, %reduce_sum3A_584 [1] : vector<512x128xf32> to vector<512xf32>
    %broadcast_in_dim3A_586 = vector.shape_cast %reduce_sum3A_585 : vector<512xf32> to vector<512x1xf32>
    %ge3A_587 = arith.constant 5.120000e+02 : f32
    %ge3A_588 = vector.broadcast %ge3A_587 : f32 to vector<512x1xf32>
    %ge3A_589 = arith.cmpf oge, %broadcast_in_dim3A_586, %ge3A_588 : vector<512x1xf32>
    %select_n3A_590 = arith.select %ge3A_589, %or3A_548, %select_n3A_545 : vector<512x1xi1>, vector<512x1xi32>
    %or3A_591 = arith.constant 2 : i32
    %or3A_592 = vector.broadcast %or3A_591 : i32 to vector<512x1xi32>
    %or3A_593 = arith.ori %select_n3A_590, %or3A_592 : vector<512x1xi32>
    %shift_left3A_594 = arith.constant 16 : i32
    %shift_left3A_595 = vector.broadcast %shift_left3A_594 : i32 to vector<512x1xi32>
    %shift_left3A_596 = arith.shli %or3A_593, %shift_left3A_595 : vector<512x1xi32>
    %or3A_597 = arith.ori %or3A_593, %shift_left3A_596 : vector<512x1xi32>
    %sub3A_598 = vector.broadcast %or3A_597 : vector<512x1xi32> to vector<512x1024xi32>
    %sub3A_599 = arith.subi %or3A_11, %sub3A_598 : vector<512x1024xi32>
    %shift_right_logical3A_600 = arith.constant 15 : i32
    %shift_right_logical3A_601 = vector.broadcast %shift_right_logical3A_600 : i32 to vector<512x1024xi32>
    %shift_right_logical3A_602 = arith.shrui %sub3A_599, %shift_right_logical3A_601 : vector<512x1024xi32>
    %and3A_603 = arith.constant 65537 : i32
    %and3A_604 = vector.broadcast %and3A_603 : i32 to vector<512x1024xi32>
    %and3A_605 = arith.andi %shift_right_logical3A_602, %and3A_604 : vector<512x1024xi32>
    %slice3A_606 = vector.extract_strided_slice %and3A_605 {offsets = [0, 0], sizes = [512, 128], strides = [1, 1]} : vector<512x1024xi32> to vector<512x128xi32>
    %slice3A_607 = vector.extract_strided_slice %and3A_605 {offsets = [0, 128], sizes = [512, 128], strides = [1, 1]} : vector<512x1024xi32> to vector<512x128xi32>
    %add3A_608 = arith.addi %slice3A_606, %slice3A_607 : vector<512x128xi32>
    %slice3A_609 = vector.extract_strided_slice %and3A_605 {offsets = [0, 256], sizes = [512, 128], strides = [1, 1]} : vector<512x1024xi32> to vector<512x128xi32>
    %add3A_610 = arith.addi %add3A_608, %slice3A_609 : vector<512x128xi32>
    %slice3A_611 = vector.extract_strided_slice %and3A_605 {offsets = [0, 384], sizes = [512, 128], strides = [1, 1]} : vector<512x1024xi32> to vector<512x128xi32>
    %add3A_612 = arith.addi %add3A_610, %slice3A_611 : vector<512x128xi32>
    %slice3A_613 = vector.extract_strided_slice %and3A_605 {offsets = [0, 512], sizes = [512, 128], strides = [1, 1]} : vector<512x1024xi32> to vector<512x128xi32>
    %add3A_614 = arith.addi %add3A_612, %slice3A_613 : vector<512x128xi32>
    %slice3A_615 = vector.extract_strided_slice %and3A_605 {offsets = [0, 640], sizes = [512, 128], strides = [1, 1]} : vector<512x1024xi32> to vector<512x128xi32>
    %add3A_616 = arith.addi %add3A_614, %slice3A_615 : vector<512x128xi32>
    %slice3A_617 = vector.extract_strided_slice %and3A_605 {offsets = [0, 768], sizes = [512, 128], strides = [1, 1]} : vector<512x1024xi32> to vector<512x128xi32>
    %add3A_618 = arith.addi %add3A_616, %slice3A_617 : vector<512x128xi32>
    %slice3A_619 = vector.extract_strided_slice %and3A_605 {offsets = [0, 896], sizes = [512, 128], strides = [1, 1]} : vector<512x1024xi32> to vector<512x128xi32>
    %add3A_620 = arith.addi %add3A_618, %slice3A_619 : vector<512x128xi32>
    %shift_right_arithmetic3A_621 = arith.constant 16 : i32
    %shift_right_arithmetic3A_622 = vector.broadcast %shift_right_arithmetic3A_621 : i32 to vector<512x128xi32>
    %shift_right_arithmetic3A_623 = arith.shrsi %add3A_620, %shift_right_arithmetic3A_622 : vector<512x128xi32>
    %and3A_624 = arith.constant 65535 : i32
    %and3A_625 = vector.broadcast %and3A_624 : i32 to vector<512x128xi32>
    %and3A_626 = arith.andi %add3A_620, %and3A_625 : vector<512x128xi32>
    %add3A_627 = arith.addi %shift_right_arithmetic3A_623, %and3A_626 : vector<512x128xi32>
    %convert_element_type3A_628 = arith.sitofp %add3A_627 : vector<512x128xi32> to vector<512x128xf32>
    %reduce_sum3A_629 = arith.constant dense<0.000000e+00> : vector<512xf32>
    %reduce_sum3A_630 = vector.multi_reduction <add>, %convert_element_type3A_628, %reduce_sum3A_629 [1] : vector<512x128xf32> to vector<512xf32>
    %broadcast_in_dim3A_631 = vector.shape_cast %reduce_sum3A_630 : vector<512xf32> to vector<512x1xf32>
    %ge3A_632 = arith.constant 5.120000e+02 : f32
    %ge3A_633 = vector.broadcast %ge3A_632 : f32 to vector<512x1xf32>
    %ge3A_634 = arith.cmpf oge, %broadcast_in_dim3A_631, %ge3A_633 : vector<512x1xf32>
    %select_n3A_635 = arith.select %ge3A_634, %or3A_593, %select_n3A_590 : vector<512x1xi1>, vector<512x1xi32>
    %or3A_636 = arith.constant 1 : i32
    %or3A_637 = vector.broadcast %or3A_636 : i32 to vector<512x1xi32>
    %or3A_638 = arith.ori %select_n3A_635, %or3A_637 : vector<512x1xi32>
    %shift_left3A_639 = arith.constant 16 : i32
    %shift_left3A_640 = vector.broadcast %shift_left3A_639 : i32 to vector<512x1xi32>
    %shift_left3A_641 = arith.shli %or3A_638, %shift_left3A_640 : vector<512x1xi32>
    %or3A_642 = arith.ori %or3A_638, %shift_left3A_641 : vector<512x1xi32>
    %sub3A_643 = vector.broadcast %or3A_642 : vector<512x1xi32> to vector<512x1024xi32>
    %sub3A_644 = arith.subi %or3A_11, %sub3A_643 : vector<512x1024xi32>
    %shift_right_logical3A_645 = arith.constant 15 : i32
    %shift_right_logical3A_646 = vector.broadcast %shift_right_logical3A_645 : i32 to vector<512x1024xi32>
    %shift_right_logical3A_647 = arith.shrui %sub3A_644, %shift_right_logical3A_646 : vector<512x1024xi32>
    %and3A_648 = arith.constant 65537 : i32
    %and3A_649 = vector.broadcast %and3A_648 : i32 to vector<512x1024xi32>
    %and3A_650 = arith.andi %shift_right_logical3A_647, %and3A_649 : vector<512x1024xi32>
    %slice3A_651 = vector.extract_strided_slice %and3A_650 {offsets = [0, 0], sizes = [512, 128], strides = [1, 1]} : vector<512x1024xi32> to vector<512x128xi32>
    %slice3A_652 = vector.extract_strided_slice %and3A_650 {offsets = [0, 128], sizes = [512, 128], strides = [1, 1]} : vector<512x1024xi32> to vector<512x128xi32>
    %add3A_653 = arith.addi %slice3A_651, %slice3A_652 : vector<512x128xi32>
    %slice3A_654 = vector.extract_strided_slice %and3A_650 {offsets = [0, 256], sizes = [512, 128], strides = [1, 1]} : vector<512x1024xi32> to vector<512x128xi32>
    %add3A_655 = arith.addi %add3A_653, %slice3A_654 : vector<512x128xi32>
    %slice3A_656 = vector.extract_strided_slice %and3A_650 {offsets = [0, 384], sizes = [512, 128], strides = [1, 1]} : vector<512x1024xi32> to vector<512x128xi32>
    %add3A_657 = arith.addi %add3A_655, %slice3A_656 : vector<512x128xi32>
    %slice3A_658 = vector.extract_strided_slice %and3A_650 {offsets = [0, 512], sizes = [512, 128], strides = [1, 1]} : vector<512x1024xi32> to vector<512x128xi32>
    %add3A_659 = arith.addi %add3A_657, %slice3A_658 : vector<512x128xi32>
    %slice3A_660 = vector.extract_strided_slice %and3A_650 {offsets = [0, 640], sizes = [512, 128], strides = [1, 1]} : vector<512x1024xi32> to vector<512x128xi32>
    %add3A_661 = arith.addi %add3A_659, %slice3A_660 : vector<512x128xi32>
    %slice3A_662 = vector.extract_strided_slice %and3A_650 {offsets = [0, 768], sizes = [512, 128], strides = [1, 1]} : vector<512x1024xi32> to vector<512x128xi32>
    %add3A_663 = arith.addi %add3A_661, %slice3A_662 : vector<512x128xi32>
    %slice3A_664 = vector.extract_strided_slice %and3A_650 {offsets = [0, 896], sizes = [512, 128], strides = [1, 1]} : vector<512x1024xi32> to vector<512x128xi32>
    %add3A_665 = arith.addi %add3A_663, %slice3A_664 : vector<512x128xi32>
    %shift_right_arithmetic3A_666 = arith.constant 16 : i32
    %shift_right_arithmetic3A_667 = vector.broadcast %shift_right_arithmetic3A_666 : i32 to vector<512x128xi32>
    %shift_right_arithmetic3A_668 = arith.shrsi %add3A_665, %shift_right_arithmetic3A_667 : vector<512x128xi32>
    %and3A_669 = arith.constant 65535 : i32
    %and3A_670 = vector.broadcast %and3A_669 : i32 to vector<512x128xi32>
    %and3A_671 = arith.andi %add3A_665, %and3A_670 : vector<512x128xi32>
    %add3A_672 = arith.addi %shift_right_arithmetic3A_668, %and3A_671 : vector<512x128xi32>
    %convert_element_type3A_673 = arith.sitofp %add3A_672 : vector<512x128xi32> to vector<512x128xf32>
    %reduce_sum3A_674 = arith.constant dense<0.000000e+00> : vector<512xf32>
    %reduce_sum3A_675 = vector.multi_reduction <add>, %convert_element_type3A_673, %reduce_sum3A_674 [1] : vector<512x128xf32> to vector<512xf32>
    %broadcast_in_dim3A_676 = vector.shape_cast %reduce_sum3A_675 : vector<512xf32> to vector<512x1xf32>
    %ge3A_677 = arith.constant 5.120000e+02 : f32
    %ge3A_678 = vector.broadcast %ge3A_677 : f32 to vector<512x1xf32>
    %ge3A_679 = arith.cmpf oge, %broadcast_in_dim3A_676, %ge3A_678 : vector<512x1xf32>
    %select_n3A_680 = arith.select %ge3A_679, %or3A_638, %select_n3A_635 : vector<512x1xi1>, vector<512x1xi32>
    %gt3A = vector.broadcast %select_n3A_680 : vector<512x1xi32> to vector<512x2048xi32>
    %gt3A_681 = arith.cmpi sgt, %shift_right_arithmetic3A_5, %gt3A : vector<512x2048xi32>
    %convert_element_type3A_682 = arith.extui %gt3A_681 : vector<512x2048xi1> to vector<512x2048xi32>
    %convert_element_type3A_683 = arith.sitofp %convert_element_type3A_682 : vector<512x2048xi32> to vector<512x2048xf32>
    %reduce_sum3A_684 = arith.constant dense<0.000000e+00> : vector<512xf32>
    %reduce_sum3A_685 = vector.multi_reduction <add>, %convert_element_type3A_683, %reduce_sum3A_684 [1] : vector<512x2048xf32> to vector<512xf32>
    %broadcast_in_dim3A_686 = vector.shape_cast %reduce_sum3A_685 : vector<512xf32> to vector<512x1xf32>
    %shift_right_logical3A_687 = arith.constant 1 : i32
    %shift_right_logical3A_688 = vector.broadcast %shift_right_logical3A_687 : i32 to vector<512x2048xi32>
    %shift_right_logical3A_689 = arith.shrui %and3A_3, %shift_right_logical3A_688 : vector<512x2048xi32>
    %and3A_690 = arith.constant 32767 : i32
    %and3A_691 = vector.broadcast %and3A_690 : i32 to vector<512x2048xi32>
    %and3A_692 = arith.andi %shift_right_logical3A_689, %and3A_691 : vector<512x2048xi32>
    %eq3A = vector.broadcast %select_n3A_680 : vector<512x1xi32> to vector<512x2048xi32>
    %eq3A_693 = arith.cmpi eq, %shift_right_arithmetic3A_5, %eq3A : vector<512x2048xi32>
    %jit3A = arith.constant 0 : i32
    %broadcast_in_dim3A_694 = vector.broadcast %jit3A : i32 to vector<512x2048xi32>
    %select_n3A_695 = arith.select %eq3A_693, %and3A_692, %broadcast_in_dim3A_694 : vector<512x2048xi1>, vector<512x2048xi32>
    %slice3A_696 = vector.extract_strided_slice %select_n3A_695 {offsets = [0, 0], sizes = [512, 1024], strides = [1, 1]} : vector<512x2048xi32> to vector<512x1024xi32>
    %shift_left3A_697 = arith.constant 16 : i32
    %shift_left3A_698 = vector.broadcast %shift_left3A_697 : i32 to vector<512x1024xi32>
    %shift_left3A_699 = arith.shli %slice3A_696, %shift_left3A_698 : vector<512x1024xi32>
    %slice3A_700 = vector.extract_strided_slice %select_n3A_695 {offsets = [0, 1024], sizes = [512, 1024], strides = [1, 1]} : vector<512x2048xi32> to vector<512x1024xi32>
    %or3A_701 = arith.ori %shift_left3A_699, %slice3A_700 : vector<512x1024xi32>
    %or3A_702 = arith.constant -2147450880 : i32
    %or3A_703 = vector.broadcast %or3A_702 : i32 to vector<512x1024xi32>
    %or3A_704 = arith.ori %or3A_701, %or3A_703 : vector<512x1024xi32>
    %broadcast_in_dim3A_705 = arith.constant 0 : i32
    %broadcast_in_dim3A_706 = vector.broadcast %broadcast_in_dim3A_705 : i32 to vector<512x1xi32>
    %or3A_707 = arith.constant 16384 : i32
    %or3A_708 = vector.broadcast %or3A_707 : i32 to vector<512x1xi32>
    %or3A_709 = arith.ori %broadcast_in_dim3A_706, %or3A_708 : vector<512x1xi32>
    %shift_left3A_710 = arith.constant 16 : i32
    %shift_left3A_711 = vector.broadcast %shift_left3A_710 : i32 to vector<512x1xi32>
    %shift_left3A_712 = arith.shli %or3A_709, %shift_left3A_711 : vector<512x1xi32>
    %or3A_713 = arith.ori %or3A_709, %shift_left3A_712 : vector<512x1xi32>
    %sub3A_714 = vector.broadcast %or3A_713 : vector<512x1xi32> to vector<512x1024xi32>
    %sub3A_715 = arith.subi %or3A_704, %sub3A_714 : vector<512x1024xi32>
    %shift_right_logical3A_716 = arith.constant 15 : i32
    %shift_right_logical3A_717 = vector.broadcast %shift_right_logical3A_716 : i32 to vector<512x1024xi32>
    %shift_right_logical3A_718 = arith.shrui %sub3A_715, %shift_right_logical3A_717 : vector<512x1024xi32>
    %and3A_719 = arith.constant 65537 : i32
    %and3A_720 = vector.broadcast %and3A_719 : i32 to vector<512x1024xi32>
    %and3A_721 = arith.andi %shift_right_logical3A_718, %and3A_720 : vector<512x1024xi32>
    %slice3A_722 = vector.extract_strided_slice %and3A_721 {offsets = [0, 0], sizes = [512, 128], strides = [1, 1]} : vector<512x1024xi32> to vector<512x128xi32>
    %slice3A_723 = vector.extract_strided_slice %and3A_721 {offsets = [0, 128], sizes = [512, 128], strides = [1, 1]} : vector<512x1024xi32> to vector<512x128xi32>
    %add3A_724 = arith.addi %slice3A_722, %slice3A_723 : vector<512x128xi32>
    %slice3A_725 = vector.extract_strided_slice %and3A_721 {offsets = [0, 256], sizes = [512, 128], strides = [1, 1]} : vector<512x1024xi32> to vector<512x128xi32>
    %add3A_726 = arith.addi %add3A_724, %slice3A_725 : vector<512x128xi32>
    %slice3A_727 = vector.extract_strided_slice %and3A_721 {offsets = [0, 384], sizes = [512, 128], strides = [1, 1]} : vector<512x1024xi32> to vector<512x128xi32>
    %add3A_728 = arith.addi %add3A_726, %slice3A_727 : vector<512x128xi32>
    %slice3A_729 = vector.extract_strided_slice %and3A_721 {offsets = [0, 512], sizes = [512, 128], strides = [1, 1]} : vector<512x1024xi32> to vector<512x128xi32>
    %add3A_730 = arith.addi %add3A_728, %slice3A_729 : vector<512x128xi32>
    %slice3A_731 = vector.extract_strided_slice %and3A_721 {offsets = [0, 640], sizes = [512, 128], strides = [1, 1]} : vector<512x1024xi32> to vector<512x128xi32>
    %add3A_732 = arith.addi %add3A_730, %slice3A_731 : vector<512x128xi32>
    %slice3A_733 = vector.extract_strided_slice %and3A_721 {offsets = [0, 768], sizes = [512, 128], strides = [1, 1]} : vector<512x1024xi32> to vector<512x128xi32>
    %add3A_734 = arith.addi %add3A_732, %slice3A_733 : vector<512x128xi32>
    %slice3A_735 = vector.extract_strided_slice %and3A_721 {offsets = [0, 896], sizes = [512, 128], strides = [1, 1]} : vector<512x1024xi32> to vector<512x128xi32>
    %add3A_736 = arith.addi %add3A_734, %slice3A_735 : vector<512x128xi32>
    %shift_right_arithmetic3A_737 = arith.constant 16 : i32
    %shift_right_arithmetic3A_738 = vector.broadcast %shift_right_arithmetic3A_737 : i32 to vector<512x128xi32>
    %shift_right_arithmetic3A_739 = arith.shrsi %add3A_736, %shift_right_arithmetic3A_738 : vector<512x128xi32>
    %and3A_740 = arith.constant 65535 : i32
    %and3A_741 = vector.broadcast %and3A_740 : i32 to vector<512x128xi32>
    %and3A_742 = arith.andi %add3A_736, %and3A_741 : vector<512x128xi32>
    %add3A_743 = arith.addi %shift_right_arithmetic3A_739, %and3A_742 : vector<512x128xi32>
    %convert_element_type3A_744 = arith.sitofp %add3A_743 : vector<512x128xi32> to vector<512x128xf32>
    %reduce_sum3A_745 = arith.constant dense<0.000000e+00> : vector<512xf32>
    %reduce_sum3A_746 = vector.multi_reduction <add>, %convert_element_type3A_744, %reduce_sum3A_745 [1] : vector<512x128xf32> to vector<512xf32>
    %broadcast_in_dim3A_747 = vector.shape_cast %reduce_sum3A_746 : vector<512xf32> to vector<512x1xf32>
    %add3A_748 = arith.addf %broadcast_in_dim3A_686, %broadcast_in_dim3A_747 : vector<512x1xf32>
    %ge3A_749 = arith.constant 5.120000e+02 : f32
    %ge3A_750 = vector.broadcast %ge3A_749 : f32 to vector<512x1xf32>
    %ge3A_751 = arith.cmpf oge, %add3A_748, %ge3A_750 : vector<512x1xf32>
    %select_n3A_752 = arith.select %ge3A_751, %or3A_709, %broadcast_in_dim3A_706 : vector<512x1xi1>, vector<512x1xi32>
    %or3A_753 = arith.constant 8192 : i32
    %or3A_754 = vector.broadcast %or3A_753 : i32 to vector<512x1xi32>
    %or3A_755 = arith.ori %select_n3A_752, %or3A_754 : vector<512x1xi32>
    %shift_left3A_756 = arith.constant 16 : i32
    %shift_left3A_757 = vector.broadcast %shift_left3A_756 : i32 to vector<512x1xi32>
    %shift_left3A_758 = arith.shli %or3A_755, %shift_left3A_757 : vector<512x1xi32>
    %or3A_759 = arith.ori %or3A_755, %shift_left3A_758 : vector<512x1xi32>
    %sub3A_760 = vector.broadcast %or3A_759 : vector<512x1xi32> to vector<512x1024xi32>
    %sub3A_761 = arith.subi %or3A_704, %sub3A_760 : vector<512x1024xi32>
    %shift_right_logical3A_762 = arith.constant 15 : i32
    %shift_right_logical3A_763 = vector.broadcast %shift_right_logical3A_762 : i32 to vector<512x1024xi32>
    %shift_right_logical3A_764 = arith.shrui %sub3A_761, %shift_right_logical3A_763 : vector<512x1024xi32>
    %and3A_765 = arith.constant 65537 : i32
    %and3A_766 = vector.broadcast %and3A_765 : i32 to vector<512x1024xi32>
    %and3A_767 = arith.andi %shift_right_logical3A_764, %and3A_766 : vector<512x1024xi32>
    %slice3A_768 = vector.extract_strided_slice %and3A_767 {offsets = [0, 0], sizes = [512, 128], strides = [1, 1]} : vector<512x1024xi32> to vector<512x128xi32>
    %slice3A_769 = vector.extract_strided_slice %and3A_767 {offsets = [0, 128], sizes = [512, 128], strides = [1, 1]} : vector<512x1024xi32> to vector<512x128xi32>
    %add3A_770 = arith.addi %slice3A_768, %slice3A_769 : vector<512x128xi32>
    %slice3A_771 = vector.extract_strided_slice %and3A_767 {offsets = [0, 256], sizes = [512, 128], strides = [1, 1]} : vector<512x1024xi32> to vector<512x128xi32>
    %add3A_772 = arith.addi %add3A_770, %slice3A_771 : vector<512x128xi32>
    %slice3A_773 = vector.extract_strided_slice %and3A_767 {offsets = [0, 384], sizes = [512, 128], strides = [1, 1]} : vector<512x1024xi32> to vector<512x128xi32>
    %add3A_774 = arith.addi %add3A_772, %slice3A_773 : vector<512x128xi32>
    %slice3A_775 = vector.extract_strided_slice %and3A_767 {offsets = [0, 512], sizes = [512, 128], strides = [1, 1]} : vector<512x1024xi32> to vector<512x128xi32>
    %add3A_776 = arith.addi %add3A_774, %slice3A_775 : vector<512x128xi32>
    %slice3A_777 = vector.extract_strided_slice %and3A_767 {offsets = [0, 640], sizes = [512, 128], strides = [1, 1]} : vector<512x1024xi32> to vector<512x128xi32>
    %add3A_778 = arith.addi %add3A_776, %slice3A_777 : vector<512x128xi32>
    %slice3A_779 = vector.extract_strided_slice %and3A_767 {offsets = [0, 768], sizes = [512, 128], strides = [1, 1]} : vector<512x1024xi32> to vector<512x128xi32>
    %add3A_780 = arith.addi %add3A_778, %slice3A_779 : vector<512x128xi32>
    %slice3A_781 = vector.extract_strided_slice %and3A_767 {offsets = [0, 896], sizes = [512, 128], strides = [1, 1]} : vector<512x1024xi32> to vector<512x128xi32>
    %add3A_782 = arith.addi %add3A_780, %slice3A_781 : vector<512x128xi32>
    %shift_right_arithmetic3A_783 = arith.constant 16 : i32
    %shift_right_arithmetic3A_784 = vector.broadcast %shift_right_arithmetic3A_783 : i32 to vector<512x128xi32>
    %shift_right_arithmetic3A_785 = arith.shrsi %add3A_782, %shift_right_arithmetic3A_784 : vector<512x128xi32>
    %and3A_786 = arith.constant 65535 : i32
    %and3A_787 = vector.broadcast %and3A_786 : i32 to vector<512x128xi32>
    %and3A_788 = arith.andi %add3A_782, %and3A_787 : vector<512x128xi32>
    %add3A_789 = arith.addi %shift_right_arithmetic3A_785, %and3A_788 : vector<512x128xi32>
    %convert_element_type3A_790 = arith.sitofp %add3A_789 : vector<512x128xi32> to vector<512x128xf32>
    %reduce_sum3A_791 = arith.constant dense<0.000000e+00> : vector<512xf32>
    %reduce_sum3A_792 = vector.multi_reduction <add>, %convert_element_type3A_790, %reduce_sum3A_791 [1] : vector<512x128xf32> to vector<512xf32>
    %broadcast_in_dim3A_793 = vector.shape_cast %reduce_sum3A_792 : vector<512xf32> to vector<512x1xf32>
    %add3A_794 = arith.addf %broadcast_in_dim3A_686, %broadcast_in_dim3A_793 : vector<512x1xf32>
    %ge3A_795 = arith.constant 5.120000e+02 : f32
    %ge3A_796 = vector.broadcast %ge3A_795 : f32 to vector<512x1xf32>
    %ge3A_797 = arith.cmpf oge, %add3A_794, %ge3A_796 : vector<512x1xf32>
    %select_n3A_798 = arith.select %ge3A_797, %or3A_755, %select_n3A_752 : vector<512x1xi1>, vector<512x1xi32>
    %or3A_799 = arith.constant 4096 : i32
    %or3A_800 = vector.broadcast %or3A_799 : i32 to vector<512x1xi32>
    %or3A_801 = arith.ori %select_n3A_798, %or3A_800 : vector<512x1xi32>
    %shift_left3A_802 = arith.constant 16 : i32
    %shift_left3A_803 = vector.broadcast %shift_left3A_802 : i32 to vector<512x1xi32>
    %shift_left3A_804 = arith.shli %or3A_801, %shift_left3A_803 : vector<512x1xi32>
    %or3A_805 = arith.ori %or3A_801, %shift_left3A_804 : vector<512x1xi32>
    %sub3A_806 = vector.broadcast %or3A_805 : vector<512x1xi32> to vector<512x1024xi32>
    %sub3A_807 = arith.subi %or3A_704, %sub3A_806 : vector<512x1024xi32>
    %shift_right_logical3A_808 = arith.constant 15 : i32
    %shift_right_logical3A_809 = vector.broadcast %shift_right_logical3A_808 : i32 to vector<512x1024xi32>
    %shift_right_logical3A_810 = arith.shrui %sub3A_807, %shift_right_logical3A_809 : vector<512x1024xi32>
    %and3A_811 = arith.constant 65537 : i32
    %and3A_812 = vector.broadcast %and3A_811 : i32 to vector<512x1024xi32>
    %and3A_813 = arith.andi %shift_right_logical3A_810, %and3A_812 : vector<512x1024xi32>
    %slice3A_814 = vector.extract_strided_slice %and3A_813 {offsets = [0, 0], sizes = [512, 128], strides = [1, 1]} : vector<512x1024xi32> to vector<512x128xi32>
    %slice3A_815 = vector.extract_strided_slice %and3A_813 {offsets = [0, 128], sizes = [512, 128], strides = [1, 1]} : vector<512x1024xi32> to vector<512x128xi32>
    %add3A_816 = arith.addi %slice3A_814, %slice3A_815 : vector<512x128xi32>
    %slice3A_817 = vector.extract_strided_slice %and3A_813 {offsets = [0, 256], sizes = [512, 128], strides = [1, 1]} : vector<512x1024xi32> to vector<512x128xi32>
    %add3A_818 = arith.addi %add3A_816, %slice3A_817 : vector<512x128xi32>
    %slice3A_819 = vector.extract_strided_slice %and3A_813 {offsets = [0, 384], sizes = [512, 128], strides = [1, 1]} : vector<512x1024xi32> to vector<512x128xi32>
    %add3A_820 = arith.addi %add3A_818, %slice3A_819 : vector<512x128xi32>
    %slice3A_821 = vector.extract_strided_slice %and3A_813 {offsets = [0, 512], sizes = [512, 128], strides = [1, 1]} : vector<512x1024xi32> to vector<512x128xi32>
    %add3A_822 = arith.addi %add3A_820, %slice3A_821 : vector<512x128xi32>
    %slice3A_823 = vector.extract_strided_slice %and3A_813 {offsets = [0, 640], sizes = [512, 128], strides = [1, 1]} : vector<512x1024xi32> to vector<512x128xi32>
    %add3A_824 = arith.addi %add3A_822, %slice3A_823 : vector<512x128xi32>
    %slice3A_825 = vector.extract_strided_slice %and3A_813 {offsets = [0, 768], sizes = [512, 128], strides = [1, 1]} : vector<512x1024xi32> to vector<512x128xi32>
    %add3A_826 = arith.addi %add3A_824, %slice3A_825 : vector<512x128xi32>
    %slice3A_827 = vector.extract_strided_slice %and3A_813 {offsets = [0, 896], sizes = [512, 128], strides = [1, 1]} : vector<512x1024xi32> to vector<512x128xi32>
    %add3A_828 = arith.addi %add3A_826, %slice3A_827 : vector<512x128xi32>
    %shift_right_arithmetic3A_829 = arith.constant 16 : i32
    %shift_right_arithmetic3A_830 = vector.broadcast %shift_right_arithmetic3A_829 : i32 to vector<512x128xi32>
    %shift_right_arithmetic3A_831 = arith.shrsi %add3A_828, %shift_right_arithmetic3A_830 : vector<512x128xi32>
    %and3A_832 = arith.constant 65535 : i32
    %and3A_833 = vector.broadcast %and3A_832 : i32 to vector<512x128xi32>
    %and3A_834 = arith.andi %add3A_828, %and3A_833 : vector<512x128xi32>
    %add3A_835 = arith.addi %shift_right_arithmetic3A_831, %and3A_834 : vector<512x128xi32>
    %convert_element_type3A_836 = arith.sitofp %add3A_835 : vector<512x128xi32> to vector<512x128xf32>
    %reduce_sum3A_837 = arith.constant dense<0.000000e+00> : vector<512xf32>
    %reduce_sum3A_838 = vector.multi_reduction <add>, %convert_element_type3A_836, %reduce_sum3A_837 [1] : vector<512x128xf32> to vector<512xf32>
    %broadcast_in_dim3A_839 = vector.shape_cast %reduce_sum3A_838 : vector<512xf32> to vector<512x1xf32>
    %add3A_840 = arith.addf %broadcast_in_dim3A_686, %broadcast_in_dim3A_839 : vector<512x1xf32>
    %ge3A_841 = arith.constant 5.120000e+02 : f32
    %ge3A_842 = vector.broadcast %ge3A_841 : f32 to vector<512x1xf32>
    %ge3A_843 = arith.cmpf oge, %add3A_840, %ge3A_842 : vector<512x1xf32>
    %select_n3A_844 = arith.select %ge3A_843, %or3A_801, %select_n3A_798 : vector<512x1xi1>, vector<512x1xi32>
    %or3A_845 = arith.constant 2048 : i32
    %or3A_846 = vector.broadcast %or3A_845 : i32 to vector<512x1xi32>
    %or3A_847 = arith.ori %select_n3A_844, %or3A_846 : vector<512x1xi32>
    %shift_left3A_848 = arith.constant 16 : i32
    %shift_left3A_849 = vector.broadcast %shift_left3A_848 : i32 to vector<512x1xi32>
    %shift_left3A_850 = arith.shli %or3A_847, %shift_left3A_849 : vector<512x1xi32>
    %or3A_851 = arith.ori %or3A_847, %shift_left3A_850 : vector<512x1xi32>
    %sub3A_852 = vector.broadcast %or3A_851 : vector<512x1xi32> to vector<512x1024xi32>
    %sub3A_853 = arith.subi %or3A_704, %sub3A_852 : vector<512x1024xi32>
    %shift_right_logical3A_854 = arith.constant 15 : i32
    %shift_right_logical3A_855 = vector.broadcast %shift_right_logical3A_854 : i32 to vector<512x1024xi32>
    %shift_right_logical3A_856 = arith.shrui %sub3A_853, %shift_right_logical3A_855 : vector<512x1024xi32>
    %and3A_857 = arith.constant 65537 : i32
    %and3A_858 = vector.broadcast %and3A_857 : i32 to vector<512x1024xi32>
    %and3A_859 = arith.andi %shift_right_logical3A_856, %and3A_858 : vector<512x1024xi32>
    %slice3A_860 = vector.extract_strided_slice %and3A_859 {offsets = [0, 0], sizes = [512, 128], strides = [1, 1]} : vector<512x1024xi32> to vector<512x128xi32>
    %slice3A_861 = vector.extract_strided_slice %and3A_859 {offsets = [0, 128], sizes = [512, 128], strides = [1, 1]} : vector<512x1024xi32> to vector<512x128xi32>
    %add3A_862 = arith.addi %slice3A_860, %slice3A_861 : vector<512x128xi32>
    %slice3A_863 = vector.extract_strided_slice %and3A_859 {offsets = [0, 256], sizes = [512, 128], strides = [1, 1]} : vector<512x1024xi32> to vector<512x128xi32>
    %add3A_864 = arith.addi %add3A_862, %slice3A_863 : vector<512x128xi32>
    %slice3A_865 = vector.extract_strided_slice %and3A_859 {offsets = [0, 384], sizes = [512, 128], strides = [1, 1]} : vector<512x1024xi32> to vector<512x128xi32>
    %add3A_866 = arith.addi %add3A_864, %slice3A_865 : vector<512x128xi32>
    %slice3A_867 = vector.extract_strided_slice %and3A_859 {offsets = [0, 512], sizes = [512, 128], strides = [1, 1]} : vector<512x1024xi32> to vector<512x128xi32>
    %add3A_868 = arith.addi %add3A_866, %slice3A_867 : vector<512x128xi32>
    %slice3A_869 = vector.extract_strided_slice %and3A_859 {offsets = [0, 640], sizes = [512, 128], strides = [1, 1]} : vector<512x1024xi32> to vector<512x128xi32>
    %add3A_870 = arith.addi %add3A_868, %slice3A_869 : vector<512x128xi32>
    %slice3A_871 = vector.extract_strided_slice %and3A_859 {offsets = [0, 768], sizes = [512, 128], strides = [1, 1]} : vector<512x1024xi32> to vector<512x128xi32>
    %add3A_872 = arith.addi %add3A_870, %slice3A_871 : vector<512x128xi32>
    %slice3A_873 = vector.extract_strided_slice %and3A_859 {offsets = [0, 896], sizes = [512, 128], strides = [1, 1]} : vector<512x1024xi32> to vector<512x128xi32>
    %add3A_874 = arith.addi %add3A_872, %slice3A_873 : vector<512x128xi32>
    %shift_right_arithmetic3A_875 = arith.constant 16 : i32
    %shift_right_arithmetic3A_876 = vector.broadcast %shift_right_arithmetic3A_875 : i32 to vector<512x128xi32>
    %shift_right_arithmetic3A_877 = arith.shrsi %add3A_874, %shift_right_arithmetic3A_876 : vector<512x128xi32>
    %and3A_878 = arith.constant 65535 : i32
    %and3A_879 = vector.broadcast %and3A_878 : i32 to vector<512x128xi32>
    %and3A_880 = arith.andi %add3A_874, %and3A_879 : vector<512x128xi32>
    %add3A_881 = arith.addi %shift_right_arithmetic3A_877, %and3A_880 : vector<512x128xi32>
    %convert_element_type3A_882 = arith.sitofp %add3A_881 : vector<512x128xi32> to vector<512x128xf32>
    %reduce_sum3A_883 = arith.constant dense<0.000000e+00> : vector<512xf32>
    %reduce_sum3A_884 = vector.multi_reduction <add>, %convert_element_type3A_882, %reduce_sum3A_883 [1] : vector<512x128xf32> to vector<512xf32>
    %broadcast_in_dim3A_885 = vector.shape_cast %reduce_sum3A_884 : vector<512xf32> to vector<512x1xf32>
    %add3A_886 = arith.addf %broadcast_in_dim3A_686, %broadcast_in_dim3A_885 : vector<512x1xf32>
    %ge3A_887 = arith.constant 5.120000e+02 : f32
    %ge3A_888 = vector.broadcast %ge3A_887 : f32 to vector<512x1xf32>
    %ge3A_889 = arith.cmpf oge, %add3A_886, %ge3A_888 : vector<512x1xf32>
    %select_n3A_890 = arith.select %ge3A_889, %or3A_847, %select_n3A_844 : vector<512x1xi1>, vector<512x1xi32>
    %or3A_891 = arith.constant 1024 : i32
    %or3A_892 = vector.broadcast %or3A_891 : i32 to vector<512x1xi32>
    %or3A_893 = arith.ori %select_n3A_890, %or3A_892 : vector<512x1xi32>
    %shift_left3A_894 = arith.constant 16 : i32
    %shift_left3A_895 = vector.broadcast %shift_left3A_894 : i32 to vector<512x1xi32>
    %shift_left3A_896 = arith.shli %or3A_893, %shift_left3A_895 : vector<512x1xi32>
    %or3A_897 = arith.ori %or3A_893, %shift_left3A_896 : vector<512x1xi32>
    %sub3A_898 = vector.broadcast %or3A_897 : vector<512x1xi32> to vector<512x1024xi32>
    %sub3A_899 = arith.subi %or3A_704, %sub3A_898 : vector<512x1024xi32>
    %shift_right_logical3A_900 = arith.constant 15 : i32
    %shift_right_logical3A_901 = vector.broadcast %shift_right_logical3A_900 : i32 to vector<512x1024xi32>
    %shift_right_logical3A_902 = arith.shrui %sub3A_899, %shift_right_logical3A_901 : vector<512x1024xi32>
    %and3A_903 = arith.constant 65537 : i32
    %and3A_904 = vector.broadcast %and3A_903 : i32 to vector<512x1024xi32>
    %and3A_905 = arith.andi %shift_right_logical3A_902, %and3A_904 : vector<512x1024xi32>
    %slice3A_906 = vector.extract_strided_slice %and3A_905 {offsets = [0, 0], sizes = [512, 128], strides = [1, 1]} : vector<512x1024xi32> to vector<512x128xi32>
    %slice3A_907 = vector.extract_strided_slice %and3A_905 {offsets = [0, 128], sizes = [512, 128], strides = [1, 1]} : vector<512x1024xi32> to vector<512x128xi32>
    %add3A_908 = arith.addi %slice3A_906, %slice3A_907 : vector<512x128xi32>
    %slice3A_909 = vector.extract_strided_slice %and3A_905 {offsets = [0, 256], sizes = [512, 128], strides = [1, 1]} : vector<512x1024xi32> to vector<512x128xi32>
    %add3A_910 = arith.addi %add3A_908, %slice3A_909 : vector<512x128xi32>
    %slice3A_911 = vector.extract_strided_slice %and3A_905 {offsets = [0, 384], sizes = [512, 128], strides = [1, 1]} : vector<512x1024xi32> to vector<512x128xi32>
    %add3A_912 = arith.addi %add3A_910, %slice3A_911 : vector<512x128xi32>
    %slice3A_913 = vector.extract_strided_slice %and3A_905 {offsets = [0, 512], sizes = [512, 128], strides = [1, 1]} : vector<512x1024xi32> to vector<512x128xi32>
    %add3A_914 = arith.addi %add3A_912, %slice3A_913 : vector<512x128xi32>
    %slice3A_915 = vector.extract_strided_slice %and3A_905 {offsets = [0, 640], sizes = [512, 128], strides = [1, 1]} : vector<512x1024xi32> to vector<512x128xi32>
    %add3A_916 = arith.addi %add3A_914, %slice3A_915 : vector<512x128xi32>
    %slice3A_917 = vector.extract_strided_slice %and3A_905 {offsets = [0, 768], sizes = [512, 128], strides = [1, 1]} : vector<512x1024xi32> to vector<512x128xi32>
    %add3A_918 = arith.addi %add3A_916, %slice3A_917 : vector<512x128xi32>
    %slice3A_919 = vector.extract_strided_slice %and3A_905 {offsets = [0, 896], sizes = [512, 128], strides = [1, 1]} : vector<512x1024xi32> to vector<512x128xi32>
    %add3A_920 = arith.addi %add3A_918, %slice3A_919 : vector<512x128xi32>
    %shift_right_arithmetic3A_921 = arith.constant 16 : i32
    %shift_right_arithmetic3A_922 = vector.broadcast %shift_right_arithmetic3A_921 : i32 to vector<512x128xi32>
    %shift_right_arithmetic3A_923 = arith.shrsi %add3A_920, %shift_right_arithmetic3A_922 : vector<512x128xi32>
    %and3A_924 = arith.constant 65535 : i32
    %and3A_925 = vector.broadcast %and3A_924 : i32 to vector<512x128xi32>
    %and3A_926 = arith.andi %add3A_920, %and3A_925 : vector<512x128xi32>
    %add3A_927 = arith.addi %shift_right_arithmetic3A_923, %and3A_926 : vector<512x128xi32>
    %convert_element_type3A_928 = arith.sitofp %add3A_927 : vector<512x128xi32> to vector<512x128xf32>
    %reduce_sum3A_929 = arith.constant dense<0.000000e+00> : vector<512xf32>
    %reduce_sum3A_930 = vector.multi_reduction <add>, %convert_element_type3A_928, %reduce_sum3A_929 [1] : vector<512x128xf32> to vector<512xf32>
    %broadcast_in_dim3A_931 = vector.shape_cast %reduce_sum3A_930 : vector<512xf32> to vector<512x1xf32>
    %add3A_932 = arith.addf %broadcast_in_dim3A_686, %broadcast_in_dim3A_931 : vector<512x1xf32>
    %ge3A_933 = arith.constant 5.120000e+02 : f32
    %ge3A_934 = vector.broadcast %ge3A_933 : f32 to vector<512x1xf32>
    %ge3A_935 = arith.cmpf oge, %add3A_932, %ge3A_934 : vector<512x1xf32>
    %select_n3A_936 = arith.select %ge3A_935, %or3A_893, %select_n3A_890 : vector<512x1xi1>, vector<512x1xi32>
    %or3A_937 = arith.constant 512 : i32
    %or3A_938 = vector.broadcast %or3A_937 : i32 to vector<512x1xi32>
    %or3A_939 = arith.ori %select_n3A_936, %or3A_938 : vector<512x1xi32>
    %shift_left3A_940 = arith.constant 16 : i32
    %shift_left3A_941 = vector.broadcast %shift_left3A_940 : i32 to vector<512x1xi32>
    %shift_left3A_942 = arith.shli %or3A_939, %shift_left3A_941 : vector<512x1xi32>
    %or3A_943 = arith.ori %or3A_939, %shift_left3A_942 : vector<512x1xi32>
    %sub3A_944 = vector.broadcast %or3A_943 : vector<512x1xi32> to vector<512x1024xi32>
    %sub3A_945 = arith.subi %or3A_704, %sub3A_944 : vector<512x1024xi32>
    %shift_right_logical3A_946 = arith.constant 15 : i32
    %shift_right_logical3A_947 = vector.broadcast %shift_right_logical3A_946 : i32 to vector<512x1024xi32>
    %shift_right_logical3A_948 = arith.shrui %sub3A_945, %shift_right_logical3A_947 : vector<512x1024xi32>
    %and3A_949 = arith.constant 65537 : i32
    %and3A_950 = vector.broadcast %and3A_949 : i32 to vector<512x1024xi32>
    %and3A_951 = arith.andi %shift_right_logical3A_948, %and3A_950 : vector<512x1024xi32>
    %slice3A_952 = vector.extract_strided_slice %and3A_951 {offsets = [0, 0], sizes = [512, 128], strides = [1, 1]} : vector<512x1024xi32> to vector<512x128xi32>
    %slice3A_953 = vector.extract_strided_slice %and3A_951 {offsets = [0, 128], sizes = [512, 128], strides = [1, 1]} : vector<512x1024xi32> to vector<512x128xi32>
    %add3A_954 = arith.addi %slice3A_952, %slice3A_953 : vector<512x128xi32>
    %slice3A_955 = vector.extract_strided_slice %and3A_951 {offsets = [0, 256], sizes = [512, 128], strides = [1, 1]} : vector<512x1024xi32> to vector<512x128xi32>
    %add3A_956 = arith.addi %add3A_954, %slice3A_955 : vector<512x128xi32>
    %slice3A_957 = vector.extract_strided_slice %and3A_951 {offsets = [0, 384], sizes = [512, 128], strides = [1, 1]} : vector<512x1024xi32> to vector<512x128xi32>
    %add3A_958 = arith.addi %add3A_956, %slice3A_957 : vector<512x128xi32>
    %slice3A_959 = vector.extract_strided_slice %and3A_951 {offsets = [0, 512], sizes = [512, 128], strides = [1, 1]} : vector<512x1024xi32> to vector<512x128xi32>
    %add3A_960 = arith.addi %add3A_958, %slice3A_959 : vector<512x128xi32>
    %slice3A_961 = vector.extract_strided_slice %and3A_951 {offsets = [0, 640], sizes = [512, 128], strides = [1, 1]} : vector<512x1024xi32> to vector<512x128xi32>
    %add3A_962 = arith.addi %add3A_960, %slice3A_961 : vector<512x128xi32>
    %slice3A_963 = vector.extract_strided_slice %and3A_951 {offsets = [0, 768], sizes = [512, 128], strides = [1, 1]} : vector<512x1024xi32> to vector<512x128xi32>
    %add3A_964 = arith.addi %add3A_962, %slice3A_963 : vector<512x128xi32>
    %slice3A_965 = vector.extract_strided_slice %and3A_951 {offsets = [0, 896], sizes = [512, 128], strides = [1, 1]} : vector<512x1024xi32> to vector<512x128xi32>
    %add3A_966 = arith.addi %add3A_964, %slice3A_965 : vector<512x128xi32>
    %shift_right_arithmetic3A_967 = arith.constant 16 : i32
    %shift_right_arithmetic3A_968 = vector.broadcast %shift_right_arithmetic3A_967 : i32 to vector<512x128xi32>
    %shift_right_arithmetic3A_969 = arith.shrsi %add3A_966, %shift_right_arithmetic3A_968 : vector<512x128xi32>
    %and3A_970 = arith.constant 65535 : i32
    %and3A_971 = vector.broadcast %and3A_970 : i32 to vector<512x128xi32>
    %and3A_972 = arith.andi %add3A_966, %and3A_971 : vector<512x128xi32>
    %add3A_973 = arith.addi %shift_right_arithmetic3A_969, %and3A_972 : vector<512x128xi32>
    %convert_element_type3A_974 = arith.sitofp %add3A_973 : vector<512x128xi32> to vector<512x128xf32>
    %reduce_sum3A_975 = arith.constant dense<0.000000e+00> : vector<512xf32>
    %reduce_sum3A_976 = vector.multi_reduction <add>, %convert_element_type3A_974, %reduce_sum3A_975 [1] : vector<512x128xf32> to vector<512xf32>
    %broadcast_in_dim3A_977 = vector.shape_cast %reduce_sum3A_976 : vector<512xf32> to vector<512x1xf32>
    %add3A_978 = arith.addf %broadcast_in_dim3A_686, %broadcast_in_dim3A_977 : vector<512x1xf32>
    %ge3A_979 = arith.constant 5.120000e+02 : f32
    %ge3A_980 = vector.broadcast %ge3A_979 : f32 to vector<512x1xf32>
    %ge3A_981 = arith.cmpf oge, %add3A_978, %ge3A_980 : vector<512x1xf32>
    %select_n3A_982 = arith.select %ge3A_981, %or3A_939, %select_n3A_936 : vector<512x1xi1>, vector<512x1xi32>
    %or3A_983 = arith.constant 256 : i32
    %or3A_984 = vector.broadcast %or3A_983 : i32 to vector<512x1xi32>
    %or3A_985 = arith.ori %select_n3A_982, %or3A_984 : vector<512x1xi32>
    %shift_left3A_986 = arith.constant 16 : i32
    %shift_left3A_987 = vector.broadcast %shift_left3A_986 : i32 to vector<512x1xi32>
    %shift_left3A_988 = arith.shli %or3A_985, %shift_left3A_987 : vector<512x1xi32>
    %or3A_989 = arith.ori %or3A_985, %shift_left3A_988 : vector<512x1xi32>
    %sub3A_990 = vector.broadcast %or3A_989 : vector<512x1xi32> to vector<512x1024xi32>
    %sub3A_991 = arith.subi %or3A_704, %sub3A_990 : vector<512x1024xi32>
    %shift_right_logical3A_992 = arith.constant 15 : i32
    %shift_right_logical3A_993 = vector.broadcast %shift_right_logical3A_992 : i32 to vector<512x1024xi32>
    %shift_right_logical3A_994 = arith.shrui %sub3A_991, %shift_right_logical3A_993 : vector<512x1024xi32>
    %and3A_995 = arith.constant 65537 : i32
    %and3A_996 = vector.broadcast %and3A_995 : i32 to vector<512x1024xi32>
    %and3A_997 = arith.andi %shift_right_logical3A_994, %and3A_996 : vector<512x1024xi32>
    %slice3A_998 = vector.extract_strided_slice %and3A_997 {offsets = [0, 0], sizes = [512, 128], strides = [1, 1]} : vector<512x1024xi32> to vector<512x128xi32>
    %slice3A_999 = vector.extract_strided_slice %and3A_997 {offsets = [0, 128], sizes = [512, 128], strides = [1, 1]} : vector<512x1024xi32> to vector<512x128xi32>
    %add3A_1000 = arith.addi %slice3A_998, %slice3A_999 : vector<512x128xi32>
    %slice3A_1001 = vector.extract_strided_slice %and3A_997 {offsets = [0, 256], sizes = [512, 128], strides = [1, 1]} : vector<512x1024xi32> to vector<512x128xi32>
    %add3A_1002 = arith.addi %add3A_1000, %slice3A_1001 : vector<512x128xi32>
    %slice3A_1003 = vector.extract_strided_slice %and3A_997 {offsets = [0, 384], sizes = [512, 128], strides = [1, 1]} : vector<512x1024xi32> to vector<512x128xi32>
    %add3A_1004 = arith.addi %add3A_1002, %slice3A_1003 : vector<512x128xi32>
    %slice3A_1005 = vector.extract_strided_slice %and3A_997 {offsets = [0, 512], sizes = [512, 128], strides = [1, 1]} : vector<512x1024xi32> to vector<512x128xi32>
    %add3A_1006 = arith.addi %add3A_1004, %slice3A_1005 : vector<512x128xi32>
    %slice3A_1007 = vector.extract_strided_slice %and3A_997 {offsets = [0, 640], sizes = [512, 128], strides = [1, 1]} : vector<512x1024xi32> to vector<512x128xi32>
    %add3A_1008 = arith.addi %add3A_1006, %slice3A_1007 : vector<512x128xi32>
    %slice3A_1009 = vector.extract_strided_slice %and3A_997 {offsets = [0, 768], sizes = [512, 128], strides = [1, 1]} : vector<512x1024xi32> to vector<512x128xi32>
    %add3A_1010 = arith.addi %add3A_1008, %slice3A_1009 : vector<512x128xi32>
    %slice3A_1011 = vector.extract_strided_slice %and3A_997 {offsets = [0, 896], sizes = [512, 128], strides = [1, 1]} : vector<512x1024xi32> to vector<512x128xi32>
    %add3A_1012 = arith.addi %add3A_1010, %slice3A_1011 : vector<512x128xi32>
    %shift_right_arithmetic3A_1013 = arith.constant 16 : i32
    %shift_right_arithmetic3A_1014 = vector.broadcast %shift_right_arithmetic3A_1013 : i32 to vector<512x128xi32>
    %shift_right_arithmetic3A_1015 = arith.shrsi %add3A_1012, %shift_right_arithmetic3A_1014 : vector<512x128xi32>
    %and3A_1016 = arith.constant 65535 : i32
    %and3A_1017 = vector.broadcast %and3A_1016 : i32 to vector<512x128xi32>
    %and3A_1018 = arith.andi %add3A_1012, %and3A_1017 : vector<512x128xi32>
    %add3A_1019 = arith.addi %shift_right_arithmetic3A_1015, %and3A_1018 : vector<512x128xi32>
    %convert_element_type3A_1020 = arith.sitofp %add3A_1019 : vector<512x128xi32> to vector<512x128xf32>
    %reduce_sum3A_1021 = arith.constant dense<0.000000e+00> : vector<512xf32>
    %reduce_sum3A_1022 = vector.multi_reduction <add>, %convert_element_type3A_1020, %reduce_sum3A_1021 [1] : vector<512x128xf32> to vector<512xf32>
    %broadcast_in_dim3A_1023 = vector.shape_cast %reduce_sum3A_1022 : vector<512xf32> to vector<512x1xf32>
    %add3A_1024 = arith.addf %broadcast_in_dim3A_686, %broadcast_in_dim3A_1023 : vector<512x1xf32>
    %ge3A_1025 = arith.constant 5.120000e+02 : f32
    %ge3A_1026 = vector.broadcast %ge3A_1025 : f32 to vector<512x1xf32>
    %ge3A_1027 = arith.cmpf oge, %add3A_1024, %ge3A_1026 : vector<512x1xf32>
    %select_n3A_1028 = arith.select %ge3A_1027, %or3A_985, %select_n3A_982 : vector<512x1xi1>, vector<512x1xi32>
    %or3A_1029 = arith.constant 128 : i32
    %or3A_1030 = vector.broadcast %or3A_1029 : i32 to vector<512x1xi32>
    %or3A_1031 = arith.ori %select_n3A_1028, %or3A_1030 : vector<512x1xi32>
    %shift_left3A_1032 = arith.constant 16 : i32
    %shift_left3A_1033 = vector.broadcast %shift_left3A_1032 : i32 to vector<512x1xi32>
    %shift_left3A_1034 = arith.shli %or3A_1031, %shift_left3A_1033 : vector<512x1xi32>
    %or3A_1035 = arith.ori %or3A_1031, %shift_left3A_1034 : vector<512x1xi32>
    %sub3A_1036 = vector.broadcast %or3A_1035 : vector<512x1xi32> to vector<512x1024xi32>
    %sub3A_1037 = arith.subi %or3A_704, %sub3A_1036 : vector<512x1024xi32>
    %shift_right_logical3A_1038 = arith.constant 15 : i32
    %shift_right_logical3A_1039 = vector.broadcast %shift_right_logical3A_1038 : i32 to vector<512x1024xi32>
    %shift_right_logical3A_1040 = arith.shrui %sub3A_1037, %shift_right_logical3A_1039 : vector<512x1024xi32>
    %and3A_1041 = arith.constant 65537 : i32
    %and3A_1042 = vector.broadcast %and3A_1041 : i32 to vector<512x1024xi32>
    %and3A_1043 = arith.andi %shift_right_logical3A_1040, %and3A_1042 : vector<512x1024xi32>
    %slice3A_1044 = vector.extract_strided_slice %and3A_1043 {offsets = [0, 0], sizes = [512, 128], strides = [1, 1]} : vector<512x1024xi32> to vector<512x128xi32>
    %slice3A_1045 = vector.extract_strided_slice %and3A_1043 {offsets = [0, 128], sizes = [512, 128], strides = [1, 1]} : vector<512x1024xi32> to vector<512x128xi32>
    %add3A_1046 = arith.addi %slice3A_1044, %slice3A_1045 : vector<512x128xi32>
    %slice3A_1047 = vector.extract_strided_slice %and3A_1043 {offsets = [0, 256], sizes = [512, 128], strides = [1, 1]} : vector<512x1024xi32> to vector<512x128xi32>
    %add3A_1048 = arith.addi %add3A_1046, %slice3A_1047 : vector<512x128xi32>
    %slice3A_1049 = vector.extract_strided_slice %and3A_1043 {offsets = [0, 384], sizes = [512, 128], strides = [1, 1]} : vector<512x1024xi32> to vector<512x128xi32>
    %add3A_1050 = arith.addi %add3A_1048, %slice3A_1049 : vector<512x128xi32>
    %slice3A_1051 = vector.extract_strided_slice %and3A_1043 {offsets = [0, 512], sizes = [512, 128], strides = [1, 1]} : vector<512x1024xi32> to vector<512x128xi32>
    %add3A_1052 = arith.addi %add3A_1050, %slice3A_1051 : vector<512x128xi32>
    %slice3A_1053 = vector.extract_strided_slice %and3A_1043 {offsets = [0, 640], sizes = [512, 128], strides = [1, 1]} : vector<512x1024xi32> to vector<512x128xi32>
    %add3A_1054 = arith.addi %add3A_1052, %slice3A_1053 : vector<512x128xi32>
    %slice3A_1055 = vector.extract_strided_slice %and3A_1043 {offsets = [0, 768], sizes = [512, 128], strides = [1, 1]} : vector<512x1024xi32> to vector<512x128xi32>
    %add3A_1056 = arith.addi %add3A_1054, %slice3A_1055 : vector<512x128xi32>
    %slice3A_1057 = vector.extract_strided_slice %and3A_1043 {offsets = [0, 896], sizes = [512, 128], strides = [1, 1]} : vector<512x1024xi32> to vector<512x128xi32>
    %add3A_1058 = arith.addi %add3A_1056, %slice3A_1057 : vector<512x128xi32>
    %shift_right_arithmetic3A_1059 = arith.constant 16 : i32
    %shift_right_arithmetic3A_1060 = vector.broadcast %shift_right_arithmetic3A_1059 : i32 to vector<512x128xi32>
    %shift_right_arithmetic3A_1061 = arith.shrsi %add3A_1058, %shift_right_arithmetic3A_1060 : vector<512x128xi32>
    %and3A_1062 = arith.constant 65535 : i32
    %and3A_1063 = vector.broadcast %and3A_1062 : i32 to vector<512x128xi32>
    %and3A_1064 = arith.andi %add3A_1058, %and3A_1063 : vector<512x128xi32>
    %add3A_1065 = arith.addi %shift_right_arithmetic3A_1061, %and3A_1064 : vector<512x128xi32>
    %convert_element_type3A_1066 = arith.sitofp %add3A_1065 : vector<512x128xi32> to vector<512x128xf32>
    %reduce_sum3A_1067 = arith.constant dense<0.000000e+00> : vector<512xf32>
    %reduce_sum3A_1068 = vector.multi_reduction <add>, %convert_element_type3A_1066, %reduce_sum3A_1067 [1] : vector<512x128xf32> to vector<512xf32>
    %broadcast_in_dim3A_1069 = vector.shape_cast %reduce_sum3A_1068 : vector<512xf32> to vector<512x1xf32>
    %add3A_1070 = arith.addf %broadcast_in_dim3A_686, %broadcast_in_dim3A_1069 : vector<512x1xf32>
    %ge3A_1071 = arith.constant 5.120000e+02 : f32
    %ge3A_1072 = vector.broadcast %ge3A_1071 : f32 to vector<512x1xf32>
    %ge3A_1073 = arith.cmpf oge, %add3A_1070, %ge3A_1072 : vector<512x1xf32>
    %select_n3A_1074 = arith.select %ge3A_1073, %or3A_1031, %select_n3A_1028 : vector<512x1xi1>, vector<512x1xi32>
    %or3A_1075 = arith.constant 64 : i32
    %or3A_1076 = vector.broadcast %or3A_1075 : i32 to vector<512x1xi32>
    %or3A_1077 = arith.ori %select_n3A_1074, %or3A_1076 : vector<512x1xi32>
    %shift_left3A_1078 = arith.constant 16 : i32
    %shift_left3A_1079 = vector.broadcast %shift_left3A_1078 : i32 to vector<512x1xi32>
    %shift_left3A_1080 = arith.shli %or3A_1077, %shift_left3A_1079 : vector<512x1xi32>
    %or3A_1081 = arith.ori %or3A_1077, %shift_left3A_1080 : vector<512x1xi32>
    %sub3A_1082 = vector.broadcast %or3A_1081 : vector<512x1xi32> to vector<512x1024xi32>
    %sub3A_1083 = arith.subi %or3A_704, %sub3A_1082 : vector<512x1024xi32>
    %shift_right_logical3A_1084 = arith.constant 15 : i32
    %shift_right_logical3A_1085 = vector.broadcast %shift_right_logical3A_1084 : i32 to vector<512x1024xi32>
    %shift_right_logical3A_1086 = arith.shrui %sub3A_1083, %shift_right_logical3A_1085 : vector<512x1024xi32>
    %and3A_1087 = arith.constant 65537 : i32
    %and3A_1088 = vector.broadcast %and3A_1087 : i32 to vector<512x1024xi32>
    %and3A_1089 = arith.andi %shift_right_logical3A_1086, %and3A_1088 : vector<512x1024xi32>
    %slice3A_1090 = vector.extract_strided_slice %and3A_1089 {offsets = [0, 0], sizes = [512, 128], strides = [1, 1]} : vector<512x1024xi32> to vector<512x128xi32>
    %slice3A_1091 = vector.extract_strided_slice %and3A_1089 {offsets = [0, 128], sizes = [512, 128], strides = [1, 1]} : vector<512x1024xi32> to vector<512x128xi32>
    %add3A_1092 = arith.addi %slice3A_1090, %slice3A_1091 : vector<512x128xi32>
    %slice3A_1093 = vector.extract_strided_slice %and3A_1089 {offsets = [0, 256], sizes = [512, 128], strides = [1, 1]} : vector<512x1024xi32> to vector<512x128xi32>
    %add3A_1094 = arith.addi %add3A_1092, %slice3A_1093 : vector<512x128xi32>
    %slice3A_1095 = vector.extract_strided_slice %and3A_1089 {offsets = [0, 384], sizes = [512, 128], strides = [1, 1]} : vector<512x1024xi32> to vector<512x128xi32>
    %add3A_1096 = arith.addi %add3A_1094, %slice3A_1095 : vector<512x128xi32>
    %slice3A_1097 = vector.extract_strided_slice %and3A_1089 {offsets = [0, 512], sizes = [512, 128], strides = [1, 1]} : vector<512x1024xi32> to vector<512x128xi32>
    %add3A_1098 = arith.addi %add3A_1096, %slice3A_1097 : vector<512x128xi32>
    %slice3A_1099 = vector.extract_strided_slice %and3A_1089 {offsets = [0, 640], sizes = [512, 128], strides = [1, 1]} : vector<512x1024xi32> to vector<512x128xi32>
    %add3A_1100 = arith.addi %add3A_1098, %slice3A_1099 : vector<512x128xi32>
    %slice3A_1101 = vector.extract_strided_slice %and3A_1089 {offsets = [0, 768], sizes = [512, 128], strides = [1, 1]} : vector<512x1024xi32> to vector<512x128xi32>
    %add3A_1102 = arith.addi %add3A_1100, %slice3A_1101 : vector<512x128xi32>
    %slice3A_1103 = vector.extract_strided_slice %and3A_1089 {offsets = [0, 896], sizes = [512, 128], strides = [1, 1]} : vector<512x1024xi32> to vector<512x128xi32>
    %add3A_1104 = arith.addi %add3A_1102, %slice3A_1103 : vector<512x128xi32>
    %shift_right_arithmetic3A_1105 = arith.constant 16 : i32
    %shift_right_arithmetic3A_1106 = vector.broadcast %shift_right_arithmetic3A_1105 : i32 to vector<512x128xi32>
    %shift_right_arithmetic3A_1107 = arith.shrsi %add3A_1104, %shift_right_arithmetic3A_1106 : vector<512x128xi32>
    %and3A_1108 = arith.constant 65535 : i32
    %and3A_1109 = vector.broadcast %and3A_1108 : i32 to vector<512x128xi32>
    %and3A_1110 = arith.andi %add3A_1104, %and3A_1109 : vector<512x128xi32>
    %add3A_1111 = arith.addi %shift_right_arithmetic3A_1107, %and3A_1110 : vector<512x128xi32>
    %convert_element_type3A_1112 = arith.sitofp %add3A_1111 : vector<512x128xi32> to vector<512x128xf32>
    %reduce_sum3A_1113 = arith.constant dense<0.000000e+00> : vector<512xf32>
    %reduce_sum3A_1114 = vector.multi_reduction <add>, %convert_element_type3A_1112, %reduce_sum3A_1113 [1] : vector<512x128xf32> to vector<512xf32>
    %broadcast_in_dim3A_1115 = vector.shape_cast %reduce_sum3A_1114 : vector<512xf32> to vector<512x1xf32>
    %add3A_1116 = arith.addf %broadcast_in_dim3A_686, %broadcast_in_dim3A_1115 : vector<512x1xf32>
    %ge3A_1117 = arith.constant 5.120000e+02 : f32
    %ge3A_1118 = vector.broadcast %ge3A_1117 : f32 to vector<512x1xf32>
    %ge3A_1119 = arith.cmpf oge, %add3A_1116, %ge3A_1118 : vector<512x1xf32>
    %select_n3A_1120 = arith.select %ge3A_1119, %or3A_1077, %select_n3A_1074 : vector<512x1xi1>, vector<512x1xi32>
    %or3A_1121 = arith.constant 32 : i32
    %or3A_1122 = vector.broadcast %or3A_1121 : i32 to vector<512x1xi32>
    %or3A_1123 = arith.ori %select_n3A_1120, %or3A_1122 : vector<512x1xi32>
    %shift_left3A_1124 = arith.constant 16 : i32
    %shift_left3A_1125 = vector.broadcast %shift_left3A_1124 : i32 to vector<512x1xi32>
    %shift_left3A_1126 = arith.shli %or3A_1123, %shift_left3A_1125 : vector<512x1xi32>
    %or3A_1127 = arith.ori %or3A_1123, %shift_left3A_1126 : vector<512x1xi32>
    %sub3A_1128 = vector.broadcast %or3A_1127 : vector<512x1xi32> to vector<512x1024xi32>
    %sub3A_1129 = arith.subi %or3A_704, %sub3A_1128 : vector<512x1024xi32>
    %shift_right_logical3A_1130 = arith.constant 15 : i32
    %shift_right_logical3A_1131 = vector.broadcast %shift_right_logical3A_1130 : i32 to vector<512x1024xi32>
    %shift_right_logical3A_1132 = arith.shrui %sub3A_1129, %shift_right_logical3A_1131 : vector<512x1024xi32>
    %and3A_1133 = arith.constant 65537 : i32
    %and3A_1134 = vector.broadcast %and3A_1133 : i32 to vector<512x1024xi32>
    %and3A_1135 = arith.andi %shift_right_logical3A_1132, %and3A_1134 : vector<512x1024xi32>
    %slice3A_1136 = vector.extract_strided_slice %and3A_1135 {offsets = [0, 0], sizes = [512, 128], strides = [1, 1]} : vector<512x1024xi32> to vector<512x128xi32>
    %slice3A_1137 = vector.extract_strided_slice %and3A_1135 {offsets = [0, 128], sizes = [512, 128], strides = [1, 1]} : vector<512x1024xi32> to vector<512x128xi32>
    %add3A_1138 = arith.addi %slice3A_1136, %slice3A_1137 : vector<512x128xi32>
    %slice3A_1139 = vector.extract_strided_slice %and3A_1135 {offsets = [0, 256], sizes = [512, 128], strides = [1, 1]} : vector<512x1024xi32> to vector<512x128xi32>
    %add3A_1140 = arith.addi %add3A_1138, %slice3A_1139 : vector<512x128xi32>
    %slice3A_1141 = vector.extract_strided_slice %and3A_1135 {offsets = [0, 384], sizes = [512, 128], strides = [1, 1]} : vector<512x1024xi32> to vector<512x128xi32>
    %add3A_1142 = arith.addi %add3A_1140, %slice3A_1141 : vector<512x128xi32>
    %slice3A_1143 = vector.extract_strided_slice %and3A_1135 {offsets = [0, 512], sizes = [512, 128], strides = [1, 1]} : vector<512x1024xi32> to vector<512x128xi32>
    %add3A_1144 = arith.addi %add3A_1142, %slice3A_1143 : vector<512x128xi32>
    %slice3A_1145 = vector.extract_strided_slice %and3A_1135 {offsets = [0, 640], sizes = [512, 128], strides = [1, 1]} : vector<512x1024xi32> to vector<512x128xi32>
    %add3A_1146 = arith.addi %add3A_1144, %slice3A_1145 : vector<512x128xi32>
    %slice3A_1147 = vector.extract_strided_slice %and3A_1135 {offsets = [0, 768], sizes = [512, 128], strides = [1, 1]} : vector<512x1024xi32> to vector<512x128xi32>
    %add3A_1148 = arith.addi %add3A_1146, %slice3A_1147 : vector<512x128xi32>
    %slice3A_1149 = vector.extract_strided_slice %and3A_1135 {offsets = [0, 896], sizes = [512, 128], strides = [1, 1]} : vector<512x1024xi32> to vector<512x128xi32>
    %add3A_1150 = arith.addi %add3A_1148, %slice3A_1149 : vector<512x128xi32>
    %shift_right_arithmetic3A_1151 = arith.constant 16 : i32
    %shift_right_arithmetic3A_1152 = vector.broadcast %shift_right_arithmetic3A_1151 : i32 to vector<512x128xi32>
    %shift_right_arithmetic3A_1153 = arith.shrsi %add3A_1150, %shift_right_arithmetic3A_1152 : vector<512x128xi32>
    %and3A_1154 = arith.constant 65535 : i32
    %and3A_1155 = vector.broadcast %and3A_1154 : i32 to vector<512x128xi32>
    %and3A_1156 = arith.andi %add3A_1150, %and3A_1155 : vector<512x128xi32>
    %add3A_1157 = arith.addi %shift_right_arithmetic3A_1153, %and3A_1156 : vector<512x128xi32>
    %convert_element_type3A_1158 = arith.sitofp %add3A_1157 : vector<512x128xi32> to vector<512x128xf32>
    %reduce_sum3A_1159 = arith.constant dense<0.000000e+00> : vector<512xf32>
    %reduce_sum3A_1160 = vector.multi_reduction <add>, %convert_element_type3A_1158, %reduce_sum3A_1159 [1] : vector<512x128xf32> to vector<512xf32>
    %broadcast_in_dim3A_1161 = vector.shape_cast %reduce_sum3A_1160 : vector<512xf32> to vector<512x1xf32>
    %add3A_1162 = arith.addf %broadcast_in_dim3A_686, %broadcast_in_dim3A_1161 : vector<512x1xf32>
    %ge3A_1163 = arith.constant 5.120000e+02 : f32
    %ge3A_1164 = vector.broadcast %ge3A_1163 : f32 to vector<512x1xf32>
    %ge3A_1165 = arith.cmpf oge, %add3A_1162, %ge3A_1164 : vector<512x1xf32>
    %select_n3A_1166 = arith.select %ge3A_1165, %or3A_1123, %select_n3A_1120 : vector<512x1xi1>, vector<512x1xi32>
    %or3A_1167 = arith.constant 16 : i32
    %or3A_1168 = vector.broadcast %or3A_1167 : i32 to vector<512x1xi32>
    %or3A_1169 = arith.ori %select_n3A_1166, %or3A_1168 : vector<512x1xi32>
    %shift_left3A_1170 = arith.constant 16 : i32
    %shift_left3A_1171 = vector.broadcast %shift_left3A_1170 : i32 to vector<512x1xi32>
    %shift_left3A_1172 = arith.shli %or3A_1169, %shift_left3A_1171 : vector<512x1xi32>
    %or3A_1173 = arith.ori %or3A_1169, %shift_left3A_1172 : vector<512x1xi32>
    %sub3A_1174 = vector.broadcast %or3A_1173 : vector<512x1xi32> to vector<512x1024xi32>
    %sub3A_1175 = arith.subi %or3A_704, %sub3A_1174 : vector<512x1024xi32>
    %shift_right_logical3A_1176 = arith.constant 15 : i32
    %shift_right_logical3A_1177 = vector.broadcast %shift_right_logical3A_1176 : i32 to vector<512x1024xi32>
    %shift_right_logical3A_1178 = arith.shrui %sub3A_1175, %shift_right_logical3A_1177 : vector<512x1024xi32>
    %and3A_1179 = arith.constant 65537 : i32
    %and3A_1180 = vector.broadcast %and3A_1179 : i32 to vector<512x1024xi32>
    %and3A_1181 = arith.andi %shift_right_logical3A_1178, %and3A_1180 : vector<512x1024xi32>
    %slice3A_1182 = vector.extract_strided_slice %and3A_1181 {offsets = [0, 0], sizes = [512, 128], strides = [1, 1]} : vector<512x1024xi32> to vector<512x128xi32>
    %slice3A_1183 = vector.extract_strided_slice %and3A_1181 {offsets = [0, 128], sizes = [512, 128], strides = [1, 1]} : vector<512x1024xi32> to vector<512x128xi32>
    %add3A_1184 = arith.addi %slice3A_1182, %slice3A_1183 : vector<512x128xi32>
    %slice3A_1185 = vector.extract_strided_slice %and3A_1181 {offsets = [0, 256], sizes = [512, 128], strides = [1, 1]} : vector<512x1024xi32> to vector<512x128xi32>
    %add3A_1186 = arith.addi %add3A_1184, %slice3A_1185 : vector<512x128xi32>
    %slice3A_1187 = vector.extract_strided_slice %and3A_1181 {offsets = [0, 384], sizes = [512, 128], strides = [1, 1]} : vector<512x1024xi32> to vector<512x128xi32>
    %add3A_1188 = arith.addi %add3A_1186, %slice3A_1187 : vector<512x128xi32>
    %slice3A_1189 = vector.extract_strided_slice %and3A_1181 {offsets = [0, 512], sizes = [512, 128], strides = [1, 1]} : vector<512x1024xi32> to vector<512x128xi32>
    %add3A_1190 = arith.addi %add3A_1188, %slice3A_1189 : vector<512x128xi32>
    %slice3A_1191 = vector.extract_strided_slice %and3A_1181 {offsets = [0, 640], sizes = [512, 128], strides = [1, 1]} : vector<512x1024xi32> to vector<512x128xi32>
    %add3A_1192 = arith.addi %add3A_1190, %slice3A_1191 : vector<512x128xi32>
    %slice3A_1193 = vector.extract_strided_slice %and3A_1181 {offsets = [0, 768], sizes = [512, 128], strides = [1, 1]} : vector<512x1024xi32> to vector<512x128xi32>
    %add3A_1194 = arith.addi %add3A_1192, %slice3A_1193 : vector<512x128xi32>
    %slice3A_1195 = vector.extract_strided_slice %and3A_1181 {offsets = [0, 896], sizes = [512, 128], strides = [1, 1]} : vector<512x1024xi32> to vector<512x128xi32>
    %add3A_1196 = arith.addi %add3A_1194, %slice3A_1195 : vector<512x128xi32>
    %shift_right_arithmetic3A_1197 = arith.constant 16 : i32
    %shift_right_arithmetic3A_1198 = vector.broadcast %shift_right_arithmetic3A_1197 : i32 to vector<512x128xi32>
    %shift_right_arithmetic3A_1199 = arith.shrsi %add3A_1196, %shift_right_arithmetic3A_1198 : vector<512x128xi32>
    %and3A_1200 = arith.constant 65535 : i32
    %and3A_1201 = vector.broadcast %and3A_1200 : i32 to vector<512x128xi32>
    %and3A_1202 = arith.andi %add3A_1196, %and3A_1201 : vector<512x128xi32>
    %add3A_1203 = arith.addi %shift_right_arithmetic3A_1199, %and3A_1202 : vector<512x128xi32>
    %convert_element_type3A_1204 = arith.sitofp %add3A_1203 : vector<512x128xi32> to vector<512x128xf32>
    %reduce_sum3A_1205 = arith.constant dense<0.000000e+00> : vector<512xf32>
    %reduce_sum3A_1206 = vector.multi_reduction <add>, %convert_element_type3A_1204, %reduce_sum3A_1205 [1] : vector<512x128xf32> to vector<512xf32>
    %broadcast_in_dim3A_1207 = vector.shape_cast %reduce_sum3A_1206 : vector<512xf32> to vector<512x1xf32>
    %add3A_1208 = arith.addf %broadcast_in_dim3A_686, %broadcast_in_dim3A_1207 : vector<512x1xf32>
    %ge3A_1209 = arith.constant 5.120000e+02 : f32
    %ge3A_1210 = vector.broadcast %ge3A_1209 : f32 to vector<512x1xf32>
    %ge3A_1211 = arith.cmpf oge, %add3A_1208, %ge3A_1210 : vector<512x1xf32>
    %select_n3A_1212 = arith.select %ge3A_1211, %or3A_1169, %select_n3A_1166 : vector<512x1xi1>, vector<512x1xi32>
    %or3A_1213 = arith.constant 8 : i32
    %or3A_1214 = vector.broadcast %or3A_1213 : i32 to vector<512x1xi32>
    %or3A_1215 = arith.ori %select_n3A_1212, %or3A_1214 : vector<512x1xi32>
    %shift_left3A_1216 = arith.constant 16 : i32
    %shift_left3A_1217 = vector.broadcast %shift_left3A_1216 : i32 to vector<512x1xi32>
    %shift_left3A_1218 = arith.shli %or3A_1215, %shift_left3A_1217 : vector<512x1xi32>
    %or3A_1219 = arith.ori %or3A_1215, %shift_left3A_1218 : vector<512x1xi32>
    %sub3A_1220 = vector.broadcast %or3A_1219 : vector<512x1xi32> to vector<512x1024xi32>
    %sub3A_1221 = arith.subi %or3A_704, %sub3A_1220 : vector<512x1024xi32>
    %shift_right_logical3A_1222 = arith.constant 15 : i32
    %shift_right_logical3A_1223 = vector.broadcast %shift_right_logical3A_1222 : i32 to vector<512x1024xi32>
    %shift_right_logical3A_1224 = arith.shrui %sub3A_1221, %shift_right_logical3A_1223 : vector<512x1024xi32>
    %and3A_1225 = arith.constant 65537 : i32
    %and3A_1226 = vector.broadcast %and3A_1225 : i32 to vector<512x1024xi32>
    %and3A_1227 = arith.andi %shift_right_logical3A_1224, %and3A_1226 : vector<512x1024xi32>
    %slice3A_1228 = vector.extract_strided_slice %and3A_1227 {offsets = [0, 0], sizes = [512, 128], strides = [1, 1]} : vector<512x1024xi32> to vector<512x128xi32>
    %slice3A_1229 = vector.extract_strided_slice %and3A_1227 {offsets = [0, 128], sizes = [512, 128], strides = [1, 1]} : vector<512x1024xi32> to vector<512x128xi32>
    %add3A_1230 = arith.addi %slice3A_1228, %slice3A_1229 : vector<512x128xi32>
    %slice3A_1231 = vector.extract_strided_slice %and3A_1227 {offsets = [0, 256], sizes = [512, 128], strides = [1, 1]} : vector<512x1024xi32> to vector<512x128xi32>
    %add3A_1232 = arith.addi %add3A_1230, %slice3A_1231 : vector<512x128xi32>
    %slice3A_1233 = vector.extract_strided_slice %and3A_1227 {offsets = [0, 384], sizes = [512, 128], strides = [1, 1]} : vector<512x1024xi32> to vector<512x128xi32>
    %add3A_1234 = arith.addi %add3A_1232, %slice3A_1233 : vector<512x128xi32>
    %slice3A_1235 = vector.extract_strided_slice %and3A_1227 {offsets = [0, 512], sizes = [512, 128], strides = [1, 1]} : vector<512x1024xi32> to vector<512x128xi32>
    %add3A_1236 = arith.addi %add3A_1234, %slice3A_1235 : vector<512x128xi32>
    %slice3A_1237 = vector.extract_strided_slice %and3A_1227 {offsets = [0, 640], sizes = [512, 128], strides = [1, 1]} : vector<512x1024xi32> to vector<512x128xi32>
    %add3A_1238 = arith.addi %add3A_1236, %slice3A_1237 : vector<512x128xi32>
    %slice3A_1239 = vector.extract_strided_slice %and3A_1227 {offsets = [0, 768], sizes = [512, 128], strides = [1, 1]} : vector<512x1024xi32> to vector<512x128xi32>
    %add3A_1240 = arith.addi %add3A_1238, %slice3A_1239 : vector<512x128xi32>
    %slice3A_1241 = vector.extract_strided_slice %and3A_1227 {offsets = [0, 896], sizes = [512, 128], strides = [1, 1]} : vector<512x1024xi32> to vector<512x128xi32>
    %add3A_1242 = arith.addi %add3A_1240, %slice3A_1241 : vector<512x128xi32>
    %shift_right_arithmetic3A_1243 = arith.constant 16 : i32
    %shift_right_arithmetic3A_1244 = vector.broadcast %shift_right_arithmetic3A_1243 : i32 to vector<512x128xi32>
    %shift_right_arithmetic3A_1245 = arith.shrsi %add3A_1242, %shift_right_arithmetic3A_1244 : vector<512x128xi32>
    %and3A_1246 = arith.constant 65535 : i32
    %and3A_1247 = vector.broadcast %and3A_1246 : i32 to vector<512x128xi32>
    %and3A_1248 = arith.andi %add3A_1242, %and3A_1247 : vector<512x128xi32>
    %add3A_1249 = arith.addi %shift_right_arithmetic3A_1245, %and3A_1248 : vector<512x128xi32>
    %convert_element_type3A_1250 = arith.sitofp %add3A_1249 : vector<512x128xi32> to vector<512x128xf32>
    %reduce_sum3A_1251 = arith.constant dense<0.000000e+00> : vector<512xf32>
    %reduce_sum3A_1252 = vector.multi_reduction <add>, %convert_element_type3A_1250, %reduce_sum3A_1251 [1] : vector<512x128xf32> to vector<512xf32>
    %broadcast_in_dim3A_1253 = vector.shape_cast %reduce_sum3A_1252 : vector<512xf32> to vector<512x1xf32>
    %add3A_1254 = arith.addf %broadcast_in_dim3A_686, %broadcast_in_dim3A_1253 : vector<512x1xf32>
    %ge3A_1255 = arith.constant 5.120000e+02 : f32
    %ge3A_1256 = vector.broadcast %ge3A_1255 : f32 to vector<512x1xf32>
    %ge3A_1257 = arith.cmpf oge, %add3A_1254, %ge3A_1256 : vector<512x1xf32>
    %select_n3A_1258 = arith.select %ge3A_1257, %or3A_1215, %select_n3A_1212 : vector<512x1xi1>, vector<512x1xi32>
    %or3A_1259 = arith.constant 4 : i32
    %or3A_1260 = vector.broadcast %or3A_1259 : i32 to vector<512x1xi32>
    %or3A_1261 = arith.ori %select_n3A_1258, %or3A_1260 : vector<512x1xi32>
    %shift_left3A_1262 = arith.constant 16 : i32
    %shift_left3A_1263 = vector.broadcast %shift_left3A_1262 : i32 to vector<512x1xi32>
    %shift_left3A_1264 = arith.shli %or3A_1261, %shift_left3A_1263 : vector<512x1xi32>
    %or3A_1265 = arith.ori %or3A_1261, %shift_left3A_1264 : vector<512x1xi32>
    %sub3A_1266 = vector.broadcast %or3A_1265 : vector<512x1xi32> to vector<512x1024xi32>
    %sub3A_1267 = arith.subi %or3A_704, %sub3A_1266 : vector<512x1024xi32>
    %shift_right_logical3A_1268 = arith.constant 15 : i32
    %shift_right_logical3A_1269 = vector.broadcast %shift_right_logical3A_1268 : i32 to vector<512x1024xi32>
    %shift_right_logical3A_1270 = arith.shrui %sub3A_1267, %shift_right_logical3A_1269 : vector<512x1024xi32>
    %and3A_1271 = arith.constant 65537 : i32
    %and3A_1272 = vector.broadcast %and3A_1271 : i32 to vector<512x1024xi32>
    %and3A_1273 = arith.andi %shift_right_logical3A_1270, %and3A_1272 : vector<512x1024xi32>
    %slice3A_1274 = vector.extract_strided_slice %and3A_1273 {offsets = [0, 0], sizes = [512, 128], strides = [1, 1]} : vector<512x1024xi32> to vector<512x128xi32>
    %slice3A_1275 = vector.extract_strided_slice %and3A_1273 {offsets = [0, 128], sizes = [512, 128], strides = [1, 1]} : vector<512x1024xi32> to vector<512x128xi32>
    %add3A_1276 = arith.addi %slice3A_1274, %slice3A_1275 : vector<512x128xi32>
    %slice3A_1277 = vector.extract_strided_slice %and3A_1273 {offsets = [0, 256], sizes = [512, 128], strides = [1, 1]} : vector<512x1024xi32> to vector<512x128xi32>
    %add3A_1278 = arith.addi %add3A_1276, %slice3A_1277 : vector<512x128xi32>
    %slice3A_1279 = vector.extract_strided_slice %and3A_1273 {offsets = [0, 384], sizes = [512, 128], strides = [1, 1]} : vector<512x1024xi32> to vector<512x128xi32>
    %add3A_1280 = arith.addi %add3A_1278, %slice3A_1279 : vector<512x128xi32>
    %slice3A_1281 = vector.extract_strided_slice %and3A_1273 {offsets = [0, 512], sizes = [512, 128], strides = [1, 1]} : vector<512x1024xi32> to vector<512x128xi32>
    %add3A_1282 = arith.addi %add3A_1280, %slice3A_1281 : vector<512x128xi32>
    %slice3A_1283 = vector.extract_strided_slice %and3A_1273 {offsets = [0, 640], sizes = [512, 128], strides = [1, 1]} : vector<512x1024xi32> to vector<512x128xi32>
    %add3A_1284 = arith.addi %add3A_1282, %slice3A_1283 : vector<512x128xi32>
    %slice3A_1285 = vector.extract_strided_slice %and3A_1273 {offsets = [0, 768], sizes = [512, 128], strides = [1, 1]} : vector<512x1024xi32> to vector<512x128xi32>
    %add3A_1286 = arith.addi %add3A_1284, %slice3A_1285 : vector<512x128xi32>
    %slice3A_1287 = vector.extract_strided_slice %and3A_1273 {offsets = [0, 896], sizes = [512, 128], strides = [1, 1]} : vector<512x1024xi32> to vector<512x128xi32>
    %add3A_1288 = arith.addi %add3A_1286, %slice3A_1287 : vector<512x128xi32>
    %shift_right_arithmetic3A_1289 = arith.constant 16 : i32
    %shift_right_arithmetic3A_1290 = vector.broadcast %shift_right_arithmetic3A_1289 : i32 to vector<512x128xi32>
    %shift_right_arithmetic3A_1291 = arith.shrsi %add3A_1288, %shift_right_arithmetic3A_1290 : vector<512x128xi32>
    %and3A_1292 = arith.constant 65535 : i32
    %and3A_1293 = vector.broadcast %and3A_1292 : i32 to vector<512x128xi32>
    %and3A_1294 = arith.andi %add3A_1288, %and3A_1293 : vector<512x128xi32>
    %add3A_1295 = arith.addi %shift_right_arithmetic3A_1291, %and3A_1294 : vector<512x128xi32>
    %convert_element_type3A_1296 = arith.sitofp %add3A_1295 : vector<512x128xi32> to vector<512x128xf32>
    %reduce_sum3A_1297 = arith.constant dense<0.000000e+00> : vector<512xf32>
    %reduce_sum3A_1298 = vector.multi_reduction <add>, %convert_element_type3A_1296, %reduce_sum3A_1297 [1] : vector<512x128xf32> to vector<512xf32>
    %broadcast_in_dim3A_1299 = vector.shape_cast %reduce_sum3A_1298 : vector<512xf32> to vector<512x1xf32>
    %add3A_1300 = arith.addf %broadcast_in_dim3A_686, %broadcast_in_dim3A_1299 : vector<512x1xf32>
    %ge3A_1301 = arith.constant 5.120000e+02 : f32
    %ge3A_1302 = vector.broadcast %ge3A_1301 : f32 to vector<512x1xf32>
    %ge3A_1303 = arith.cmpf oge, %add3A_1300, %ge3A_1302 : vector<512x1xf32>
    %select_n3A_1304 = arith.select %ge3A_1303, %or3A_1261, %select_n3A_1258 : vector<512x1xi1>, vector<512x1xi32>
    %or3A_1305 = arith.constant 2 : i32
    %or3A_1306 = vector.broadcast %or3A_1305 : i32 to vector<512x1xi32>
    %or3A_1307 = arith.ori %select_n3A_1304, %or3A_1306 : vector<512x1xi32>
    %shift_left3A_1308 = arith.constant 16 : i32
    %shift_left3A_1309 = vector.broadcast %shift_left3A_1308 : i32 to vector<512x1xi32>
    %shift_left3A_1310 = arith.shli %or3A_1307, %shift_left3A_1309 : vector<512x1xi32>
    %or3A_1311 = arith.ori %or3A_1307, %shift_left3A_1310 : vector<512x1xi32>
    %sub3A_1312 = vector.broadcast %or3A_1311 : vector<512x1xi32> to vector<512x1024xi32>
    %sub3A_1313 = arith.subi %or3A_704, %sub3A_1312 : vector<512x1024xi32>
    %shift_right_logical3A_1314 = arith.constant 15 : i32
    %shift_right_logical3A_1315 = vector.broadcast %shift_right_logical3A_1314 : i32 to vector<512x1024xi32>
    %shift_right_logical3A_1316 = arith.shrui %sub3A_1313, %shift_right_logical3A_1315 : vector<512x1024xi32>
    %and3A_1317 = arith.constant 65537 : i32
    %and3A_1318 = vector.broadcast %and3A_1317 : i32 to vector<512x1024xi32>
    %and3A_1319 = arith.andi %shift_right_logical3A_1316, %and3A_1318 : vector<512x1024xi32>
    %slice3A_1320 = vector.extract_strided_slice %and3A_1319 {offsets = [0, 0], sizes = [512, 128], strides = [1, 1]} : vector<512x1024xi32> to vector<512x128xi32>
    %slice3A_1321 = vector.extract_strided_slice %and3A_1319 {offsets = [0, 128], sizes = [512, 128], strides = [1, 1]} : vector<512x1024xi32> to vector<512x128xi32>
    %add3A_1322 = arith.addi %slice3A_1320, %slice3A_1321 : vector<512x128xi32>
    %slice3A_1323 = vector.extract_strided_slice %and3A_1319 {offsets = [0, 256], sizes = [512, 128], strides = [1, 1]} : vector<512x1024xi32> to vector<512x128xi32>
    %add3A_1324 = arith.addi %add3A_1322, %slice3A_1323 : vector<512x128xi32>
    %slice3A_1325 = vector.extract_strided_slice %and3A_1319 {offsets = [0, 384], sizes = [512, 128], strides = [1, 1]} : vector<512x1024xi32> to vector<512x128xi32>
    %add3A_1326 = arith.addi %add3A_1324, %slice3A_1325 : vector<512x128xi32>
    %slice3A_1327 = vector.extract_strided_slice %and3A_1319 {offsets = [0, 512], sizes = [512, 128], strides = [1, 1]} : vector<512x1024xi32> to vector<512x128xi32>
    %add3A_1328 = arith.addi %add3A_1326, %slice3A_1327 : vector<512x128xi32>
    %slice3A_1329 = vector.extract_strided_slice %and3A_1319 {offsets = [0, 640], sizes = [512, 128], strides = [1, 1]} : vector<512x1024xi32> to vector<512x128xi32>
    %add3A_1330 = arith.addi %add3A_1328, %slice3A_1329 : vector<512x128xi32>
    %slice3A_1331 = vector.extract_strided_slice %and3A_1319 {offsets = [0, 768], sizes = [512, 128], strides = [1, 1]} : vector<512x1024xi32> to vector<512x128xi32>
    %add3A_1332 = arith.addi %add3A_1330, %slice3A_1331 : vector<512x128xi32>
    %slice3A_1333 = vector.extract_strided_slice %and3A_1319 {offsets = [0, 896], sizes = [512, 128], strides = [1, 1]} : vector<512x1024xi32> to vector<512x128xi32>
    %add3A_1334 = arith.addi %add3A_1332, %slice3A_1333 : vector<512x128xi32>
    %shift_right_arithmetic3A_1335 = arith.constant 16 : i32
    %shift_right_arithmetic3A_1336 = vector.broadcast %shift_right_arithmetic3A_1335 : i32 to vector<512x128xi32>
    %shift_right_arithmetic3A_1337 = arith.shrsi %add3A_1334, %shift_right_arithmetic3A_1336 : vector<512x128xi32>
    %and3A_1338 = arith.constant 65535 : i32
    %and3A_1339 = vector.broadcast %and3A_1338 : i32 to vector<512x128xi32>
    %and3A_1340 = arith.andi %add3A_1334, %and3A_1339 : vector<512x128xi32>
    %add3A_1341 = arith.addi %shift_right_arithmetic3A_1337, %and3A_1340 : vector<512x128xi32>
    %convert_element_type3A_1342 = arith.sitofp %add3A_1341 : vector<512x128xi32> to vector<512x128xf32>
    %reduce_sum3A_1343 = arith.constant dense<0.000000e+00> : vector<512xf32>
    %reduce_sum3A_1344 = vector.multi_reduction <add>, %convert_element_type3A_1342, %reduce_sum3A_1343 [1] : vector<512x128xf32> to vector<512xf32>
    %broadcast_in_dim3A_1345 = vector.shape_cast %reduce_sum3A_1344 : vector<512xf32> to vector<512x1xf32>
    %add3A_1346 = arith.addf %broadcast_in_dim3A_686, %broadcast_in_dim3A_1345 : vector<512x1xf32>
    %ge3A_1347 = arith.constant 5.120000e+02 : f32
    %ge3A_1348 = vector.broadcast %ge3A_1347 : f32 to vector<512x1xf32>
    %ge3A_1349 = arith.cmpf oge, %add3A_1346, %ge3A_1348 : vector<512x1xf32>
    %select_n3A_1350 = arith.select %ge3A_1349, %or3A_1307, %select_n3A_1304 : vector<512x1xi1>, vector<512x1xi32>
    %or3A_1351 = arith.constant 1 : i32
    %or3A_1352 = vector.broadcast %or3A_1351 : i32 to vector<512x1xi32>
    %or3A_1353 = arith.ori %select_n3A_1350, %or3A_1352 : vector<512x1xi32>
    %shift_left3A_1354 = arith.constant 16 : i32
    %shift_left3A_1355 = vector.broadcast %shift_left3A_1354 : i32 to vector<512x1xi32>
    %shift_left3A_1356 = arith.shli %or3A_1353, %shift_left3A_1355 : vector<512x1xi32>
    %or3A_1357 = arith.ori %or3A_1353, %shift_left3A_1356 : vector<512x1xi32>
    %sub3A_1358 = vector.broadcast %or3A_1357 : vector<512x1xi32> to vector<512x1024xi32>
    %sub3A_1359 = arith.subi %or3A_704, %sub3A_1358 : vector<512x1024xi32>
    %shift_right_logical3A_1360 = arith.constant 15 : i32
    %shift_right_logical3A_1361 = vector.broadcast %shift_right_logical3A_1360 : i32 to vector<512x1024xi32>
    %shift_right_logical3A_1362 = arith.shrui %sub3A_1359, %shift_right_logical3A_1361 : vector<512x1024xi32>
    %and3A_1363 = arith.constant 65537 : i32
    %and3A_1364 = vector.broadcast %and3A_1363 : i32 to vector<512x1024xi32>
    %and3A_1365 = arith.andi %shift_right_logical3A_1362, %and3A_1364 : vector<512x1024xi32>
    %slice3A_1366 = vector.extract_strided_slice %and3A_1365 {offsets = [0, 0], sizes = [512, 128], strides = [1, 1]} : vector<512x1024xi32> to vector<512x128xi32>
    %slice3A_1367 = vector.extract_strided_slice %and3A_1365 {offsets = [0, 128], sizes = [512, 128], strides = [1, 1]} : vector<512x1024xi32> to vector<512x128xi32>
    %add3A_1368 = arith.addi %slice3A_1366, %slice3A_1367 : vector<512x128xi32>
    %slice3A_1369 = vector.extract_strided_slice %and3A_1365 {offsets = [0, 256], sizes = [512, 128], strides = [1, 1]} : vector<512x1024xi32> to vector<512x128xi32>
    %add3A_1370 = arith.addi %add3A_1368, %slice3A_1369 : vector<512x128xi32>
    %slice3A_1371 = vector.extract_strided_slice %and3A_1365 {offsets = [0, 384], sizes = [512, 128], strides = [1, 1]} : vector<512x1024xi32> to vector<512x128xi32>
    %add3A_1372 = arith.addi %add3A_1370, %slice3A_1371 : vector<512x128xi32>
    %slice3A_1373 = vector.extract_strided_slice %and3A_1365 {offsets = [0, 512], sizes = [512, 128], strides = [1, 1]} : vector<512x1024xi32> to vector<512x128xi32>
    %add3A_1374 = arith.addi %add3A_1372, %slice3A_1373 : vector<512x128xi32>
    %slice3A_1375 = vector.extract_strided_slice %and3A_1365 {offsets = [0, 640], sizes = [512, 128], strides = [1, 1]} : vector<512x1024xi32> to vector<512x128xi32>
    %add3A_1376 = arith.addi %add3A_1374, %slice3A_1375 : vector<512x128xi32>
    %slice3A_1377 = vector.extract_strided_slice %and3A_1365 {offsets = [0, 768], sizes = [512, 128], strides = [1, 1]} : vector<512x1024xi32> to vector<512x128xi32>
    %add3A_1378 = arith.addi %add3A_1376, %slice3A_1377 : vector<512x128xi32>
    %slice3A_1379 = vector.extract_strided_slice %and3A_1365 {offsets = [0, 896], sizes = [512, 128], strides = [1, 1]} : vector<512x1024xi32> to vector<512x128xi32>
    %add3A_1380 = arith.addi %add3A_1378, %slice3A_1379 : vector<512x128xi32>
    %shift_right_arithmetic3A_1381 = arith.constant 16 : i32
    %shift_right_arithmetic3A_1382 = vector.broadcast %shift_right_arithmetic3A_1381 : i32 to vector<512x128xi32>
    %shift_right_arithmetic3A_1383 = arith.shrsi %add3A_1380, %shift_right_arithmetic3A_1382 : vector<512x128xi32>
    %and3A_1384 = arith.constant 65535 : i32
    %and3A_1385 = vector.broadcast %and3A_1384 : i32 to vector<512x128xi32>
    %and3A_1386 = arith.andi %add3A_1380, %and3A_1385 : vector<512x128xi32>
    %add3A_1387 = arith.addi %shift_right_arithmetic3A_1383, %and3A_1386 : vector<512x128xi32>
    %convert_element_type3A_1388 = arith.sitofp %add3A_1387 : vector<512x128xi32> to vector<512x128xf32>
    %reduce_sum3A_1389 = arith.constant dense<0.000000e+00> : vector<512xf32>
    %reduce_sum3A_1390 = vector.multi_reduction <add>, %convert_element_type3A_1388, %reduce_sum3A_1389 [1] : vector<512x128xf32> to vector<512xf32>
    %broadcast_in_dim3A_1391 = vector.shape_cast %reduce_sum3A_1390 : vector<512xf32> to vector<512x1xf32>
    %add3A_1392 = arith.addf %broadcast_in_dim3A_686, %broadcast_in_dim3A_1391 : vector<512x1xf32>
    %ge3A_1393 = arith.constant 5.120000e+02 : f32
    %ge3A_1394 = vector.broadcast %ge3A_1393 : f32 to vector<512x1xf32>
    %ge3A_1395 = arith.cmpf oge, %add3A_1392, %ge3A_1394 : vector<512x1xf32>
    %select_n3A_1396 = arith.select %ge3A_1395, %or3A_1353, %select_n3A_1350 : vector<512x1xi1>, vector<512x1xi32>
    %shift_left3A_1397 = arith.constant 16 : i32
    %shift_left3A_1398 = vector.broadcast %shift_left3A_1397 : i32 to vector<512x1xi32>
    %shift_left3A_1399 = arith.shli %select_n3A_680, %shift_left3A_1398 : vector<512x1xi32>
    %shift_left3A_1400 = arith.constant 1 : i32
    %shift_left3A_1401 = vector.broadcast %shift_left3A_1400 : i32 to vector<512x1xi32>
    %shift_left3A_1402 = arith.shli %select_n3A_1396, %shift_left3A_1401 : vector<512x1xi32>
    %or3A_1403 = arith.ori %shift_left3A_1399, %shift_left3A_1402 : vector<512x1xi32>
    %or3A_1404 = arith.constant 1 : i32
    %or3A_1405 = vector.broadcast %or3A_1404 : i32 to vector<512x1xi32>
    %or3A_1406 = arith.ori %or3A_1403, %or3A_1405 : vector<512x1xi32>
    %ge3A_1407 = vector.broadcast %or3A_1406 : vector<512x1xi32> to vector<512x2048xi32>
    %ge3A_1408 = arith.cmpi sge, %and3A_3, %ge3A_1407 : vector<512x2048xi32>
    %convert_element_type3A_1409 = arith.extui %ge3A_1408 : vector<512x2048xi1> to vector<512x2048xi32>
    %convert_element_type3A_1410 = arith.sitofp %convert_element_type3A_1409 : vector<512x2048xi32> to vector<512x2048xf32>
    %reduce_sum3A_1411 = arith.constant dense<0.000000e+00> : vector<512xf32>
    %reduce_sum3A_1412 = vector.multi_reduction <add>, %convert_element_type3A_1410, %reduce_sum3A_1411 [1] : vector<512x2048xf32> to vector<512xf32>
    %broadcast_in_dim3A_1413 = vector.shape_cast %reduce_sum3A_1412 : vector<512xf32> to vector<512x1xf32>
    %ge3A_1414 = arith.constant 5.120000e+02 : f32
    %ge3A_1415 = vector.broadcast %ge3A_1414 : f32 to vector<512x1xf32>
    %ge3A_1416 = arith.cmpf oge, %broadcast_in_dim3A_1413, %ge3A_1415 : vector<512x1xf32>
    %sub3A_1417 = arith.constant 1 : i32
    %sub3A_1418 = vector.broadcast %sub3A_1417 : i32 to vector<512x1xi32>
    %sub3A_1419 = arith.subi %or3A_1406, %sub3A_1418 : vector<512x1xi32>
    %select_n3A_1420 = arith.select %ge3A_1416, %or3A_1406, %sub3A_1419 : vector<512x1xi1>, vector<512x1xi32>
    %ge3A_1421 = vector.broadcast %select_n3A_1420 : vector<512x1xi32> to vector<512x2048xi32>
    %ge3A_1422 = arith.cmpi sge, %and3A_3, %ge3A_1421 : vector<512x2048xi32>
    %convert_element_type3A_1423 = arith.extui %ge3A_1422 : vector<512x2048xi1> to vector<512x2048xi32>
    %reduce_sum3A_1424 = arith.constant dense<0> : vector<512xi32>
    %reduce_sum3A_1425 = vector.multi_reduction <add>, %convert_element_type3A_1423, %reduce_sum3A_1424 [1] : vector<512x2048xi32> to vector<512xi32>
    %broadcast_in_dim3A_1426 = vector.shape_cast %reduce_sum3A_1425 : vector<512xi32> to vector<512x1xi32>
    %convert_element_type3A_1427 = arith.sitofp %broadcast_in_dim3A_1426 : vector<512x1xi32> to vector<512x1xf32>
    %div3A = arith.constant 2.048000e+03 : f32
    %div3A_1428 = vector.broadcast %div3A : f32 to vector<512x1xf32>
    %div3A_1429 = arith.divf %div3A_1428, %convert_element_type3A_1427 : vector<512x1xf32>
    %ge3A_1430 = vector.broadcast %select_n3A_1420 : vector<512x1xi32> to vector<512x2048xi32>
    %ge3A_1431 = arith.cmpi sge, %and3A_3, %ge3A_1430 : vector<512x2048xi32>
    %mul3A = vector.broadcast %div3A_1429 : vector<512x1xf32> to vector<512x2048xf32>
    %mul3A_1432 = arith.mulf %get3A_1, %mul3A : vector<512x2048xf32>
    %jit3A_1433 = arith.constant 0.000000e+00 : f32
    %broadcast_in_dim3A_1434 = vector.broadcast %jit3A_1433 : f32 to vector<512x2048xf32>
    %select_n3A_1435 = arith.select %ge3A_1431, %mul3A_1432, %broadcast_in_dim3A_1434 : vector<512x2048xi1>, vector<512x2048xf32>
    %swap3A = arith.constant 0 : index
    %swap3A_1436 = arith.constant 0 : index
    %swap3A_1437 = vector.load %arg2[%swap3A, %swap3A_1436] : memref<512x2048xf32, #tpu.memory_space<vmem>>, vector<512x2048xf32>
    tpu.vector_store %arg2[%swap3A, %swap3A_1436], %select_n3A_1435 {strides = array<i32>} : memref<512x2048xf32, #tpu.memory_space<vmem>>, vector<512x2048xf32>,
    return
  }
  func.func @transform_0(%arg0: i32) -> (i32, i32) {
    %add3A = arith.constant 4 : i32
    %add3A_0 = arith.addi %arg0, %add3A : i32
    %c0_i32 = arith.constant 0 : i32
    %c0_i32_1 = arith.constant 0 : i32
    return %add3A_0, %c0_i32 : i32, i32
  }
  func.func @transform_1(%arg0: i32) -> (i32, i32) {
    %add3A = arith.constant 4 : i32
    %add3A_0 = arith.addi %arg0, %add3A : i32
    %c0_i32 = arith.constant 0 : i32
    %c0_i32_1 = arith.constant 0 : i32
    return %add3A_0, %c0_i32 : i32, i32
  }
}

</mosaic_0001>

<sc_bundles>
// kernel: kernel.4.cloned.1.call-start
scs
__scs_entry_jumppad:
0x0: {  	(pc) =	sbr.rel $0x88, $3  }
0x1: {  	(tag) =	ssettag $0x0;
	lr =	simm.s32 $0x1  }
0x2: {  	[smem:$0x3FA0] =	sst lr;
	_ =	strace $0xD0000000  }
0x3: {  	_ = 	snop  }
0x4: {  	_ = 	snop  }
0x5: {  	_ = 	snop  }
0x6: {  	_ = 	snop  }
0x7: {  	_ = 	snop  }
__scs_overlays_trampoline_lowered:
0x8: {  	[smem:$0x3FAF] =	sst s0  }
0x9: {  	[smem:$0x3FB0] =	sst s1  }
0xa: {  	[smem:$0x3FB1] =	sst s2  }
0xb: {  	[smem:$0x3FB2] =	sst s3  }
0xc: {  	[smem:$0x3FB3] =	sst s4  }
0xd: {  	[smem:$0x3FB4] =	sst s5  }
0xe: {  	[smem:$0x3FB5] =	sst s6  }
0xf: {  	[smem:$0x3FB6] =	sst s7  }
0x10: {  	[smem:$0x3FB7] =	sst s8  }
0x11: {  	[smem:$0x3FB8] =	sst s9;
	s0 =	simm.s32 @!p0 $0x0  }
0x12: {  	s1 =	sld [smem:$0x3F9E];
	s0 =	simm.s32 @p0 $0x1  }
0x13: {  	[smem:$0x3FB9] =	sst s0;
	s0 =	simm.s32 @!p1 $0x0  }
0x14: {  	s2 =	sld [smem:$0x3F9D];
	s0 =	simm.s32 @p1 $0x1  }
0x15: {  	[smem:$0x3FBA] =	sst s0;
	s0 =	simm.s32 @!p2 $0x0  }
0x16: {  	s3 =	sld [smem:$0x3FDB];
	s0 =	simm.s32 @p2 $0x1  }
0x17: {  	s4 =	simm.s32 $0x1BF5;
	[smem:$0x3FBC] =	sst s0  }
0x18: {  	s0 =	sld [smem:$0x3F9F];
	_ =	swait.ge [sflag:s4], $0x0  }
0x19: {  	s7 =	sld [smem:$0x3FA0]  }
0x1a: {  	s8 =	sadd.s32 $0xFFFFE003, lr  }
0x1b: {  	s9 =	sadd.s32 $0xFFFFFEF7, lr;
	s5 =	simm.s32 $0xFFFFFFFF;
	p2 =	slt.u32 s8, $0xFFFFF086  }
0x1c: {  	p1 =	slt.u32 s9, $0xF7A;
	s5 =	simm.s32 @!p2 $0x0  }
0x1d: {  	s5 =	simm.s32 @p1 $0x1;
	p0 =	seq.s32 s7, s2  }
0x1e: {  	s7 =	smul.u32 @!p0 $0xF7A, s2;
	p2 =	seq.s32 @!p0 s5, $0x0  }
0x1f: {  	s9 =	smul.u32 $0xF7A, s1;
	s8 =	simm.s32 @!p0 $0x1BF5;
	p2 =	por !p2, p0  }
0x20: {  	[sflag:s8] =	ssyncset.s32 @!p0 $0xFFFFF086;
	s6 =	sadd.s32 @!p0 s3, s7;
	s7 =	simm.s32 @!p0 $0x108  }
0x21: {  	s3 =	sadd.s32 s3, s9;
	s6 =	sadd.s32 @!p0 $0x88, s6;
	s7 =	simm.s32 @p2 $0x1082  }
0x22: {  	[simem:s7], [sflag:s8] =	dma.local @!p0 [hbm:s6], $0xF7A  }
0x23: {  	s9 =	sor.u32 $0xD0000000, s2;
	s6 =	simm.s32 $0x108;
	_ =	swait.ge @!p0 [sflag:s8], $0x0  }
0x24: {  	s3 =	sadd.s32 $0x88, s3;
	s6 =	simm.s32 @!p1 $0x1082;
	[sflag:s4] =	ssyncset.s32 $0xFFFFF086  }
0x25: {  	[simem:s6], [sflag:s4] =	dma.local [hbm:s3], $0xF7A  }
0x26: {  	[smem:$0x3FA0] =	sst s1;
	(tag) =	ssettag s2;
	_ =	strace s9  }
0x27: {  	s1 =	sld [smem:$0x3FB0]  }
0x28: {  	s2 =	sld [smem:$0x3FB1]  }
0x29: {  	s4 =	sld [smem:$0x3FB3]  }
0x2a: {  	p0 =	seq.s32 s5, $0x0;
	s5 =	sld [smem:$0x3FB4]  }
0x2b: {  	s6 =	sld [smem:$0x3FB5]  }
0x2c: {  	s7 =	sld [smem:$0x3FB6]  }
0x2d: {  	s3 =	simm.s32 $0x108;
	s8 =	sld [smem:$0x3FB7]  }
0x2e: {  	s3 =	simm.s32 @!p0 $0x1082;
	s9 =	sld [smem:$0x3FB8]  }
0x2f: {  	lr =	sadd.s32 s0, s3;
	s0 =	sld [smem:$0x3FAF]  }
0x30: {  	s3 =	sld [smem:$0x3FB2]  }
0x31: {  	[smem:$0x3FBB] =	sst s10  }
0x32: {  	s10 =	sld [smem:$0x3FB9];
	_ =	sdelay $0x3  }
0x33: {  	p0 =	seq.s32 s10, $0x1;
	s10 =	sld [smem:$0x3FBB];
	_ =	sdelay $0x3  }
0x34: {  	[smem:$0x3FBB] =	sst s10  }
0x35: {  	s10 =	sld [smem:$0x3FBA];
	_ =	sdelay $0x3  }
0x36: {  	p1 =	seq.s32 s10, $0x1;
	s10 =	sld [smem:$0x3FBB];
	_ =	sdelay $0x3  }
0x37: {  	[smem:$0x3FBB] =	sst s10  }
0x38: {  	s10 =	sld [smem:$0x3FBC]  }
0x39: {  	_ = 	snop;
	(pc) =	sbr.ind lr, $3  }
0x3a: {  	_ = 	snop  }
0x3b: {  	_ = 	snop  }
0x3c: {  	p2 =	seq.s32 s10, $0x1;
	s10 =	sld [smem:$0x3FBB]  }
0x3d: {  	_ =	shalt  }
0x3e: {  	_ =	shalt  }
0x3f: {  	_ =	shalt  }
0x40: {  	_ =	shalt  }
0x41: {  	_ =	shalt  }
0x42: {  	_ =	shalt  }
0x43: {  	_ =	shalt  }
0x44: {  	_ =	shalt  }
0x45: {  	_ =	shalt  }
0x46: {  	_ =	shalt  }
0x47: {  	_ =	shalt  }
0x48: {  	_ =	shalt  }
0x49: {  	_ =	shalt  }
0x4a: {  	_ =	shalt  }
0x4b: {  	_ =	shalt  }
0x4c: {  	_ =	shalt  }
0x4d: {  	_ =	shalt  }
0x4e: {  	_ =	shalt  }
0x4f: {  	_ =	shalt  }
0x50: {  	_ =	shalt  }
0x51: {  	_ =	shalt  }
0x52: {  	_ =	shalt  }
0x53: {  	_ =	shalt  }
0x54: {  	_ =	shalt  }
0x55: {  	_ =	shalt  }
0x56: {  	_ =	shalt  }
0x57: {  	_ =	shalt  }
0x58: {  	_ =	shalt  }
0x59: {  	_ =	shalt  }
0x5a: {  	_ =	shalt  }
0x5b: {  	_ =	shalt  }
0x5c: {  	_ =	shalt  }
0x5d: {  	_ =	shalt  }
0x5e: {  	_ =	shalt  }
0x5f: {  	_ =	shalt  }
0x60: {  	_ =	shalt  }
0x61: {  	_ =	shalt  }
0x62: {  	_ =	shalt  }
0x63: {  	_ =	shalt  }
0x64: {  	_ =	shalt  }
0x65: {  	_ =	shalt  }
0x66: {  	_ =	shalt  }
0x67: {  	_ =	shalt  }
0x68: {  	_ =	shalt  }
0x69: {  	_ =	shalt  }
0x6a: {  	_ =	shalt  }
0x6b: {  	_ =	shalt  }
0x6c: {  	_ =	shalt  }
0x6d: {  	_ =	shalt  }
0x6e: {  	_ =	shalt  }
0x6f: {  	_ =	shalt  }
0x70: {  	_ =	shalt  }
0x71: {  	_ =	shalt  }
0x72: {  	_ =	shalt  }
0x73: {  	_ =	shalt  }
0x74: {  	_ =	shalt  }
0x75: {  	_ =	shalt  }
0x76: {  	_ =	shalt  }
0x77: {  	_ =	shalt  }
0x78: {  	_ =	shalt  }
0x79: {  	_ =	shalt  }
0x7a: {  	_ =	shalt  }
0x7b: {  	_ =	shalt  }
0x7c: {  	_ =	shalt  }
0x7d: {  	_ =	shalt  }
0x7e: {  	_ =	shalt  }
0x7f: {  	_ =	shalt  }
0x80: {  	_ =	shalt  }
0x81: {  	_ =	shalt  }
0x82: {  	_ =	shalt  }
0x83: {  	_ =	shalt  }
0x84: {  	_ =	shalt  }
0x85: {  	_ =	shalt  }
0x86: {  	_ =	shalt  }
0x87: {  	_ =	shalt  }
.Lfunc_end0:
.L_simem_size_0:
called_computation_lowered:
.L_overlay_start_0:
0x88: {  	s2 =	sld [smem:$0x3FD9]  }
0x89: {  	s3 =	sld [smem:$0x3FFE];
	_ =	sdelay $0x1  }
0x8a: {  	s1 =	srdreg.scid  }
0x8b: {  	s0 =	sand.u32 $0x1, s1  }
0x8c: {  	s17 =	sshll.u32 s0, $0xA;
	s2 =	sadd.s32 s3, s2  }
0x8d: {  	s2 =	sadd.s32 s2, s17  }
0x8e: {  	[smem:$0x3FC7] =	sst s2  }
0x8f: {  	_ = 	snop  }
0x90: {  	s2 =	sld [smem:$0x3FC9];
	(tm) =	ssettm $0x1  }
0x91: {  	s18 =	sld [smem:$0x3FFB];
	_ =	sdelay $0x3  }
0x92: {  	_ =	strace s18  }
0x93: {  	s3 =	sld [smem:$0x3FFC];
	_ =	sdelay $0x3  }
0x94: {  	_ =	strace s3  }
0x95: {  	s3 =	sld [smem:$0x3FFD];
	_ =	sdelay $0x3  }
0x96: {  	_ =	strace s3  }
0x97: {  	_ =	strace $0x8FFFFFFF  }
0x98: {  	s19 =	sld [smem:$0x3FDB];
	_ =	sdelay $0x1  }
0x99: {  	s4 =	simm.s32 $_scs_section_size  }
0x9a: {  	s5 =	simm.s32 $_size__tile_overlayer_lowered;
	s6 =	simm.s32 $_tile_overlayer_lowered  }
0x9b: {  	s22 =	simm.s32 $0x1BFF;
	s21 =	sshll.u32 s6, $0x1;
	s3 =	sadd.s32 s4, s19  }
0x9c: {  	s7 =	simm.s32 $0x0;
	s20 =	sshll.u32 s5, $0x1;
	s5 =	sadd.s32 s21, s3  }
0x9d: {  	[timem:s7], [sflag:s22] =	dma.local [hbm:s5], s20  }
0x9e: {  	_ =	swait.ge [sflag:s22], s20  }
0x9f: {  	s4 =	ssub.s32 $0x0, s20;
	[sflag:s22] =	ssyncset.done $0x0  }
0xa0: {  	[sflag:s22] =	ssyncadd.s32 s4;
	_ =	sdelay $0x1  }
0xa1: {  	s23 =	simm.s32 $0x1B8B  }
0xa2: {  	_ =	swait.ge [sflag:s23], $0x1  }
0xa3: {  	[sflag:s23] =	ssyncset.done $0x0  }
0xa4: {  	s25 =	simm.s32 $0x1B8E;
	s24 =	sld [smem:$0x3FFE];
	[sflag:s23] =	ssyncadd.s32 $0xFFFFFFFF  }
0xa5: {  	s26 =	simm.s32 $execute0_lowered;
	[smem:$0x3FD2] =	sst s25  }
0xa6: {  	s5 =	sshll.u32 s26, $0x1;
	_ =	strace $0x80000046;
	[dreg:$0x1] =	wrdreg $0xFFFFFFFF  }
0xa7: {  	s28 =	simm.s32 $_size_execute0_lowered;
	s3 =	sadd.s32 s3, s5;
	[dreg:$0x0] =	wrdreg $0x0  }
0xa8: {  	s5 =	sshll.u32 s28, $0x1;
	[dreg:$0x2] =	wrdreg s3  }
0xa9: {  	[dreg:$0x3] =	wrdreg s5  }
0xaa: {  	[dreg:$0x4] =	wrdreg $0xC0  }
0xab: {  	_ =	task [dreg:s7], $0x5FFFF  }
0xac: {  	[dreg:$0x1] =	wrdreg $0xFFFFFFFF  }
0xad: {  	[dreg:$0x0] =	wrdreg $0x60  }
0xae: {  	[dreg:$0x2] =	wrdreg s2  }
0xaf: {  	[dreg:$0x3] =	wrdreg s24  }
0xb0: {  	[dreg:$0x4] =	wrdreg $0x9  }
0xb1: {  	_ =	task.clear_ibuf [dreg:s7], $0x5FFFF;
	_ =	strace $0x90000046  }
0xb2: {  	s29 =	simm.s32 $0x9;
	_ =	strace $0x80000048  }
0xb3: {  	_ =	swait.ge [sflag:s29], $0x1  }
0xb4: {  	[sflag:s29] =	ssyncadd.s32 $0xFFFFFFFF  }
0xb5: {  	_ =	strace $0x90000048  }
0xb6: {  	_ =	sfence  }
0xb7: {  	s30 =	sld [smem:$0x0];
	_ =	sdelay $0x2  }
0xb8: {  	s31 =	sshll.u32 s1, $0xD;
	s1 =	sshrl.u32 s1, $0x2  }
0xb9: {  	s3 =	sand.u32 $0x4000, s31;
	s1 =	sadd.s32 s1, s30  }
0xba: {  	s0 =	sor.u32 s3, s0;
	s1 =	sshll.u32 s1, $0x11  }
0xbb: {  	s0 =	sor.u32 s1, s0  }
0xbc: {  	s0 =	sadd.s32 $0x8F2B, s0  }
0xbd: {  	[sflag:s0] =	ssyncadd.remote.s32 $0x1  }
0xbe: {  	_ =	sfence.sel $0xFFFF  }
0xbf: {  	[dreg:$0x0] =	wrdreg $0xFFFFFFFF;
	(pc) =	sbr.abs _section_cstart, $3  }
0xc0: {  	[dreg:$0x1] =	wrdreg $0xFFFFFFFF  }
0xc1: {  	_ =	task.clear_ibuf [dreg:s7], $0x2FFFF;
	_ =	strace $0x9FFFFFFF  }
0xc2: {  	(tm) =	ssettm $0x7FFFFFFF  }
0xc3: {  	_ =	shalt  }
tec
execute0_lowered:
.L_overlay_start_1:
0x0: {  	(tag) =	ssettag $0x1  }
0x1: {  	s0 =	rddreg [dreg:$0x1];
	s3 =	srdreg.scid  }
0x2: {  	s1 =	simm.s32 $0x0;
	s29 =	stileid.u32;
	s3 =	sand.u32 $0x1, s3  }
0x3: {  	s7 =	simm.s32 $0x1;
	s8 =	simm.s32 $0x8000;
	s5 =	ssub.s32 $0x2, s3  }
0x4: {  	v0 =	vlaneseq.u32;
	s9 =	simm.s32 $0x4000;
	[smem:$0x7FF] =	sst s1;
	s30 =	sshrl.u32 s5, $0x1  }
0x5: {  	s4 =	sadd.s32 $0x400, s0;
	s31 =	sshll.u32 s29, $0x4;
	v3 =	vmul.u32 $0xFFFFFFFF, v0;
	s0 =	ssub.s32 s5, s30  }
0x6: {  	s1 =	simm.s32 $0x0;
	s3 =	sshll.u32 s3, $0x3;
	s0 =	smax.u32 s0, $0x1  }
0x7: {  	v1 =	vimm.s32 $0x0;
	v2 =	vimm.s32 $0x1;
	_ =	strace $0x80000047;
	v3 =	vadd.s32 $0xF, v3;
	s5 =	sor.u32 s3, s31;
	[dreg:$0x3] =	wrdreg s0  }
.LBB2_1:
0x8: {  	[dreg:$0x4] =	wrdreg s1;
	s11 =	simm.s32 $0x0  }
.LBB2_2:
0x9: {  	s0 =	sadd.s32 s5, s11  }
0xa: {  	s31 =	rddreg [dreg:$0x0];
	s12 =	sshll.u32 s0, $0xB  }
0xb: {  	s13 =	simm.s32 $0x0;
	s0 =	sadd.s32 s31, s12  }
0xc: {  	[tilespmem:s13], [sflag:$0x1] =	stream.linear.gather [hbm4b:s0+s13], $0x4000, $0x38;
	[tilespmem:$0x8100] =	vst v63  }
0xd: {  	_ =	swait.ge [sflag:s7], $0x4000  }
0xe: {  	[sflag:s7] =	ssyncset.done $0x0  }
0xf: {  	s14 =	simm.s32 $0x40;
	s15 =	simm.s32 $0x4040;
	[sflag:s7] =	ssyncadd.s32 $0xFFFFC000  }
.LBB2_3:
0x10: {  	[tilespmem:$0x8000] =	vst v1  }
0x11: {  	[tilespmem:$0x8010] =	vst v1  }
0x12: {  	[tilespmem:$0x8020] =	vst v1  }
0x13: {  	[tilespmem:$0x8030] =	vst v1  }
0x14: {  	[tilespmem:$0x8040] =	vst v1  }
0x15: {  	[tilespmem:$0x8050] =	vst v1  }
0x16: {  	[tilespmem:$0x8060] =	vst v1  }
0x17: {  	[tilespmem:$0x8070] =	vst v1  }
0x18: {  	[tilespmem:$0x8080] =	vst v1  }
0x19: {  	[tilespmem:$0x8090] =	vst v1  }
0x1a: {  	[tilespmem:$0x80A0] =	vst v1  }
0x1b: {  	[tilespmem:$0x80B0] =	vst v1  }
0x1c: {  	[tilespmem:$0x80C0] =	vst v1  }
0x1d: {  	[tilespmem:$0x80D0] =	vst v1  }
0x1e: {  	[tilespmem:$0x80E0] =	vst v1  }
0x1f: {  	[tilespmem:$0x80F0] =	vst v1;
	s0 =	simm.s32 $0xFFFFFFF8;
	s3 =	smov.u32 s14  }
.LBB2_4:
0x20: {  	v4 =	vld [tilespmem:s3+$0xFFFFFFC0];
	_ =	sdelay $0x4  }
0x21: {  	v4 =	vshrl.u32 v4, $0x17  }
0x22: {  	v4 =	vand.u32 $0xFF, v4;
	_ =	sdelay $0x4  }
0x23: {  	[tilespmem:v4+s8+$0x0] =	vst.idx.add.s32.msk $0xffff, v2  }
0x24: {  	v4 =	vld [tilespmem:s3+$0xFFFFFFD0];
	_ =	sdelay $0x4  }
0x25: {  	v4 =	vshrl.u32 v4, $0x17  }
0x26: {  	v4 =	vand.u32 $0xFF, v4;
	_ =	sdelay $0x4  }
0x27: {  	[tilespmem:v4+s8+$0x0] =	vst.idx.add.s32.msk $0xffff, v2  }
0x28: {  	v4 =	vld [tilespmem:s3+$0xFFFFFFE0];
	_ =	sdelay $0x4  }
0x29: {  	v4 =	vshrl.u32 v4, $0x17  }
0x2a: {  	v4 =	vand.u32 $0xFF, v4;
	_ =	sdelay $0x4  }
0x2b: {  	[tilespmem:v4+s8+$0x0] =	vst.idx.add.s32.msk $0xffff, v2  }
0x2c: {  	v4 =	vld [tilespmem:s3+$0xFFFFFFF0];
	_ =	sdelay $0x4  }
0x2d: {  	v4 =	vshrl.u32 v4, $0x17  }
0x2e: {  	v4 =	vand.u32 $0xFF, v4;
	_ =	sdelay $0x4  }
0x2f: {  	[tilespmem:v4+s8+$0x0] =	vst.idx.add.s32.msk $0xffff, v2  }
0x30: {  	v4 =	vld [tilespmem:s3+$0x0];
	_ =	sdelay $0x4  }
0x31: {  	v4 =	vshrl.u32 v4, $0x17  }
0x32: {  	v4 =	vand.u32 $0xFF, v4;
	_ =	sdelay $0x4  }
0x33: {  	[tilespmem:v4+s8+$0x0] =	vst.idx.add.s32.msk $0xffff, v2  }
0x34: {  	v4 =	vld [tilespmem:s3+$0x10];
	_ =	sdelay $0x4  }
0x35: {  	v4 =	vshrl.u32 v4, $0x17  }
0x36: {  	v4 =	vand.u32 $0xFF, v4;
	_ =	sdelay $0x4  }
0x37: {  	[tilespmem:v4+s8+$0x0] =	vst.idx.add.s32.msk $0xffff, v2  }
0x38: {  	v4 =	vld [tilespmem:s3+$0x20];
	_ =	sdelay $0x4  }
0x39: {  	v4 =	vshrl.u32 v4, $0x17  }
0x3a: {  	v4 =	vand.u32 $0xFF, v4;
	_ =	sdelay $0x4  }
0x3b: {  	[tilespmem:v4+s8+$0x0] =	vst.idx.add.s32.msk $0xffff, v2  }
0x3c: {  	v4 =	vld [tilespmem:s3+$0x30];
	_ =	sdelay $0x4  }
0x3d: {  	s0 =	sadd.s32 $0x8, s0;
	v4 =	vshrl.u32 v4, $0x17  }
0x3e: {  	p0 =	slt.u32 s0, $0x78;
	v4 =	vand.u32 $0xFF, v4  }
.Ltmp0:
0x3f: {  	_ = 	snop;
	(pc) =	sbr.rel @p0 .LBB2_4-.Ltmp0, $2  }
0x40: {  	_ =	sdelay $0x2  }
0x41: {  	s3 =	sadd.s32 $0x400, s3;
	[tilespmem:v4+s8+$0x0] =	vst.idx.add.s32.msk $0xffff, v2  }
0x42: {  	v4 =	vld [tilespmem:$0x80F0]  }
0x43: {  	v5 =	vld [tilespmem:$0x80E0]  }
0x44: {  	v6 =	vld [tilespmem:$0x80D0]  }
0x45: {  	v7 =	vld [tilespmem:$0x80C0];
	_ =	sdelay $0x1  }
0x46: {  	(xrf0) =	vadd.scan.msk.s32 $0xffff, v4  }
0x47: {  	(xrf0) =	vadd.scan.msk.s32 $0xffff, v5  }
0x48: {  	v4 =	vld [tilespmem:$0x80B0];
	(xrf0) =	vadd.scan.msk.s32 $0xffff, v6  }
0x49: {  	(xrf0) =	vadd.scan.msk.s32 $0xffff, v7;
	_ =	sdelay $0x2  }
0x4a: {  	v5 =	vld [tilespmem:$0x80A0];
	v7, _, _ =	vpop (xrf0)  }
0x4b: {  	(xrf0) =	vadd.scan.msk.s32 $0xffff, v4;
	(v2sf) =	vpush v7, $0xF;
	v4, _, _ =	vpop (xrf0)  }
0x4c: {  	(v2sf) =	vpush v4, $0xF;
	v4, _, _ =	vpop (xrf0)  }
0x4d: {  	v6 =	vld [tilespmem:$0x8090];
	(v2sf) =	vpush v4, $0xF;
	v7, _, _ =	vpop (xrf0)  }
0x4e: {  	(v2sf) =	vpush v7, $0xF  }
0x4f: {  	(xrf0) =	vadd.scan.msk.s32 $0xffff, v5;
	v5 =	vld [tilespmem:$0x8080]  }
0x50: {  	v4 =	vld [tilespmem:$0x8070]  }
0x51: {  	v7, _, _ =	vpop (xrf0)  }
0x52: {  	(xrf0) =	vadd.scan.msk.s32 $0xffff, v6;
	v6 =	vld [tilespmem:$0x8060];
	(v2sf) =	vpush v7, $0xF;
	_ =	sdelay $0x1  }
0x53: {  	(xrf0) =	vadd.scan.msk.s32 $0xffff, v5  }
0x54: {  	v5, _, _ =	vpop (xrf0);
	(xrf0) =	vadd.scan.msk.s32 $0xffff, v4  }
0x55: {  	v4 =	vld [tilespmem:$0x8050]  }
0x56: {  	(v2sf) =	vpush v5, $0xF;
	(xrf0) =	vadd.scan.msk.s32 $0xffff, v6  }
0x57: {  	v5, _, _ =	vpop (xrf0)  }
0x58: {  	(v2sf) =	vpush v5, $0xF  }
0x59: {  	s16 =	simm.s32 $0xF0;
	v6 =	vld [tilespmem:$0x8040];
	v5, _, _ =	vpop (xrf0);
	s17 =	spop (v2sf)  }
0x5a: {  	(xrf0) =	vadd.scan.msk.s32 $0xffff, v4;
	(v2sf) =	vpush v5, $0xF;
	v4, _, _ =	vpop (xrf0);
	s0 =	spop (v2sf);
	p2 =	sgt.s32 s17, $0x1FF;
	p0 =	slt.s32 s17, $0x200  }
0x5b: {  	(v2sf) =	vpush v4, $0xF;
	s3 =	spop (v2sf);
	s16 =	simm.s32 @!p2 $0x0;
	s19 =	sadd.s32 s17, s0  }
0x5c: {  	v4, _, _ =	vpop (xrf0);
	p1 =	sgt.s32 s19, $0x1FF;
	s20 =	sadd.s32 s3, s19;
	s30 =	spop (v2sf)  }
0x5d: {  	(v2sf) =	vpush v4, $0xF;
	p2 =	por p2, p1;
	p3 =	sgt.s32 s20, $0x1FF;
	s21 =	sadd.s32 s30, s20  }
0x5e: {  	(xrf0) =	vadd.scan.msk.s32 $0xffff, v6;
	p0 =	por !p0, !p1;
	p4 =	por !p2, !p2;
	p2 =	por p2, p3  }
0x5f: {  	p6 =	sgt.s32 s21, $0x1FF;
	s1 =	simm.s32 @!p0 $0x0;
	p5 =	por !p2, !p2  }
0x60: {  	s31 =	spop (v2sf);
	s1 =	simm.s32 @p0 $0x1;
	p0 =	por !p3, !p4  }
0x61: {  	p2 =	por p2, p6;
	[smem:$0x7EC] =	sst s1;
	s1 =	simm.s32 @!p0 $0x0  }
0x62: {  	v6, _, _ =	vpop (xrf0);
	s22 =	sadd.s32 s31, s21;
	s1 =	simm.s32 @p0 $0x1;
	p0 =	por !p6, !p5  }
0x63: {  	(v2sf) =	vpush v6, $0xF;
	p4 =	por !p2, !p2;
	[smem:$0x7ED] =	sst s1;
	s1 =	simm.s32 @!p0 $0x0  }
0x64: {  	v6, _, _ =	vpop (xrf0);
	p5 =	sgt.s32 s22, $0x1FF;
	s29 =	sld [smem:$0x7EC];
	s1 =	simm.s32 @p0 $0x1  }
0x65: {  	v4 =	vld [tilespmem:$0x8030];
	(v2sf) =	vpush v6, $0xF;
	p2 =	por p2, p5;
	[smem:$0x7EE] =	sst s1;
	s1 =	spop (v2sf)  }
0x66: {  	v5 =	vld [tilespmem:$0x8020];
	p0 =	por !p5, !p4;
	s31 =	sld [smem:$0x7ED];
	s23 =	sadd.s32 s1, s22  }
0x67: {  	s2 =	spop (v2sf);
	s1 =	simm.s32 @!p0 $0x0;
	p6 =	sgt.s32 s23, $0x1FF  }
0x68: {  	s1 =	simm.s32 @p0 $0x1;
	s24 =	sadd.s32 s2, s23;
	s2 =	sld [smem:$0x7EE]  }
0x69: {  	s3 =	spop (v2sf);
	[smem:$0x7EF] =	sst s1;
	p0 =	por p2, p6  }
0x6a: {  	(xrf0) =	vadd.scan.msk.s32 $0xffff, v4;
	p2 =	por !p2, !p2;
	p4 =	sgt.s32 s24, $0x1FF;
	s6 =	spop (v2sf)  }
0x6b: {  	(xrf0) =	vadd.scan.msk.s32 $0xffff, v5;
	s25 =	sadd.s32 s3, s24;
	p3 =	por !p0, !p0;
	p2 =	por !p6, !p2  }
0x6c: {  	p0 =	por p0, p4;
	s10 =	spop (v2sf);
	s26 =	sadd.s32 s6, s25  }
0x6d: {  	s6 =	sld [smem:$0x7EF];
	s0 =	simm.s32 @!p2 $0x0;
	p5 =	por !p4, !p3  }
0x6e: {  	p3 =	sgt.s32 s25, $0x1FF;
	p6 =	por !p0, !p0;
	s28 =	sadd.s32 s10, s26  }
0x6f: {  	s0 =	simm.s32 @p2 $0x1;
	p0 =	por p0, p3;
	p2 =	sgt.s32 s26, $0x1FF  }
0x70: {  	v6, _, _ =	vpop (xrf0);
	p6 =	por !p3, !p6;
	[smem:$0x7F0] =	sst s0;
	p1 =	por p0, p2  }
0x71: {  	(v2sf) =	vpush v6, $0xF;
	v6, _, _ =	vpop (xrf0);
	p3 =	por !p0, !p0;
	p0 =	sgt.s32 s28, $0x1FF;
	p4 =	por !p1, !p1  }
0x72: {  	(v2sf) =	vpush v6, $0xF;
	p2 =	por !p2, !p3;
	s18 =	spop (v2sf);
	p1 =	por p1, p0  }
0x73: {  	s10 =	sld [smem:$0x7F0];
	p3 =	por !p0, !p4;
	p4 =	seq.s32 s29, $0x1  }
0x74: {  	s30 =	spop (v2sf);
	s0 =	simm.s32 @!p3 $0x0;
	p4 =	por !p4, !p4  }
0x75: {  	p0 =	por !p1, !p1;
	s0 =	simm.s32 @p3 $0x1;
	s1 =	simm.s32 @!p4 $0x0  }
0x76: {  	v4 =	vld [tilespmem:$0x8010];
	s16 =	simm.s32 @p4 $0xE0;
	[smem:$0x7F1] =	sst s0;
	s1 =	simm.s32 @p4 $0x1  }
0x77: {  	v5 =	vld [tilespmem:$0x8000];
	s0 =	sadd.s32 s18, s28;
	p4 =	seq.s32 s31, $0x1;
	[smem:$0x7F4] =	sst s1  }
0x78: {  	p3 =	sgt.s32 s0, $0x1FF;
	p4 =	por !p4, !p4;
	s3 =	sadd.s32 s30, s0  }
0x79: {  	s1 =	simm.s32 @!p4 $0x0;
	p0 =	por !p3, !p0;
	p1 =	por p1, p3  }
0x7a: {  	p3 =	seq.s32 s2, $0x1;
	s2 =	sld [smem:$0x7F4];
	s1 =	simm.s32 @p4 $0x1  }
0x7b: {  	(xrf0) =	vadd.scan.msk.s32 $0xffff, v4;
	s16 =	simm.s32 @p4 $0xD0;
	[smem:$0x7F5] =	sst s1;
	s1 =	simm.s32 @!p0 $0x0  }
0x7c: {  	(xrf0) =	vadd.scan.msk.s32 $0xffff, v5;
	p4 =	sgt.s32 s3, $0x1FF;
	s1 =	simm.s32 @p0 $0x1;
	p0 =	por !p3, !p3  }
0x7d: {  	p3 =	por !p1, !p1;
	p1 =	por p1, p4;
	[smem:$0x7F2] =	sst s1  }
0x7e: {  	s1 =	simm.s32 @!p0 $0x0;
	s16 =	simm.s32 @p0 $0xC0;
	p3 =	por !p4, !p3  }
0x7f: {  	p4 =	seq.s32 s10, $0x1;
	s1 =	simm.s32 @p0 $0x1;
	p0 =	seq.s32 s6, $0x1  }
0x80: {  	s6 =	spop (v2sf);
	s30 =	sld [smem:$0x7F2];
	p0 =	por !p0, !p0  }
0x81: {  	v4, _, _ =	vpop (xrf0);
	[smem:$0x7F6] =	sst s1;
	s18 =	spop (v2sf);
	s1 =	simm.s32 @!p0 $0x0  }
0x82: {  	(v2sf) =	vpush v4, $0xF;
	v4, _, _ =	vpop (xrf0);
	s6 =	sadd.s32 s6, s3;
	s16 =	simm.s32 @p0 $0xB0;
	s1 =	simm.s32 @p0 $0x1  }
0x83: {  	(v2sf) =	vpush v4, $0xF;
	s29 =	sadd.s32 s18, s6;
	[smem:$0x7F7] =	sst s1;
	s1 =	simm.s32 @!p3 $0x0  }
0x84: {  	s18 =	sld [smem:$0x7F1];
	p0 =	por !p4, !p4;
	s1 =	simm.s32 @p3 $0x1  }
0x85: {  	p4 =	por !p1, !p1;
	[smem:$0x7F3] =	sst s1;
	s1 =	simm.s32 @!p0 $0x0  }
0x86: {  	s16 =	simm.s32 @p0 $0xA0;
	s1 =	simm.s32 @p0 $0x1;
	p0 =	por !p5, !p5  }
0x87: {  	p3 =	sgt.s32 s6, $0x1FF;
	[smem:$0x7F8] =	sst s1;
	s1 =	simm.s32 @!p0 $0x0  }
0x88: {  	s16 =	simm.s32 @p0 $0x90;
	s1 =	simm.s32 @p0 $0x1;
	p0 =	por !p6, !p6  }
0x89: {  	p1 =	por p1, p3;
	[smem:$0x7F9] =	sst s1;
	s1 =	simm.s32 @!p0 $0x0  }
0x8a: {  	s16 =	simm.s32 @p0 $0x80;
	s1 =	simm.s32 @p0 $0x1;
	p0 =	por !p2, !p2  }
0x8b: {  	p2 =	seq.s32 s18, $0x1;
	[smem:$0x7FA] =	sst s1;
	s1 =	simm.s32 @!p0 $0x0  }
0x8c: {  	p6 =	por !p3, !p4;
	p2 =	por !p2, !p2;
	s1 =	simm.s32 @p0 $0x1  }
0x8d: {  	p3 =	seq.s32 s30, $0x1;
	[smem:$0x7FB] =	sst s1;
	s1 =	simm.s32 @!p2 $0x0  }
0x8e: {  	s10 =	sld [smem:$0x7F5];
	p5 =	por !p3, !p3;
	s1 =	simm.s32 @p2 $0x1  }
0x8f: {  	p4 =	por !p1, !p1;
	[smem:$0x7FC] =	sst s1;
	s1 =	simm.s32 @!p5 $0x0  }
0x90: {  	s16 =	simm.s32 @p0 $0x70;
	p0 =	sgt.s32 s29, $0x1FF;
	s1 =	simm.s32 @p5 $0x1  }
0x91: {  	s16 =	simm.s32 @p2 $0x60;
	[smem:$0x7FD] =	sst s1;
	s1 =	spop (v2sf)  }
0x92: {  	p3 =	por !p0, !p4;
	s18 =	sadd.s32 s1, s29;
	s30 =	spop (v2sf)  }
0x93: {  	p4 =	por !p6, !p6;
	p2 =	por p1, p0;
	s30 =	sadd.s32 s30, s18  }
0x94: {  	p1 =	por !p2, !p2;
	p0 =	sgt.s32 s18, $0x1FF;
	p6 =	slt.s32 s30, $0x200  }
0x95: {  	p1 =	por !p0, !p1;
	p6 =	por p0, p6  }
0x96: {  	p0 =	por !p1, !p1;
	p1 =	por p2, p6;
	p2 =	seq.s32 s2, $0x1  }
0x97: {  	s17 =	simm.s32 @!p2 $0x0;
	p2 =	seq.s32 s10, $0x1  }
0x98: {  	s17 =	smov.u32 @p2 s19;
	s19 =	sld [smem:$0x7F6];
	_ =	sdelay $0x2  }
0x99: {  	p2 =	seq.s32 s19, $0x1  }
0x9a: {  	s17 =	smov.u32 @p2 s20;
	s20 =	sld [smem:$0x7F7];
	_ =	sdelay $0x2  }
0x9b: {  	p2 =	seq.s32 s20, $0x1  }
0x9c: {  	s17 =	smov.u32 @p2 s21;
	s21 =	sld [smem:$0x7F8];
	_ =	sdelay $0x2  }
0x9d: {  	p2 =	seq.s32 s21, $0x1  }
0x9e: {  	s17 =	smov.u32 @p2 s22;
	s22 =	sld [smem:$0x7F9];
	_ =	sdelay $0x1  }
0x9f: {  	s31 =	sld [smem:$0x7F3]  }
0xa0: {  	p2 =	seq.s32 s22, $0x1  }
0xa1: {  	s17 =	smov.u32 @p2 s23;
	s23 =	sld [smem:$0x7FA]  }
0xa2: {  	s16 =	simm.s32 @p5 $0x50;
	p5 =	seq.s32 s31, $0x1  }
0xa3: {  	p5 =	por !p5, !p5  }
0xa4: {  	p3 =	por !p3, !p3;
	s16 =	simm.s32 @p5 $0x40;
	p2 =	seq.s32 s23, $0x1  }
0xa5: {  	s16 =	simm.s32 @p4 $0x30;
	s17 =	smov.u32 @p2 s24;
	s24 =	sld [smem:$0x7FB]  }
0xa6: {  	s16 =	simm.s32 @p3 $0x20  }
0xa7: {  	s16 =	simm.s32 @p0 $0x10  }
0xa8: {  	s16 =	simm.s32 @!p1 $0x0;
	p2 =	seq.s32 s24, $0x1  }
0xa9: {  	v4 =	vld [tilespmem:s16+$0x8000];
	s17 =	smov.u32 @p2 s25;
	s25 =	sld [smem:$0x7FC];
	_ =	sdelay $0x2  }
0xaa: {  	p2 =	seq.s32 s25, $0x1  }
0xab: {  	s17 =	smov.u32 @p2 s26;
	s26 =	sld [smem:$0x7FD]  }
0xac: {  	v4 =	vperm.xlane v4, v3;
	_ =	sdelay $0x1  }
0xad: {  	(xrf0) =	vadd.scan.msk.s32 $0xffff, v4;
	p2 =	seq.s32 s26, $0x1  }
0xae: {  	s17 =	smov.u32 @p2 s28  }
0xaf: {  	s17 =	smov.u32 @p5 s0  }
0xb0: {  	s17 =	smov.u32 @p4 s3  }
0xb1: {  	s17 =	smov.u32 @p3 s6  }
0xb2: {  	s17 =	smov.u32 @p0 s29  }
0xb3: {  	v5, _, _ =	vpop (xrf0);
	s18 =	smov.u32 @p1 s17  }
0xb4: {  	v4 =	vsub.s32 v5, v4;
	s30 =	ssub.s32 $0x200, s18  }
0xb5: {  	vm0 =	vge.s32 v5, s30;
	vm1 =	vlt.s32 v4, s30  }
0xb6: {  	vm0 =	vmand vm0, vm1  }
0xb7: {  	v5 =	vnsel vm0, $0x0, v0  }
0xb8: {  	(xrf0) =	vadd.scan.msk.s32 $0xffff, v5;
	_ =	sdelay $0x5  }
0xb9: {  	v5, _, _ =	vpop (xrf0)  }
0xba: {  	(v2sf) =	vpush v5, $0xF;
	_ =	sdelay $0x2  }
0xbb: {  	[tilespmem:$0x8000] =	vst v1  }
0xbc: {  	[tilespmem:$0x8010] =	vst v1  }
0xbd: {  	[tilespmem:$0x8020] =	vst v1  }
0xbe: {  	[tilespmem:$0x8030] =	vst v1  }
0xbf: {  	[tilespmem:$0x8040] =	vst v1  }
0xc0: {  	[tilespmem:$0x8050] =	vst v1  }
0xc1: {  	[tilespmem:$0x8060] =	vst v1  }
0xc2: {  	[tilespmem:$0x8070] =	vst v1  }
0xc3: {  	[tilespmem:$0x8080] =	vst v1  }
0xc4: {  	[tilespmem:$0x8090] =	vst v1  }
0xc5: {  	[tilespmem:$0x80A0] =	vst v1  }
0xc6: {  	[tilespmem:$0x80B0] =	vst v1  }
0xc7: {  	[tilespmem:$0x80C0] =	vst v1;
	s31 =	spop (v2sf)  }
0xc8: {  	[tilespmem:$0x80D0] =	vst v1;
	s0 =	ssub.s32 s16, s31  }
0xc9: {  	[tilespmem:$0x80E0] =	vst v1;
	s17 =	sadd.s32 $0xF, s0  }
0xca: {  	[tilespmem:$0x80F0] =	vst v1;
	s3 =	smov.u32 s14;
	s0 =	simm.s32 $0xFFFFFFF8;
	v5 =	vmov s17  }
.LBB2_6:
0xcb: {  	v6 =	vld [tilespmem:s3+$0xFFFFFFC0];
	_ =	sdelay $0x4  }
0xcc: {  	v7 =	vshrl.u32 v6, $0x17  }
0xcd: {  	v7 =	vand.u32 $0xFF, v7  }
0xce: {  	v6 =	vshrl.u32 v6, $0xF;
	vm1 =	veq.s32 v7, v5  }
0xcf: {  	v6 =	vand.u32 $0xFF, v6;
	_ =	sdelay $0x4  }
0xd0: {  	[tilespmem:v6+s8+$0x0] =	vst.idx.add.s32.msk vm1, v2  }
0xd1: {  	v6 =	vld [tilespmem:s3+$0xFFFFFFD0];
	_ =	sdelay $0x4  }
0xd2: {  	v7 =	vshrl.u32 v6, $0x17  }
0xd3: {  	v7 =	vand.u32 $0xFF, v7  }
0xd4: {  	v6 =	vshrl.u32 v6, $0xF;
	vm1 =	veq.s32 v7, v5  }
0xd5: {  	v6 =	vand.u32 $0xFF, v6;
	_ =	sdelay $0x4  }
0xd6: {  	[tilespmem:v6+s8+$0x0] =	vst.idx.add.s32.msk vm1, v2  }
0xd7: {  	v6 =	vld [tilespmem:s3+$0xFFFFFFE0];
	_ =	sdelay $0x4  }
0xd8: {  	v7 =	vshrl.u32 v6, $0x17  }
0xd9: {  	v7 =	vand.u32 $0xFF, v7  }
0xda: {  	v6 =	vshrl.u32 v6, $0xF;
	vm1 =	veq.s32 v7, v5  }
0xdb: {  	v6 =	vand.u32 $0xFF, v6;
	_ =	sdelay $0x4  }
0xdc: {  	[tilespmem:v6+s8+$0x0] =	vst.idx.add.s32.msk vm1, v2  }
0xdd: {  	v6 =	vld [tilespmem:s3+$0xFFFFFFF0];
	_ =	sdelay $0x4  }
0xde: {  	v7 =	vshrl.u32 v6, $0x17  }
0xdf: {  	v7 =	vand.u32 $0xFF, v7  }
0xe0: {  	v6 =	vshrl.u32 v6, $0xF;
	vm1 =	veq.s32 v7, v5  }
0xe1: {  	v6 =	vand.u32 $0xFF, v6;
	_ =	sdelay $0x4  }
0xe2: {  	[tilespmem:v6+s8+$0x0] =	vst.idx.add.s32.msk vm1, v2  }
0xe3: {  	v6 =	vld [tilespmem:s3+$0x0];
	_ =	sdelay $0x4  }
0xe4: {  	v7 =	vshrl.u32 v6, $0x17  }
0xe5: {  	v7 =	vand.u32 $0xFF, v7  }
0xe6: {  	v6 =	vshrl.u32 v6, $0xF;
	vm1 =	veq.s32 v7, v5  }
0xe7: {  	v6 =	vand.u32 $0xFF, v6;
	_ =	sdelay $0x4  }
0xe8: {  	[tilespmem:v6+s8+$0x0] =	vst.idx.add.s32.msk vm1, v2  }
0xe9: {  	v6 =	vld [tilespmem:s3+$0x10];
	_ =	sdelay $0x4  }
0xea: {  	v7 =	vshrl.u32 v6, $0x17  }
0xeb: {  	v7 =	vand.u32 $0xFF, v7  }
0xec: {  	v6 =	vshrl.u32 v6, $0xF;
	vm1 =	veq.s32 v7, v5  }
0xed: {  	v6 =	vand.u32 $0xFF, v6;
	_ =	sdelay $0x4  }
0xee: {  	[tilespmem:v6+s8+$0x0] =	vst.idx.add.s32.msk vm1, v2  }
0xef: {  	v6 =	vld [tilespmem:s3+$0x20];
	_ =	sdelay $0x4  }
0xf0: {  	v7 =	vshrl.u32 v6, $0x17  }
0xf1: {  	v7 =	vand.u32 $0xFF, v7  }
0xf2: {  	v6 =	vshrl.u32 v6, $0xF;
	vm1 =	veq.s32 v7, v5  }
0xf3: {  	v6 =	vand.u32 $0xFF, v6;
	_ =	sdelay $0x4  }
0xf4: {  	[tilespmem:v6+s8+$0x0] =	vst.idx.add.s32.msk vm1, v2  }
0xf5: {  	v6 =	vld [tilespmem:s3+$0x30];
	_ =	sdelay $0x4  }
0xf6: {  	v7 =	vshrl.u32 v6, $0x17  }
0xf7: {  	v7 =	vand.u32 $0xFF, v7  }
0xf8: {  	s0 =	sadd.s32 $0x8, s0;
	v6 =	vshrl.u32 v6, $0xF;
	vm1 =	veq.s32 v7, v5  }
0xf9: {  	p0 =	slt.u32 s0, $0x78;
	v6 =	vand.u32 $0xFF, v6  }
.Ltmp1:
0xfa: {  	_ = 	snop;
	(pc) =	sbr.rel @p0 .LBB2_6-.Ltmp1, $2  }
0xfb: {  	_ =	sdelay $0x2  }
0xfc: {  	s3 =	sadd.s32 $0x400, s3;
	[tilespmem:v6+s8+$0x0] =	vst.idx.add.s32.msk vm1, v2  }
0xfd: {  	v5 =	vld [tilespmem:$0x80F0]  }
0xfe: {  	v6 =	vld [tilespmem:$0x80E0];
	v4 =	vnsel vm0, $0x0, v4  }
0xff: {  	v7 =	vld [tilespmem:$0x80D0];
	(xrf0) =	vadd.scan.msk.s32 $0xffff, v4  }
0x100: {  	v4 =	vld [tilespmem:$0x80C0];
	_ =	sdelay $0x1  }
0x101: {  	(xrf0) =	vadd.scan.msk.s32 $0xffff, v5  }
0x102: {  	(xrf0) =	vadd.scan.msk.s32 $0xffff, v6  }
0x103: {  	v5 =	vld [tilespmem:$0x80B0];
	(xrf0) =	vadd.scan.msk.s32 $0xffff, v7  }
0x104: {  	v7, _, _ =	vpop (xrf0);
	(xrf0) =	vadd.scan.msk.s32 $0xffff, v4;
	_ =	sdelay $0x1  }
0x105: {  	v6 =	vld [tilespmem:$0x80A0];
	(v2sf) =	vpush v7, $0xF  }
0x106: {  	v7, _, _ =	vpop (xrf0)  }
0x107: {  	v4 =	vld [tilespmem:$0x8090];
	(xrf0) =	vadd.scan.msk.s32 $0xffff, v5;
	(v2sf) =	vpush v7, $0xF;
	v5, _, _ =	vpop (xrf0)  }
0x108: {  	(v2sf) =	vpush v5, $0xF;
	v5, _, _ =	vpop (xrf0)  }
0x109: {  	(v2sf) =	vpush v5, $0xF;
	v7, _, _ =	vpop (xrf0)  }
0x10a: {  	(xrf0) =	vadd.scan.msk.s32 $0xffff, v6;
	(v2sf) =	vpush v7, $0xF  }
0x10b: {  	v6 =	vld [tilespmem:$0x8080]  }
0x10c: {  	v5 =	vld [tilespmem:$0x8070];
	(xrf0) =	vadd.scan.msk.s32 $0xffff, v4  }
0x10d: {  	v4 =	vld [tilespmem:$0x8060];
	v7, _, _ =	vpop (xrf0)  }
0x10e: {  	(v2sf) =	vpush v7, $0xF;
	_ =	sdelay $0x1  }
0x10f: {  	(xrf0) =	vadd.scan.msk.s32 $0xffff, v6;
	v6, _, _ =	vpop (xrf0)  }
0x110: {  	(xrf0) =	vadd.scan.msk.s32 $0xffff, v5;
	(v2sf) =	vpush v6, $0xF  }
0x111: {  	(xrf0) =	vadd.scan.msk.s32 $0xffff, v4;
	v4, _, _ =	vpop (xrf0)  }
0x112: {  	(v2sf) =	vpush v4, $0xF  }
0x113: {  	v5 =	vld [tilespmem:$0x8050];
	s0 =	spop (v2sf)  }
0x114: {  	s16 =	sadd.s32 s18, s0  }
0x115: {  	s19 =	simm.s32 $0xF0;
	v6 =	vld [tilespmem:$0x8040];
	s18 =	ssub.s32 $0x200, s16;
	s21 =	spop (v2sf)  }
0x116: {  	v4, _, _ =	vpop (xrf0);
	s25 =	spop (v2sf);
	p2 =	sge.s32 s21, s18;
	p0 =	slt.s32 s21, s18  }
0x117: {  	(v2sf) =	vpush v4, $0xF;
	s3 =	spop (v2sf);
	s19 =	simm.s32 @!p2 $0x0;
	s22 =	sadd.s32 s21, s25  }
0x118: {  	(xrf0) =	vadd.scan.msk.s32 $0xffff, v5;
	v5, _, _ =	vpop (xrf0);
	p1 =	sge.s32 s22, s18;
	s23 =	sadd.s32 s3, s22;
	s26 =	spop (v2sf)  }
0x119: {  	(v2sf) =	vpush v5, $0xF;
	v4, _, _ =	vpop (xrf0);
	p2 =	por p2, p1;
	p3 =	sge.s32 s23, s18;
	s24 =	sadd.s32 s26, s23  }
0x11a: {  	(xrf0) =	vadd.scan.msk.s32 $0xffff, v6;
	(v2sf) =	vpush v4, $0xF;
	p0 =	por !p0, !p1;
	p4 =	por !p2, !p2;
	p2 =	por p2, p3  }
0x11b: {  	p6 =	sge.s32 s24, s18;
	s1 =	simm.s32 @!p0 $0x0;
	p5 =	por !p2, !p2  }
0x11c: {  	s28 =	spop (v2sf);
	s1 =	simm.s32 @p0 $0x1;
	p0 =	por !p3, !p4  }
0x11d: {  	p2 =	por p2, p6;
	[smem:$0x7DA] =	sst s1;
	s1 =	simm.s32 @!p0 $0x0  }
0x11e: {  	v6, _, _ =	vpop (xrf0);
	s25 =	sadd.s32 s28, s24;
	p4 =	por !p2, !p2;
	s1 =	simm.s32 @p0 $0x1  }
0x11f: {  	(v2sf) =	vpush v6, $0xF;
	p0 =	por !p6, !p5;
	s29 =	spop (v2sf);
	s6 =	sld [smem:$0x7DA]  }
0x120: {  	v6, _, _ =	vpop (xrf0);
	p5 =	sge.s32 s25, s18;
	[smem:$0x7DB] =	sst s1;
	s1 =	simm.s32 @!p0 $0x0  }
0x121: {  	v4 =	vld [tilespmem:$0x8030];
	(v2sf) =	vpush v6, $0xF;
	s26 =	sadd.s32 s29, s25;
	p2 =	por p2, p5;
	s30 =	spop (v2sf)  }
0x122: {  	v5 =	vld [tilespmem:$0x8020];
	s1 =	simm.s32 @p0 $0x1;
	p6 =	sge.s32 s26, s18;
	p0 =	por !p5, !p4  }
0x123: {  	s28 =	sadd.s32 s30, s26;
	[smem:$0x7DC] =	sst s1;
	s1 =	simm.s32 @!p0 $0x0  }
0x124: {  	s20 =	sld [smem:$0x7DB];
	p4 =	sge.s32 s28, s18;
	s1 =	simm.s32 @p0 $0x1  }
0x125: {  	p0 =	por p2, p6;
	p2 =	por !p2, !p2;
	[smem:$0x7DD] =	sst s1  }
0x126: {  	(xrf0) =	vadd.scan.msk.s32 $0xffff, v4;
	p3 =	por !p0, !p0;
	p2 =	por !p6, !p2;
	s31 =	spop (v2sf)  }
0x127: {  	(xrf0) =	vadd.scan.msk.s32 $0xffff, v5;
	p0 =	por p0, p4;
	s0 =	simm.s32 @!p2 $0x0;
	p5 =	por !p4, !p3  }
0x128: {  	s1 =	spop (v2sf);
	s29 =	sadd.s32 s31, s28;
	p6 =	por !p0, !p0  }
0x129: {  	s0 =	simm.s32 @p2 $0x1;
	s2 =	spop (v2sf);
	p3 =	sge.s32 s29, s18  }
0x12a: {  	s30 =	sadd.s32 s1, s29;
	[smem:$0x7DE] =	sst s0;
	p0 =	por p0, p3  }
0x12b: {  	p2 =	sge.s32 s30, s18;
	p6 =	por !p3, !p6;
	s31 =	sadd.s32 s2, s30  }
0x12c: {  	v6, _, _ =	vpop (xrf0);
	s2 =	sld [smem:$0x7DC];
	p1 =	por p0, p2;
	p3 =	por !p0, !p0  }
0x12d: {  	(v2sf) =	vpush v6, $0xF;
	v6, _, _ =	vpop (xrf0);
	p0 =	sge.s32 s31, s18;
	p4 =	por !p1, !p1;
	p2 =	por !p2, !p3  }
0x12e: {  	(v2sf) =	vpush v6, $0xF;
	p1 =	por p1, p0;
	p3 =	por !p0, !p4;
	s3 =	spop (v2sf)  }
0x12f: {  	p4 =	seq.s32 s6, $0x1;
	p0 =	por !p1, !p1;
	s6 =	sld [smem:$0x7DD]  }
0x130: {  	s0 =	simm.s32 @!p3 $0x0;
	p4 =	por !p4, !p4;
	s10 =	spop (v2sf)  }
0x131: {  	s0 =	simm.s32 @p3 $0x1;
	s1 =	simm.s32 @!p4 $0x0;
	s19 =	simm.s32 @p4 $0xE0  }
0x132: {  	[smem:$0x7DF] =	sst s0;
	s1 =	simm.s32 @p4 $0x1;
	s0 =	sadd.s32 s3, s31  }
0x133: {  	v4 =	vld [tilespmem:$0x8010];
	p4 =	seq.s32 s20, $0x1;
	[smem:$0x7E2] =	sst s1;
	p3 =	sge.s32 s0, s18  }
0x134: {  	v5 =	vld [tilespmem:$0x8000];
	p4 =	por !p4, !p4;
	s3 =	sadd.s32 s10, s0;
	s10 =	sld [smem:$0x7DE]  }
0x135: {  	s1 =	simm.s32 @!p4 $0x0;
	p0 =	por !p3, !p0;
	p1 =	por p1, p3  }
0x136: {  	s19 =	simm.s32 @p4 $0xD0;
	p3 =	seq.s32 s2, $0x1;
	s1 =	simm.s32 @p4 $0x1  }
0x137: {  	p4 =	sge.s32 s3, s18;
	[smem:$0x7E3] =	sst s1;
	s1 =	simm.s32 @!p0 $0x0  }
0x138: {  	(xrf0) =	vadd.scan.msk.s32 $0xffff, v4;
	s1 =	simm.s32 @p0 $0x1;
	p0 =	por !p3, !p3;
	p3 =	por !p1, !p1  }
0x139: {  	(xrf0) =	vadd.scan.msk.s32 $0xffff, v5;
	p1 =	por p1, p4;
	[smem:$0x7E0] =	sst s1;
	s1 =	simm.s32 @!p0 $0x0  }
0x13a: {  	s19 =	simm.s32 @p0 $0xC0;
	p3 =	por !p4, !p3;
	p4 =	seq.s32 s10, $0x1  }
0x13b: {  	s1 =	simm.s32 @p0 $0x1;
	p0 =	seq.s32 s6, $0x1;
	s2 =	sld [smem:$0x7E0]  }
0x13c: {  	s6 =	spop (v2sf);
	[smem:$0x7E4] =	sst s1;
	p0 =	por !p0, !p0  }
0x13d: {  	s20 =	spop (v2sf);
	s6 =	sadd.s32 s6, s3;
	s1 =	simm.s32 @!p0 $0x0  }
0x13e: {  	v4, _, _ =	vpop (xrf0);
	s10 =	sadd.s32 s20, s6;
	s20 =	sld [smem:$0x7DF];
	s1 =	simm.s32 @p0 $0x1  }
0x13f: {  	(v2sf) =	vpush v4, $0xF;
	v4, _, _ =	vpop (xrf0);
	s19 =	simm.s32 @p0 $0xB0;
	[smem:$0x7E5] =	sst s1;
	s1 =	simm.s32 @!p3 $0x0  }
0x140: {  	(v2sf) =	vpush v4, $0xF;
	p0 =	por !p4, !p4;
	p4 =	por !p1, !p1;
	s1 =	simm.s32 @p3 $0x1  }
0x141: {  	s19 =	simm.s32 @p0 $0xA0;
	[smem:$0x7E1] =	sst s1;
	s1 =	simm.s32 @!p0 $0x0  }
0x142: {  	p3 =	sge.s32 s6, s18;
	s1 =	simm.s32 @p0 $0x1;
	p0 =	por !p5, !p5  }
0x143: {  	p1 =	por p1, p3;
	[smem:$0x7E6] =	sst s1;
	s1 =	simm.s32 @!p0 $0x0  }
0x144: {  	s19 =	simm.s32 @p0 $0x90;
	s1 =	simm.s32 @p0 $0x1;
	p0 =	por !p6, !p6  }
0x145: {  	p6 =	por !p3, !p4;
	p4 =	por !p1, !p1;
	p3 =	seq.s32 s2, $0x1  }
0x146: {  	[smem:$0x7E7] =	sst s1;
	s1 =	simm.s32 @!p0 $0x0;
	s19 =	simm.s32 @p0 $0x80  }
0x147: {  	p5 =	por !p3, !p3;
	s1 =	simm.s32 @p0 $0x1;
	p0 =	por !p2, !p2  }
0x148: {  	p2 =	seq.s32 s20, $0x1;
	[smem:$0x7E8] =	sst s1;
	s1 =	simm.s32 @!p0 $0x0  }
0x149: {  	s20 =	sld [smem:$0x7E1];
	p2 =	por !p2, !p2;
	s1 =	simm.s32 @p0 $0x1  }
0x14a: {  	s19 =	simm.s32 @p0 $0x70;
	[smem:$0x7E9] =	sst s1;
	s1 =	simm.s32 @!p2 $0x0  }
0x14b: {  	p0 =	sge.s32 s10, s18;
	s19 =	simm.s32 @p2 $0x60;
	s1 =	simm.s32 @p2 $0x1  }
0x14c: {  	p3 =	por !p0, !p4;
	[smem:$0x7EA] =	sst s1;
	s1 =	simm.s32 @!p5 $0x0  }
0x14d: {  	s19 =	simm.s32 @p5 $0x50;
	p2 =	por p1, p0;
	s1 =	simm.s32 @p5 $0x1  }
0x14e: {  	p1 =	por !p2, !p2;
	[smem:$0x7EB] =	sst s1;
	s1 =	spop (v2sf)  }
0x14f: {  	p5 =	seq.s32 s20, $0x1;
	s20 =	sadd.s32 s1, s10;
	s2 =	spop (v2sf)  }
0x150: {  	s1 =	sadd.s32 s2, s20;
	p0 =	sge.s32 s20, s18;
	s2 =	sld [smem:$0x7E2]  }
0x151: {  	p4 =	por !p6, !p6;
	p1 =	por !p0, !p1;
	p6 =	slt.s32 s1, s18  }
0x152: {  	p6 =	por p0, p6;
	p0 =	por !p1, !p1  }
0x153: {  	p1 =	por p2, p6;
	p2 =	seq.s32 s2, $0x1;
	s2 =	sld [smem:$0x7E3]  }
0x154: {  	_ = 	snop  }
0x155: {  	p3 =	por !p3, !p3;
	p5 =	por !p5, !p5  }
0x156: {  	s19 =	simm.s32 @p5 $0x40;
	s21 =	simm.s32 @!p2 $0x0;
	p2 =	seq.s32 s2, $0x1  }
0x157: {  	s19 =	simm.s32 @p4 $0x30;
	s21 =	smov.u32 @p2 s22;
	s22 =	sld [smem:$0x7E4]  }
0x158: {  	s19 =	simm.s32 @p3 $0x20;
	s2 =	sld [smem:$0x7E5]  }
0x159: {  	s19 =	simm.s32 @p0 $0x10  }
0x15a: {  	s19 =	simm.s32 @!p1 $0x0;
	p2 =	seq.s32 s22, $0x1;
	s22 =	sld [smem:$0x7E6]  }
0x15b: {  	s21 =	smov.u32 @p2 s23;
	p2 =	seq.s32 s2, $0x1;
	s23 =	sld [smem:$0x7E7]  }
0x15c: {  	v4 =	vld [tilespmem:s19+$0x8000];
	s21 =	smov.u32 @p2 s24;
	s24 =	sld [smem:$0x7E8]  }
0x15d: {  	p2 =	seq.s32 s22, $0x1  }
0x15e: {  	s21 =	smov.u32 @p2 s25;
	p2 =	seq.s32 s23, $0x1;
	s25 =	sld [smem:$0x7E9]  }
0x15f: {  	s21 =	smov.u32 @p2 s26;
	p2 =	seq.s32 s24, $0x1;
	s26 =	sld [smem:$0x7EA]  }
0x160: {  	s21 =	smov.u32 @p2 s28;
	s28 =	sld [smem:$0x7EB]  }
0x161: {  	v4 =	vperm.xlane v4, v3;
	p2 =	seq.s32 s25, $0x1  }
0x162: {  	s21 =	smov.u32 @p2 s29;
	p2 =	seq.s32 s26, $0x1  }
0x163: {  	(xrf0) =	vadd.scan.msk.s32 $0xffff, v4;
	s21 =	smov.u32 @p2 s30;
	p2 =	seq.s32 s28, $0x1  }
0x164: {  	s21 =	smov.u32 @p2 s31  }
0x165: {  	s21 =	smov.u32 @p5 s0  }
0x166: {  	s21 =	smov.u32 @p4 s3  }
0x167: {  	s21 =	smov.u32 @p3 s6  }
0x168: {  	s21 =	smov.u32 @p0 s10  }
0x169: {  	v5, _, _ =	vpop (xrf0);
	s20 =	smov.u32 @p1 s21  }
0x16a: {  	v4 =	vsub.s32 v5, v4;
	s29 =	ssub.s32 s18, s20  }
0x16b: {  	vm0 =	vge.s32 v5, s29;
	vm1 =	vlt.s32 v4, s29  }
0x16c: {  	vm0 =	vmand vm0, vm1  }
0x16d: {  	v5 =	vnsel vm0, $0x0, v0  }
0x16e: {  	(xrf0) =	vadd.scan.msk.s32 $0xffff, v5;
	_ =	sdelay $0x5  }
0x16f: {  	v5, _, _ =	vpop (xrf0)  }
0x170: {  	(v2sf) =	vpush v5, $0xF;
	_ =	sdelay $0x3  }
0x171: {  	[tilespmem:$0x8000] =	vst v1  }
0x172: {  	[tilespmem:$0x8010] =	vst v1  }
0x173: {  	[tilespmem:$0x8020] =	vst v1  }
0x174: {  	[tilespmem:$0x8030] =	vst v1  }
0x175: {  	[tilespmem:$0x8040] =	vst v1  }
0x176: {  	[tilespmem:$0x8050] =	vst v1  }
0x177: {  	[tilespmem:$0x8060] =	vst v1  }
0x178: {  	[tilespmem:$0x8070] =	vst v1  }
0x179: {  	[tilespmem:$0x8080] =	vst v1  }
0x17a: {  	[tilespmem:$0x8090] =	vst v1  }
0x17b: {  	[tilespmem:$0x80A0] =	vst v1  }
0x17c: {  	[tilespmem:$0x80B0] =	vst v1;
	s30 =	spop (v2sf)  }
0x17d: {  	[tilespmem:$0x80C0] =	vst v1;
	s0 =	ssub.s32 s19, s30  }
0x17e: {  	[tilespmem:$0x80D0] =	vst v1;
	s31 =	sshll.u32 s17, $0x8;
	s0 =	sadd.s32 $0xF, s0  }
0x17f: {  	[tilespmem:$0x80E0] =	vst v1;
	s19 =	sor.u32 s31, s0  }
0x180: {  	[tilespmem:$0x80F0] =	vst v1;
	s3 =	smov.u32 s14;
	s0 =	simm.s32 $0xFFFFFFF8;
	v5 =	vmov s19  }
.LBB2_8:
0x181: {  	v6 =	vld [tilespmem:s3+$0xFFFFFFC0];
	_ =	sdelay $0x4  }
0x182: {  	v7 =	vshrl.u32 v6, $0xF  }
0x183: {  	v7 =	vand.u32 $0xFFFF, v7  }
0x184: {  	v6 =	vshrl.u32 v6, $0x7;
	vm1 =	veq.s32 v7, v5  }
0x185: {  	v6 =	vand.u32 $0xFF, v6;
	_ =	sdelay $0x4  }
0x186: {  	[tilespmem:v6+s8+$0x0] =	vst.idx.add.s32.msk vm1, v2  }
0x187: {  	v6 =	vld [tilespmem:s3+$0xFFFFFFD0];
	_ =	sdelay $0x4  }
0x188: {  	v7 =	vshrl.u32 v6, $0xF  }
0x189: {  	v7 =	vand.u32 $0xFFFF, v7  }
0x18a: {  	v6 =	vshrl.u32 v6, $0x7;
	vm1 =	veq.s32 v7, v5  }
0x18b: {  	v6 =	vand.u32 $0xFF, v6;
	_ =	sdelay $0x4  }
0x18c: {  	[tilespmem:v6+s8+$0x0] =	vst.idx.add.s32.msk vm1, v2  }
0x18d: {  	v6 =	vld [tilespmem:s3+$0xFFFFFFE0];
	_ =	sdelay $0x4  }
0x18e: {  	v7 =	vshrl.u32 v6, $0xF  }
0x18f: {  	v7 =	vand.u32 $0xFFFF, v7  }
0x190: {  	v6 =	vshrl.u32 v6, $0x7;
	vm1 =	veq.s32 v7, v5  }
0x191: {  	v6 =	vand.u32 $0xFF, v6;
	_ =	sdelay $0x4  }
0x192: {  	[tilespmem:v6+s8+$0x0] =	vst.idx.add.s32.msk vm1, v2  }
0x193: {  	v6 =	vld [tilespmem:s3+$0xFFFFFFF0];
	_ =	sdelay $0x4  }
0x194: {  	v7 =	vshrl.u32 v6, $0xF  }
0x195: {  	v7 =	vand.u32 $0xFFFF, v7  }
0x196: {  	v6 =	vshrl.u32 v6, $0x7;
	vm1 =	veq.s32 v7, v5  }
0x197: {  	v6 =	vand.u32 $0xFF, v6;
	_ =	sdelay $0x4  }
0x198: {  	[tilespmem:v6+s8+$0x0] =	vst.idx.add.s32.msk vm1, v2  }
0x199: {  	v6 =	vld [tilespmem:s3+$0x0];
	_ =	sdelay $0x4  }
0x19a: {  	v7 =	vshrl.u32 v6, $0xF  }
0x19b: {  	v7 =	vand.u32 $0xFFFF, v7  }
0x19c: {  	v6 =	vshrl.u32 v6, $0x7;
	vm1 =	veq.s32 v7, v5  }
0x19d: {  	v6 =	vand.u32 $0xFF, v6;
	_ =	sdelay $0x4  }
0x19e: {  	[tilespmem:v6+s8+$0x0] =	vst.idx.add.s32.msk vm1, v2  }
0x19f: {  	v6 =	vld [tilespmem:s3+$0x10];
	_ =	sdelay $0x4  }
0x1a0: {  	v7 =	vshrl.u32 v6, $0xF  }
0x1a1: {  	v7 =	vand.u32 $0xFFFF, v7  }
0x1a2: {  	v6 =	vshrl.u32 v6, $0x7;
	vm1 =	veq.s32 v7, v5  }
0x1a3: {  	v6 =	vand.u32 $0xFF, v6;
	_ =	sdelay $0x4  }
0x1a4: {  	[tilespmem:v6+s8+$0x0] =	vst.idx.add.s32.msk vm1, v2  }
0x1a5: {  	v6 =	vld [tilespmem:s3+$0x20];
	_ =	sdelay $0x4  }
0x1a6: {  	v7 =	vshrl.u32 v6, $0xF  }
0x1a7: {  	v7 =	vand.u32 $0xFFFF, v7  }
0x1a8: {  	v6 =	vshrl.u32 v6, $0x7;
	vm1 =	veq.s32 v7, v5  }
0x1a9: {  	v6 =	vand.u32 $0xFF, v6;
	_ =	sdelay $0x4  }
0x1aa: {  	[tilespmem:v6+s8+$0x0] =	vst.idx.add.s32.msk vm1, v2  }
0x1ab: {  	v6 =	vld [tilespmem:s3+$0x30];
	_ =	sdelay $0x4  }
0x1ac: {  	v7 =	vshrl.u32 v6, $0xF  }
0x1ad: {  	v7 =	vand.u32 $0xFFFF, v7  }
0x1ae: {  	s0 =	sadd.s32 $0x8, s0;
	v6 =	vshrl.u32 v6, $0x7;
	vm1 =	veq.s32 v7, v5  }
0x1af: {  	p0 =	slt.u32 s0, $0x78;
	v6 =	vand.u32 $0xFF, v6  }
.Ltmp2:
0x1b0: {  	_ = 	snop;
	(pc) =	sbr.rel @p0 .LBB2_8-.Ltmp2, $2  }
0x1b1: {  	_ =	sdelay $0x2  }
0x1b2: {  	s3 =	sadd.s32 $0x400, s3;
	[tilespmem:v6+s8+$0x0] =	vst.idx.add.s32.msk vm1, v2  }
0x1b3: {  	v5 =	vld [tilespmem:$0x80F0]  }
0x1b4: {  	v6 =	vld [tilespmem:$0x80E0]  }
0x1b5: {  	v4 =	vnsel vm0, $0x0, v4  }
0x1b6: {  	v7 =	vld [tilespmem:$0x80D0];
	(xrf0) =	vadd.scan.msk.s32 $0xffff, v4  }
0x1b7: {  	v4 =	vld [tilespmem:$0x80C0]  }
0x1b8: {  	(xrf0) =	vadd.scan.msk.s32 $0xffff, v5  }
0x1b9: {  	(xrf0) =	vadd.scan.msk.s32 $0xffff, v6  }
0x1ba: {  	v5 =	vld [tilespmem:$0x80B0]  }
0x1bb: {  	(xrf0) =	vadd.scan.msk.s32 $0xffff, v7  }
0x1bc: {  	v7, _, _ =	vpop (xrf0);
	(xrf0) =	vadd.scan.msk.s32 $0xffff, v4;
	_ =	sdelay $0x1  }
0x1bd: {  	v6 =	vld [tilespmem:$0x80A0];
	(v2sf) =	vpush v7, $0xF;
	v7, _, _ =	vpop (xrf0)  }
0x1be: {  	(xrf0) =	vadd.scan.msk.s32 $0xffff, v5;
	(v2sf) =	vpush v7, $0xF;
	v5, _, _ =	vpop (xrf0)  }
0x1bf: {  	v4 =	vld [tilespmem:$0x8090];
	(v2sf) =	vpush v5, $0xF  }
0x1c0: {  	v5, _, _ =	vpop (xrf0)  }
0x1c1: {  	(v2sf) =	vpush v5, $0xF;
	v7, _, _ =	vpop (xrf0)  }
0x1c2: {  	(xrf0) =	vadd.scan.msk.s32 $0xffff, v6;
	(v2sf) =	vpush v7, $0xF  }
0x1c3: {  	v6 =	vld [tilespmem:$0x8080]  }
0x1c4: {  	v5 =	vld [tilespmem:$0x8070];
	(xrf0) =	vadd.scan.msk.s32 $0xffff, v4;
	v7, _, _ =	vpop (xrf0)  }
0x1c5: {  	v4 =	vld [tilespmem:$0x8060];
	(v2sf) =	vpush v7, $0xF;
	_ =	sdelay $0x2  }
0x1c6: {  	(xrf0) =	vadd.scan.msk.s32 $0xffff, v6;
	v6, _, _ =	vpop (xrf0)  }
0x1c7: {  	(xrf0) =	vadd.scan.msk.s32 $0xffff, v5;
	(v2sf) =	vpush v6, $0xF  }
0x1c8: {  	(xrf0) =	vadd.scan.msk.s32 $0xffff, v4;
	v4, _, _ =	vpop (xrf0)  }
0x1c9: {  	v5 =	vld [tilespmem:$0x8050];
	(v2sf) =	vpush v4, $0xF  }
0x1ca: {  	s0 =	spop (v2sf)  }
0x1cb: {  	s17 =	sadd.s32 s20, s0;
	s21 =	spop (v2sf)  }
0x1cc: {  	v4, _, _ =	vpop (xrf0);
	s20 =	simm.s32 $0xF0;
	s18 =	ssub.s32 s18, s17;
	s24 =	spop (v2sf)  }
0x1cd: {  	(v2sf) =	vpush v4, $0xF;
	p2 =	sge.s32 s21, s18;
	p0 =	slt.s32 s21, s18;
	s23 =	sadd.s32 s21, s24  }
0x1ce: {  	(xrf0) =	vadd.scan.msk.s32 $0xffff, v5;
	v5, _, _ =	vpop (xrf0);
	s1 =	spop (v2sf);
	s20 =	simm.s32 @!p2 $0x0;
	p1 =	sge.s32 s23, s18  }
0x1cf: {  	(v2sf) =	vpush v5, $0xF;
	v4, _, _ =	vpop (xrf0);
	s24 =	sadd.s32 s1, s23;
	s25 =	spop (v2sf);
	p2 =	por p2, p1  }
0x1d0: {  	v6 =	vld [tilespmem:$0x8040];
	(v2sf) =	vpush v4, $0xF;
	p3 =	sge.s32 s24, s18;
	s25 =	sadd.s32 s25, s24;
	p0 =	por !p0, !p1  }
0x1d1: {  	p4 =	por !p2, !p2;
	p2 =	por p2, p3;
	p6 =	sge.s32 s25, s18  }
0x1d2: {  	s1 =	simm.s32 @!p0 $0x0;
	p5 =	por !p2, !p2;
	s26 =	spop (v2sf)  }
0x1d3: {  	s1 =	simm.s32 @p0 $0x1;
	p0 =	por !p3, !p4;
	p2 =	por p2, p6  }
0x1d4: {  	[smem:$0x7C8] =	sst s1;
	s1 =	simm.s32 @!p0 $0x0;
	s26 =	sadd.s32 s26, s25  }
0x1d5: {  	(xrf0) =	vadd.scan.msk.s32 $0xffff, v6;
	v6, _, _ =	vpop (xrf0);
	p4 =	por !p2, !p2;
	s1 =	simm.s32 @p0 $0x1;
	p0 =	por !p6, !p5  }
0x1d6: {  	(v2sf) =	vpush v6, $0xF;
	s28 =	spop (v2sf);
	p5 =	sge.s32 s26, s18;
	[smem:$0x7C9] =	sst s1  }
0x1d7: {  	s1 =	simm.s32 @!p0 $0x0;
	s28 =	sadd.s32 s28, s26;
	p2 =	por p2, p5  }
0x1d8: {  	s29 =	spop (v2sf);
	s1 =	simm.s32 @p0 $0x1;
	p6 =	sge.s32 s28, s18  }
0x1d9: {  	p0 =	por !p5, !p4;
	s29 =	sadd.s32 s29, s28;
	s10 =	sld [smem:$0x7C9]  }
0x1da: {  	[smem:$0x7CA] =	sst s1;
	s1 =	simm.s32 @!p0 $0x0;
	p4 =	sge.s32 s29, s18  }
0x1db: {  	s1 =	simm.s32 @p0 $0x1;
	p0 =	por p2, p6;
	p2 =	por !p2, !p2  }
0x1dc: {  	v4 =	vld [tilespmem:$0x8030];
	p3 =	por !p0, !p0;
	p2 =	por !p6, !p2;
	s30 =	spop (v2sf)  }
0x1dd: {  	v5 =	vld [tilespmem:$0x8020];
	v6, _, _ =	vpop (xrf0);
	p0 =	por p0, p4;
	s0 =	simm.s32 @!p2 $0x0;
	p5 =	por !p4, !p3  }
0x1de: {  	(v2sf) =	vpush v6, $0xF;
	s31 =	spop (v2sf);
	s30 =	sadd.s32 s30, s29;
	p6 =	por !p0, !p0  }
0x1df: {  	s0 =	simm.s32 @p2 $0x1;
	s2 =	spop (v2sf);
	p3 =	sge.s32 s30, s18  }
0x1e0: {  	s31 =	sadd.s32 s31, s30;
	[smem:$0x7CC] =	sst s0;
	p0 =	por p0, p3  }
0x1e1: {  	(xrf0) =	vadd.scan.msk.s32 $0xffff, v4;
	p2 =	sge.s32 s31, s18;
	s0 =	sadd.s32 s2, s31;
	s2 =	sld [smem:$0x7C8]  }
0x1e2: {  	(xrf0) =	vadd.scan.msk.s32 $0xffff, v5;
	[smem:$0x7CB] =	sst s1;
	p6 =	por !p3, !p6;
	p1 =	por p0, p2  }
0x1e3: {  	p3 =	por !p0, !p0;
	p0 =	sge.s32 s0, s18;
	p4 =	por !p1, !p1  }
0x1e4: {  	p2 =	por !p2, !p3;
	p3 =	por !p0, !p4;
	p4 =	seq.s32 s2, $0x1  }
0x1e5: {  	p1 =	por p1, p0;
	s3 =	spop (v2sf);
	p4 =	por !p4, !p4  }
0x1e6: {  	p0 =	por !p1, !p1;
	s1 =	simm.s32 @!p3 $0x0;
	s2 =	simm.s32 @!p4 $0x0  }
0x1e7: {  	v6, _, _ =	vpop (xrf0);
	s20 =	simm.s32 @p4 $0xE0;
	s2 =	simm.s32 @p4 $0x1;
	p4 =	seq.s32 s10, $0x1  }
0x1e8: {  	(v2sf) =	vpush v6, $0xF;
	v6, _, _ =	vpop (xrf0);
	s3 =	sadd.s32 s3, s0;
	s1 =	simm.s32 @p3 $0x1;
	p4 =	por !p4, !p4  }
0x1e9: {  	(v2sf) =	vpush v6, $0xF;
	p3 =	sge.s32 s3, s18;
	[smem:$0x7D0] =	sst s2;
	s2 =	simm.s32 @!p4 $0x0  }
0x1ea: {  	s22 =	sld [smem:$0x7CA];
	p0 =	por !p3, !p0;
	s2 =	simm.s32 @p4 $0x1  }
0x1eb: {  	v4 =	vld [tilespmem:$0x8010];
	[smem:$0x7D1] =	sst s2;
	s2 =	simm.s32 @!p0 $0x0  }
0x1ec: {  	v5 =	vld [tilespmem:$0x8000];
	s2 =	simm.s32 @p0 $0x1  }
0x1ed: {  	s6 =	spop (v2sf);
	[smem:$0x7CE] =	sst s2  }
0x1ee: {  	p1 =	por p1, p3;
	p3 =	seq.s32 s22, $0x1;
	s2 =	sld [smem:$0x7CB]  }
0x1ef: {  	s6 =	sadd.s32 s6, s3;
	p0 =	por !p3, !p3  }
0x1f0: {  	(xrf0) =	vadd.scan.msk.s32 $0xffff, v4;
	[smem:$0x7CD] =	sst s1;
	s20 =	simm.s32 @p4 $0xD0;
	s1 =	simm.s32 @!p0 $0x0  }
0x1f1: {  	(xrf0) =	vadd.scan.msk.s32 $0xffff, v5;
	s20 =	simm.s32 @p0 $0xC0;
	s1 =	simm.s32 @p0 $0x1;
	p0 =	seq.s32 s2, $0x1  }
0x1f2: {  	s10 =	sld [smem:$0x7CC];
	p4 =	sge.s32 s6, s18;
	p0 =	por !p0, !p0  }
0x1f3: {  	p3 =	por !p1, !p1;
	[smem:$0x7D2] =	sst s1;
	s1 =	simm.s32 @!p0 $0x0  }
0x1f4: {  	p1 =	por p1, p4;
	p3 =	por !p4, !p3;
	s1 =	simm.s32 @p0 $0x1  }
0x1f5: {  	p4 =	seq.s32 s10, $0x1;
	[smem:$0x7D3] =	sst s1;
	s1 =	simm.s32 @!p3 $0x0  }
0x1f6: {  	v4, _, _ =	vpop (xrf0);
	s20 =	simm.s32 @p0 $0xB0;
	p0 =	por !p4, !p4;
	s1 =	simm.s32 @p3 $0x1  }
0x1f7: {  	(v2sf) =	vpush v4, $0xF;
	v4, _, _ =	vpop (xrf0);
	s22 =	spop (v2sf);
	[smem:$0x7CF] =	sst s1;
	s1 =	simm.s32 @!p0 $0x0  }
0x1f8: {  	(v2sf) =	vpush v4, $0xF;
	s10 =	spop (v2sf);
	p4 =	por !p1, !p1;
	s1 =	simm.s32 @p0 $0x1  }
0x1f9: {  	s20 =	simm.s32 @p0 $0xA0;
	p0 =	por !p5, !p5;
	[smem:$0x7D4] =	sst s1  }
0x1fa: {  	s2 =	simm.s32 @!p0 $0x0;
	s20 =	simm.s32 @p0 $0x90;
	s1 =	sadd.s32 s22, s6  }
0x1fb: {  	s22 =	sld [smem:$0x7CD];
	s2 =	simm.s32 @p0 $0x1;
	p0 =	por !p6, !p6  }
0x1fc: {  	p3 =	sge.s32 s1, s18;
	s10 =	sadd.s32 s10, s1;
	[smem:$0x7D5] =	sst s2  }
0x1fd: {  	s2 =	simm.s32 @!p0 $0x0;
	s20 =	simm.s32 @p0 $0x80;
	p6 =	por !p3, !p4  }
0x1fe: {  	p1 =	por p1, p3;
	s2 =	simm.s32 @p0 $0x1;
	p0 =	por !p2, !p2  }
0x1ff: {  	p2 =	seq.s32 s22, $0x1;
	p4 =	por !p1, !p1;
	s22 =	sld [smem:$0x7CE]  }
0x200: {  	[smem:$0x7D6] =	sst s2;
	s2 =	simm.s32 @!p0 $0x0;
	s20 =	simm.s32 @p0 $0x70  }
0x201: {  	p2 =	por !p2, !p2;
	s2 =	simm.s32 @p0 $0x1;
	p0 =	sge.s32 s10, s18  }
0x202: {  	s20 =	simm.s32 @p2 $0x60;
	[smem:$0x7D7] =	sst s2;
	s2 =	simm.s32 @!p2 $0x0  }
0x203: {  	p3 =	seq.s32 s22, $0x1;
	s22 =	sld [smem:$0x7CF];
	s2 =	simm.s32 @p2 $0x1  }
0x204: {  	p5 =	por !p3, !p3;
	p3 =	por !p0, !p4;
	p2 =	por p1, p0  }
0x205: {  	[smem:$0x7D8] =	sst s2;
	s2 =	simm.s32 @!p5 $0x0;
	s20 =	simm.s32 @p5 $0x50  }
0x206: {  	s2 =	simm.s32 @p5 $0x1;
	p5 =	seq.s32 s22, $0x1;
	s22 =	spop (v2sf)  }
0x207: {  	[smem:$0x7D9] =	sst s2;
	s22 =	sadd.s32 s22, s10;
	s2 =	spop (v2sf)  }
0x208: {  	p4 =	por !p6, !p6;
	p1 =	por !p2, !p2;
	s2 =	sadd.s32 s2, s22  }
0x209: {  	p0 =	sge.s32 s22, s18;
	p6 =	slt.s32 s2, s18;
	s2 =	sld [smem:$0x7D0]  }
0x20a: {  	p1 =	por !p0, !p1  }
0x20b: {  	p6 =	por p0, p6;
	p0 =	por !p1, !p1  }
0x20c: {  	p1 =	por p2, p6;
	p2 =	seq.s32 s2, $0x1;
	s2 =	sld [smem:$0x7D1]  }
0x20d: {  	_ =	sdelay $0x1  }
0x20e: {  	s21 =	simm.s32 @!p2 $0x0;
	p2 =	seq.s32 s2, $0x1  }
0x20f: {  	s21 =	smov.u32 @p2 s23;
	s23 =	sld [smem:$0x7D2];
	_ =	sdelay $0x2  }
0x210: {  	p5 =	por !p5, !p5;
	p2 =	seq.s32 s23, $0x1  }
0x211: {  	s20 =	simm.s32 @p5 $0x40;
	s21 =	smov.u32 @p2 s24;
	s24 =	sld [smem:$0x7D3]  }
0x212: {  	p3 =	por !p3, !p3;
	s20 =	simm.s32 @p4 $0x30  }
0x213: {  	s20 =	simm.s32 @p3 $0x20  }
0x214: {  	s20 =	simm.s32 @p0 $0x10;
	p2 =	seq.s32 s24, $0x1  }
0x215: {  	s20 =	simm.s32 @!p1 $0x0;
	s21 =	smov.u32 @p2 s25;
	s25 =	sld [smem:$0x7D4]  }
0x216: {  	v4 =	vld [tilespmem:s20+$0x8000];
	s23 =	sld [smem:$0x7D5]  }
0x217: {  	s24 =	sld [smem:$0x7D6]  }
0x218: {  	p2 =	seq.s32 s25, $0x1;
	s25 =	sld [smem:$0x7D7]  }
0x219: {  	s21 =	smov.u32 @p2 s26;
	p2 =	seq.s32 s23, $0x1;
	s26 =	sld [smem:$0x7D8]  }
0x21a: {  	s21 =	smov.u32 @p2 s28;
	p2 =	seq.s32 s24, $0x1;
	s28 =	sld [smem:$0x7D9]  }
0x21b: {  	v4 =	vperm.xlane v4, v3;
	s21 =	smov.u32 @p2 s29;
	p2 =	seq.s32 s25, $0x1  }
0x21c: {  	s21 =	smov.u32 @p2 s30;
	p2 =	seq.s32 s26, $0x1  }
0x21d: {  	(xrf0) =	vadd.scan.msk.s32 $0xffff, v4;
	s21 =	smov.u32 @p2 s31;
	p2 =	seq.s32 s28, $0x1  }
0x21e: {  	s21 =	smov.u32 @p2 s0  }
0x21f: {  	s21 =	smov.u32 @p5 s3  }
0x220: {  	s21 =	smov.u32 @p4 s6  }
0x221: {  	s21 =	smov.u32 @p3 s1  }
0x222: {  	s21 =	smov.u32 @p0 s10  }
0x223: {  	v5, _, _ =	vpop (xrf0);
	s22 =	smov.u32 @p1 s21  }
0x224: {  	v4 =	vsub.s32 v5, v4;
	s29 =	ssub.s32 s18, s22  }
0x225: {  	vm0 =	vge.s32 v5, s29;
	vm1 =	vlt.s32 v4, s29  }
0x226: {  	vm0 =	vmand vm0, vm1  }
0x227: {  	v5 =	vnsel vm0, $0x0, v0  }
0x228: {  	(xrf0) =	vadd.scan.msk.s32 $0xffff, v5;
	_ =	sdelay $0x5  }
0x229: {  	v5, _, _ =	vpop (xrf0)  }
0x22a: {  	(v2sf) =	vpush v5, $0xF;
	_ =	sdelay $0xb  }
0x22b: {  	[tilespmem:$0x8000] =	vst v1  }
0x22c: {  	[tilespmem:$0x8010] =	vst v1  }
0x22d: {  	[tilespmem:$0x8020] =	vst v1  }
0x22e: {  	[tilespmem:$0x8030] =	vst v1;
	s30 =	spop (v2sf)  }
0x22f: {  	[tilespmem:$0x8040] =	vst v1;
	s0 =	ssub.s32 s20, s30  }
0x230: {  	[tilespmem:$0x8050] =	vst v1;
	s31 =	sshll.u32 s19, $0x8;
	s0 =	sadd.s32 $0xF, s0  }
0x231: {  	[tilespmem:$0x8060] =	vst v1;
	s19 =	sor.u32 s31, s0  }
0x232: {  	[tilespmem:$0x8070] =	vst v1;
	s3 =	smov.u32 s14;
	s0 =	simm.s32 $0xFFFFFFF8;
	v5 =	vmov s19  }
.LBB2_10:
0x233: {  	v6 =	vld [tilespmem:s3+$0xFFFFFFC0];
	_ =	sdelay $0x4  }
0x234: {  	v7 =	vshrl.u32 v6, $0x7  }
0x235: {  	v7 =	vand.u32 $0xFFFFFF, v7  }
0x236: {  	vm1 =	veq.s32 v7, v5  }
0x237: {  	v6 =	vand.u32 $0x7F, v6;
	_ =	sdelay $0x4  }
0x238: {  	[tilespmem:v6+s8+$0x0] =	vst.idx.add.s32.msk vm1, v2  }
0x239: {  	v6 =	vld [tilespmem:s3+$0xFFFFFFD0];
	_ =	sdelay $0x4  }
0x23a: {  	v7 =	vshrl.u32 v6, $0x7  }
0x23b: {  	v7 =	vand.u32 $0xFFFFFF, v7  }
0x23c: {  	vm1 =	veq.s32 v7, v5  }
0x23d: {  	v6 =	vand.u32 $0x7F, v6;
	_ =	sdelay $0x4  }
0x23e: {  	[tilespmem:v6+s8+$0x0] =	vst.idx.add.s32.msk vm1, v2  }
0x23f: {  	v6 =	vld [tilespmem:s3+$0xFFFFFFE0];
	_ =	sdelay $0x4  }
0x240: {  	v7 =	vshrl.u32 v6, $0x7  }
0x241: {  	v7 =	vand.u32 $0xFFFFFF, v7  }
0x242: {  	vm1 =	veq.s32 v7, v5  }
0x243: {  	v6 =	vand.u32 $0x7F, v6;
	_ =	sdelay $0x4  }
0x244: {  	[tilespmem:v6+s8+$0x0] =	vst.idx.add.s32.msk vm1, v2  }
0x245: {  	v6 =	vld [tilespmem:s3+$0xFFFFFFF0];
	_ =	sdelay $0x4  }
0x246: {  	v7 =	vshrl.u32 v6, $0x7  }
0x247: {  	v7 =	vand.u32 $0xFFFFFF, v7  }
0x248: {  	vm1 =	veq.s32 v7, v5  }
0x249: {  	v6 =	vand.u32 $0x7F, v6;
	_ =	sdelay $0x4  }
0x24a: {  	[tilespmem:v6+s8+$0x0] =	vst.idx.add.s32.msk vm1, v2  }
0x24b: {  	v6 =	vld [tilespmem:s3+$0x0];
	_ =	sdelay $0x4  }
0x24c: {  	v7 =	vshrl.u32 v6, $0x7  }
0x24d: {  	v7 =	vand.u32 $0xFFFFFF, v7  }
0x24e: {  	vm1 =	veq.s32 v7, v5  }
0x24f: {  	v6 =	vand.u32 $0x7F, v6;
	_ =	sdelay $0x4  }
0x250: {  	[tilespmem:v6+s8+$0x0] =	vst.idx.add.s32.msk vm1, v2  }
0x251: {  	v6 =	vld [tilespmem:s3+$0x10];
	_ =	sdelay $0x4  }
0x252: {  	v7 =	vshrl.u32 v6, $0x7  }
0x253: {  	v7 =	vand.u32 $0xFFFFFF, v7  }
0x254: {  	vm1 =	veq.s32 v7, v5  }
0x255: {  	v6 =	vand.u32 $0x7F, v6;
	_ =	sdelay $0x4  }
0x256: {  	[tilespmem:v6+s8+$0x0] =	vst.idx.add.s32.msk vm1, v2  }
0x257: {  	v6 =	vld [tilespmem:s3+$0x20];
	_ =	sdelay $0x4  }
0x258: {  	v7 =	vshrl.u32 v6, $0x7  }
0x259: {  	v7 =	vand.u32 $0xFFFFFF, v7  }
0x25a: {  	vm1 =	veq.s32 v7, v5  }
0x25b: {  	v6 =	vand.u32 $0x7F, v6;
	_ =	sdelay $0x4  }
0x25c: {  	[tilespmem:v6+s8+$0x0] =	vst.idx.add.s32.msk vm1, v2  }
0x25d: {  	v6 =	vld [tilespmem:s3+$0x30];
	_ =	sdelay $0x4  }
0x25e: {  	v7 =	vshrl.u32 v6, $0x7  }
0x25f: {  	v7 =	vand.u32 $0xFFFFFF, v7  }
0x260: {  	s0 =	sadd.s32 $0x8, s0;
	vm1 =	veq.s32 v7, v5  }
0x261: {  	p0 =	slt.u32 s0, $0x78;
	v6 =	vand.u32 $0x7F, v6  }
.Ltmp3:
0x262: {  	_ = 	snop;
	(pc) =	sbr.rel @p0 .LBB2_10-.Ltmp3, $2  }
0x263: {  	_ =	sdelay $0x2  }
0x264: {  	s3 =	sadd.s32 $0x400, s3;
	[tilespmem:v6+s8+$0x0] =	vst.idx.add.s32.msk vm1, v2  }
0x265: {  	v5 =	vld [tilespmem:$0x8070]  }
0x266: {  	v6 =	vld [tilespmem:$0x8060]  }
0x267: {  	v7 =	vld [tilespmem:$0x8050];
	v4 =	vnsel vm0, $0x0, v4  }
0x268: {  	v8 =	vld [tilespmem:$0x8040];
	(xrf0) =	vadd.scan.msk.s32 $0xffff, v4  }
0x269: {  	v4 =	vld [tilespmem:$0x8030]  }
0x26a: {  	(xrf0) =	vadd.scan.msk.s32 $0xffff, v5  }
0x26b: {  	(xrf0) =	vadd.scan.msk.s32 $0xffff, v6  }
0x26c: {  	(xrf0) =	vadd.scan.msk.s32 $0xffff, v7  }
0x26d: {  	(xrf0) =	vadd.scan.msk.s32 $0xffff, v8  }
0x26e: {  	v5, _, _ =	vpop (xrf0);
	(xrf0) =	vadd.scan.msk.s32 $0xffff, v4;
	_ =	sdelay $0x1  }
0x26f: {  	(v2sf) =	vpush v5, $0xF;
	v4 =	vld [tilespmem:$0x8020];
	v6, _, _ =	vpop (xrf0)  }
0x270: {  	v5, _, _ =	vpop (xrf0);
	(v2sf) =	vpush v6, $0xF  }
0x271: {  	v6, _, _ =	vpop (xrf0);
	(v2sf) =	vpush v5, $0xF  }
0x272: {  	(v2sf) =	vpush v6, $0xF;
	v5, _, _ =	vpop (xrf0)  }
0x273: {  	(v2sf) =	vpush v5, $0xF;
	v5, _, _ =	vpop (xrf0)  }
0x274: {  	(xrf0) =	vadd.scan.msk.s32 $0xffff, v4;
	v4 =	vld [tilespmem:$0x8010];
	(v2sf) =	vpush v5, $0xF  }
0x275: {  	v6 =	vld [tilespmem:$0x8000];
	_ =	sdelay $0x3  }
0x276: {  	(xrf0) =	vadd.scan.msk.s32 $0xffff, v4  }
0x277: {  	v4, _, _ =	vpop (xrf0);
	(xrf0) =	vadd.scan.msk.s32 $0xffff, v6;
	_ =	sdelay $0x1  }
0x278: {  	(v2sf) =	vpush v4, $0xF;
	_ =	sdelay $0x1  }
0x279: {  	s0 =	spop (v2sf)  }
0x27a: {  	s0 =	sadd.s32 s22, s0;
	v4, _, _ =	vpop (xrf0);
	s3 =	spop (v2sf)  }
0x27b: {  	s6 =	ssub.s32 s18, s0;
	s18 =	simm.s32 $0x70;
	(v2sf) =	vpush v4, $0xF;
	v4, _, _ =	vpop (xrf0);
	s1 =	spop (v2sf)  }
0x27c: {  	(v2sf) =	vpush v4, $0xF;
	p1 =	sge.s32 s3, s6;
	p0 =	slt.s32 s3, s6;
	s2 =	spop (v2sf)  }
0x27d: {  	s1 =	sadd.s32 s3, s1;
	s18 =	simm.s32 @!p1 $0x0;
	s10 =	spop (v2sf)  }
0x27e: {  	p2 =	sge.s32 s1, s6;
	s2 =	sadd.s32 s2, s1;
	s20 =	spop (v2sf)  }
0x27f: {  	p0 =	por !p0, !p2;
	p1 =	por p1, p2;
	p3 =	sge.s32 s2, s6  }
0x280: {  	s10 =	sadd.s32 s10, s2;
	p0 =	por !p0, !p0;
	p2 =	por !p1, !p1  }
0x281: {  	p4 =	sge.s32 s10, s6;
	s20 =	sadd.s32 s20, s10;
	s21 =	simm.s32 @!p0 $0x0  }
0x282: {  	s18 =	simm.s32 @p0 $0x60;
	p2 =	por !p3, !p2;
	p3 =	por p1, p3  }
0x283: {  	p5 =	sge.s32 s20, s6;
	s21 =	simm.s32 @p0 $0x1;
	p0 =	por !p2, !p2  }
0x284: {  	p6 =	por !p3, !p3;
	p3 =	por p3, p4;
	[smem:$0x7C6] =	sst s21  }
0x285: {  	s21 =	simm.s32 @!p0 $0x0;
	s18 =	simm.s32 @p0 $0x50;
	p2 =	por !p4, !p6  }
0x286: {  	p4 =	por !p3, !p3;
	s21 =	simm.s32 @p0 $0x1;
	s29 =	spop (v2sf)  }
0x287: {  	p2 =	por !p2, !p2;
	p4 =	por !p5, !p4;
	p5 =	por p3, p5  }
0x288: {  	[smem:$0x7C7] =	sst s21;
	s18 =	simm.s32 @p2 $0x40;
	s21 =	sadd.s32 s29, s20  }
0x289: {  	p3 =	por !p4, !p4;
	p1 =	por !p5, !p5;
	p6 =	sge.s32 s21, s6  }
0x28a: {  	s18 =	simm.s32 @p3 $0x30;
	p4 =	por !p6, !p1;
	s30 =	spop (v2sf)  }
0x28b: {  	p5 =	por p5, p6;
	s22 =	sadd.s32 s30, s21;
	s23 =	spop (v2sf)  }
0x28c: {  	p6 =	por !p5, !p5;
	s23 =	sadd.s32 s23, s22;
	p0 =	sge.s32 s22, s6  }
0x28d: {  	p4 =	por !p4, !p4;
	p6 =	por !p0, !p6;
	p1 =	slt.s32 s23, s6  }
0x28e: {  	s18 =	simm.s32 @p4 $0x20;
	p0 =	por p0, p1;
	p1 =	por !p6, !p6  }
0x28f: {  	p0 =	por p5, p0;
	s18 =	simm.s32 @p1 $0x10  }
0x290: {  	s18 =	simm.s32 @!p0 $0x0  }
0x291: {  	v4 =	vld [tilespmem:s18+$0x8000];
	_ =	sdelay $0x2  }
0x292: {  	s31 =	sld [smem:$0x7C6]  }
0x293: {  	s24 =	sld [smem:$0x7C7]  }
0x294: {  	v4 =	vperm.xlane v4, v3  }
0x295: {  	p5 =	seq.s32 s31, $0x1  }
0x296: {  	s3 =	simm.s32 @!p5 $0x0;
	p5 =	seq.s32 s24, $0x1;
	(xrf0) =	vadd.scan.msk.s32 $0xffff, v4  }
0x297: {  	s3 =	smov.u32 @p5 s1  }
0x298: {  	s3 =	smov.u32 @p2 s2  }
0x299: {  	s3 =	smov.u32 @p3 s10  }
0x29a: {  	s3 =	smov.u32 @p4 s20  }
0x29b: {  	s3 =	smov.u32 @p1 s21  }
0x29c: {  	s22 =	smov.u32 @p0 s3;
	v5, _, _ =	vpop (xrf0)  }
0x29d: {  	s25 =	ssub.s32 s6, s22;
	v6 =	vsub.s32 v5, v4  }
0x29e: {  	vm7 =	vge.s32 v5, s25;
	vm1 =	vlt.s32 v6, s25  }
0x29f: {  	vm0 =	vmand vm7, vm1  }
0x2a0: {  	v4 =	vnsel vm0, $0x0, v4  }
0x2a1: {  	(xrf0) =	vadd.scan.msk.s32 $0xffff, v4;
	v4 =	vnsel vm0, $0x0, v6  }
0x2a2: {  	(xrf0) =	vadd.scan.msk.s32 $0xffff, v4;
	_ =	sdelay $0x4  }
0x2a3: {  	v4, _, _ =	vpop (xrf0)  }
0x2a4: {  	(v2sf) =	vpush v4, $0xF;
	v4, _, _ =	vpop (xrf0)  }
0x2a5: {  	(v2sf) =	vpush v4, $0xF;
	_ =	sdelay $0x7  }
0x2a6: {  	v4 =	vnsel vm0, $0x0, v0  }
0x2a7: {  	(xrf0) =	vadd.scan.msk.s32 $0xffff, v4;
	_ =	sdelay $0x3  }
0x2a8: {  	s26 =	sadd.s32 s16, s17  }
0x2a9: {  	s0 =	sadd.s32 s0, s26;
	s28 =	spop (v2sf)  }
0x2aa: {  	s0 =	sadd.s32 s22, s0;
	v4, _, _ =	vpop (xrf0);
	s29 =	spop (v2sf)  }
0x2ab: {  	(v2sf) =	vpush v4, $0xF;
	s0 =	sadd.s32 s29, s0  }
0x2ac: {  	s0 =	sadd.s32 s28, s0  }
0x2ad: {  	v4 =	vmov s0  }
0x2ae: {  	v4 =	vcvt.s32.f32 v4;
	_ =	sdelay $0x1  }
0x2af: {  	v4 =	vbroadcast v4, $0x0;
	_ =	sdelay $0x1  }
0x2b0: {  	(erf) = vrcp.f32 v4;
	_ =	sdelay $0x6  }
0x2b1: {  	v6 =	vld [tilespmem:s14+$0xFFFFFFC0]  }
0x2b2: {  	s30 =	spop (v2sf)  }
0x2b3: {  	s0 =	ssub.s32 s18, s30;
	v4 =	vpop (erf)  }
0x2b4: {  	s31 =	sshll.u32 s19, $0x7;
	s0 =	sadd.s32 $0xF, s0;
	v4 =	vmul.f32 $2.048000000e+03, v4  }
0x2b5: {  	s0 =	sor.u32 s31, s0  }
0x2b6: {  	v7 =	vand.u32 $0x7FFFFFFF, v6;
	v5 =	vmov s0;
	v6 =	vmul.f32 v6, v4  }
0x2b7: {  	vm8 =	vgt.s32 v5, v7  }
0x2b8: {  	v6 =	vsel vm8, $0x0, v6  }
0x2b9: {  	[tilespmem:s15+$0xFFFFFFC0] =	vst v6  }
0x2ba: {  	v6 =	vld [tilespmem:s14+$0xFFFFFFD0];
	_ =	sdelay $0x4  }
0x2bb: {  	v7 =	vand.u32 $0x7FFFFFFF, v6;
	v6 =	vmul.f32 v6, v4  }
0x2bc: {  	vm9 =	vgt.s32 v5, v7  }
0x2bd: {  	v6 =	vsel vm9, $0x0, v6  }
0x2be: {  	[tilespmem:s15+$0xFFFFFFD0] =	vst v6  }
0x2bf: {  	v6 =	vld [tilespmem:s14+$0xFFFFFFE0];
	_ =	sdelay $0x4  }
0x2c0: {  	v7 =	vand.u32 $0x7FFFFFFF, v6;
	v6 =	vmul.f32 v6, v4  }
0x2c1: {  	vm10 =	vgt.s32 v5, v7  }
0x2c2: {  	v6 =	vsel vm10, $0x0, v6  }
0x2c3: {  	[tilespmem:s15+$0xFFFFFFE0] =	vst v6  }
0x2c4: {  	v6 =	vld [tilespmem:s14+$0xFFFFFFF0];
	_ =	sdelay $0x4  }
0x2c5: {  	v7 =	vand.u32 $0x7FFFFFFF, v6;
	v6 =	vmul.f32 v6, v4  }
0x2c6: {  	vm11 =	vgt.s32 v5, v7  }
0x2c7: {  	v6 =	vsel vm11, $0x0, v6  }
0x2c8: {  	[tilespmem:s15+$0xFFFFFFF0] =	vst v6  }
0x2c9: {  	v6 =	vld [tilespmem:s14+$0x0];
	_ =	sdelay $0x4  }
0x2ca: {  	v7 =	vand.u32 $0x7FFFFFFF, v6;
	v6 =	vmul.f32 v6, v4  }
0x2cb: {  	vm12 =	vgt.s32 v5, v7  }
0x2cc: {  	v6 =	vsel vm12, $0x0, v6  }
0x2cd: {  	[tilespmem:s15+$0x0] =	vst v6  }
0x2ce: {  	v6 =	vld [tilespmem:s14+$0x10];
	_ =	sdelay $0x4  }
0x2cf: {  	v7 =	vand.u32 $0x7FFFFFFF, v6;
	v6 =	vmul.f32 v6, v4  }
0x2d0: {  	vm13 =	vgt.s32 v5, v7  }
0x2d1: {  	v6 =	vsel vm13, $0x0, v6  }
0x2d2: {  	[tilespmem:s15+$0x10] =	vst v6  }
0x2d3: {  	v6 =	vld [tilespmem:s14+$0x20];
	_ =	sdelay $0x4  }
0x2d4: {  	v7 =	vand.u32 $0x7FFFFFFF, v6;
	v6 =	vmul.f32 v6, v4  }
0x2d5: {  	vm14 =	vgt.s32 v5, v7  }
0x2d6: {  	v6 =	vsel vm14, $0x0, v6  }
0x2d7: {  	[tilespmem:s15+$0x20] =	vst v6  }
0x2d8: {  	v6 =	vld [tilespmem:s14+$0x30];
	_ =	sdelay $0x4  }
0x2d9: {  	v7 =	vand.u32 $0x7FFFFFFF, v6;
	v6 =	vmul.f32 v6, v4  }
0x2da: {  	vm15 =	vgt.s32 v5, v7  }
0x2db: {  	v6 =	vsel vm15, $0x0, v6  }
0x2dc: {  	s16 =	simm.s32 $0x0;
	s17 =	sadd.s32 $0x400, s14;
	s18 =	smov.u32 s15;
	[tilespmem:s15+$0x30] =	vst v6  }
.LBB2_12:
0x2dd: {  	v6 =	vld [tilespmem:s17+$0xFFFFFFC0];
	s16 =	sadd.s32 $0x8, s16  }
0x2de: {  	p0 =	slt.u32 s16, $0x78;
	_ =	sdelay $0x3  }
0x2df: {  	v7 =	vand.u32 $0x7FFFFFFF, v6;
	v6 =	vmul.f32 v6, v4  }
0x2e0: {  	vm0 =	vgt.s32 v5, v7  }
0x2e1: {  	s18 =	sadd.s32 $0x400, s18;
	v6 =	vsel vm0, $0x0, v6  }
0x2e2: {  	[tilespmem:s18+$0xFFFFFFC0] =	vst v6  }
0x2e3: {  	v6 =	vld [tilespmem:s17+$0xFFFFFFD0];
	_ =	sdelay $0x4  }
0x2e4: {  	v7 =	vand.u32 $0x7FFFFFFF, v6;
	v6 =	vmul.f32 v6, v4  }
0x2e5: {  	vm0 =	vgt.s32 v5, v7  }
0x2e6: {  	v6 =	vsel vm0, $0x0, v6  }
0x2e7: {  	[tilespmem:s18+$0xFFFFFFD0] =	vst v6  }
0x2e8: {  	v6 =	vld [tilespmem:s17+$0xFFFFFFE0];
	_ =	sdelay $0x4  }
0x2e9: {  	v7 =	vand.u32 $0x7FFFFFFF, v6;
	v6 =	vmul.f32 v6, v4  }
0x2ea: {  	vm0 =	vgt.s32 v5, v7  }
0x2eb: {  	v6 =	vsel vm0, $0x0, v6  }
0x2ec: {  	[tilespmem:s18+$0xFFFFFFE0] =	vst v6  }
0x2ed: {  	v6 =	vld [tilespmem:s17+$0xFFFFFFF0];
	_ =	sdelay $0x4  }
0x2ee: {  	v7 =	vand.u32 $0x7FFFFFFF, v6;
	v6 =	vmul.f32 v6, v4  }
0x2ef: {  	vm0 =	vgt.s32 v5, v7  }
0x2f0: {  	v6 =	vsel vm0, $0x0, v6  }
0x2f1: {  	[tilespmem:s18+$0xFFFFFFF0] =	vst v6  }
0x2f2: {  	v6 =	vld [tilespmem:s17+$0x0];
	_ =	sdelay $0x4  }
0x2f3: {  	v7 =	vand.u32 $0x7FFFFFFF, v6;
	v6 =	vmul.f32 v6, v4  }
0x2f4: {  	vm0 =	vgt.s32 v5, v7  }
0x2f5: {  	v6 =	vsel vm0, $0x0, v6  }
0x2f6: {  	[tilespmem:s18+$0x0] =	vst v6  }
0x2f7: {  	v6 =	vld [tilespmem:s17+$0x10];
	_ =	sdelay $0x4  }
0x2f8: {  	v7 =	vand.u32 $0x7FFFFFFF, v6;
	v6 =	vmul.f32 v6, v4  }
0x2f9: {  	vm0 =	vgt.s32 v5, v7  }
0x2fa: {  	v6 =	vsel vm0, $0x0, v6  }
0x2fb: {  	[tilespmem:s18+$0x10] =	vst v6  }
0x2fc: {  	v6 =	vld [tilespmem:s17+$0x20];
	_ =	sdelay $0x4  }
0x2fd: {  	v7 =	vand.u32 $0x7FFFFFFF, v6;
	v6 =	vmul.f32 v6, v4  }
0x2fe: {  	vm0 =	vgt.s32 v5, v7  }
0x2ff: {  	v6 =	vsel vm0, $0x0, v6  }
0x300: {  	[tilespmem:s18+$0x20] =	vst v6  }
0x301: {  	v6 =	vld [tilespmem:s17+$0x30];
	_ =	sdelay $0x3  }
.Ltmp4:
0x302: {  	(pc) =	sbr.rel @p0 .LBB2_12-.Ltmp4, $4  }
0x303: {  	v7 =	vand.u32 $0x7FFFFFFF, v6;
	v6 =	vmul.f32 v6, v4  }
0x304: {  	vm0 =	vgt.s32 v5, v7  }
0x305: {  	v6 =	vsel vm0, $0x0, v6  }
0x306: {  	s17 =	sadd.s32 $0x400, s17;
	[tilespmem:s18+$0x30] =	vst v6  }
0x307: {  	s13 =	sadd.s32 $0x1, s13  }
0x308: {  	p0 =	sne.s32 s13, $0x8  }
.Ltmp5:
0x309: {  	_ = 	snop;
	(pc) =	sbr.rel @p0 .LBB2_3-.Ltmp5, $2  }
0x30a: {  	_ =	sdelay $0x2  }
0x30b: {  	s14 =	sadd.s32 $0x80, s14;
	s15 =	sadd.s32 $0x80, s15  }
0x30c: {  	s11 =	sadd.s32 $0x1, s11  }
0x30d: {  	p0 =	sne.s32 s11, $0x8  }
.Ltmp6:
0x30e: {  	s0 =	sadd.s32 s4, s12;
	s1 =	simm.s32 $0x0;
	(pc) =	sbr.rel @p0 .LBB2_2-.Ltmp6, $4  }
0x30f: {  	[hbm4b:s0+s1] =	stream.linear.scatter [tilespmem:s9], [sflag:$0x1], $0x4000, $0x38;
	[tilespmem:$0x8100] =	vst v63  }
0x310: {  	_ =	swait.ge [sflag:s7], $0x4000  }
0x311: {  	[sflag:s7] =	ssyncset.done $0x0  }
0x312: {  	[sflag:s7] =	ssyncadd.s32 $0xFFFFC000  }
0x313: {  	s1 =	rddreg [dreg:$0x4]  }
0x314: {  	s0 =	rddreg [dreg:$0x3];
	s1 =	sadd.s32 $0x1, s1  }
0x315: {  	p0 =	sne.s32 s1, s0  }
.Ltmp7:
0x316: {  	_ = 	snop;
	(pc) =	sbr.rel @p0 .LBB2_1-.Ltmp7, $1  }
0x317: {  	_ =	sdelay $0x3  }
0x318: {  	_ =	sfence.sel $0x180000  }
0x319: {  	[bflag:$0x0] =	sbarrier.arrive $0xFFFF  }
0x31a: {  	_ =	strace $0x90000047  }
0x31b: {  	s0 =	stileid.u32;
	[bflag:$0x2] =	sbarrier.arrive $0xFFFF  }
0x31c: {  	p0 =	sne.s32 s0, $0x0;
	s0 =	rddreg [dreg:$0x2]  }
0x31d: {  	s0 =	sadd.s32 @!p0 $0x100000, s0  }
0x31e: {  	[sflag:s0] =	ssyncadd.tile.s32 @!p0 $0x1;
	_ =	shalt  }
.Lfunc_end2:
_tile_overlayer_lowered:
.L_overlay_start_2:
0x31f: {  	(tag) =	ssettag $0x2  }
0x320: {  	s0 =	rddreg [dreg:$0x0];
	s2 =	stileid.u32  }
0x321: {  	s1 =	rddreg [dreg:$0x1];
	p0 =	sne.s32 s2, $0x0  }
0x322: {  	s3 =	rddreg [dreg:$0x2];
	[bflag:$0x3] =	sbarrier.arrive $0xFFFF;
	s2 =	simm.s32 @!p0 $0x1C01  }
0x323: {  	[timem:s3], [sflag:s2] =	dma.local @!p0 [hbm:s0], s1  }
0x324: {  	s0 =	simm.s32 @!p0 $0x1  }
0x325: {  	_ =	swait.ge @!p0 [sflag:s0], s1  }
0x326: {  	s1 =	ssub.s32 @!p0 $0x0, s1;
	[sflag:s0] =	ssyncset.done @!p0 $0x0  }
0x327: {  	[sflag:s0] =	ssyncadd.s32 @!p0 s1  }
0x328: {  	[bflag:$0x3] =	sbarrier.arrive $0xFFFF  }
0x329: {  	_ =	shalt  }

</sc_bundles>
